<compile_context>
chip_gen: v7x
topology: tpu7x:2x2x1
jax: 0.10.2.dev20260603
libtpu: 0.0.44.dev20260713+nightly
codegen_flags: <defaults>
</compile_context>

<pallas_src>
import functools
import math

import numpy as np
import jax
import jax.numpy as jnp
from jax import lax
from jax.experimental import pallas as pl
from jax.experimental.pallas import tpu as pltpu
from jax.experimental.pallas import tpu_sc as plsc

B, L, D, H = 1, 2048, 1024, 16
DH = D // H
ALPHA = 5
U = min(ALPHA * int(np.ceil(np.log(L))), L)
BLK = 256
NBLK = L // BLK
HP = H // 2
HIGHEST = lax.Precision.HIGHEST


def _rotl(x, r):
    return ((x << np.uint32(r)) | (x >> np.uint32(32 - r))).astype(np.uint32)


def _threefry2x32(k1, k2, x0, x1):
    ks0, ks1 = np.uint32(k1), np.uint32(k2)
    ks2 = np.uint32(ks0 ^ ks1 ^ np.uint32(0x1BD11BDA))
    rot = [[13, 15, 26, 6], [17, 29, 16, 24]]
    x0 = (x0 + ks0).astype(np.uint32)
    x1 = (x1 + ks1).astype(np.uint32)
    keys = [(ks1, ks2), (ks2, ks0), (ks0, ks1), (ks1, ks2), (ks2, ks0)]
    for block in range(5):
        for r in rot[block % 2]:
            x0 = (x0 + x1).astype(np.uint32)
            x1 = _rotl(x1, r)
            x1 = (x1 ^ x0).astype(np.uint32)
        a, b = keys[block]
        x0 = (x0 + a).astype(np.uint32)
        x1 = (x1 + b + np.uint32(block + 1)).astype(np.uint32)
    return x0, x1


@functools.lru_cache(maxsize=None)
def _sample_count_matrix():
    s0, s1 = _threefry2x32(0, 42, np.array([0, 0], np.uint32),
                           np.array([0, 1], np.uint32))
    n = L * U
    b0, b1 = _threefry2x32(s0[1], s1[1], np.zeros(n, np.uint32),
                           np.arange(n, dtype=np.uint32))
    idx = ((b0 ^ b1) % np.uint32(L)).astype(np.int32).reshape(L, U)
    cntt = np.zeros((L, L), np.float32)
    np.add.at(cntt, (idx, np.arange(L)[:, None]), 1.0)
    return cntt


def _tri(n):
    r = lax.broadcasted_iota(jnp.int32, (n, n), 0)
    c = lax.broadcasted_iota(jnp.int32, (n, n), 1)
    return (r >= c).astype(jnp.float32)


def _proj_body(xq_ref, xk_ref, xv_ref, padc_ref,
               wq_ref, bq_ref, wk_ref, bk_ref, wv_ref, bv_ref,
               qlw_ref, qlb_ref,
               q_out, k_out, v_out, va_out,
               vcarry, pcarry):
    i = pl.program_id(0)

    @pl.when(i == 0)
    def _():
        vcarry[...] = jnp.zeros_like(vcarry)
        pcarry[0] = 0.0

    dn = (((1,), (1,)), ((), ()))
    x = xq_ref[...]
    u = jnp.mean(x, axis=-1, keepdims=True)
    s = jnp.mean((x - u) ** 2, axis=-1, keepdims=True)
    qn = qlw_ref[...] * (x - u) / jnp.sqrt(s + 1e-8) + qlb_ref[...]
    q = lax.dot_general(qn, wq_ref[...], dn) + bq_ref[...]
    k = lax.dot_general(xk_ref[...], wk_ref[...], dn) + bk_ref[...]
    v = lax.dot_general(xv_ref[...], wv_ref[...], dn) + bv_ref[...]

    csum = lax.dot_general(_tri(BLK), v, (((1,), (0,)), ((), ())),
                           precision=HIGHEST) + vcarry[...]
    pc = lax.dot_general(_tri(BLK), padc_ref[...], (((1,), (0,)), ((), ())),
                         precision=HIGHEST) + pcarry[0]
    va = csum / (pc + 1e-12)
    vcarry[...] = csum[BLK - 1:BLK, :]
    pcarry[0] = pc[BLK - 1, 0]

    for h in range(H):
        sl = slice(h * DH, (h + 1) * DH)
        q_out[h] = q[:, sl]
        k_out[h] = k[:, sl]
        v_out[h] = v[:, sl]
        va_out[h] = va[:, sl]


def _stage1(xq, xk, xv, padcol, Wq, bq, Wk, bk, Wv, bv, qln_w, qln_b):
    full = pl.BlockSpec((D, D), lambda i: (0, 0))
    row = pl.BlockSpec((1, D), lambda i: (0, 0))
    blk = pl.BlockSpec((BLK, D), lambda i: (i, 0))
    hblk = pl.BlockSpec((H, BLK, DH), lambda i: (0, i, 0))
    return pl.pallas_call(
        _proj_body,
        grid=(NBLK,),
        in_specs=[blk, blk, blk,
                  pl.BlockSpec((BLK, 1), lambda i: (i, 0)),
                  full, row, full, row, full, row, row, row],
        out_specs=[hblk, hblk, hblk, hblk],
        out_shape=[jax.ShapeDtypeStruct((H, L, DH), jnp.float32)] * 4,
        scratch_shapes=[pltpu.VMEM((1, D), jnp.float32),
                        pltpu.SMEM((1,), jnp.float32)],
    )(xq, xk, xv, padcol, Wq, bq.reshape(1, D), Wk, bk.reshape(1, D),
      Wv, bv.reshape(1, D), qln_w.reshape(1, D), qln_b.reshape(1, D))


def _m_body(q_ref, k_ref, cntt_ref, m_out):
    cntt = cntt_ref[...]
    sel = cntt > 0.0
    for h in range(H):
        st = lax.dot_general(k_ref[h], q_ref[h], (((1,), (1,)), ((), ())))
        masked = jnp.where(sel, st, -1e30)
        mx = jnp.max(masked, axis=0, keepdims=True)
        sm = jnp.sum(st * cntt, axis=0, keepdims=True)
        m_out[h:h + 1, :] = mx - sm * (1.0 / L)


def _stage2(q3, k3, cntt):
    return pl.pallas_call(
        _m_body,
        grid=(NBLK,),
        in_specs=[pl.BlockSpec((H, BLK, DH), lambda i: (0, i, 0)),
                  pl.BlockSpec((H, L, DH), lambda i: (0, 0, 0)),
                  pl.BlockSpec((L, BLK), lambda i: (0, i))],
        out_specs=pl.BlockSpec((H, BLK), lambda i: (0, i)),
        out_shape=jax.ShapeDtypeStruct((H, L), jnp.float32),
    )(q3, k3, cntt)


def _topk_sc(m):
    mesh = plsc.VectorSubcoreMesh(core_axis_name="c", subcore_axis_name="s",
                                  num_cores=1)

    @functools.partial(
        pl.kernel,
        out_type=jax.ShapeDtypeStruct((H, U), jnp.int32),
        mesh=mesh,
        scratch_types=[pltpu.VMEM((L,), jnp.float32),
                       pltpu.VMEM((U,), jnp.int32)],
        compiler_params=pltpu.CompilerParams(needs_layout_passes=False,
                                             skip_device_barrier=True),
    )
    def topk_kernel(m_hbm, out_hbm, m_v, out_v):
        wid = lax.axis_index("s") + lax.axis_index("c") * 16

        @pl.when(wid < H)
        def _():
            pltpu.sync_copy(m_hbm.at[wid], m_v)
            lanes = lax.iota(jnp.int32, 16)
            lane0 = lanes == 0

            def outer(t, carry):
                def inner(j, bc):
                    best, bidx = bc
                    v = m_v[pl.ds(j * 16, 16)]
                    upd = v > best
                    return (jnp.where(upd, v, best),
                            jnp.where(upd, j * 16 + lanes, bidx))

                best, bidx = lax.fori_loop(
                    0, L // 16, inner,
                    (jnp.full((16,), -3e38, jnp.float32),
                     jnp.zeros((16,), jnp.int32)))
                _, sv = plsc.sort_key_val(best, bidx, descending=True)
                plsc.store_scatter(out_v, [jnp.full((16,), t, jnp.int32)],
                                   sv, mask=lane0)
                plsc.store_scatter(m_v, [sv],
                                   jnp.full((16,), -3e38, jnp.float32),
                                   mask=lane0)
                return carry

            lax.fori_loop(0, U, outer, 0)
            pltpu.sync_copy(out_v, out_hbm.at[wid])

    return topk_kernel(m)


def _attn_body(top_ref, pad_ref, q_ref, k_ref, v_ref, va_ref, o_ref,
               s0, s1, qr_scr, msk_scr):
    g = pl.program_id(0)
    s0[...] = va_ref[0]
    s1[...] = va_ref[1]
    ii = lax.broadcasted_iota(jnp.int32, (1, L), 1)
    for sub, scr in ((0, s0), (1, s1)):
        h = 2 * g + sub
        for i in range(U):
            idx = top_ref[h, i]
            qr_scr[i:i + 1, :] = q_ref[sub, pl.ds(idx, 1), :]
            p = pad_ref[0, idx]
            mrow = jnp.logical_and(ii <= idx, p != 0.0)
            msk_scr[i:i + 1, :] = mrow.astype(jnp.float32)
        scores = lax.dot_general(qr_scr[...], k_ref[sub],
                                 (((1,), (1,)), ((), ()))) * (1.0 / math.sqrt(D))
        scores = jnp.where(msk_scr[...] > 0.0, scores, -100000.0)
        mx = jnp.max(scores, axis=-1, keepdims=True)
        e = jnp.exp(scores - mx)
        attn = e / jnp.sum(e, axis=-1, keepdims=True)
        ctx = lax.dot_general(attn, v_ref[sub], (((1,), (0,)), ((), ())))
        for i in range(U):
            idx = top_ref[h, i]
            scr[pl.ds(idx, 1), :] = ctx[i:i + 1, :]
    o_ref[...] = jnp.concatenate([s0[...], s1[...]], axis=1)


def _stage4(top, padrow, q3, k3, v3, va3):
    pair = pl.BlockSpec((2, L, DH), lambda g: (g, 0, 0))
    return pl.pallas_call(
        _attn_body,
        grid=(HP,),
        in_specs=[pl.BlockSpec(memory_space=pltpu.SMEM),
                  pl.BlockSpec(memory_space=pltpu.SMEM),
                  pair, pair, pair, pair],
        out_specs=pl.BlockSpec((L, 2 * DH), lambda g: (0, g)),
        out_shape=jax.ShapeDtypeStruct((L, D), jnp.float32),
        scratch_shapes=[pltpu.VMEM((L, DH), jnp.float32),
                        pltpu.VMEM((L, DH), jnp.float32),
                        pltpu.VMEM((U, DH), jnp.float32),
                        pltpu.VMEM((U, L), jnp.float32)],
    )(top, padrow, q3, k3, v3, va3)


def _final_body(x_ref, res_ref, wf_ref, bf_ref, flw_ref, flb_ref, o_ref):
    y = lax.dot_general(x_ref[...], wf_ref[...],
                        (((1,), (1,)), ((), ()))) + bf_ref[...] + res_ref[...]
    u = jnp.mean(y, axis=-1, keepdims=True)
    s = jnp.mean((y - u) ** 2, axis=-1, keepdims=True)
    o_ref[...] = flw_ref[...] * (y - u) / jnp.sqrt(s + 1e-8) + flb_ref[...]


def _stage5(ctxfull, xq, Wf, bf, fln_w, fln_b):
    blk = pl.BlockSpec((BLK, D), lambda i: (i, 0))
    full = pl.BlockSpec((D, D), lambda i: (0, 0))
    row = pl.BlockSpec((1, D), lambda i: (0, 0))
    return pl.pallas_call(
        _final_body,
        grid=(NBLK,),
        in_specs=[blk, blk, full, row, row, row],
        out_specs=blk,
        out_shape=jax.ShapeDtypeStruct((L, D), jnp.float32),
    )(ctxfull, xq, Wf, bf.reshape(1, D), fln_w.reshape(1, D),
      fln_b.reshape(1, D))


def kernel(queries, keys, values, padding_mask, Wq, bq, Wk, bk, Wv, bv,
           Wf, bf, qln_w, qln_b, fln_w, fln_b):
    xq = queries.reshape(L, D)
    xk = keys.reshape(L, D)
    xv = values.reshape(L, D)
    padcol = padding_mask.reshape(L, 1)
    padrow = padding_mask.reshape(1, L)

    cntt = jnp.asarray(_sample_count_matrix())

    q3, k3, v3, va3 = _stage1(xq, xk, xv, padcol,
                              Wq, bq, Wk, bk, Wv, bv, qln_w, qln_b)
    m = _stage2(q3, k3, cntt)
    top = _topk_sc(m)
    ctxfull = _stage4(top, padrow, q3, k3, v3, va3)
    out = _stage5(ctxfull, xq, Wf, bf, fln_w, fln_b)
    return out.reshape(B, L, D)

# --- scband reference (transcript-rebuilt; emitter-appended) ---
"""Pipeline reference for scband-prob-sparse-attention-52785148068649 (READ-ONLY COPY).

The authoritative reference and input builder live on the scoring server;
editing this copy changes nothing except your own understanding.
"""

import jax, jax.numpy as jnp
import numpy as np
import math

B, L, D, H = 1, 2048, 1024, 16
DH = D // H
ALPHA = 5

def layer_norm(x, w, b, eps=1e-8):
    u = x.mean(-1, keepdims=True)
    s = ((x - u) ** 2).mean(-1, keepdims=True)
    return w * (x - u) / jnp.sqrt(s + eps) + b

def split_head(x):
    b, l, _ = x.shape
    return x.reshape(b, l, H, DH).transpose(0, 2, 1, 3)

def setup_inputs(seed: int = 0):
    key = jax.random.key(seed)
    ks = jax.random.split(key, 8)
    return {
        "queries": jax.random.normal(ks[0], (B, L, D), jnp.float32),
        "keys": jax.random.normal(ks[1], (B, L, D), jnp.float32),
        "values": jax.random.normal(ks[2], (B, L, D), jnp.float32),
        "padding_mask": jnp.ones((B, L), jnp.float32),
        "Wq": jax.random.normal(ks[3], (D, D), jnp.float32) * 0.02,
        "bq": jnp.zeros((D,), jnp.float32),
        "Wk": jax.random.normal(ks[4], (D, D), jnp.float32) * 0.02,
        "bk": jnp.zeros((D,), jnp.float32),
        "Wv": jax.random.normal(ks[5], (D, D), jnp.float32) * 0.02,
        "bv": jnp.zeros((D,), jnp.float32),
        "Wf": jax.random.normal(ks[6], (D, D), jnp.float32) * 0.02,
        "bf": jnp.zeros((D,), jnp.float32),
        "qln_w": jnp.ones((D,), jnp.float32),
        "qln_b": jnp.zeros((D,), jnp.float32),
        "fln_w": jnp.ones((D,), jnp.float32),
        "fln_b": jnp.zeros((D,), jnp.float32),
    }

def _forward(queries, keys, values, padding_mask, Wq, bq, Wk, bk, Wv, bv, Wf, bf, qln_w, qln_b, fln_w, fln_b):
    Bq, Lq, Dm = queries.shape
    Lk = keys.shape[1]
    q = split_head(layer_norm(queries, qln_w, qln_b) @ Wq.T + bq)
    k = split_head(keys @ Wk.T + bk)
    v = split_head(values @ Wv.T + bv)
    U_part = min(ALPHA * int(np.ceil(np.log(Lk))), Lk)
    u = min(ALPHA * int(np.ceil(np.log(Lq))), Lq)
    # sampled key indices (torch.randint analogue, fixed key for determinism)
    idx_sample = jax.random.randint(jax.random.key(42), (Lq, U_part), 0, Lk)
    K_sample = k[:, :, idx_sample, :]  # (B, H, Lq, U_part, DH) gather
    QK_sample = jnp.einsum('bhqd,bhqsd->bhqs', q, K_sample)
    M = QK_sample.max(-1) - QK_sample.sum(-1) / Lk
    _, M_top = jax.lax.top_k(M, u)  # (B, H, u)
    Q_reduce = jnp.take_along_axis(q, M_top[..., None], axis=2)
    scores = jnp.einsum('bhud,bhkd->bhuk', Q_reduce, k) * (1.0 / math.sqrt(Dm))
    # ProbMask: causal mask gathered at top-query rows, combined with padding
    causal = jnp.arange(Lk)[None, None, None, :] <= M_top[..., None]
    pad_b = jnp.broadcast_to(padding_mask[:, None, :], (Bq, H, Lq))
    pad_ind = jnp.take_along_axis(pad_b, M_top, axis=2)
    mask = causal & (pad_ind[..., None] != 0)
    scores = jnp.where(mask, scores, -100000.0)
    # initial values: running mean of V (with_mask=True path)
    V_avg = jnp.cumsum(v, axis=2)
    V_avg = V_avg / (jnp.cumsum(padding_mask, axis=-1)[:, None, :, None] + 1e-12)
    attn = jax.nn.softmax(scores, axis=-1)
    ctx = jnp.einsum('bhuk,bhkd->bhud', attn, v)
    bi = jnp.arange(Bq)[:, None, None]
    hi = jnp.arange(H)[None, :, None]
    V_avg = V_avg.at[bi, hi, M_top].set(ctx)  # scatter-overwrite top rows
    out = V_avg.transpose(0, 2, 1, 3).reshape(Bq, Lq, Dm)
    out = out @ Wf.T + bf
    return layer_norm(out + queries, fln_w, fln_b)

def reference(queries, keys, values, padding_mask, Wq, bq, Wk, bk, Wv, bv, Wf, bf, qln_w, qln_b, fln_w, fln_b):
    return _forward(queries, keys, values, padding_mask, Wq, bq, Wk, bk, Wv, bv, Wf, bf, qln_w, qln_b, fln_w, fln_b)

if __name__ == "__main__":
    import jax
    _d = setup_inputs()
    print(jax.jit(kernel)(*tuple(_d.values())))

</pallas_src>

<mosaic_0001>
#map = affine_map<(d0, d1) -> (0, 0)>
module attributes {stable_mosaic.version = 14 : i64} {
  func.func @topk_kernel(%arg0: i32, %arg1: i32, %arg2: memref<16x2048xf32, #tpu.memory_space<hbm>>, %arg3: memref<16x40xi32, #tpu.memory_space<hbm>>, %arg4: memref<2048xf32, #tpu.memory_space<vmem>>, %arg5: memref<40xi32, #tpu.memory_space<vmem>>) attributes {dimension_semantics = [#tpu.dimension_semantics<core_parallel>, #tpu.dimension_semantics<subcore_parallel>], iteration_bounds = array<i64: 1, 16>, scalar_prefetch = 0 : i64, scratch_operands = 2 : i64, tpu.core_type = #tpu.core_type<sc_vector_subcore>, window_params = [{transform_indices = #map}, {transform_indices = #map}]} {
    %mul3A = arith.constant 16 : i32
    %mul3A_0 = arith.muli %arg0, %mul3A : i32
    %add3A = arith.addi %arg1, %mul3A_0 : i32
    %lt3A = arith.constant 16 : i32
    %lt3A_1 = arith.cmpi slt, %add3A, %lt3A : i32
    %convert_element_type3A = arith.extui %lt3A_1 : i1 to i32
    %cond3A = arith.constant 0 : i32
    %cond3A_2 = arith.cmpi ne, %convert_element_type3A, %cond3A : i32
    scf.if %cond3A_2 {
      "tpu.region"() ({
        %run_scoped3A = tpu.sem_alloc : memref<!tpu.dma_semaphore, #tpu.memory_space<semaphore_mem>>
        %dma_start3A = arith.constant 0 : i32
        %dma_start3A_10 = tpu.memref_slice %arg2[%add3A, %dma_start3A] : memref<16x2048xf32, #tpu.memory_space<hbm>> -> memref<1x2048xf32, #tpu.memory_space<hbm>>
        %dma_start3A_11 = tpu.memref_squeeze %dma_start3A_10 : memref<1x2048xf32, #tpu.memory_space<hbm>> -> memref<2048xf32, #tpu.memory_space<hbm>>
        %dma_start3A_12 = arith.constant 0 : i32
        %dma_start3A_13 = tpu.memref_slice %arg2[%add3A, %dma_start3A_12] : memref<16x2048xf32, #tpu.memory_space<hbm>> -> memref<1x2048xf32, #tpu.memory_space<hbm>>
        %dma_start3A_14 = tpu.memref_squeeze %dma_start3A_13 : memref<1x2048xf32, #tpu.memory_space<hbm>> -> memref<2048xf32, #tpu.memory_space<hbm>>
        tpu.enqueue_dma source(%dma_start3A_14 : memref<2048xf32, #tpu.memory_space<hbm>>) target(%arg4 : memref<2048xf32, #tpu.memory_space<vmem>>) target_semaphore(%run_scoped3A : memref<!tpu.dma_semaphore, #tpu.memory_space<semaphore_mem>>)
        %dma_wait3A = arith.constant 0 : i32
        %dma_wait3A_15 = tpu.memref_slice %arg2[%add3A, %dma_wait3A] : memref<16x2048xf32, #tpu.memory_space<hbm>> -> memref<1x2048xf32, #tpu.memory_space<hbm>>
        %dma_wait3A_16 = tpu.memref_squeeze %dma_wait3A_15 : memref<1x2048xf32, #tpu.memory_space<hbm>> -> memref<2048xf32, #tpu.memory_space<hbm>>
        %dma_wait3A_17 = arith.constant 0 : i32
        %dma_wait3A_18 = tpu.memref_slice %arg2[%add3A, %dma_wait3A_17] : memref<16x2048xf32, #tpu.memory_space<hbm>> -> memref<1x2048xf32, #tpu.memory_space<hbm>>
        %dma_wait3A_19 = tpu.memref_squeeze %dma_wait3A_18 : memref<1x2048xf32, #tpu.memory_space<hbm>> -> memref<2048xf32, #tpu.memory_space<hbm>>
        tpu.wait_dma2 semaphore(%run_scoped3A : memref<!tpu.dma_semaphore, #tpu.memory_space<semaphore_mem>>) src(%dma_wait3A_19 : memref<2048xf32, #tpu.memory_space<hbm>>) dst(%arg4 : memref<2048xf32, #tpu.memory_space<vmem>>)
        tpu.yield
      }) : () -> ()
      %iota3A = tpu.iota {dimensions = array<i32: 0>} : vector<16xi32>
      %eq3A = arith.constant 0 : i32
      %eq3A_3 = vector.broadcast %eq3A : i32 to vector<16xi32>
      %eq3A_4 = arith.cmpi eq, %iota3A, %eq3A_3 : vector<16xi32>
      %scan3A = arith.constant 0 : i32
      %scan3A_5 = arith.constant 0 : i32
      %scan3A_6 = arith.constant 40 : i32
      %scan3A_7 = arith.addi %scan3A_5, %scan3A_6 : i32
      %scan3A_8 = arith.constant 1 : i32
      scf.for %scan3A_10 = %scan3A_5 to %scan3A_7 step %scan3A_8  : i32 {
        %broadcast_in_dim3A = arith.constant -3.000000e+38 : f32
        %broadcast_in_dim3A_11 = vector.broadcast %broadcast_in_dim3A : f32 to vector<16xf32>
        %broadcast_in_dim3A_12 = arith.constant 0 : i32
        %broadcast_in_dim3A_13 = vector.broadcast %broadcast_in_dim3A_12 : i32 to vector<16xi32>
        %scan3A_14 = arith.constant 0 : i32
        %scan3A_15 = arith.constant 128 : i32
        %scan3A_16 = arith.addi %scan3A_14, %scan3A_15 : i32
        %scan3A_17 = arith.constant 1 : i32
        %scan3A_18:2 = scf.for %scan3A_26 = %scan3A_14 to %scan3A_16 step %scan3A_17 iter_args(%scan3A_27 = %broadcast_in_dim3A_11, %scan3A_28 = %broadcast_in_dim3A_13) -> (vector<16xf32>, vector<16xi32>)  : i32 {
          %mul3A_29 = arith.constant 16 : i32
          %mul3A_30 = arith.muli %scan3A_26, %mul3A_29 : i32
          %get3A = arith.index_cast %mul3A_30 : i32 to index
          %get3A_31 = tpu.vector_load %arg4[%get3A] {strides = array<i32>} : memref<2048xf32, #tpu.memory_space<vmem>>, vector<16xf32>,
          %gt3A = arith.cmpf ogt, %get3A_31, %scan3A_27 : vector<16xf32>
          %select_n3A = arith.select %gt3A, %get3A_31, %scan3A_27 : vector<16xi1>, vector<16xf32>
          %mul3A_32 = arith.constant 16 : i32
          %mul3A_33 = arith.muli %scan3A_26, %mul3A_32 : i32
          %add3A_34 = vector.broadcast %mul3A_33 : i32 to vector<16xi32>
          %add3A_35 = arith.addi %add3A_34, %iota3A : vector<16xi32>
          %select_n3A_36 = arith.select %gt3A, %add3A_35, %scan3A_28 : vector<16xi1>, vector<16xi32>
          scf.yield %select_n3A, %select_n3A_36 : vector<16xf32>, vector<16xi32>
        }
        %scan3A_19 = arith.constant 128 : i32
        %masked_sort3A = arith.constant dense<true> : vector<16xi1>
        %masked_sort3A_20, %masked_sort3A_21, %masked_sort3A_22 = tpu.sort %scan3A_18#0, %scan3A_18#1 masked %masked_sort3A {descending = true} : (vector<16xf32>, vector<16xi32>, vector<16xi1>) -> (vector<16xi1>, vector<16xf32>, vector<16xi32>)
        %broadcast_in_dim3A_23 = vector.broadcast %scan3A_10 : i32 to vector<16xi32>
        tpu.vector_store_idx %arg5[%broadcast_in_dim3A_23], %masked_sort3A_22 masked %eq3A_4 : memref<40xi32, #tpu.memory_space<vmem>>[vector<16xi32>], vector<16xi32>, vector<16xi1>
        %broadcast_in_dim3A_24 = arith.constant -3.000000e+38 : f32
        %broadcast_in_dim3A_25 = vector.broadcast %broadcast_in_dim3A_24 : f32 to vector<16xf32>
        tpu.vector_store_idx %arg4[%masked_sort3A_22], %broadcast_in_dim3A_25 masked %eq3A_4 : memref<2048xf32, #tpu.memory_space<vmem>>[vector<16xi32>], vector<16xf32>, vector<16xi1>
      }
      %scan3A_9 = arith.constant 40 : i32
      "tpu.region"() ({
        %run_scoped3A = tpu.sem_alloc : memref<!tpu.dma_semaphore, #tpu.memory_space<semaphore_mem>>
        %dma_start3A = arith.constant 0 : i32
        %dma_start3A_10 = tpu.memref_slice %arg3[%add3A, %dma_start3A] : memref<16x40xi32, #tpu.memory_space<hbm>> -> memref<1x40xi32, #tpu.memory_space<hbm>>
        %dma_start3A_11 = tpu.memref_squeeze %dma_start3A_10 : memref<1x40xi32, #tpu.memory_space<hbm>> -> memref<40xi32, #tpu.memory_space<hbm>>
        %dma_start3A_12 = arith.constant 0 : i32
        %dma_start3A_13 = tpu.memref_slice %arg3[%add3A, %dma_start3A_12] : memref<16x40xi32, #tpu.memory_space<hbm>> -> memref<1x40xi32, #tpu.memory_space<hbm>>
        %dma_start3A_14 = tpu.memref_squeeze %dma_start3A_13 : memref<1x40xi32, #tpu.memory_space<hbm>> -> memref<40xi32, #tpu.memory_space<hbm>>
        tpu.enqueue_dma source(%arg5 : memref<40xi32, #tpu.memory_space<vmem>>) target(%dma_start3A_14 : memref<40xi32, #tpu.memory_space<hbm>>) target_semaphore(%run_scoped3A : memref<!tpu.dma_semaphore, #tpu.memory_space<semaphore_mem>>)
        %dma_wait3A = arith.constant 0 : i32
        %dma_wait3A_15 = tpu.memref_slice %arg3[%add3A, %dma_wait3A] : memref<16x40xi32, #tpu.memory_space<hbm>> -> memref<1x40xi32, #tpu.memory_space<hbm>>
        %dma_wait3A_16 = tpu.memref_squeeze %dma_wait3A_15 : memref<1x40xi32, #tpu.memory_space<hbm>> -> memref<40xi32, #tpu.memory_space<hbm>>
        %dma_wait3A_17 = arith.constant 0 : i32
        %dma_wait3A_18 = tpu.memref_slice %arg3[%add3A, %dma_wait3A_17] : memref<16x40xi32, #tpu.memory_space<hbm>> -> memref<1x40xi32, #tpu.memory_space<hbm>>
        %dma_wait3A_19 = tpu.memref_squeeze %dma_wait3A_18 : memref<1x40xi32, #tpu.memory_space<hbm>> -> memref<40xi32, #tpu.memory_space<hbm>>
        tpu.wait_dma2 semaphore(%run_scoped3A : memref<!tpu.dma_semaphore, #tpu.memory_space<semaphore_mem>>) src(%arg5 : memref<40xi32, #tpu.memory_space<vmem>>) dst(%dma_wait3A_19 : memref<40xi32, #tpu.memory_space<hbm>>)
        tpu.yield
      }) : () -> ()
    } else {
    }
    return
  }
}

module attributes {stable_mosaic.version = 14 : i64} {
  func.func @_proj_body(%arg0: i32, %arg1: memref<256x1024xf32, #tpu.memory_space<vmem>>, %arg2: memref<256x1024xf32, #tpu.memory_space<vmem>>, %arg3: memref<256x1024xf32, #tpu.memory_space<vmem>>, %arg4: memref<256x1xf32, #tpu.memory_space<vmem>>, %arg5: memref<1024x1024xf32, #tpu.memory_space<vmem>>, %arg6: memref<1x1024xf32, #tpu.memory_space<vmem>>, %arg7: memref<1024x1024xf32, #tpu.memory_space<vmem>>, %arg8: memref<1x1024xf32, #tpu.memory_space<vmem>>, %arg9: memref<1024x1024xf32, #tpu.memory_space<vmem>>, %arg10: memref<1x1024xf32, #tpu.memory_space<vmem>>, %arg11: memref<1x1024xf32, #tpu.memory_space<vmem>>, %arg12: memref<1x1024xf32, #tpu.memory_space<vmem>>, %arg13: memref<16x256x64xf32, #tpu.memory_space<vmem>>, %arg14: memref<16x256x64xf32, #tpu.memory_space<vmem>>, %arg15: memref<16x256x64xf32, #tpu.memory_space<vmem>>, %arg16: memref<16x256x64xf32, #tpu.memory_space<vmem>>, %arg17: memref<1x1024xf32, #tpu.memory_space<vmem>>, %arg18: memref<1xf32, #tpu.memory_space<smem>>) attributes {dimension_semantics = [#tpu.dimension_semantics<arbitrary>], iteration_bounds = array<i64: 8>, scalar_prefetch = 0 : i64, scratch_operands = 2 : i64, tpu.core_type = #tpu.core_type<tc>, window_params = [{transform_indices = @transform_0, window_bounds = array<i64: 256, 1024>}, {transform_indices = @transform_1, window_bounds = array<i64: 256, 1024>}, {transform_indices = @transform_2, window_bounds = array<i64: 256, 1024>}, {transform_indices = @transform_3, window_bounds = array<i64: 256, 1>}, {pipeline_mode = #tpu.pipeline_mode<synchronous>, transform_indices = @transform_4, window_bounds = array<i64: 1024, 1024>}, {pipeline_mode = #tpu.pipeline_mode<synchronous>, transform_indices = @transform_5, window_bounds = array<i64: 1, 1024>}, {pipeline_mode = #tpu.pipeline_mode<synchronous>, transform_indices = @transform_6, window_bounds = array<i64: 1024, 1024>}, {pipeline_mode = #tpu.pipeline_mode<synchronous>, transform_indices = @transform_7, window_bounds = array<i64: 1, 1024>}, {pipeline_mode = #tpu.pipeline_mode<synchronous>, transform_indices = @transform_8, window_bounds = array<i64: 1024, 1024>}, {pipeline_mode = #tpu.pipeline_mode<synchronous>, transform_indices = @transform_9, window_bounds = array<i64: 1, 1024>}, {pipeline_mode = #tpu.pipeline_mode<synchronous>, transform_indices = @transform_10, window_bounds = array<i64: 1, 1024>}, {pipeline_mode = #tpu.pipeline_mode<synchronous>, transform_indices = @transform_11, window_bounds = array<i64: 1, 1024>}, {transform_indices = @transform_12, window_bounds = array<i64: 16, 256, 64>}, {transform_indices = @transform_13, window_bounds = array<i64: 16, 256, 64>}, {transform_indices = @transform_14, window_bounds = array<i64: 16, 256, 64>}, {transform_indices = @transform_15, window_bounds = array<i64: 16, 256, 64>}]} {
    %eq3A = arith.constant 0 : i32
    %eq3A_0 = arith.cmpi eq, %arg0, %eq3A : i32
    %convert_element_type3A = arith.extui %eq3A_0 : i1 to i32
    %cond3A = arith.constant 0 : i32
    %cond3A_1 = arith.cmpi ne, %convert_element_type3A, %cond3A : i32
    scf.if %cond3A_1 {
      %broadcast_in_dim3A_546 = arith.constant 0.000000e+00 : f32
      %broadcast_in_dim3A_547 = vector.broadcast %broadcast_in_dim3A_546 : f32 to vector<1x1024xf32>
      %swap3A_548 = arith.constant 0 : index
      %swap3A_549 = arith.constant 0 : index
      %swap3A_550 = vector.load %arg17[%swap3A_548, %swap3A_549] : memref<1x1024xf32, #tpu.memory_space<vmem>>, vector<1x1024xf32>
      tpu.vector_store %arg17[%swap3A_548, %swap3A_549], %broadcast_in_dim3A_547 {strides = array<i32>} : memref<1x1024xf32, #tpu.memory_space<vmem>>, vector<1x1024xf32>,
      %swap3A_551 = arith.constant 0.000000e+00 : f32
      %swap3A_552 = arith.constant 0 : index
      %swap3A_553 = memref.load %arg18[%swap3A_552] : memref<1xf32, #tpu.memory_space<smem>>
      memref.store %swap3A_551, %arg18[%swap3A_552] : memref<1xf32, #tpu.memory_space<smem>>
    } else {
    }
    %get3A = arith.constant 0 : index
    %get3A_2 = arith.constant 0 : index
    %get3A_3 = vector.load %arg1[%get3A, %get3A_2] : memref<256x1024xf32, #tpu.memory_space<vmem>>, vector<256x1024xf32>
    %reduce_sum3A = arith.constant dense<0.000000e+00> : vector<256xf32>
    %reduce_sum3A_4 = vector.multi_reduction <add>, %get3A_3, %reduce_sum3A [1] : vector<256x1024xf32> to vector<256xf32>
    %broadcast_in_dim3A = vector.shape_cast %reduce_sum3A_4 : vector<256xf32> to vector<256x1xf32>
    %div3A = arith.constant 1.024000e+03 : f32
    %div3A_5 = vector.broadcast %div3A : f32 to vector<256x1xf32>
    %div3A_6 = arith.divf %broadcast_in_dim3A, %div3A_5 : vector<256x1xf32>
    %sub3A = vector.broadcast %div3A_6 : vector<256x1xf32> to vector<256x1024xf32>
    %sub3A_7 = arith.subf %get3A_3, %sub3A : vector<256x1024xf32>
    %integer_pow3A = arith.mulf %sub3A_7, %sub3A_7 : vector<256x1024xf32>
    %reduce_sum3A_8 = arith.constant dense<0.000000e+00> : vector<256xf32>
    %reduce_sum3A_9 = vector.multi_reduction <add>, %integer_pow3A, %reduce_sum3A_8 [1] : vector<256x1024xf32> to vector<256xf32>
    %broadcast_in_dim3A_10 = vector.shape_cast %reduce_sum3A_9 : vector<256xf32> to vector<256x1xf32>
    %div3A_11 = arith.constant 1.024000e+03 : f32
    %div3A_12 = vector.broadcast %div3A_11 : f32 to vector<256x1xf32>
    %div3A_13 = arith.divf %broadcast_in_dim3A_10, %div3A_12 : vector<256x1xf32>
    %get3A_14 = arith.constant 0 : index
    %get3A_15 = arith.constant 0 : index
    %get3A_16 = vector.load %arg11[%get3A_14, %get3A_15] : memref<1x1024xf32, #tpu.memory_space<vmem>>, vector<1x1024xf32>
    %sub3A_17 = vector.broadcast %div3A_6 : vector<256x1xf32> to vector<256x1024xf32>
    %sub3A_18 = arith.subf %get3A_3, %sub3A_17 : vector<256x1024xf32>
    %mul3A = vector.broadcast %get3A_16 : vector<1x1024xf32> to vector<256x1024xf32>
    %mul3A_19 = arith.mulf %mul3A, %sub3A_18 : vector<256x1024xf32>
    %add3A = arith.constant 9.99999993E-9 : f32
    %add3A_20 = vector.broadcast %add3A : f32 to vector<256x1xf32>
    %add3A_21 = arith.addf %div3A_13, %add3A_20 : vector<256x1xf32>
    %sqrt3A = math.sqrt %add3A_21 : vector<256x1xf32>
    %div3A_22 = vector.broadcast %sqrt3A : vector<256x1xf32> to vector<256x1024xf32>
    %div3A_23 = arith.divf %mul3A_19, %div3A_22 : vector<256x1024xf32>
    %get3A_24 = arith.constant 0 : index
    %get3A_25 = arith.constant 0 : index
    %get3A_26 = vector.load %arg12[%get3A_24, %get3A_25] : memref<1x1024xf32, #tpu.memory_space<vmem>>, vector<1x1024xf32>
    %add3A_27 = vector.broadcast %get3A_26 : vector<1x1024xf32> to vector<256x1024xf32>
    %add3A_28 = arith.addf %div3A_23, %add3A_27 : vector<256x1024xf32>
    %get3A_29 = arith.constant 0 : index
    %get3A_30 = arith.constant 0 : index
    %get3A_31 = vector.load %arg5[%get3A_29, %get3A_30] : memref<1024x1024xf32, #tpu.memory_space<vmem>>, vector<1024x1024xf32>
    %dot_general3A = arith.constant dense<0.000000e+00> : vector<256x1024xf32>
    %dot_general3A_32 = tpu.matmul %add3A_28, %get3A_31, %dot_general3A {dimension_numbers = #tpu.dot_dimension_numbers<[1], [1], [0], [0], [0, 0, 1, 0], [], []>, transpose_lhs_hint = false} : vector<256x1024xf32>, vector<1024x1024xf32>, vector<256x1024xf32> -> vector<256x1024xf32>
    %get3A_33 = arith.constant 0 : index
    %get3A_34 = arith.constant 0 : index
    %get3A_35 = vector.load %arg6[%get3A_33, %get3A_34] : memref<1x1024xf32, #tpu.memory_space<vmem>>, vector<1x1024xf32>
    %add3A_36 = vector.broadcast %get3A_35 : vector<1x1024xf32> to vector<256x1024xf32>
    %add3A_37 = arith.addf %dot_general3A_32, %add3A_36 : vector<256x1024xf32>
    %get3A_38 = arith.constant 0 : index
    %get3A_39 = arith.constant 0 : index
    %get3A_40 = vector.load %arg2[%get3A_38, %get3A_39] : memref<256x1024xf32, #tpu.memory_space<vmem>>, vector<256x1024xf32>
    %get3A_41 = arith.constant 0 : index
    %get3A_42 = arith.constant 0 : index
    %get3A_43 = vector.load %arg7[%get3A_41, %get3A_42] : memref<1024x1024xf32, #tpu.memory_space<vmem>>, vector<1024x1024xf32>
    %dot_general3A_44 = arith.constant dense<0.000000e+00> : vector<256x1024xf32>
    %dot_general3A_45 = tpu.matmul %get3A_40, %get3A_43, %dot_general3A_44 {dimension_numbers = #tpu.dot_dimension_numbers<[1], [1], [0], [0], [0, 0, 1, 0], [], []>, transpose_lhs_hint = false} : vector<256x1024xf32>, vector<1024x1024xf32>, vector<256x1024xf32> -> vector<256x1024xf32>
    %get3A_46 = arith.constant 0 : index
    %get3A_47 = arith.constant 0 : index
    %get3A_48 = vector.load %arg8[%get3A_46, %get3A_47] : memref<1x1024xf32, #tpu.memory_space<vmem>>, vector<1x1024xf32>
    %add3A_49 = vector.broadcast %get3A_48 : vector<1x1024xf32> to vector<256x1024xf32>
    %add3A_50 = arith.addf %dot_general3A_45, %add3A_49 : vector<256x1024xf32>
    %get3A_51 = arith.constant 0 : index
    %get3A_52 = arith.constant 0 : index
    %get3A_53 = vector.load %arg3[%get3A_51, %get3A_52] : memref<256x1024xf32, #tpu.memory_space<vmem>>, vector<256x1024xf32>
    %get3A_54 = arith.constant 0 : index
    %get3A_55 = arith.constant 0 : index
    %get3A_56 = vector.load %arg9[%get3A_54, %get3A_55] : memref<1024x1024xf32, #tpu.memory_space<vmem>>, vector<1024x1024xf32>
    %dot_general3A_57 = arith.constant dense<0.000000e+00> : vector<256x1024xf32>
    %dot_general3A_58 = tpu.matmul %get3A_53, %get3A_56, %dot_general3A_57 {dimension_numbers = #tpu.dot_dimension_numbers<[1], [1], [0], [0], [0, 0, 1, 0], [], []>, transpose_lhs_hint = false} : vector<256x1024xf32>, vector<1024x1024xf32>, vector<256x1024xf32> -> vector<256x1024xf32>
    %get3A_59 = arith.constant 0 : index
    %get3A_60 = arith.constant 0 : index
    %get3A_61 = vector.load %arg10[%get3A_59, %get3A_60] : memref<1x1024xf32, #tpu.memory_space<vmem>>, vector<1x1024xf32>
    %add3A_62 = vector.broadcast %get3A_61 : vector<1x1024xf32> to vector<256x1024xf32>
    %add3A_63 = arith.addf %dot_general3A_58, %add3A_62 : vector<256x1024xf32>
    %iota3A = tpu.iota {dimensions = array<i32: 0>} : vector<256x256xi32>
    %iota3A_64 = tpu.iota {dimensions = array<i32: 1>} : vector<256x256xi32>
    %ge3A = arith.cmpi sge, %iota3A, %iota3A_64 : vector<256x256xi32>
    %convert_element_type3A_65 = arith.extui %ge3A : vector<256x256xi1> to vector<256x256xi32>
    %convert_element_type3A_66 = arith.sitofp %convert_element_type3A_65 : vector<256x256xi32> to vector<256x256xf32>
    %dot_general3A_67 = arith.constant dense<0.000000e+00> : vector<256x1024xf32>
    %dot_general3A_68 = tpu.matmul %convert_element_type3A_66, %add3A_63, %dot_general3A_67 {dimension_numbers = #tpu.dot_dimension_numbers<[1], [0], [0], [1], [0, 0, 1, 1], [], []>, precision = #tpu.contract_precision<fp32>, transpose_lhs_hint = false} : vector<256x256xf32>, vector<256x1024xf32>, vector<256x1024xf32> -> vector<256x1024xf32>
    %get3A_69 = arith.constant 0 : index
    %get3A_70 = arith.constant 0 : index
    %get3A_71 = vector.load %arg17[%get3A_69, %get3A_70] : memref<1x1024xf32, #tpu.memory_space<vmem>>, vector<1x1024xf32>
    %add3A_72 = vector.broadcast %get3A_71 : vector<1x1024xf32> to vector<256x1024xf32>
    %add3A_73 = arith.addf %dot_general3A_68, %add3A_72 : vector<256x1024xf32>
    %iota3A_74 = tpu.iota {dimensions = array<i32: 0>} : vector<256x256xi32>
    %iota3A_75 = tpu.iota {dimensions = array<i32: 1>} : vector<256x256xi32>
    %ge3A_76 = arith.cmpi sge, %iota3A_74, %iota3A_75 : vector<256x256xi32>
    %convert_element_type3A_77 = arith.extui %ge3A_76 : vector<256x256xi1> to vector<256x256xi32>
    %convert_element_type3A_78 = arith.sitofp %convert_element_type3A_77 : vector<256x256xi32> to vector<256x256xf32>
    %get3A_79 = arith.constant 0 : index
    %get3A_80 = arith.constant 0 : index
    %get3A_81 = vector.load %arg4[%get3A_79, %get3A_80] : memref<256x1xf32, #tpu.memory_space<vmem>>, vector<256x1xf32>
    %dot_general3A_82 = arith.constant dense<0.000000e+00> : vector<256x1xf32>
    %dot_general3A_83 = tpu.matmul %convert_element_type3A_78, %get3A_81, %dot_general3A_82 {dimension_numbers = #tpu.dot_dimension_numbers<[1], [0], [0], [1], [0, 0, 1, 1], [], []>, precision = #tpu.contract_precision<fp32>, transpose_lhs_hint = false} : vector<256x256xf32>, vector<256x1xf32>, vector<256x1xf32> -> vector<256x1xf32>
    %get3A_84 = arith.constant 0 : index
    %get3A_85 = memref.load %arg18[%get3A_84] : memref<1xf32, #tpu.memory_space<smem>>
    %add3A_86 = vector.broadcast %get3A_85 : f32 to vector<256x1xf32>
    %add3A_87 = arith.addf %dot_general3A_83, %add3A_86 : vector<256x1xf32>
    %add3A_88 = arith.constant 9.99999996E-13 : f32
    %add3A_89 = vector.broadcast %add3A_88 : f32 to vector<256x1xf32>
    %add3A_90 = arith.addf %add3A_87, %add3A_89 : vector<256x1xf32>
    %div3A_91 = vector.broadcast %add3A_90 : vector<256x1xf32> to vector<256x1024xf32>
    %div3A_92 = arith.divf %add3A_73, %div3A_91 : vector<256x1024xf32>
    %slice3A = vector.extract_strided_slice %add3A_73 {offsets = [255, 0], sizes = [1, 1024], strides = [1, 1]} : vector<256x1024xf32> to vector<1x1024xf32>
    %swap3A = arith.constant 0 : index
    %swap3A_93 = arith.constant 0 : index
    %swap3A_94 = vector.load %arg17[%swap3A, %swap3A_93] : memref<1x1024xf32, #tpu.memory_space<vmem>>, vector<1x1024xf32>
    tpu.vector_store %arg17[%swap3A, %swap3A_93], %slice3A {strides = array<i32>} : memref<1x1024xf32, #tpu.memory_space<vmem>>, vector<1x1024xf32>,
    %slice3A_95 = vector.extract_strided_slice %add3A_87 {offsets = [255, 0], sizes = [1, 1], strides = [1, 1]} : vector<256x1xf32> to vector<1x1xf32>
    %squeeze3A = vector.extract %slice3A_95[0, 0] : f32 from vector<1x1xf32>
    %swap3A_96 = arith.constant 0 : index
    %swap3A_97 = memref.load %arg18[%swap3A_96] : memref<1xf32, #tpu.memory_space<smem>>
    memref.store %squeeze3A, %arg18[%swap3A_96] : memref<1xf32, #tpu.memory_space<smem>>
    %slice3A_98 = vector.extract_strided_slice %add3A_37 {offsets = [0, 0], sizes = [256, 64], strides = [1, 1]} : vector<256x1024xf32> to vector<256x64xf32>
    %swap3A_99 = arith.constant 0 : index
    %swap3A_100 = arith.constant 0 : index
    %swap3A_101 = arith.constant 0 : index
    %swap3A_102 = vector.load %arg13[%swap3A_99, %swap3A_100, %swap3A_101] : memref<16x256x64xf32, #tpu.memory_space<vmem>>, vector<1x256x64xf32>
    %swap3A_103 = vector.shape_cast %swap3A_102 : vector<1x256x64xf32> to vector<256x64xf32>
    %swap3A_104 = vector.shape_cast %slice3A_98 : vector<256x64xf32> to vector<1x256x64xf32>
    tpu.vector_store %arg13[%swap3A_99, %swap3A_100, %swap3A_101], %swap3A_104 {strides = array<i32>} : memref<16x256x64xf32, #tpu.memory_space<vmem>>, vector<1x256x64xf32>,
    %slice3A_105 = vector.extract_strided_slice %add3A_50 {offsets = [0, 0], sizes = [256, 64], strides = [1, 1]} : vector<256x1024xf32> to vector<256x64xf32>
    %swap3A_106 = arith.constant 0 : index
    %swap3A_107 = arith.constant 0 : index
    %swap3A_108 = arith.constant 0 : index
    %swap3A_109 = vector.load %arg14[%swap3A_106, %swap3A_107, %swap3A_108] : memref<16x256x64xf32, #tpu.memory_space<vmem>>, vector<1x256x64xf32>
    %swap3A_110 = vector.shape_cast %swap3A_109 : vector<1x256x64xf32> to vector<256x64xf32>
    %swap3A_111 = vector.shape_cast %slice3A_105 : vector<256x64xf32> to vector<1x256x64xf32>
    tpu.vector_store %arg14[%swap3A_106, %swap3A_107, %swap3A_108], %swap3A_111 {strides = array<i32>} : memref<16x256x64xf32, #tpu.memory_space<vmem>>, vector<1x256x64xf32>,
    %slice3A_112 = vector.extract_strided_slice %add3A_63 {offsets = [0, 0], sizes = [256, 64], strides = [1, 1]} : vector<256x1024xf32> to vector<256x64xf32>
    %swap3A_113 = arith.constant 0 : index
    %swap3A_114 = arith.constant 0 : index
    %swap3A_115 = arith.constant 0 : index
    %swap3A_116 = vector.load %arg15[%swap3A_113, %swap3A_114, %swap3A_115] : memref<16x256x64xf32, #tpu.memory_space<vmem>>, vector<1x256x64xf32>
    %swap3A_117 = vector.shape_cast %swap3A_116 : vector<1x256x64xf32> to vector<256x64xf32>
    %swap3A_118 = vector.shape_cast %slice3A_112 : vector<256x64xf32> to vector<1x256x64xf32>
    tpu.vector_store %arg15[%swap3A_113, %swap3A_114, %swap3A_115], %swap3A_118 {strides = array<i32>} : memref<16x256x64xf32, #tpu.memory_space<vmem>>, vector<1x256x64xf32>,
    %slice3A_119 = vector.extract_strided_slice %div3A_92 {offsets = [0, 0], sizes = [256, 64], strides = [1, 1]} : vector<256x1024xf32> to vector<256x64xf32>
    %swap3A_120 = arith.constant 0 : index
    %swap3A_121 = arith.constant 0 : index
    %swap3A_122 = arith.constant 0 : index
    %swap3A_123 = vector.load %arg16[%swap3A_120, %swap3A_121, %swap3A_122] : memref<16x256x64xf32, #tpu.memory_space<vmem>>, vector<1x256x64xf32>
    %swap3A_124 = vector.shape_cast %swap3A_123 : vector<1x256x64xf32> to vector<256x64xf32>
    %swap3A_125 = vector.shape_cast %slice3A_119 : vector<256x64xf32> to vector<1x256x64xf32>
    tpu.vector_store %arg16[%swap3A_120, %swap3A_121, %swap3A_122], %swap3A_125 {strides = array<i32>} : memref<16x256x64xf32, #tpu.memory_space<vmem>>, vector<1x256x64xf32>,
    %slice3A_126 = vector.extract_strided_slice %add3A_37 {offsets = [0, 64], sizes = [256, 64], strides = [1, 1]} : vector<256x1024xf32> to vector<256x64xf32>
    %swap3A_127 = arith.constant 1 : index
    %swap3A_128 = arith.constant 0 : index
    %swap3A_129 = arith.constant 0 : index
    %swap3A_130 = vector.load %arg13[%swap3A_127, %swap3A_128, %swap3A_129] : memref<16x256x64xf32, #tpu.memory_space<vmem>>, vector<1x256x64xf32>
    %swap3A_131 = vector.shape_cast %swap3A_130 : vector<1x256x64xf32> to vector<256x64xf32>
    %swap3A_132 = vector.shape_cast %slice3A_126 : vector<256x64xf32> to vector<1x256x64xf32>
    tpu.vector_store %arg13[%swap3A_127, %swap3A_128, %swap3A_129], %swap3A_132 {strides = array<i32>} : memref<16x256x64xf32, #tpu.memory_space<vmem>>, vector<1x256x64xf32>,
    %slice3A_133 = vector.extract_strided_slice %add3A_50 {offsets = [0, 64], sizes = [256, 64], strides = [1, 1]} : vector<256x1024xf32> to vector<256x64xf32>
    %swap3A_134 = arith.constant 1 : index
    %swap3A_135 = arith.constant 0 : index
    %swap3A_136 = arith.constant 0 : index
    %swap3A_137 = vector.load %arg14[%swap3A_134, %swap3A_135, %swap3A_136] : memref<16x256x64xf32, #tpu.memory_space<vmem>>, vector<1x256x64xf32>
    %swap3A_138 = vector.shape_cast %swap3A_137 : vector<1x256x64xf32> to vector<256x64xf32>
    %swap3A_139 = vector.shape_cast %slice3A_133 : vector<256x64xf32> to vector<1x256x64xf32>
    tpu.vector_store %arg14[%swap3A_134, %swap3A_135, %swap3A_136], %swap3A_139 {strides = array<i32>} : memref<16x256x64xf32, #tpu.memory_space<vmem>>, vector<1x256x64xf32>,
    %slice3A_140 = vector.extract_strided_slice %add3A_63 {offsets = [0, 64], sizes = [256, 64], strides = [1, 1]} : vector<256x1024xf32> to vector<256x64xf32>
    %swap3A_141 = arith.constant 1 : index
    %swap3A_142 = arith.constant 0 : index
    %swap3A_143 = arith.constant 0 : index
    %swap3A_144 = vector.load %arg15[%swap3A_141, %swap3A_142, %swap3A_143] : memref<16x256x64xf32, #tpu.memory_space<vmem>>, vector<1x256x64xf32>
    %swap3A_145 = vector.shape_cast %swap3A_144 : vector<1x256x64xf32> to vector<256x64xf32>
    %swap3A_146 = vector.shape_cast %slice3A_140 : vector<256x64xf32> to vector<1x256x64xf32>
    tpu.vector_store %arg15[%swap3A_141, %swap3A_142, %swap3A_143], %swap3A_146 {strides = array<i32>} : memref<16x256x64xf32, #tpu.memory_space<vmem>>, vector<1x256x64xf32>,
    %slice3A_147 = vector.extract_strided_slice %div3A_92 {offsets = [0, 64], sizes = [256, 64], strides = [1, 1]} : vector<256x1024xf32> to vector<256x64xf32>
    %swap3A_148 = arith.constant 1 : index
    %swap3A_149 = arith.constant 0 : index
    %swap3A_150 = arith.constant 0 : index
    %swap3A_151 = vector.load %arg16[%swap3A_148, %swap3A_149, %swap3A_150] : memref<16x256x64xf32, #tpu.memory_space<vmem>>, vector<1x256x64xf32>
    %swap3A_152 = vector.shape_cast %swap3A_151 : vector<1x256x64xf32> to vector<256x64xf32>
    %swap3A_153 = vector.shape_cast %slice3A_147 : vector<256x64xf32> to vector<1x256x64xf32>
    tpu.vector_store %arg16[%swap3A_148, %swap3A_149, %swap3A_150], %swap3A_153 {strides = array<i32>} : memref<16x256x64xf32, #tpu.memory_space<vmem>>, vector<1x256x64xf32>,
    %slice3A_154 = vector.extract_strided_slice %add3A_37 {offsets = [0, 128], sizes = [256, 64], strides = [1, 1]} : vector<256x1024xf32> to vector<256x64xf32>
    %swap3A_155 = arith.constant 2 : index
    %swap3A_156 = arith.constant 0 : index
    %swap3A_157 = arith.constant 0 : index
    %swap3A_158 = vector.load %arg13[%swap3A_155, %swap3A_156, %swap3A_157] : memref<16x256x64xf32, #tpu.memory_space<vmem>>, vector<1x256x64xf32>
    %swap3A_159 = vector.shape_cast %swap3A_158 : vector<1x256x64xf32> to vector<256x64xf32>
    %swap3A_160 = vector.shape_cast %slice3A_154 : vector<256x64xf32> to vector<1x256x64xf32>
    tpu.vector_store %arg13[%swap3A_155, %swap3A_156, %swap3A_157], %swap3A_160 {strides = array<i32>} : memref<16x256x64xf32, #tpu.memory_space<vmem>>, vector<1x256x64xf32>,
    %slice3A_161 = vector.extract_strided_slice %add3A_50 {offsets = [0, 128], sizes = [256, 64], strides = [1, 1]} : vector<256x1024xf32> to vector<256x64xf32>
    %swap3A_162 = arith.constant 2 : index
    %swap3A_163 = arith.constant 0 : index
    %swap3A_164 = arith.constant 0 : index
    %swap3A_165 = vector.load %arg14[%swap3A_162, %swap3A_163, %swap3A_164] : memref<16x256x64xf32, #tpu.memory_space<vmem>>, vector<1x256x64xf32>
    %swap3A_166 = vector.shape_cast %swap3A_165 : vector<1x256x64xf32> to vector<256x64xf32>
    %swap3A_167 = vector.shape_cast %slice3A_161 : vector<256x64xf32> to vector<1x256x64xf32>
    tpu.vector_store %arg14[%swap3A_162, %swap3A_163, %swap3A_164], %swap3A_167 {strides = array<i32>} : memref<16x256x64xf32, #tpu.memory_space<vmem>>, vector<1x256x64xf32>,
    %slice3A_168 = vector.extract_strided_slice %add3A_63 {offsets = [0, 128], sizes = [256, 64], strides = [1, 1]} : vector<256x1024xf32> to vector<256x64xf32>
    %swap3A_169 = arith.constant 2 : index
    %swap3A_170 = arith.constant 0 : index
    %swap3A_171 = arith.constant 0 : index
    %swap3A_172 = vector.load %arg15[%swap3A_169, %swap3A_170, %swap3A_171] : memref<16x256x64xf32, #tpu.memory_space<vmem>>, vector<1x256x64xf32>
    %swap3A_173 = vector.shape_cast %swap3A_172 : vector<1x256x64xf32> to vector<256x64xf32>
    %swap3A_174 = vector.shape_cast %slice3A_168 : vector<256x64xf32> to vector<1x256x64xf32>
    tpu.vector_store %arg15[%swap3A_169, %swap3A_170, %swap3A_171], %swap3A_174 {strides = array<i32>} : memref<16x256x64xf32, #tpu.memory_space<vmem>>, vector<1x256x64xf32>,
    %slice3A_175 = vector.extract_strided_slice %div3A_92 {offsets = [0, 128], sizes = [256, 64], strides = [1, 1]} : vector<256x1024xf32> to vector<256x64xf32>
    %swap3A_176 = arith.constant 2 : index
    %swap3A_177 = arith.constant 0 : index
    %swap3A_178 = arith.constant 0 : index
    %swap3A_179 = vector.load %arg16[%swap3A_176, %swap3A_177, %swap3A_178] : memref<16x256x64xf32, #tpu.memory_space<vmem>>, vector<1x256x64xf32>
    %swap3A_180 = vector.shape_cast %swap3A_179 : vector<1x256x64xf32> to vector<256x64xf32>
    %swap3A_181 = vector.shape_cast %slice3A_175 : vector<256x64xf32> to vector<1x256x64xf32>
    tpu.vector_store %arg16[%swap3A_176, %swap3A_177, %swap3A_178], %swap3A_181 {strides = array<i32>} : memref<16x256x64xf32, #tpu.memory_space<vmem>>, vector<1x256x64xf32>,
    %slice3A_182 = vector.extract_strided_slice %add3A_37 {offsets = [0, 192], sizes = [256, 64], strides = [1, 1]} : vector<256x1024xf32> to vector<256x64xf32>
    %swap3A_183 = arith.constant 3 : index
    %swap3A_184 = arith.constant 0 : index
    %swap3A_185 = arith.constant 0 : index
    %swap3A_186 = vector.load %arg13[%swap3A_183, %swap3A_184, %swap3A_185] : memref<16x256x64xf32, #tpu.memory_space<vmem>>, vector<1x256x64xf32>
    %swap3A_187 = vector.shape_cast %swap3A_186 : vector<1x256x64xf32> to vector<256x64xf32>
    %swap3A_188 = vector.shape_cast %slice3A_182 : vector<256x64xf32> to vector<1x256x64xf32>
    tpu.vector_store %arg13[%swap3A_183, %swap3A_184, %swap3A_185], %swap3A_188 {strides = array<i32>} : memref<16x256x64xf32, #tpu.memory_space<vmem>>, vector<1x256x64xf32>,
    %slice3A_189 = vector.extract_strided_slice %add3A_50 {offsets = [0, 192], sizes = [256, 64], strides = [1, 1]} : vector<256x1024xf32> to vector<256x64xf32>
    %swap3A_190 = arith.constant 3 : index
    %swap3A_191 = arith.constant 0 : index
    %swap3A_192 = arith.constant 0 : index
    %swap3A_193 = vector.load %arg14[%swap3A_190, %swap3A_191, %swap3A_192] : memref<16x256x64xf32, #tpu.memory_space<vmem>>, vector<1x256x64xf32>
    %swap3A_194 = vector.shape_cast %swap3A_193 : vector<1x256x64xf32> to vector<256x64xf32>
    %swap3A_195 = vector.shape_cast %slice3A_189 : vector<256x64xf32> to vector<1x256x64xf32>
    tpu.vector_store %arg14[%swap3A_190, %swap3A_191, %swap3A_192], %swap3A_195 {strides = array<i32>} : memref<16x256x64xf32, #tpu.memory_space<vmem>>, vector<1x256x64xf32>,
    %slice3A_196 = vector.extract_strided_slice %add3A_63 {offsets = [0, 192], sizes = [256, 64], strides = [1, 1]} : vector<256x1024xf32> to vector<256x64xf32>
    %swap3A_197 = arith.constant 3 : index
    %swap3A_198 = arith.constant 0 : index
    %swap3A_199 = arith.constant 0 : index
    %swap3A_200 = vector.load %arg15[%swap3A_197, %swap3A_198, %swap3A_199] : memref<16x256x64xf32, #tpu.memory_space<vmem>>, vector<1x256x64xf32>
    %swap3A_201 = vector.shape_cast %swap3A_200 : vector<1x256x64xf32> to vector<256x64xf32>
    %swap3A_202 = vector.shape_cast %slice3A_196 : vector<256x64xf32> to vector<1x256x64xf32>
    tpu.vector_store %arg15[%swap3A_197, %swap3A_198, %swap3A_199], %swap3A_202 {strides = array<i32>} : memref<16x256x64xf32, #tpu.memory_space<vmem>>, vector<1x256x64xf32>,
    %slice3A_203 = vector.extract_strided_slice %div3A_92 {offsets = [0, 192], sizes = [256, 64], strides = [1, 1]} : vector<256x1024xf32> to vector<256x64xf32>
    %swap3A_204 = arith.constant 3 : index
    %swap3A_205 = arith.constant 0 : index
    %swap3A_206 = arith.constant 0 : index
    %swap3A_207 = vector.load %arg16[%swap3A_204, %swap3A_205, %swap3A_206] : memref<16x256x64xf32, #tpu.memory_space<vmem>>, vector<1x256x64xf32>
    %swap3A_208 = vector.shape_cast %swap3A_207 : vector<1x256x64xf32> to vector<256x64xf32>
    %swap3A_209 = vector.shape_cast %slice3A_203 : vector<256x64xf32> to vector<1x256x64xf32>
    tpu.vector_store %arg16[%swap3A_204, %swap3A_205, %swap3A_206], %swap3A_209 {strides = array<i32>} : memref<16x256x64xf32, #tpu.memory_space<vmem>>, vector<1x256x64xf32>,
    %slice3A_210 = vector.extract_strided_slice %add3A_37 {offsets = [0, 256], sizes = [256, 64], strides = [1, 1]} : vector<256x1024xf32> to vector<256x64xf32>
    %swap3A_211 = arith.constant 4 : index
    %swap3A_212 = arith.constant 0 : index
    %swap3A_213 = arith.constant 0 : index
    %swap3A_214 = vector.load %arg13[%swap3A_211, %swap3A_212, %swap3A_213] : memref<16x256x64xf32, #tpu.memory_space<vmem>>, vector<1x256x64xf32>
    %swap3A_215 = vector.shape_cast %swap3A_214 : vector<1x256x64xf32> to vector<256x64xf32>
    %swap3A_216 = vector.shape_cast %slice3A_210 : vector<256x64xf32> to vector<1x256x64xf32>
    tpu.vector_store %arg13[%swap3A_211, %swap3A_212, %swap3A_213], %swap3A_216 {strides = array<i32>} : memref<16x256x64xf32, #tpu.memory_space<vmem>>, vector<1x256x64xf32>,
    %slice3A_217 = vector.extract_strided_slice %add3A_50 {offsets = [0, 256], sizes = [256, 64], strides = [1, 1]} : vector<256x1024xf32> to vector<256x64xf32>
    %swap3A_218 = arith.constant 4 : index
    %swap3A_219 = arith.constant 0 : index
    %swap3A_220 = arith.constant 0 : index
    %swap3A_221 = vector.load %arg14[%swap3A_218, %swap3A_219, %swap3A_220] : memref<16x256x64xf32, #tpu.memory_space<vmem>>, vector<1x256x64xf32>
    %swap3A_222 = vector.shape_cast %swap3A_221 : vector<1x256x64xf32> to vector<256x64xf32>
    %swap3A_223 = vector.shape_cast %slice3A_217 : vector<256x64xf32> to vector<1x256x64xf32>
    tpu.vector_store %arg14[%swap3A_218, %swap3A_219, %swap3A_220], %swap3A_223 {strides = array<i32>} : memref<16x256x64xf32, #tpu.memory_space<vmem>>, vector<1x256x64xf32>,
    %slice3A_224 = vector.extract_strided_slice %add3A_63 {offsets = [0, 256], sizes = [256, 64], strides = [1, 1]} : vector<256x1024xf32> to vector<256x64xf32>
    %swap3A_225 = arith.constant 4 : index
    %swap3A_226 = arith.constant 0 : index
    %swap3A_227 = arith.constant 0 : index
    %swap3A_228 = vector.load %arg15[%swap3A_225, %swap3A_226, %swap3A_227] : memref<16x256x64xf32, #tpu.memory_space<vmem>>, vector<1x256x64xf32>
    %swap3A_229 = vector.shape_cast %swap3A_228 : vector<1x256x64xf32> to vector<256x64xf32>
    %swap3A_230 = vector.shape_cast %slice3A_224 : vector<256x64xf32> to vector<1x256x64xf32>
    tpu.vector_store %arg15[%swap3A_225, %swap3A_226, %swap3A_227], %swap3A_230 {strides = array<i32>} : memref<16x256x64xf32, #tpu.memory_space<vmem>>, vector<1x256x64xf32>,
    %slice3A_231 = vector.extract_strided_slice %div3A_92 {offsets = [0, 256], sizes = [256, 64], strides = [1, 1]} : vector<256x1024xf32> to vector<256x64xf32>
    %swap3A_232 = arith.constant 4 : index
    %swap3A_233 = arith.constant 0 : index
    %swap3A_234 = arith.constant 0 : index
    %swap3A_235 = vector.load %arg16[%swap3A_232, %swap3A_233, %swap3A_234] : memref<16x256x64xf32, #tpu.memory_space<vmem>>, vector<1x256x64xf32>
    %swap3A_236 = vector.shape_cast %swap3A_235 : vector<1x256x64xf32> to vector<256x64xf32>
    %swap3A_237 = vector.shape_cast %slice3A_231 : vector<256x64xf32> to vector<1x256x64xf32>
    tpu.vector_store %arg16[%swap3A_232, %swap3A_233, %swap3A_234], %swap3A_237 {strides = array<i32>} : memref<16x256x64xf32, #tpu.memory_space<vmem>>, vector<1x256x64xf32>,
    %slice3A_238 = vector.extract_strided_slice %add3A_37 {offsets = [0, 320], sizes = [256, 64], strides = [1, 1]} : vector<256x1024xf32> to vector<256x64xf32>
    %swap3A_239 = arith.constant 5 : index
    %swap3A_240 = arith.constant 0 : index
    %swap3A_241 = arith.constant 0 : index
    %swap3A_242 = vector.load %arg13[%swap3A_239, %swap3A_240, %swap3A_241] : memref<16x256x64xf32, #tpu.memory_space<vmem>>, vector<1x256x64xf32>
    %swap3A_243 = vector.shape_cast %swap3A_242 : vector<1x256x64xf32> to vector<256x64xf32>
    %swap3A_244 = vector.shape_cast %slice3A_238 : vector<256x64xf32> to vector<1x256x64xf32>
    tpu.vector_store %arg13[%swap3A_239, %swap3A_240, %swap3A_241], %swap3A_244 {strides = array<i32>} : memref<16x256x64xf32, #tpu.memory_space<vmem>>, vector<1x256x64xf32>,
    %slice3A_245 = vector.extract_strided_slice %add3A_50 {offsets = [0, 320], sizes = [256, 64], strides = [1, 1]} : vector<256x1024xf32> to vector<256x64xf32>
    %swap3A_246 = arith.constant 5 : index
    %swap3A_247 = arith.constant 0 : index
    %swap3A_248 = arith.constant 0 : index
    %swap3A_249 = vector.load %arg14[%swap3A_246, %swap3A_247, %swap3A_248] : memref<16x256x64xf32, #tpu.memory_space<vmem>>, vector<1x256x64xf32>
    %swap3A_250 = vector.shape_cast %swap3A_249 : vector<1x256x64xf32> to vector<256x64xf32>
    %swap3A_251 = vector.shape_cast %slice3A_245 : vector<256x64xf32> to vector<1x256x64xf32>
    tpu.vector_store %arg14[%swap3A_246, %swap3A_247, %swap3A_248], %swap3A_251 {strides = array<i32>} : memref<16x256x64xf32, #tpu.memory_space<vmem>>, vector<1x256x64xf32>,
    %slice3A_252 = vector.extract_strided_slice %add3A_63 {offsets = [0, 320], sizes = [256, 64], strides = [1, 1]} : vector<256x1024xf32> to vector<256x64xf32>
    %swap3A_253 = arith.constant 5 : index
    %swap3A_254 = arith.constant 0 : index
    %swap3A_255 = arith.constant 0 : index
    %swap3A_256 = vector.load %arg15[%swap3A_253, %swap3A_254, %swap3A_255] : memref<16x256x64xf32, #tpu.memory_space<vmem>>, vector<1x256x64xf32>
    %swap3A_257 = vector.shape_cast %swap3A_256 : vector<1x256x64xf32> to vector<256x64xf32>
    %swap3A_258 = vector.shape_cast %slice3A_252 : vector<256x64xf32> to vector<1x256x64xf32>
    tpu.vector_store %arg15[%swap3A_253, %swap3A_254, %swap3A_255], %swap3A_258 {strides = array<i32>} : memref<16x256x64xf32, #tpu.memory_space<vmem>>, vector<1x256x64xf32>,
    %slice3A_259 = vector.extract_strided_slice %div3A_92 {offsets = [0, 320], sizes = [256, 64], strides = [1, 1]} : vector<256x1024xf32> to vector<256x64xf32>
    %swap3A_260 = arith.constant 5 : index
    %swap3A_261 = arith.constant 0 : index
    %swap3A_262 = arith.constant 0 : index
    %swap3A_263 = vector.load %arg16[%swap3A_260, %swap3A_261, %swap3A_262] : memref<16x256x64xf32, #tpu.memory_space<vmem>>, vector<1x256x64xf32>
    %swap3A_264 = vector.shape_cast %swap3A_263 : vector<1x256x64xf32> to vector<256x64xf32>
    %swap3A_265 = vector.shape_cast %slice3A_259 : vector<256x64xf32> to vector<1x256x64xf32>
    tpu.vector_store %arg16[%swap3A_260, %swap3A_261, %swap3A_262], %swap3A_265 {strides = array<i32>} : memref<16x256x64xf32, #tpu.memory_space<vmem>>, vector<1x256x64xf32>,
    %slice3A_266 = vector.extract_strided_slice %add3A_37 {offsets = [0, 384], sizes = [256, 64], strides = [1, 1]} : vector<256x1024xf32> to vector<256x64xf32>
    %swap3A_267 = arith.constant 6 : index
    %swap3A_268 = arith.constant 0 : index
    %swap3A_269 = arith.constant 0 : index
    %swap3A_270 = vector.load %arg13[%swap3A_267, %swap3A_268, %swap3A_269] : memref<16x256x64xf32, #tpu.memory_space<vmem>>, vector<1x256x64xf32>
    %swap3A_271 = vector.shape_cast %swap3A_270 : vector<1x256x64xf32> to vector<256x64xf32>
    %swap3A_272 = vector.shape_cast %slice3A_266 : vector<256x64xf32> to vector<1x256x64xf32>
    tpu.vector_store %arg13[%swap3A_267, %swap3A_268, %swap3A_269], %swap3A_272 {strides = array<i32>} : memref<16x256x64xf32, #tpu.memory_space<vmem>>, vector<1x256x64xf32>,
    %slice3A_273 = vector.extract_strided_slice %add3A_50 {offsets = [0, 384], sizes = [256, 64], strides = [1, 1]} : vector<256x1024xf32> to vector<256x64xf32>
    %swap3A_274 = arith.constant 6 : index
    %swap3A_275 = arith.constant 0 : index
    %swap3A_276 = arith.constant 0 : index
    %swap3A_277 = vector.load %arg14[%swap3A_274, %swap3A_275, %swap3A_276] : memref<16x256x64xf32, #tpu.memory_space<vmem>>, vector<1x256x64xf32>
    %swap3A_278 = vector.shape_cast %swap3A_277 : vector<1x256x64xf32> to vector<256x64xf32>
    %swap3A_279 = vector.shape_cast %slice3A_273 : vector<256x64xf32> to vector<1x256x64xf32>
    tpu.vector_store %arg14[%swap3A_274, %swap3A_275, %swap3A_276], %swap3A_279 {strides = array<i32>} : memref<16x256x64xf32, #tpu.memory_space<vmem>>, vector<1x256x64xf32>,
    %slice3A_280 = vector.extract_strided_slice %add3A_63 {offsets = [0, 384], sizes = [256, 64], strides = [1, 1]} : vector<256x1024xf32> to vector<256x64xf32>
    %swap3A_281 = arith.constant 6 : index
    %swap3A_282 = arith.constant 0 : index
    %swap3A_283 = arith.constant 0 : index
    %swap3A_284 = vector.load %arg15[%swap3A_281, %swap3A_282, %swap3A_283] : memref<16x256x64xf32, #tpu.memory_space<vmem>>, vector<1x256x64xf32>
    %swap3A_285 = vector.shape_cast %swap3A_284 : vector<1x256x64xf32> to vector<256x64xf32>
    %swap3A_286 = vector.shape_cast %slice3A_280 : vector<256x64xf32> to vector<1x256x64xf32>
    tpu.vector_store %arg15[%swap3A_281, %swap3A_282, %swap3A_283], %swap3A_286 {strides = array<i32>} : memref<16x256x64xf32, #tpu.memory_space<vmem>>, vector<1x256x64xf32>,
    %slice3A_287 = vector.extract_strided_slice %div3A_92 {offsets = [0, 384], sizes = [256, 64], strides = [1, 1]} : vector<256x1024xf32> to vector<256x64xf32>
    %swap3A_288 = arith.constant 6 : index
    %swap3A_289 = arith.constant 0 : index
    %swap3A_290 = arith.constant 0 : index
    %swap3A_291 = vector.load %arg16[%swap3A_288, %swap3A_289, %swap3A_290] : memref<16x256x64xf32, #tpu.memory_space<vmem>>, vector<1x256x64xf32>
    %swap3A_292 = vector.shape_cast %swap3A_291 : vector<1x256x64xf32> to vector<256x64xf32>
    %swap3A_293 = vector.shape_cast %slice3A_287 : vector<256x64xf32> to vector<1x256x64xf32>
    tpu.vector_store %arg16[%swap3A_288, %swap3A_289, %swap3A_290], %swap3A_293 {strides = array<i32>} : memref<16x256x64xf32, #tpu.memory_space<vmem>>, vector<1x256x64xf32>,
    %slice3A_294 = vector.extract_strided_slice %add3A_37 {offsets = [0, 448], sizes = [256, 64], strides = [1, 1]} : vector<256x1024xf32> to vector<256x64xf32>
    %swap3A_295 = arith.constant 7 : index
    %swap3A_296 = arith.constant 0 : index
    %swap3A_297 = arith.constant 0 : index
    %swap3A_298 = vector.load %arg13[%swap3A_295, %swap3A_296, %swap3A_297] : memref<16x256x64xf32, #tpu.memory_space<vmem>>, vector<1x256x64xf32>
    %swap3A_299 = vector.shape_cast %swap3A_298 : vector<1x256x64xf32> to vector<256x64xf32>
    %swap3A_300 = vector.shape_cast %slice3A_294 : vector<256x64xf32> to vector<1x256x64xf32>
    tpu.vector_store %arg13[%swap3A_295, %swap3A_296, %swap3A_297], %swap3A_300 {strides = array<i32>} : memref<16x256x64xf32, #tpu.memory_space<vmem>>, vector<1x256x64xf32>,
    %slice3A_301 = vector.extract_strided_slice %add3A_50 {offsets = [0, 448], sizes = [256, 64], strides = [1, 1]} : vector<256x1024xf32> to vector<256x64xf32>
    %swap3A_302 = arith.constant 7 : index
    %swap3A_303 = arith.constant 0 : index
    %swap3A_304 = arith.constant 0 : index
    %swap3A_305 = vector.load %arg14[%swap3A_302, %swap3A_303, %swap3A_304] : memref<16x256x64xf32, #tpu.memory_space<vmem>>, vector<1x256x64xf32>
    %swap3A_306 = vector.shape_cast %swap3A_305 : vector<1x256x64xf32> to vector<256x64xf32>
    %swap3A_307 = vector.shape_cast %slice3A_301 : vector<256x64xf32> to vector<1x256x64xf32>
    tpu.vector_store %arg14[%swap3A_302, %swap3A_303, %swap3A_304], %swap3A_307 {strides = array<i32>} : memref<16x256x64xf32, #tpu.memory_space<vmem>>, vector<1x256x64xf32>,
    %slice3A_308 = vector.extract_strided_slice %add3A_63 {offsets = [0, 448], sizes = [256, 64], strides = [1, 1]} : vector<256x1024xf32> to vector<256x64xf32>
    %swap3A_309 = arith.constant 7 : index
    %swap3A_310 = arith.constant 0 : index
    %swap3A_311 = arith.constant 0 : index
    %swap3A_312 = vector.load %arg15[%swap3A_309, %swap3A_310, %swap3A_311] : memref<16x256x64xf32, #tpu.memory_space<vmem>>, vector<1x256x64xf32>
    %swap3A_313 = vector.shape_cast %swap3A_312 : vector<1x256x64xf32> to vector<256x64xf32>
    %swap3A_314 = vector.shape_cast %slice3A_308 : vector<256x64xf32> to vector<1x256x64xf32>
    tpu.vector_store %arg15[%swap3A_309, %swap3A_310, %swap3A_311], %swap3A_314 {strides = array<i32>} : memref<16x256x64xf32, #tpu.memory_space<vmem>>, vector<1x256x64xf32>,
    %slice3A_315 = vector.extract_strided_slice %div3A_92 {offsets = [0, 448], sizes = [256, 64], strides = [1, 1]} : vector<256x1024xf32> to vector<256x64xf32>
    %swap3A_316 = arith.constant 7 : index
    %swap3A_317 = arith.constant 0 : index
    %swap3A_318 = arith.constant 0 : index
    %swap3A_319 = vector.load %arg16[%swap3A_316, %swap3A_317, %swap3A_318] : memref<16x256x64xf32, #tpu.memory_space<vmem>>, vector<1x256x64xf32>
    %swap3A_320 = vector.shape_cast %swap3A_319 : vector<1x256x64xf32> to vector<256x64xf32>
    %swap3A_321 = vector.shape_cast %slice3A_315 : vector<256x64xf32> to vector<1x256x64xf32>
    tpu.vector_store %arg16[%swap3A_316, %swap3A_317, %swap3A_318], %swap3A_321 {strides = array<i32>} : memref<16x256x64xf32, #tpu.memory_space<vmem>>, vector<1x256x64xf32>,
    %slice3A_322 = vector.extract_strided_slice %add3A_37 {offsets = [0, 512], sizes = [256, 64], strides = [1, 1]} : vector<256x1024xf32> to vector<256x64xf32>
    %swap3A_323 = arith.constant 8 : index
    %swap3A_324 = arith.constant 0 : index
    %swap3A_325 = arith.constant 0 : index
    %swap3A_326 = vector.load %arg13[%swap3A_323, %swap3A_324, %swap3A_325] : memref<16x256x64xf32, #tpu.memory_space<vmem>>, vector<1x256x64xf32>
    %swap3A_327 = vector.shape_cast %swap3A_326 : vector<1x256x64xf32> to vector<256x64xf32>
    %swap3A_328 = vector.shape_cast %slice3A_322 : vector<256x64xf32> to vector<1x256x64xf32>
    tpu.vector_store %arg13[%swap3A_323, %swap3A_324, %swap3A_325], %swap3A_328 {strides = array<i32>} : memref<16x256x64xf32, #tpu.memory_space<vmem>>, vector<1x256x64xf32>,
    %slice3A_329 = vector.extract_strided_slice %add3A_50 {offsets = [0, 512], sizes = [256, 64], strides = [1, 1]} : vector<256x1024xf32> to vector<256x64xf32>
    %swap3A_330 = arith.constant 8 : index
    %swap3A_331 = arith.constant 0 : index
    %swap3A_332 = arith.constant 0 : index
    %swap3A_333 = vector.load %arg14[%swap3A_330, %swap3A_331, %swap3A_332] : memref<16x256x64xf32, #tpu.memory_space<vmem>>, vector<1x256x64xf32>
    %swap3A_334 = vector.shape_cast %swap3A_333 : vector<1x256x64xf32> to vector<256x64xf32>
    %swap3A_335 = vector.shape_cast %slice3A_329 : vector<256x64xf32> to vector<1x256x64xf32>
    tpu.vector_store %arg14[%swap3A_330, %swap3A_331, %swap3A_332], %swap3A_335 {strides = array<i32>} : memref<16x256x64xf32, #tpu.memory_space<vmem>>, vector<1x256x64xf32>,
    %slice3A_336 = vector.extract_strided_slice %add3A_63 {offsets = [0, 512], sizes = [256, 64], strides = [1, 1]} : vector<256x1024xf32> to vector<256x64xf32>
    %swap3A_337 = arith.constant 8 : index
    %swap3A_338 = arith.constant 0 : index
    %swap3A_339 = arith.constant 0 : index
    %swap3A_340 = vector.load %arg15[%swap3A_337, %swap3A_338, %swap3A_339] : memref<16x256x64xf32, #tpu.memory_space<vmem>>, vector<1x256x64xf32>
    %swap3A_341 = vector.shape_cast %swap3A_340 : vector<1x256x64xf32> to vector<256x64xf32>
    %swap3A_342 = vector.shape_cast %slice3A_336 : vector<256x64xf32> to vector<1x256x64xf32>
    tpu.vector_store %arg15[%swap3A_337, %swap3A_338, %swap3A_339], %swap3A_342 {strides = array<i32>} : memref<16x256x64xf32, #tpu.memory_space<vmem>>, vector<1x256x64xf32>,
    %slice3A_343 = vector.extract_strided_slice %div3A_92 {offsets = [0, 512], sizes = [256, 64], strides = [1, 1]} : vector<256x1024xf32> to vector<256x64xf32>
    %swap3A_344 = arith.constant 8 : index
    %swap3A_345 = arith.constant 0 : index
    %swap3A_346 = arith.constant 0 : index
    %swap3A_347 = vector.load %arg16[%swap3A_344, %swap3A_345, %swap3A_346] : memref<16x256x64xf32, #tpu.memory_space<vmem>>, vector<1x256x64xf32>
    %swap3A_348 = vector.shape_cast %swap3A_347 : vector<1x256x64xf32> to vector<256x64xf32>
    %swap3A_349 = vector.shape_cast %slice3A_343 : vector<256x64xf32> to vector<1x256x64xf32>
    tpu.vector_store %arg16[%swap3A_344, %swap3A_345, %swap3A_346], %swap3A_349 {strides = array<i32>} : memref<16x256x64xf32, #tpu.memory_space<vmem>>, vector<1x256x64xf32>,
    %slice3A_350 = vector.extract_strided_slice %add3A_37 {offsets = [0, 576], sizes = [256, 64], strides = [1, 1]} : vector<256x1024xf32> to vector<256x64xf32>
    %swap3A_351 = arith.constant 9 : index
    %swap3A_352 = arith.constant 0 : index
    %swap3A_353 = arith.constant 0 : index
    %swap3A_354 = vector.load %arg13[%swap3A_351, %swap3A_352, %swap3A_353] : memref<16x256x64xf32, #tpu.memory_space<vmem>>, vector<1x256x64xf32>
    %swap3A_355 = vector.shape_cast %swap3A_354 : vector<1x256x64xf32> to vector<256x64xf32>
    %swap3A_356 = vector.shape_cast %slice3A_350 : vector<256x64xf32> to vector<1x256x64xf32>
    tpu.vector_store %arg13[%swap3A_351, %swap3A_352, %swap3A_353], %swap3A_356 {strides = array<i32>} : memref<16x256x64xf32, #tpu.memory_space<vmem>>, vector<1x256x64xf32>,
    %slice3A_357 = vector.extract_strided_slice %add3A_50 {offsets = [0, 576], sizes = [256, 64], strides = [1, 1]} : vector<256x1024xf32> to vector<256x64xf32>
    %swap3A_358 = arith.constant 9 : index
    %swap3A_359 = arith.constant 0 : index
    %swap3A_360 = arith.constant 0 : index
    %swap3A_361 = vector.load %arg14[%swap3A_358, %swap3A_359, %swap3A_360] : memref<16x256x64xf32, #tpu.memory_space<vmem>>, vector<1x256x64xf32>
    %swap3A_362 = vector.shape_cast %swap3A_361 : vector<1x256x64xf32> to vector<256x64xf32>
    %swap3A_363 = vector.shape_cast %slice3A_357 : vector<256x64xf32> to vector<1x256x64xf32>
    tpu.vector_store %arg14[%swap3A_358, %swap3A_359, %swap3A_360], %swap3A_363 {strides = array<i32>} : memref<16x256x64xf32, #tpu.memory_space<vmem>>, vector<1x256x64xf32>,
    %slice3A_364 = vector.extract_strided_slice %add3A_63 {offsets = [0, 576], sizes = [256, 64], strides = [1, 1]} : vector<256x1024xf32> to vector<256x64xf32>
    %swap3A_365 = arith.constant 9 : index
    %swap3A_366 = arith.constant 0 : index
    %swap3A_367 = arith.constant 0 : index
    %swap3A_368 = vector.load %arg15[%swap3A_365, %swap3A_366, %swap3A_367] : memref<16x256x64xf32, #tpu.memory_space<vmem>>, vector<1x256x64xf32>
    %swap3A_369 = vector.shape_cast %swap3A_368 : vector<1x256x64xf32> to vector<256x64xf32>
    %swap3A_370 = vector.shape_cast %slice3A_364 : vector<256x64xf32> to vector<1x256x64xf32>
    tpu.vector_store %arg15[%swap3A_365, %swap3A_366, %swap3A_367], %swap3A_370 {strides = array<i32>} : memref<16x256x64xf32, #tpu.memory_space<vmem>>, vector<1x256x64xf32>,
    %slice3A_371 = vector.extract_strided_slice %div3A_92 {offsets = [0, 576], sizes = [256, 64], strides = [1, 1]} : vector<256x1024xf32> to vector<256x64xf32>
    %swap3A_372 = arith.constant 9 : index
    %swap3A_373 = arith.constant 0 : index
    %swap3A_374 = arith.constant 0 : index
    %swap3A_375 = vector.load %arg16[%swap3A_372, %swap3A_373, %swap3A_374] : memref<16x256x64xf32, #tpu.memory_space<vmem>>, vector<1x256x64xf32>
    %swap3A_376 = vector.shape_cast %swap3A_375 : vector<1x256x64xf32> to vector<256x64xf32>
    %swap3A_377 = vector.shape_cast %slice3A_371 : vector<256x64xf32> to vector<1x256x64xf32>
    tpu.vector_store %arg16[%swap3A_372, %swap3A_373, %swap3A_374], %swap3A_377 {strides = array<i32>} : memref<16x256x64xf32, #tpu.memory_space<vmem>>, vector<1x256x64xf32>,
    %slice3A_378 = vector.extract_strided_slice %add3A_37 {offsets = [0, 640], sizes = [256, 64], strides = [1, 1]} : vector<256x1024xf32> to vector<256x64xf32>
    %swap3A_379 = arith.constant 10 : index
    %swap3A_380 = arith.constant 0 : index
    %swap3A_381 = arith.constant 0 : index
    %swap3A_382 = vector.load %arg13[%swap3A_379, %swap3A_380, %swap3A_381] : memref<16x256x64xf32, #tpu.memory_space<vmem>>, vector<1x256x64xf32>
    %swap3A_383 = vector.shape_cast %swap3A_382 : vector<1x256x64xf32> to vector<256x64xf32>
    %swap3A_384 = vector.shape_cast %slice3A_378 : vector<256x64xf32> to vector<1x256x64xf32>
    tpu.vector_store %arg13[%swap3A_379, %swap3A_380, %swap3A_381], %swap3A_384 {strides = array<i32>} : memref<16x256x64xf32, #tpu.memory_space<vmem>>, vector<1x256x64xf32>,
    %slice3A_385 = vector.extract_strided_slice %add3A_50 {offsets = [0, 640], sizes = [256, 64], strides = [1, 1]} : vector<256x1024xf32> to vector<256x64xf32>
    %swap3A_386 = arith.constant 10 : index
    %swap3A_387 = arith.constant 0 : index
    %swap3A_388 = arith.constant 0 : index
    %swap3A_389 = vector.load %arg14[%swap3A_386, %swap3A_387, %swap3A_388] : memref<16x256x64xf32, #tpu.memory_space<vmem>>, vector<1x256x64xf32>
    %swap3A_390 = vector.shape_cast %swap3A_389 : vector<1x256x64xf32> to vector<256x64xf32>
    %swap3A_391 = vector.shape_cast %slice3A_385 : vector<256x64xf32> to vector<1x256x64xf32>
    tpu.vector_store %arg14[%swap3A_386, %swap3A_387, %swap3A_388], %swap3A_391 {strides = array<i32>} : memref<16x256x64xf32, #tpu.memory_space<vmem>>, vector<1x256x64xf32>,
    %slice3A_392 = vector.extract_strided_slice %add3A_63 {offsets = [0, 640], sizes = [256, 64], strides = [1, 1]} : vector<256x1024xf32> to vector<256x64xf32>
    %swap3A_393 = arith.constant 10 : index
    %swap3A_394 = arith.constant 0 : index
    %swap3A_395 = arith.constant 0 : index
    %swap3A_396 = vector.load %arg15[%swap3A_393, %swap3A_394, %swap3A_395] : memref<16x256x64xf32, #tpu.memory_space<vmem>>, vector<1x256x64xf32>
    %swap3A_397 = vector.shape_cast %swap3A_396 : vector<1x256x64xf32> to vector<256x64xf32>
    %swap3A_398 = vector.shape_cast %slice3A_392 : vector<256x64xf32> to vector<1x256x64xf32>
    tpu.vector_store %arg15[%swap3A_393, %swap3A_394, %swap3A_395], %swap3A_398 {strides = array<i32>} : memref<16x256x64xf32, #tpu.memory_space<vmem>>, vector<1x256x64xf32>,
    %slice3A_399 = vector.extract_strided_slice %div3A_92 {offsets = [0, 640], sizes = [256, 64], strides = [1, 1]} : vector<256x1024xf32> to vector<256x64xf32>
    %swap3A_400 = arith.constant 10 : index
    %swap3A_401 = arith.constant 0 : index
    %swap3A_402 = arith.constant 0 : index
    %swap3A_403 = vector.load %arg16[%swap3A_400, %swap3A_401, %swap3A_402] : memref<16x256x64xf32, #tpu.memory_space<vmem>>, vector<1x256x64xf32>
    %swap3A_404 = vector.shape_cast %swap3A_403 : vector<1x256x64xf32> to vector<256x64xf32>
    %swap3A_405 = vector.shape_cast %slice3A_399 : vector<256x64xf32> to vector<1x256x64xf32>
    tpu.vector_store %arg16[%swap3A_400, %swap3A_401, %swap3A_402], %swap3A_405 {strides = array<i32>} : memref<16x256x64xf32, #tpu.memory_space<vmem>>, vector<1x256x64xf32>,
    %slice3A_406 = vector.extract_strided_slice %add3A_37 {offsets = [0, 704], sizes = [256, 64], strides = [1, 1]} : vector<256x1024xf32> to vector<256x64xf32>
    %swap3A_407 = arith.constant 11 : index
    %swap3A_408 = arith.constant 0 : index
    %swap3A_409 = arith.constant 0 : index
    %swap3A_410 = vector.load %arg13[%swap3A_407, %swap3A_408, %swap3A_409] : memref<16x256x64xf32, #tpu.memory_space<vmem>>, vector<1x256x64xf32>
    %swap3A_411 = vector.shape_cast %swap3A_410 : vector<1x256x64xf32> to vector<256x64xf32>
    %swap3A_412 = vector.shape_cast %slice3A_406 : vector<256x64xf32> to vector<1x256x64xf32>
    tpu.vector_store %arg13[%swap3A_407, %swap3A_408, %swap3A_409], %swap3A_412 {strides = array<i32>} : memref<16x256x64xf32, #tpu.memory_space<vmem>>, vector<1x256x64xf32>,
    %slice3A_413 = vector.extract_strided_slice %add3A_50 {offsets = [0, 704], sizes = [256, 64], strides = [1, 1]} : vector<256x1024xf32> to vector<256x64xf32>
    %swap3A_414 = arith.constant 11 : index
    %swap3A_415 = arith.constant 0 : index
    %swap3A_416 = arith.constant 0 : index
    %swap3A_417 = vector.load %arg14[%swap3A_414, %swap3A_415, %swap3A_416] : memref<16x256x64xf32, #tpu.memory_space<vmem>>, vector<1x256x64xf32>
    %swap3A_418 = vector.shape_cast %swap3A_417 : vector<1x256x64xf32> to vector<256x64xf32>
    %swap3A_419 = vector.shape_cast %slice3A_413 : vector<256x64xf32> to vector<1x256x64xf32>
    tpu.vector_store %arg14[%swap3A_414, %swap3A_415, %swap3A_416], %swap3A_419 {strides = array<i32>} : memref<16x256x64xf32, #tpu.memory_space<vmem>>, vector<1x256x64xf32>,
    %slice3A_420 = vector.extract_strided_slice %add3A_63 {offsets = [0, 704], sizes = [256, 64], strides = [1, 1]} : vector<256x1024xf32> to vector<256x64xf32>
    %swap3A_421 = arith.constant 11 : index
    %swap3A_422 = arith.constant 0 : index
    %swap3A_423 = arith.constant 0 : index
    %swap3A_424 = vector.load %arg15[%swap3A_421, %swap3A_422, %swap3A_423] : memref<16x256x64xf32, #tpu.memory_space<vmem>>, vector<1x256x64xf32>
    %swap3A_425 = vector.shape_cast %swap3A_424 : vector<1x256x64xf32> to vector<256x64xf32>
    %swap3A_426 = vector.shape_cast %slice3A_420 : vector<256x64xf32> to vector<1x256x64xf32>
    tpu.vector_store %arg15[%swap3A_421, %swap3A_422, %swap3A_423], %swap3A_426 {strides = array<i32>} : memref<16x256x64xf32, #tpu.memory_space<vmem>>, vector<1x256x64xf32>,
    %slice3A_427 = vector.extract_strided_slice %div3A_92 {offsets = [0, 704], sizes = [256, 64], strides = [1, 1]} : vector<256x1024xf32> to vector<256x64xf32>
    %swap3A_428 = arith.constant 11 : index
    %swap3A_429 = arith.constant 0 : index
    %swap3A_430 = arith.constant 0 : index
    %swap3A_431 = vector.load %arg16[%swap3A_428, %swap3A_429, %swap3A_430] : memref<16x256x64xf32, #tpu.memory_space<vmem>>, vector<1x256x64xf32>
    %swap3A_432 = vector.shape_cast %swap3A_431 : vector<1x256x64xf32> to vector<256x64xf32>
    %swap3A_433 = vector.shape_cast %slice3A_427 : vector<256x64xf32> to vector<1x256x64xf32>
    tpu.vector_store %arg16[%swap3A_428, %swap3A_429, %swap3A_430], %swap3A_433 {strides = array<i32>} : memref<16x256x64xf32, #tpu.memory_space<vmem>>, vector<1x256x64xf32>,
    %slice3A_434 = vector.extract_strided_slice %add3A_37 {offsets = [0, 768], sizes = [256, 64], strides = [1, 1]} : vector<256x1024xf32> to vector<256x64xf32>
    %swap3A_435 = arith.constant 12 : index
    %swap3A_436 = arith.constant 0 : index
    %swap3A_437 = arith.constant 0 : index
    %swap3A_438 = vector.load %arg13[%swap3A_435, %swap3A_436, %swap3A_437] : memref<16x256x64xf32, #tpu.memory_space<vmem>>, vector<1x256x64xf32>
    %swap3A_439 = vector.shape_cast %swap3A_438 : vector<1x256x64xf32> to vector<256x64xf32>
    %swap3A_440 = vector.shape_cast %slice3A_434 : vector<256x64xf32> to vector<1x256x64xf32>
    tpu.vector_store %arg13[%swap3A_435, %swap3A_436, %swap3A_437], %swap3A_440 {strides = array<i32>} : memref<16x256x64xf32, #tpu.memory_space<vmem>>, vector<1x256x64xf32>,
    %slice3A_441 = vector.extract_strided_slice %add3A_50 {offsets = [0, 768], sizes = [256, 64], strides = [1, 1]} : vector<256x1024xf32> to vector<256x64xf32>
    %swap3A_442 = arith.constant 12 : index
    %swap3A_443 = arith.constant 0 : index
    %swap3A_444 = arith.constant 0 : index
    %swap3A_445 = vector.load %arg14[%swap3A_442, %swap3A_443, %swap3A_444] : memref<16x256x64xf32, #tpu.memory_space<vmem>>, vector<1x256x64xf32>
    %swap3A_446 = vector.shape_cast %swap3A_445 : vector<1x256x64xf32> to vector<256x64xf32>
    %swap3A_447 = vector.shape_cast %slice3A_441 : vector<256x64xf32> to vector<1x256x64xf32>
    tpu.vector_store %arg14[%swap3A_442, %swap3A_443, %swap3A_444], %swap3A_447 {strides = array<i32>} : memref<16x256x64xf32, #tpu.memory_space<vmem>>, vector<1x256x64xf32>,
    %slice3A_448 = vector.extract_strided_slice %add3A_63 {offsets = [0, 768], sizes = [256, 64], strides = [1, 1]} : vector<256x1024xf32> to vector<256x64xf32>
    %swap3A_449 = arith.constant 12 : index
    %swap3A_450 = arith.constant 0 : index
    %swap3A_451 = arith.constant 0 : index
    %swap3A_452 = vector.load %arg15[%swap3A_449, %swap3A_450, %swap3A_451] : memref<16x256x64xf32, #tpu.memory_space<vmem>>, vector<1x256x64xf32>
    %swap3A_453 = vector.shape_cast %swap3A_452 : vector<1x256x64xf32> to vector<256x64xf32>
    %swap3A_454 = vector.shape_cast %slice3A_448 : vector<256x64xf32> to vector<1x256x64xf32>
    tpu.vector_store %arg15[%swap3A_449, %swap3A_450, %swap3A_451], %swap3A_454 {strides = array<i32>} : memref<16x256x64xf32, #tpu.memory_space<vmem>>, vector<1x256x64xf32>,
    %slice3A_455 = vector.extract_strided_slice %div3A_92 {offsets = [0, 768], sizes = [256, 64], strides = [1, 1]} : vector<256x1024xf32> to vector<256x64xf32>
    %swap3A_456 = arith.constant 12 : index
    %swap3A_457 = arith.constant 0 : index
    %swap3A_458 = arith.constant 0 : index
    %swap3A_459 = vector.load %arg16[%swap3A_456, %swap3A_457, %swap3A_458] : memref<16x256x64xf32, #tpu.memory_space<vmem>>, vector<1x256x64xf32>
    %swap3A_460 = vector.shape_cast %swap3A_459 : vector<1x256x64xf32> to vector<256x64xf32>
    %swap3A_461 = vector.shape_cast %slice3A_455 : vector<256x64xf32> to vector<1x256x64xf32>
    tpu.vector_store %arg16[%swap3A_456, %swap3A_457, %swap3A_458], %swap3A_461 {strides = array<i32>} : memref<16x256x64xf32, #tpu.memory_space<vmem>>, vector<1x256x64xf32>,
    %slice3A_462 = vector.extract_strided_slice %add3A_37 {offsets = [0, 832], sizes = [256, 64], strides = [1, 1]} : vector<256x1024xf32> to vector<256x64xf32>
    %swap3A_463 = arith.constant 13 : index
    %swap3A_464 = arith.constant 0 : index
    %swap3A_465 = arith.constant 0 : index
    %swap3A_466 = vector.load %arg13[%swap3A_463, %swap3A_464, %swap3A_465] : memref<16x256x64xf32, #tpu.memory_space<vmem>>, vector<1x256x64xf32>
    %swap3A_467 = vector.shape_cast %swap3A_466 : vector<1x256x64xf32> to vector<256x64xf32>
    %swap3A_468 = vector.shape_cast %slice3A_462 : vector<256x64xf32> to vector<1x256x64xf32>
    tpu.vector_store %arg13[%swap3A_463, %swap3A_464, %swap3A_465], %swap3A_468 {strides = array<i32>} : memref<16x256x64xf32, #tpu.memory_space<vmem>>, vector<1x256x64xf32>,
    %slice3A_469 = vector.extract_strided_slice %add3A_50 {offsets = [0, 832], sizes = [256, 64], strides = [1, 1]} : vector<256x1024xf32> to vector<256x64xf32>
    %swap3A_470 = arith.constant 13 : index
    %swap3A_471 = arith.constant 0 : index
    %swap3A_472 = arith.constant 0 : index
    %swap3A_473 = vector.load %arg14[%swap3A_470, %swap3A_471, %swap3A_472] : memref<16x256x64xf32, #tpu.memory_space<vmem>>, vector<1x256x64xf32>
    %swap3A_474 = vector.shape_cast %swap3A_473 : vector<1x256x64xf32> to vector<256x64xf32>
    %swap3A_475 = vector.shape_cast %slice3A_469 : vector<256x64xf32> to vector<1x256x64xf32>
    tpu.vector_store %arg14[%swap3A_470, %swap3A_471, %swap3A_472], %swap3A_475 {strides = array<i32>} : memref<16x256x64xf32, #tpu.memory_space<vmem>>, vector<1x256x64xf32>,
    %slice3A_476 = vector.extract_strided_slice %add3A_63 {offsets = [0, 832], sizes = [256, 64], strides = [1, 1]} : vector<256x1024xf32> to vector<256x64xf32>
    %swap3A_477 = arith.constant 13 : index
    %swap3A_478 = arith.constant 0 : index
    %swap3A_479 = arith.constant 0 : index
    %swap3A_480 = vector.load %arg15[%swap3A_477, %swap3A_478, %swap3A_479] : memref<16x256x64xf32, #tpu.memory_space<vmem>>, vector<1x256x64xf32>
    %swap3A_481 = vector.shape_cast %swap3A_480 : vector<1x256x64xf32> to vector<256x64xf32>
    %swap3A_482 = vector.shape_cast %slice3A_476 : vector<256x64xf32> to vector<1x256x64xf32>
    tpu.vector_store %arg15[%swap3A_477, %swap3A_478, %swap3A_479], %swap3A_482 {strides = array<i32>} : memref<16x256x64xf32, #tpu.memory_space<vmem>>, vector<1x256x64xf32>,
    %slice3A_483 = vector.extract_strided_slice %div3A_92 {offsets = [0, 832], sizes = [256, 64], strides = [1, 1]} : vector<256x1024xf32> to vector<256x64xf32>
    %swap3A_484 = arith.constant 13 : index
    %swap3A_485 = arith.constant 0 : index
    %swap3A_486 = arith.constant 0 : index
    %swap3A_487 = vector.load %arg16[%swap3A_484, %swap3A_485, %swap3A_486] : memref<16x256x64xf32, #tpu.memory_space<vmem>>, vector<1x256x64xf32>
    %swap3A_488 = vector.shape_cast %swap3A_487 : vector<1x256x64xf32> to vector<256x64xf32>
    %swap3A_489 = vector.shape_cast %slice3A_483 : vector<256x64xf32> to vector<1x256x64xf32>
    tpu.vector_store %arg16[%swap3A_484, %swap3A_485, %swap3A_486], %swap3A_489 {strides = array<i32>} : memref<16x256x64xf32, #tpu.memory_space<vmem>>, vector<1x256x64xf32>,
    %slice3A_490 = vector.extract_strided_slice %add3A_37 {offsets = [0, 896], sizes = [256, 64], strides = [1, 1]} : vector<256x1024xf32> to vector<256x64xf32>
    %swap3A_491 = arith.constant 14 : index
    %swap3A_492 = arith.constant 0 : index
    %swap3A_493 = arith.constant 0 : index
    %swap3A_494 = vector.load %arg13[%swap3A_491, %swap3A_492, %swap3A_493] : memref<16x256x64xf32, #tpu.memory_space<vmem>>, vector<1x256x64xf32>
    %swap3A_495 = vector.shape_cast %swap3A_494 : vector<1x256x64xf32> to vector<256x64xf32>
    %swap3A_496 = vector.shape_cast %slice3A_490 : vector<256x64xf32> to vector<1x256x64xf32>
    tpu.vector_store %arg13[%swap3A_491, %swap3A_492, %swap3A_493], %swap3A_496 {strides = array<i32>} : memref<16x256x64xf32, #tpu.memory_space<vmem>>, vector<1x256x64xf32>,
    %slice3A_497 = vector.extract_strided_slice %add3A_50 {offsets = [0, 896], sizes = [256, 64], strides = [1, 1]} : vector<256x1024xf32> to vector<256x64xf32>
    %swap3A_498 = arith.constant 14 : index
    %swap3A_499 = arith.constant 0 : index
    %swap3A_500 = arith.constant 0 : index
    %swap3A_501 = vector.load %arg14[%swap3A_498, %swap3A_499, %swap3A_500] : memref<16x256x64xf32, #tpu.memory_space<vmem>>, vector<1x256x64xf32>
    %swap3A_502 = vector.shape_cast %swap3A_501 : vector<1x256x64xf32> to vector<256x64xf32>
    %swap3A_503 = vector.shape_cast %slice3A_497 : vector<256x64xf32> to vector<1x256x64xf32>
    tpu.vector_store %arg14[%swap3A_498, %swap3A_499, %swap3A_500], %swap3A_503 {strides = array<i32>} : memref<16x256x64xf32, #tpu.memory_space<vmem>>, vector<1x256x64xf32>,
    %slice3A_504 = vector.extract_strided_slice %add3A_63 {offsets = [0, 896], sizes = [256, 64], strides = [1, 1]} : vector<256x1024xf32> to vector<256x64xf32>
    %swap3A_505 = arith.constant 14 : index
    %swap3A_506 = arith.constant 0 : index
    %swap3A_507 = arith.constant 0 : index
    %swap3A_508 = vector.load %arg15[%swap3A_505, %swap3A_506, %swap3A_507] : memref<16x256x64xf32, #tpu.memory_space<vmem>>, vector<1x256x64xf32>
    %swap3A_509 = vector.shape_cast %swap3A_508 : vector<1x256x64xf32> to vector<256x64xf32>
    %swap3A_510 = vector.shape_cast %slice3A_504 : vector<256x64xf32> to vector<1x256x64xf32>
    tpu.vector_store %arg15[%swap3A_505, %swap3A_506, %swap3A_507], %swap3A_510 {strides = array<i32>} : memref<16x256x64xf32, #tpu.memory_space<vmem>>, vector<1x256x64xf32>,
    %slice3A_511 = vector.extract_strided_slice %div3A_92 {offsets = [0, 896], sizes = [256, 64], strides = [1, 1]} : vector<256x1024xf32> to vector<256x64xf32>
    %swap3A_512 = arith.constant 14 : index
    %swap3A_513 = arith.constant 0 : index
    %swap3A_514 = arith.constant 0 : index
    %swap3A_515 = vector.load %arg16[%swap3A_512, %swap3A_513, %swap3A_514] : memref<16x256x64xf32, #tpu.memory_space<vmem>>, vector<1x256x64xf32>
    %swap3A_516 = vector.shape_cast %swap3A_515 : vector<1x256x64xf32> to vector<256x64xf32>
    %swap3A_517 = vector.shape_cast %slice3A_511 : vector<256x64xf32> to vector<1x256x64xf32>
    tpu.vector_store %arg16[%swap3A_512, %swap3A_513, %swap3A_514], %swap3A_517 {strides = array<i32>} : memref<16x256x64xf32, #tpu.memory_space<vmem>>, vector<1x256x64xf32>,
    %slice3A_518 = vector.extract_strided_slice %add3A_37 {offsets = [0, 960], sizes = [256, 64], strides = [1, 1]} : vector<256x1024xf32> to vector<256x64xf32>
    %swap3A_519 = arith.constant 15 : index
    %swap3A_520 = arith.constant 0 : index
    %swap3A_521 = arith.constant 0 : index
    %swap3A_522 = vector.load %arg13[%swap3A_519, %swap3A_520, %swap3A_521] : memref<16x256x64xf32, #tpu.memory_space<vmem>>, vector<1x256x64xf32>
    %swap3A_523 = vector.shape_cast %swap3A_522 : vector<1x256x64xf32> to vector<256x64xf32>
    %swap3A_524 = vector.shape_cast %slice3A_518 : vector<256x64xf32> to vector<1x256x64xf32>
    tpu.vector_store %arg13[%swap3A_519, %swap3A_520, %swap3A_521], %swap3A_524 {strides = array<i32>} : memref<16x256x64xf32, #tpu.memory_space<vmem>>, vector<1x256x64xf32>,
    %slice3A_525 = vector.extract_strided_slice %add3A_50 {offsets = [0, 960], sizes = [256, 64], strides = [1, 1]} : vector<256x1024xf32> to vector<256x64xf32>
    %swap3A_526 = arith.constant 15 : index
    %swap3A_527 = arith.constant 0 : index
    %swap3A_528 = arith.constant 0 : index
    %swap3A_529 = vector.load %arg14[%swap3A_526, %swap3A_527, %swap3A_528] : memref<16x256x64xf32, #tpu.memory_space<vmem>>, vector<1x256x64xf32>
    %swap3A_530 = vector.shape_cast %swap3A_529 : vector<1x256x64xf32> to vector<256x64xf32>
    %swap3A_531 = vector.shape_cast %slice3A_525 : vector<256x64xf32> to vector<1x256x64xf32>
    tpu.vector_store %arg14[%swap3A_526, %swap3A_527, %swap3A_528], %swap3A_531 {strides = array<i32>} : memref<16x256x64xf32, #tpu.memory_space<vmem>>, vector<1x256x64xf32>,
    %slice3A_532 = vector.extract_strided_slice %add3A_63 {offsets = [0, 960], sizes = [256, 64], strides = [1, 1]} : vector<256x1024xf32> to vector<256x64xf32>
    %swap3A_533 = arith.constant 15 : index
    %swap3A_534 = arith.constant 0 : index
    %swap3A_535 = arith.constant 0 : index
    %swap3A_536 = vector.load %arg15[%swap3A_533, %swap3A_534, %swap3A_535] : memref<16x256x64xf32, #tpu.memory_space<vmem>>, vector<1x256x64xf32>
    %swap3A_537 = vector.shape_cast %swap3A_536 : vector<1x256x64xf32> to vector<256x64xf32>
    %swap3A_538 = vector.shape_cast %slice3A_532 : vector<256x64xf32> to vector<1x256x64xf32>
    tpu.vector_store %arg15[%swap3A_533, %swap3A_534, %swap3A_535], %swap3A_538 {strides = array<i32>} : memref<16x256x64xf32, #tpu.memory_space<vmem>>, vector<1x256x64xf32>,
    %slice3A_539 = vector.extract_strided_slice %div3A_92 {offsets = [0, 960], sizes = [256, 64], strides = [1, 1]} : vector<256x1024xf32> to vector<256x64xf32>
    %swap3A_540 = arith.constant 15 : index
    %swap3A_541 = arith.constant 0 : index
    %swap3A_542 = arith.constant 0 : index
    %swap3A_543 = vector.load %arg16[%swap3A_540, %swap3A_541, %swap3A_542] : memref<16x256x64xf32, #tpu.memory_space<vmem>>, vector<1x256x64xf32>
    %swap3A_544 = vector.shape_cast %swap3A_543 : vector<1x256x64xf32> to vector<256x64xf32>
    %swap3A_545 = vector.shape_cast %slice3A_539 : vector<256x64xf32> to vector<1x256x64xf32>
    tpu.vector_store %arg16[%swap3A_540, %swap3A_541, %swap3A_542], %swap3A_545 {strides = array<i32>} : memref<16x256x64xf32, #tpu.memory_space<vmem>>, vector<1x256x64xf32>,
    return
  }
  func.func @transform_0(%arg0: i32) -> (i32, i32) {
    %c0_i32 = arith.constant 0 : i32
    %c0_i32_0 = arith.constant 0 : i32
    return %arg0, %c0_i32 : i32, i32
  }
  func.func @transform_1(%arg0: i32) -> (i32, i32) {
    %c0_i32 = arith.constant 0 : i32
    %c0_i32_0 = arith.constant 0 : i32
    return %arg0, %c0_i32 : i32, i32
  }
  func.func @transform_2(%arg0: i32) -> (i32, i32) {
    %c0_i32 = arith.constant 0 : i32
    %c0_i32_0 = arith.constant 0 : i32
    return %arg0, %c0_i32 : i32, i32
  }
  func.func @transform_3(%arg0: i32) -> (i32, i32) {
    %c0_i32 = arith.constant 0 : i32
    %c0_i32_0 = arith.constant 0 : i32
    return %arg0, %c0_i32 : i32, i32
  }
  func.func @transform_4(%arg0: i32) -> (i32, i32) {
    %c0_i32 = arith.constant 0 : i32
    %c0_i32_0 = arith.constant 0 : i32
    %c0_i32_1 = arith.constant 0 : i32
    return %c0_i32, %c0_i32_0 : i32, i32
  }
  func.func @transform_5(%arg0: i32) -> (i32, i32) {
    %c0_i32 = arith.constant 0 : i32
    %c0_i32_0 = arith.constant 0 : i32
    %c0_i32_1 = arith.constant 0 : i32
    return %c0_i32, %c0_i32_0 : i32, i32
  }
  func.func @transform_6(%arg0: i32) -> (i32, i32) {
    %c0_i32 = arith.constant 0 : i32
    %c0_i32_0 = arith.constant 0 : i32
    %c0_i32_1 = arith.constant 0 : i32
    return %c0_i32, %c0_i32_0 : i32, i32
  }
  func.func @transform_7(%arg0: i32) -> (i32, i32) {
    %c0_i32 = arith.constant 0 : i32
    %c0_i32_0 = arith.constant 0 : i32
    %c0_i32_1 = arith.constant 0 : i32
    return %c0_i32, %c0_i32_0 : i32, i32
  }
  func.func @transform_8(%arg0: i32) -> (i32, i32) {
    %c0_i32 = arith.constant 0 : i32
    %c0_i32_0 = arith.constant 0 : i32
    %c0_i32_1 = arith.constant 0 : i32
    return %c0_i32, %c0_i32_0 : i32, i32
  }
  func.func @transform_9(%arg0: i32) -> (i32, i32) {
    %c0_i32 = arith.constant 0 : i32
    %c0_i32_0 = arith.constant 0 : i32
    %c0_i32_1 = arith.constant 0 : i32
    return %c0_i32, %c0_i32_0 : i32, i32
  }
  func.func @transform_10(%arg0: i32) -> (i32, i32) {
    %c0_i32 = arith.constant 0 : i32
    %c0_i32_0 = arith.constant 0 : i32
    %c0_i32_1 = arith.constant 0 : i32
    return %c0_i32, %c0_i32_0 : i32, i32
  }
  func.func @transform_11(%arg0: i32) -> (i32, i32) {
    %c0_i32 = arith.constant 0 : i32
    %c0_i32_0 = arith.constant 0 : i32
    %c0_i32_1 = arith.constant 0 : i32
    return %c0_i32, %c0_i32_0 : i32, i32
  }
  func.func @transform_12(%arg0: i32) -> (i32, i32, i32) {
    %c0_i32 = arith.constant 0 : i32
    %c0_i32_0 = arith.constant 0 : i32
    %c0_i32_1 = arith.constant 0 : i32
    return %c0_i32, %arg0, %c0_i32_0 : i32, i32, i32
  }
  func.func @transform_13(%arg0: i32) -> (i32, i32, i32) {
    %c0_i32 = arith.constant 0 : i32
    %c0_i32_0 = arith.constant 0 : i32
    %c0_i32_1 = arith.constant 0 : i32
    return %c0_i32, %arg0, %c0_i32_0 : i32, i32, i32
  }
  func.func @transform_14(%arg0: i32) -> (i32, i32, i32) {
    %c0_i32 = arith.constant 0 : i32
    %c0_i32_0 = arith.constant 0 : i32
    %c0_i32_1 = arith.constant 0 : i32
    return %c0_i32, %arg0, %c0_i32_0 : i32, i32, i32
  }
  func.func @transform_15(%arg0: i32) -> (i32, i32, i32) {
    %c0_i32 = arith.constant 0 : i32
    %c0_i32_0 = arith.constant 0 : i32
    %c0_i32_1 = arith.constant 0 : i32
    return %c0_i32, %arg0, %c0_i32_0 : i32, i32, i32
  }
}

module attributes {stable_mosaic.version = 14 : i64} {
  func.func @_m_body(%arg0: i32, %arg1: memref<16x256x64xf32, #tpu.memory_space<vmem>>, %arg2: memref<16x2048x64xf32, #tpu.memory_space<vmem>>, %arg3: memref<2048x256xf32, #tpu.memory_space<vmem>>, %arg4: memref<16x256xf32, #tpu.memory_space<vmem>>) attributes {dimension_semantics = [#tpu.dimension_semantics<arbitrary>], iteration_bounds = array<i64: 8>, scalar_prefetch = 0 : i64, scratch_operands = 0 : i64, tpu.core_type = #tpu.core_type<tc>, window_params = [{transform_indices = @transform_0, window_bounds = array<i64: 16, 256, 64>}, {pipeline_mode = #tpu.pipeline_mode<synchronous>, transform_indices = @transform_1, window_bounds = array<i64: 16, 2048, 64>}, {transform_indices = @transform_2, window_bounds = array<i64: 2048, 256>}, {transform_indices = @transform_3, window_bounds = array<i64: 16, 256>}]} {
    %get3A = arith.constant 0 : index
    %get3A_0 = arith.constant 0 : index
    %get3A_1 = vector.load %arg3[%get3A, %get3A_0] : memref<2048x256xf32, #tpu.memory_space<vmem>>, vector<2048x256xf32>
    %gt3A = arith.constant 0.000000e+00 : f32
    %gt3A_2 = vector.broadcast %gt3A : f32 to vector<2048x256xf32>
    %gt3A_3 = arith.cmpf ogt, %get3A_1, %gt3A_2 : vector<2048x256xf32>
    %get3A_4 = arith.constant 0 : index
    %get3A_5 = arith.constant 0 : index
    %get3A_6 = arith.constant 0 : index
    %get3A_7 = vector.load %arg2[%get3A_4, %get3A_5, %get3A_6] : memref<16x2048x64xf32, #tpu.memory_space<vmem>>, vector<1x2048x64xf32>
    %get3A_8 = vector.shape_cast %get3A_7 : vector<1x2048x64xf32> to vector<2048x64xf32>
    %get3A_9 = arith.constant 0 : index
    %get3A_10 = arith.constant 0 : index
    %get3A_11 = arith.constant 0 : index
    %get3A_12 = vector.load %arg1[%get3A_9, %get3A_10, %get3A_11] : memref<16x256x64xf32, #tpu.memory_space<vmem>>, vector<1x256x64xf32>
    %get3A_13 = vector.shape_cast %get3A_12 : vector<1x256x64xf32> to vector<256x64xf32>
    %dot_general3A = arith.constant dense<0.000000e+00> : vector<2048x256xf32>
    %dot_general3A_14 = tpu.matmul %get3A_8, %get3A_13, %dot_general3A {dimension_numbers = #tpu.dot_dimension_numbers<[1], [1], [0], [0], [0, 0, 1, 0], [], []>, transpose_lhs_hint = false} : vector<2048x64xf32>, vector<256x64xf32>, vector<2048x256xf32> -> vector<2048x256xf32>
    %jit3A = arith.constant -1.000000e+30 : f32
    %broadcast_in_dim3A = vector.broadcast %jit3A : f32 to vector<2048x256xf32>
    %select_n3A = arith.select %gt3A_3, %dot_general3A_14, %broadcast_in_dim3A : vector<2048x256xi1>, vector<2048x256xf32>
    %reduce_max3A = arith.constant dense<0xFF800000> : vector<256xf32>
    %reduce_max3A_15 = vector.multi_reduction <maximumf>, %select_n3A, %reduce_max3A [0] : vector<2048x256xf32> to vector<256xf32>
    %broadcast_in_dim3A_16 = vector.shape_cast %reduce_max3A_15 : vector<256xf32> to vector<1x256xf32>
    %mul3A = arith.mulf %dot_general3A_14, %get3A_1 : vector<2048x256xf32>
    %reduce_sum3A = arith.constant dense<0.000000e+00> : vector<256xf32>
    %reduce_sum3A_17 = vector.multi_reduction <add>, %mul3A, %reduce_sum3A [0] : vector<2048x256xf32> to vector<256xf32>
    %broadcast_in_dim3A_18 = vector.shape_cast %reduce_sum3A_17 : vector<256xf32> to vector<1x256xf32>
    %mul3A_19 = arith.constant 4.8828125E-4 : f32
    %mul3A_20 = vector.broadcast %mul3A_19 : f32 to vector<1x256xf32>
    %mul3A_21 = arith.mulf %broadcast_in_dim3A_18, %mul3A_20 : vector<1x256xf32>
    %sub3A = arith.subf %broadcast_in_dim3A_16, %mul3A_21 : vector<1x256xf32>
    %swap3A = arith.constant 0 : index
    %swap3A_22 = arith.constant 0 : index
    %swap3A_23 = vector.load %arg4[%swap3A, %swap3A_22] : memref<16x256xf32, #tpu.memory_space<vmem>>, vector<1x256xf32>
    tpu.vector_store %arg4[%swap3A, %swap3A_22], %sub3A {strides = array<i32>} : memref<16x256xf32, #tpu.memory_space<vmem>>, vector<1x256xf32>,
    %get3A_24 = arith.constant 1 : index
    %get3A_25 = arith.constant 0 : index
    %get3A_26 = arith.constant 0 : index
    %get3A_27 = vector.load %arg2[%get3A_24, %get3A_25, %get3A_26] : memref<16x2048x64xf32, #tpu.memory_space<vmem>>, vector<1x2048x64xf32>
    %get3A_28 = vector.shape_cast %get3A_27 : vector<1x2048x64xf32> to vector<2048x64xf32>
    %get3A_29 = arith.constant 1 : index
    %get3A_30 = arith.constant 0 : index
    %get3A_31 = arith.constant 0 : index
    %get3A_32 = vector.load %arg1[%get3A_29, %get3A_30, %get3A_31] : memref<16x256x64xf32, #tpu.memory_space<vmem>>, vector<1x256x64xf32>
    %get3A_33 = vector.shape_cast %get3A_32 : vector<1x256x64xf32> to vector<256x64xf32>
    %dot_general3A_34 = arith.constant dense<0.000000e+00> : vector<2048x256xf32>
    %dot_general3A_35 = tpu.matmul %get3A_28, %get3A_33, %dot_general3A_34 {dimension_numbers = #tpu.dot_dimension_numbers<[1], [1], [0], [0], [0, 0, 1, 0], [], []>, transpose_lhs_hint = false} : vector<2048x64xf32>, vector<256x64xf32>, vector<2048x256xf32> -> vector<2048x256xf32>
    %jit3A_36 = arith.constant -1.000000e+30 : f32
    %broadcast_in_dim3A_37 = vector.broadcast %jit3A_36 : f32 to vector<2048x256xf32>
    %select_n3A_38 = arith.select %gt3A_3, %dot_general3A_35, %broadcast_in_dim3A_37 : vector<2048x256xi1>, vector<2048x256xf32>
    %reduce_max3A_39 = arith.constant dense<0xFF800000> : vector<256xf32>
    %reduce_max3A_40 = vector.multi_reduction <maximumf>, %select_n3A_38, %reduce_max3A_39 [0] : vector<2048x256xf32> to vector<256xf32>
    %broadcast_in_dim3A_41 = vector.shape_cast %reduce_max3A_40 : vector<256xf32> to vector<1x256xf32>
    %mul3A_42 = arith.mulf %dot_general3A_35, %get3A_1 : vector<2048x256xf32>
    %reduce_sum3A_43 = arith.constant dense<0.000000e+00> : vector<256xf32>
    %reduce_sum3A_44 = vector.multi_reduction <add>, %mul3A_42, %reduce_sum3A_43 [0] : vector<2048x256xf32> to vector<256xf32>
    %broadcast_in_dim3A_45 = vector.shape_cast %reduce_sum3A_44 : vector<256xf32> to vector<1x256xf32>
    %mul3A_46 = arith.constant 4.8828125E-4 : f32
    %mul3A_47 = vector.broadcast %mul3A_46 : f32 to vector<1x256xf32>
    %mul3A_48 = arith.mulf %broadcast_in_dim3A_45, %mul3A_47 : vector<1x256xf32>
    %sub3A_49 = arith.subf %broadcast_in_dim3A_41, %mul3A_48 : vector<1x256xf32>
    %swap3A_50 = arith.constant 1 : index
    %swap3A_51 = arith.constant 0 : index
    %swap3A_52 = vector.load %arg4[%swap3A_50, %swap3A_51] : memref<16x256xf32, #tpu.memory_space<vmem>>, vector<1x256xf32>
    tpu.vector_store %arg4[%swap3A_50, %swap3A_51], %sub3A_49 {strides = array<i32>} : memref<16x256xf32, #tpu.memory_space<vmem>>, vector<1x256xf32>,
    %get3A_53 = arith.constant 2 : index
    %get3A_54 = arith.constant 0 : index
    %get3A_55 = arith.constant 0 : index
    %get3A_56 = vector.load %arg2[%get3A_53, %get3A_54, %get3A_55] : memref<16x2048x64xf32, #tpu.memory_space<vmem>>, vector<1x2048x64xf32>
    %get3A_57 = vector.shape_cast %get3A_56 : vector<1x2048x64xf32> to vector<2048x64xf32>
    %get3A_58 = arith.constant 2 : index
    %get3A_59 = arith.constant 0 : index
    %get3A_60 = arith.constant 0 : index
    %get3A_61 = vector.load %arg1[%get3A_58, %get3A_59, %get3A_60] : memref<16x256x64xf32, #tpu.memory_space<vmem>>, vector<1x256x64xf32>
    %get3A_62 = vector.shape_cast %get3A_61 : vector<1x256x64xf32> to vector<256x64xf32>
    %dot_general3A_63 = arith.constant dense<0.000000e+00> : vector<2048x256xf32>
    %dot_general3A_64 = tpu.matmul %get3A_57, %get3A_62, %dot_general3A_63 {dimension_numbers = #tpu.dot_dimension_numbers<[1], [1], [0], [0], [0, 0, 1, 0], [], []>, transpose_lhs_hint = false} : vector<2048x64xf32>, vector<256x64xf32>, vector<2048x256xf32> -> vector<2048x256xf32>
    %jit3A_65 = arith.constant -1.000000e+30 : f32
    %broadcast_in_dim3A_66 = vector.broadcast %jit3A_65 : f32 to vector<2048x256xf32>
    %select_n3A_67 = arith.select %gt3A_3, %dot_general3A_64, %broadcast_in_dim3A_66 : vector<2048x256xi1>, vector<2048x256xf32>
    %reduce_max3A_68 = arith.constant dense<0xFF800000> : vector<256xf32>
    %reduce_max3A_69 = vector.multi_reduction <maximumf>, %select_n3A_67, %reduce_max3A_68 [0] : vector<2048x256xf32> to vector<256xf32>
    %broadcast_in_dim3A_70 = vector.shape_cast %reduce_max3A_69 : vector<256xf32> to vector<1x256xf32>
    %mul3A_71 = arith.mulf %dot_general3A_64, %get3A_1 : vector<2048x256xf32>
    %reduce_sum3A_72 = arith.constant dense<0.000000e+00> : vector<256xf32>
    %reduce_sum3A_73 = vector.multi_reduction <add>, %mul3A_71, %reduce_sum3A_72 [0] : vector<2048x256xf32> to vector<256xf32>
    %broadcast_in_dim3A_74 = vector.shape_cast %reduce_sum3A_73 : vector<256xf32> to vector<1x256xf32>
    %mul3A_75 = arith.constant 4.8828125E-4 : f32
    %mul3A_76 = vector.broadcast %mul3A_75 : f32 to vector<1x256xf32>
    %mul3A_77 = arith.mulf %broadcast_in_dim3A_74, %mul3A_76 : vector<1x256xf32>
    %sub3A_78 = arith.subf %broadcast_in_dim3A_70, %mul3A_77 : vector<1x256xf32>
    %swap3A_79 = arith.constant 2 : index
    %swap3A_80 = arith.constant 0 : index
    %swap3A_81 = vector.load %arg4[%swap3A_79, %swap3A_80] : memref<16x256xf32, #tpu.memory_space<vmem>>, vector<1x256xf32>
    tpu.vector_store %arg4[%swap3A_79, %swap3A_80], %sub3A_78 {strides = array<i32>} : memref<16x256xf32, #tpu.memory_space<vmem>>, vector<1x256xf32>,
    %get3A_82 = arith.constant 3 : index
    %get3A_83 = arith.constant 0 : index
    %get3A_84 = arith.constant 0 : index
    %get3A_85 = vector.load %arg2[%get3A_82, %get3A_83, %get3A_84] : memref<16x2048x64xf32, #tpu.memory_space<vmem>>, vector<1x2048x64xf32>
    %get3A_86 = vector.shape_cast %get3A_85 : vector<1x2048x64xf32> to vector<2048x64xf32>
    %get3A_87 = arith.constant 3 : index
    %get3A_88 = arith.constant 0 : index
    %get3A_89 = arith.constant 0 : index
    %get3A_90 = vector.load %arg1[%get3A_87, %get3A_88, %get3A_89] : memref<16x256x64xf32, #tpu.memory_space<vmem>>, vector<1x256x64xf32>
    %get3A_91 = vector.shape_cast %get3A_90 : vector<1x256x64xf32> to vector<256x64xf32>
    %dot_general3A_92 = arith.constant dense<0.000000e+00> : vector<2048x256xf32>
    %dot_general3A_93 = tpu.matmul %get3A_86, %get3A_91, %dot_general3A_92 {dimension_numbers = #tpu.dot_dimension_numbers<[1], [1], [0], [0], [0, 0, 1, 0], [], []>, transpose_lhs_hint = false} : vector<2048x64xf32>, vector<256x64xf32>, vector<2048x256xf32> -> vector<2048x256xf32>
    %jit3A_94 = arith.constant -1.000000e+30 : f32
    %broadcast_in_dim3A_95 = vector.broadcast %jit3A_94 : f32 to vector<2048x256xf32>
    %select_n3A_96 = arith.select %gt3A_3, %dot_general3A_93, %broadcast_in_dim3A_95 : vector<2048x256xi1>, vector<2048x256xf32>
    %reduce_max3A_97 = arith.constant dense<0xFF800000> : vector<256xf32>
    %reduce_max3A_98 = vector.multi_reduction <maximumf>, %select_n3A_96, %reduce_max3A_97 [0] : vector<2048x256xf32> to vector<256xf32>
    %broadcast_in_dim3A_99 = vector.shape_cast %reduce_max3A_98 : vector<256xf32> to vector<1x256xf32>
    %mul3A_100 = arith.mulf %dot_general3A_93, %get3A_1 : vector<2048x256xf32>
    %reduce_sum3A_101 = arith.constant dense<0.000000e+00> : vector<256xf32>
    %reduce_sum3A_102 = vector.multi_reduction <add>, %mul3A_100, %reduce_sum3A_101 [0] : vector<2048x256xf32> to vector<256xf32>
    %broadcast_in_dim3A_103 = vector.shape_cast %reduce_sum3A_102 : vector<256xf32> to vector<1x256xf32>
    %mul3A_104 = arith.constant 4.8828125E-4 : f32
    %mul3A_105 = vector.broadcast %mul3A_104 : f32 to vector<1x256xf32>
    %mul3A_106 = arith.mulf %broadcast_in_dim3A_103, %mul3A_105 : vector<1x256xf32>
    %sub3A_107 = arith.subf %broadcast_in_dim3A_99, %mul3A_106 : vector<1x256xf32>
    %swap3A_108 = arith.constant 3 : index
    %swap3A_109 = arith.constant 0 : index
    %swap3A_110 = vector.load %arg4[%swap3A_108, %swap3A_109] : memref<16x256xf32, #tpu.memory_space<vmem>>, vector<1x256xf32>
    tpu.vector_store %arg4[%swap3A_108, %swap3A_109], %sub3A_107 {strides = array<i32>} : memref<16x256xf32, #tpu.memory_space<vmem>>, vector<1x256xf32>,
    %get3A_111 = arith.constant 4 : index
    %get3A_112 = arith.constant 0 : index
    %get3A_113 = arith.constant 0 : index
    %get3A_114 = vector.load %arg2[%get3A_111, %get3A_112, %get3A_113] : memref<16x2048x64xf32, #tpu.memory_space<vmem>>, vector<1x2048x64xf32>
    %get3A_115 = vector.shape_cast %get3A_114 : vector<1x2048x64xf32> to vector<2048x64xf32>
    %get3A_116 = arith.constant 4 : index
    %get3A_117 = arith.constant 0 : index
    %get3A_118 = arith.constant 0 : index
    %get3A_119 = vector.load %arg1[%get3A_116, %get3A_117, %get3A_118] : memref<16x256x64xf32, #tpu.memory_space<vmem>>, vector<1x256x64xf32>
    %get3A_120 = vector.shape_cast %get3A_119 : vector<1x256x64xf32> to vector<256x64xf32>
    %dot_general3A_121 = arith.constant dense<0.000000e+00> : vector<2048x256xf32>
    %dot_general3A_122 = tpu.matmul %get3A_115, %get3A_120, %dot_general3A_121 {dimension_numbers = #tpu.dot_dimension_numbers<[1], [1], [0], [0], [0, 0, 1, 0], [], []>, transpose_lhs_hint = false} : vector<2048x64xf32>, vector<256x64xf32>, vector<2048x256xf32> -> vector<2048x256xf32>
    %jit3A_123 = arith.constant -1.000000e+30 : f32
    %broadcast_in_dim3A_124 = vector.broadcast %jit3A_123 : f32 to vector<2048x256xf32>
    %select_n3A_125 = arith.select %gt3A_3, %dot_general3A_122, %broadcast_in_dim3A_124 : vector<2048x256xi1>, vector<2048x256xf32>
    %reduce_max3A_126 = arith.constant dense<0xFF800000> : vector<256xf32>
    %reduce_max3A_127 = vector.multi_reduction <maximumf>, %select_n3A_125, %reduce_max3A_126 [0] : vector<2048x256xf32> to vector<256xf32>
    %broadcast_in_dim3A_128 = vector.shape_cast %reduce_max3A_127 : vector<256xf32> to vector<1x256xf32>
    %mul3A_129 = arith.mulf %dot_general3A_122, %get3A_1 : vector<2048x256xf32>
    %reduce_sum3A_130 = arith.constant dense<0.000000e+00> : vector<256xf32>
    %reduce_sum3A_131 = vector.multi_reduction <add>, %mul3A_129, %reduce_sum3A_130 [0] : vector<2048x256xf32> to vector<256xf32>
    %broadcast_in_dim3A_132 = vector.shape_cast %reduce_sum3A_131 : vector<256xf32> to vector<1x256xf32>
    %mul3A_133 = arith.constant 4.8828125E-4 : f32
    %mul3A_134 = vector.broadcast %mul3A_133 : f32 to vector<1x256xf32>
    %mul3A_135 = arith.mulf %broadcast_in_dim3A_132, %mul3A_134 : vector<1x256xf32>
    %sub3A_136 = arith.subf %broadcast_in_dim3A_128, %mul3A_135 : vector<1x256xf32>
    %swap3A_137 = arith.constant 4 : index
    %swap3A_138 = arith.constant 0 : index
    %swap3A_139 = vector.load %arg4[%swap3A_137, %swap3A_138] : memref<16x256xf32, #tpu.memory_space<vmem>>, vector<1x256xf32>
    tpu.vector_store %arg4[%swap3A_137, %swap3A_138], %sub3A_136 {strides = array<i32>} : memref<16x256xf32, #tpu.memory_space<vmem>>, vector<1x256xf32>,
    %get3A_140 = arith.constant 5 : index
    %get3A_141 = arith.constant 0 : index
    %get3A_142 = arith.constant 0 : index
    %get3A_143 = vector.load %arg2[%get3A_140, %get3A_141, %get3A_142] : memref<16x2048x64xf32, #tpu.memory_space<vmem>>, vector<1x2048x64xf32>
    %get3A_144 = vector.shape_cast %get3A_143 : vector<1x2048x64xf32> to vector<2048x64xf32>
    %get3A_145 = arith.constant 5 : index
    %get3A_146 = arith.constant 0 : index
    %get3A_147 = arith.constant 0 : index
    %get3A_148 = vector.load %arg1[%get3A_145, %get3A_146, %get3A_147] : memref<16x256x64xf32, #tpu.memory_space<vmem>>, vector<1x256x64xf32>
    %get3A_149 = vector.shape_cast %get3A_148 : vector<1x256x64xf32> to vector<256x64xf32>
    %dot_general3A_150 = arith.constant dense<0.000000e+00> : vector<2048x256xf32>
    %dot_general3A_151 = tpu.matmul %get3A_144, %get3A_149, %dot_general3A_150 {dimension_numbers = #tpu.dot_dimension_numbers<[1], [1], [0], [0], [0, 0, 1, 0], [], []>, transpose_lhs_hint = false} : vector<2048x64xf32>, vector<256x64xf32>, vector<2048x256xf32> -> vector<2048x256xf32>
    %jit3A_152 = arith.constant -1.000000e+30 : f32
    %broadcast_in_dim3A_153 = vector.broadcast %jit3A_152 : f32 to vector<2048x256xf32>
    %select_n3A_154 = arith.select %gt3A_3, %dot_general3A_151, %broadcast_in_dim3A_153 : vector<2048x256xi1>, vector<2048x256xf32>
    %reduce_max3A_155 = arith.constant dense<0xFF800000> : vector<256xf32>
    %reduce_max3A_156 = vector.multi_reduction <maximumf>, %select_n3A_154, %reduce_max3A_155 [0] : vector<2048x256xf32> to vector<256xf32>
    %broadcast_in_dim3A_157 = vector.shape_cast %reduce_max3A_156 : vector<256xf32> to vector<1x256xf32>
    %mul3A_158 = arith.mulf %dot_general3A_151, %get3A_1 : vector<2048x256xf32>
    %reduce_sum3A_159 = arith.constant dense<0.000000e+00> : vector<256xf32>
    %reduce_sum3A_160 = vector.multi_reduction <add>, %mul3A_158, %reduce_sum3A_159 [0] : vector<2048x256xf32> to vector<256xf32>
    %broadcast_in_dim3A_161 = vector.shape_cast %reduce_sum3A_160 : vector<256xf32> to vector<1x256xf32>
    %mul3A_162 = arith.constant 4.8828125E-4 : f32
    %mul3A_163 = vector.broadcast %mul3A_162 : f32 to vector<1x256xf32>
    %mul3A_164 = arith.mulf %broadcast_in_dim3A_161, %mul3A_163 : vector<1x256xf32>
    %sub3A_165 = arith.subf %broadcast_in_dim3A_157, %mul3A_164 : vector<1x256xf32>
    %swap3A_166 = arith.constant 5 : index
    %swap3A_167 = arith.constant 0 : index
    %swap3A_168 = vector.load %arg4[%swap3A_166, %swap3A_167] : memref<16x256xf32, #tpu.memory_space<vmem>>, vector<1x256xf32>
    tpu.vector_store %arg4[%swap3A_166, %swap3A_167], %sub3A_165 {strides = array<i32>} : memref<16x256xf32, #tpu.memory_space<vmem>>, vector<1x256xf32>,
    %get3A_169 = arith.constant 6 : index
    %get3A_170 = arith.constant 0 : index
    %get3A_171 = arith.constant 0 : index
    %get3A_172 = vector.load %arg2[%get3A_169, %get3A_170, %get3A_171] : memref<16x2048x64xf32, #tpu.memory_space<vmem>>, vector<1x2048x64xf32>
    %get3A_173 = vector.shape_cast %get3A_172 : vector<1x2048x64xf32> to vector<2048x64xf32>
    %get3A_174 = arith.constant 6 : index
    %get3A_175 = arith.constant 0 : index
    %get3A_176 = arith.constant 0 : index
    %get3A_177 = vector.load %arg1[%get3A_174, %get3A_175, %get3A_176] : memref<16x256x64xf32, #tpu.memory_space<vmem>>, vector<1x256x64xf32>
    %get3A_178 = vector.shape_cast %get3A_177 : vector<1x256x64xf32> to vector<256x64xf32>
    %dot_general3A_179 = arith.constant dense<0.000000e+00> : vector<2048x256xf32>
    %dot_general3A_180 = tpu.matmul %get3A_173, %get3A_178, %dot_general3A_179 {dimension_numbers = #tpu.dot_dimension_numbers<[1], [1], [0], [0], [0, 0, 1, 0], [], []>, transpose_lhs_hint = false} : vector<2048x64xf32>, vector<256x64xf32>, vector<2048x256xf32> -> vector<2048x256xf32>
    %jit3A_181 = arith.constant -1.000000e+30 : f32
    %broadcast_in_dim3A_182 = vector.broadcast %jit3A_181 : f32 to vector<2048x256xf32>
    %select_n3A_183 = arith.select %gt3A_3, %dot_general3A_180, %broadcast_in_dim3A_182 : vector<2048x256xi1>, vector<2048x256xf32>
    %reduce_max3A_184 = arith.constant dense<0xFF800000> : vector<256xf32>
    %reduce_max3A_185 = vector.multi_reduction <maximumf>, %select_n3A_183, %reduce_max3A_184 [0] : vector<2048x256xf32> to vector<256xf32>
    %broadcast_in_dim3A_186 = vector.shape_cast %reduce_max3A_185 : vector<256xf32> to vector<1x256xf32>
    %mul3A_187 = arith.mulf %dot_general3A_180, %get3A_1 : vector<2048x256xf32>
    %reduce_sum3A_188 = arith.constant dense<0.000000e+00> : vector<256xf32>
    %reduce_sum3A_189 = vector.multi_reduction <add>, %mul3A_187, %reduce_sum3A_188 [0] : vector<2048x256xf32> to vector<256xf32>
    %broadcast_in_dim3A_190 = vector.shape_cast %reduce_sum3A_189 : vector<256xf32> to vector<1x256xf32>
    %mul3A_191 = arith.constant 4.8828125E-4 : f32
    %mul3A_192 = vector.broadcast %mul3A_191 : f32 to vector<1x256xf32>
    %mul3A_193 = arith.mulf %broadcast_in_dim3A_190, %mul3A_192 : vector<1x256xf32>
    %sub3A_194 = arith.subf %broadcast_in_dim3A_186, %mul3A_193 : vector<1x256xf32>
    %swap3A_195 = arith.constant 6 : index
    %swap3A_196 = arith.constant 0 : index
    %swap3A_197 = vector.load %arg4[%swap3A_195, %swap3A_196] : memref<16x256xf32, #tpu.memory_space<vmem>>, vector<1x256xf32>
    tpu.vector_store %arg4[%swap3A_195, %swap3A_196], %sub3A_194 {strides = array<i32>} : memref<16x256xf32, #tpu.memory_space<vmem>>, vector<1x256xf32>,
    %get3A_198 = arith.constant 7 : index
    %get3A_199 = arith.constant 0 : index
    %get3A_200 = arith.constant 0 : index
    %get3A_201 = vector.load %arg2[%get3A_198, %get3A_199, %get3A_200] : memref<16x2048x64xf32, #tpu.memory_space<vmem>>, vector<1x2048x64xf32>
    %get3A_202 = vector.shape_cast %get3A_201 : vector<1x2048x64xf32> to vector<2048x64xf32>
    %get3A_203 = arith.constant 7 : index
    %get3A_204 = arith.constant 0 : index
    %get3A_205 = arith.constant 0 : index
    %get3A_206 = vector.load %arg1[%get3A_203, %get3A_204, %get3A_205] : memref<16x256x64xf32, #tpu.memory_space<vmem>>, vector<1x256x64xf32>
    %get3A_207 = vector.shape_cast %get3A_206 : vector<1x256x64xf32> to vector<256x64xf32>
    %dot_general3A_208 = arith.constant dense<0.000000e+00> : vector<2048x256xf32>
    %dot_general3A_209 = tpu.matmul %get3A_202, %get3A_207, %dot_general3A_208 {dimension_numbers = #tpu.dot_dimension_numbers<[1], [1], [0], [0], [0, 0, 1, 0], [], []>, transpose_lhs_hint = false} : vector<2048x64xf32>, vector<256x64xf32>, vector<2048x256xf32> -> vector<2048x256xf32>
    %jit3A_210 = arith.constant -1.000000e+30 : f32
    %broadcast_in_dim3A_211 = vector.broadcast %jit3A_210 : f32 to vector<2048x256xf32>
    %select_n3A_212 = arith.select %gt3A_3, %dot_general3A_209, %broadcast_in_dim3A_211 : vector<2048x256xi1>, vector<2048x256xf32>
    %reduce_max3A_213 = arith.constant dense<0xFF800000> : vector<256xf32>
    %reduce_max3A_214 = vector.multi_reduction <maximumf>, %select_n3A_212, %reduce_max3A_213 [0] : vector<2048x256xf32> to vector<256xf32>
    %broadcast_in_dim3A_215 = vector.shape_cast %reduce_max3A_214 : vector<256xf32> to vector<1x256xf32>
    %mul3A_216 = arith.mulf %dot_general3A_209, %get3A_1 : vector<2048x256xf32>
    %reduce_sum3A_217 = arith.constant dense<0.000000e+00> : vector<256xf32>
    %reduce_sum3A_218 = vector.multi_reduction <add>, %mul3A_216, %reduce_sum3A_217 [0] : vector<2048x256xf32> to vector<256xf32>
    %broadcast_in_dim3A_219 = vector.shape_cast %reduce_sum3A_218 : vector<256xf32> to vector<1x256xf32>
    %mul3A_220 = arith.constant 4.8828125E-4 : f32
    %mul3A_221 = vector.broadcast %mul3A_220 : f32 to vector<1x256xf32>
    %mul3A_222 = arith.mulf %broadcast_in_dim3A_219, %mul3A_221 : vector<1x256xf32>
    %sub3A_223 = arith.subf %broadcast_in_dim3A_215, %mul3A_222 : vector<1x256xf32>
    %swap3A_224 = arith.constant 7 : index
    %swap3A_225 = arith.constant 0 : index
    %swap3A_226 = vector.load %arg4[%swap3A_224, %swap3A_225] : memref<16x256xf32, #tpu.memory_space<vmem>>, vector<1x256xf32>
    tpu.vector_store %arg4[%swap3A_224, %swap3A_225], %sub3A_223 {strides = array<i32>} : memref<16x256xf32, #tpu.memory_space<vmem>>, vector<1x256xf32>,
    %get3A_227 = arith.constant 8 : index
    %get3A_228 = arith.constant 0 : index
    %get3A_229 = arith.constant 0 : index
    %get3A_230 = vector.load %arg2[%get3A_227, %get3A_228, %get3A_229] : memref<16x2048x64xf32, #tpu.memory_space<vmem>>, vector<1x2048x64xf32>
    %get3A_231 = vector.shape_cast %get3A_230 : vector<1x2048x64xf32> to vector<2048x64xf32>
    %get3A_232 = arith.constant 8 : index
    %get3A_233 = arith.constant 0 : index
    %get3A_234 = arith.constant 0 : index
    %get3A_235 = vector.load %arg1[%get3A_232, %get3A_233, %get3A_234] : memref<16x256x64xf32, #tpu.memory_space<vmem>>, vector<1x256x64xf32>
    %get3A_236 = vector.shape_cast %get3A_235 : vector<1x256x64xf32> to vector<256x64xf32>
    %dot_general3A_237 = arith.constant dense<0.000000e+00> : vector<2048x256xf32>
    %dot_general3A_238 = tpu.matmul %get3A_231, %get3A_236, %dot_general3A_237 {dimension_numbers = #tpu.dot_dimension_numbers<[1], [1], [0], [0], [0, 0, 1, 0], [], []>, transpose_lhs_hint = false} : vector<2048x64xf32>, vector<256x64xf32>, vector<2048x256xf32> -> vector<2048x256xf32>
    %jit3A_239 = arith.constant -1.000000e+30 : f32
    %broadcast_in_dim3A_240 = vector.broadcast %jit3A_239 : f32 to vector<2048x256xf32>
    %select_n3A_241 = arith.select %gt3A_3, %dot_general3A_238, %broadcast_in_dim3A_240 : vector<2048x256xi1>, vector<2048x256xf32>
    %reduce_max3A_242 = arith.constant dense<0xFF800000> : vector<256xf32>
    %reduce_max3A_243 = vector.multi_reduction <maximumf>, %select_n3A_241, %reduce_max3A_242 [0] : vector<2048x256xf32> to vector<256xf32>
    %broadcast_in_dim3A_244 = vector.shape_cast %reduce_max3A_243 : vector<256xf32> to vector<1x256xf32>
    %mul3A_245 = arith.mulf %dot_general3A_238, %get3A_1 : vector<2048x256xf32>
    %reduce_sum3A_246 = arith.constant dense<0.000000e+00> : vector<256xf32>
    %reduce_sum3A_247 = vector.multi_reduction <add>, %mul3A_245, %reduce_sum3A_246 [0] : vector<2048x256xf32> to vector<256xf32>
    %broadcast_in_dim3A_248 = vector.shape_cast %reduce_sum3A_247 : vector<256xf32> to vector<1x256xf32>
    %mul3A_249 = arith.constant 4.8828125E-4 : f32
    %mul3A_250 = vector.broadcast %mul3A_249 : f32 to vector<1x256xf32>
    %mul3A_251 = arith.mulf %broadcast_in_dim3A_248, %mul3A_250 : vector<1x256xf32>
    %sub3A_252 = arith.subf %broadcast_in_dim3A_244, %mul3A_251 : vector<1x256xf32>
    %swap3A_253 = arith.constant 8 : index
    %swap3A_254 = arith.constant 0 : index
    %swap3A_255 = vector.load %arg4[%swap3A_253, %swap3A_254] : memref<16x256xf32, #tpu.memory_space<vmem>>, vector<1x256xf32>
    tpu.vector_store %arg4[%swap3A_253, %swap3A_254], %sub3A_252 {strides = array<i32>} : memref<16x256xf32, #tpu.memory_space<vmem>>, vector<1x256xf32>,
    %get3A_256 = arith.constant 9 : index
    %get3A_257 = arith.constant 0 : index
    %get3A_258 = arith.constant 0 : index
    %get3A_259 = vector.load %arg2[%get3A_256, %get3A_257, %get3A_258] : memref<16x2048x64xf32, #tpu.memory_space<vmem>>, vector<1x2048x64xf32>
    %get3A_260 = vector.shape_cast %get3A_259 : vector<1x2048x64xf32> to vector<2048x64xf32>
    %get3A_261 = arith.constant 9 : index
    %get3A_262 = arith.constant 0 : index
    %get3A_263 = arith.constant 0 : index
    %get3A_264 = vector.load %arg1[%get3A_261, %get3A_262, %get3A_263] : memref<16x256x64xf32, #tpu.memory_space<vmem>>, vector<1x256x64xf32>
    %get3A_265 = vector.shape_cast %get3A_264 : vector<1x256x64xf32> to vector<256x64xf32>
    %dot_general3A_266 = arith.constant dense<0.000000e+00> : vector<2048x256xf32>
    %dot_general3A_267 = tpu.matmul %get3A_260, %get3A_265, %dot_general3A_266 {dimension_numbers = #tpu.dot_dimension_numbers<[1], [1], [0], [0], [0, 0, 1, 0], [], []>, transpose_lhs_hint = false} : vector<2048x64xf32>, vector<256x64xf32>, vector<2048x256xf32> -> vector<2048x256xf32>
    %jit3A_268 = arith.constant -1.000000e+30 : f32
    %broadcast_in_dim3A_269 = vector.broadcast %jit3A_268 : f32 to vector<2048x256xf32>
    %select_n3A_270 = arith.select %gt3A_3, %dot_general3A_267, %broadcast_in_dim3A_269 : vector<2048x256xi1>, vector<2048x256xf32>
    %reduce_max3A_271 = arith.constant dense<0xFF800000> : vector<256xf32>
    %reduce_max3A_272 = vector.multi_reduction <maximumf>, %select_n3A_270, %reduce_max3A_271 [0] : vector<2048x256xf32> to vector<256xf32>
    %broadcast_in_dim3A_273 = vector.shape_cast %reduce_max3A_272 : vector<256xf32> to vector<1x256xf32>
    %mul3A_274 = arith.mulf %dot_general3A_267, %get3A_1 : vector<2048x256xf32>
    %reduce_sum3A_275 = arith.constant dense<0.000000e+00> : vector<256xf32>
    %reduce_sum3A_276 = vector.multi_reduction <add>, %mul3A_274, %reduce_sum3A_275 [0] : vector<2048x256xf32> to vector<256xf32>
    %broadcast_in_dim3A_277 = vector.shape_cast %reduce_sum3A_276 : vector<256xf32> to vector<1x256xf32>
    %mul3A_278 = arith.constant 4.8828125E-4 : f32
    %mul3A_279 = vector.broadcast %mul3A_278 : f32 to vector<1x256xf32>
    %mul3A_280 = arith.mulf %broadcast_in_dim3A_277, %mul3A_279 : vector<1x256xf32>
    %sub3A_281 = arith.subf %broadcast_in_dim3A_273, %mul3A_280 : vector<1x256xf32>
    %swap3A_282 = arith.constant 9 : index
    %swap3A_283 = arith.constant 0 : index
    %swap3A_284 = vector.load %arg4[%swap3A_282, %swap3A_283] : memref<16x256xf32, #tpu.memory_space<vmem>>, vector<1x256xf32>
    tpu.vector_store %arg4[%swap3A_282, %swap3A_283], %sub3A_281 {strides = array<i32>} : memref<16x256xf32, #tpu.memory_space<vmem>>, vector<1x256xf32>,
    %get3A_285 = arith.constant 10 : index
    %get3A_286 = arith.constant 0 : index
    %get3A_287 = arith.constant 0 : index
    %get3A_288 = vector.load %arg2[%get3A_285, %get3A_286, %get3A_287] : memref<16x2048x64xf32, #tpu.memory_space<vmem>>, vector<1x2048x64xf32>
    %get3A_289 = vector.shape_cast %get3A_288 : vector<1x2048x64xf32> to vector<2048x64xf32>
    %get3A_290 = arith.constant 10 : index
    %get3A_291 = arith.constant 0 : index
    %get3A_292 = arith.constant 0 : index
    %get3A_293 = vector.load %arg1[%get3A_290, %get3A_291, %get3A_292] : memref<16x256x64xf32, #tpu.memory_space<vmem>>, vector<1x256x64xf32>
    %get3A_294 = vector.shape_cast %get3A_293 : vector<1x256x64xf32> to vector<256x64xf32>
    %dot_general3A_295 = arith.constant dense<0.000000e+00> : vector<2048x256xf32>
    %dot_general3A_296 = tpu.matmul %get3A_289, %get3A_294, %dot_general3A_295 {dimension_numbers = #tpu.dot_dimension_numbers<[1], [1], [0], [0], [0, 0, 1, 0], [], []>, transpose_lhs_hint = false} : vector<2048x64xf32>, vector<256x64xf32>, vector<2048x256xf32> -> vector<2048x256xf32>
    %jit3A_297 = arith.constant -1.000000e+30 : f32
    %broadcast_in_dim3A_298 = vector.broadcast %jit3A_297 : f32 to vector<2048x256xf32>
    %select_n3A_299 = arith.select %gt3A_3, %dot_general3A_296, %broadcast_in_dim3A_298 : vector<2048x256xi1>, vector<2048x256xf32>
    %reduce_max3A_300 = arith.constant dense<0xFF800000> : vector<256xf32>
    %reduce_max3A_301 = vector.multi_reduction <maximumf>, %select_n3A_299, %reduce_max3A_300 [0] : vector<2048x256xf32> to vector<256xf32>
    %broadcast_in_dim3A_302 = vector.shape_cast %reduce_max3A_301 : vector<256xf32> to vector<1x256xf32>
    %mul3A_303 = arith.mulf %dot_general3A_296, %get3A_1 : vector<2048x256xf32>
    %reduce_sum3A_304 = arith.constant dense<0.000000e+00> : vector<256xf32>
    %reduce_sum3A_305 = vector.multi_reduction <add>, %mul3A_303, %reduce_sum3A_304 [0] : vector<2048x256xf32> to vector<256xf32>
    %broadcast_in_dim3A_306 = vector.shape_cast %reduce_sum3A_305 : vector<256xf32> to vector<1x256xf32>
    %mul3A_307 = arith.constant 4.8828125E-4 : f32
    %mul3A_308 = vector.broadcast %mul3A_307 : f32 to vector<1x256xf32>
    %mul3A_309 = arith.mulf %broadcast_in_dim3A_306, %mul3A_308 : vector<1x256xf32>
    %sub3A_310 = arith.subf %broadcast_in_dim3A_302, %mul3A_309 : vector<1x256xf32>
    %swap3A_311 = arith.constant 10 : index
    %swap3A_312 = arith.constant 0 : index
    %swap3A_313 = vector.load %arg4[%swap3A_311, %swap3A_312] : memref<16x256xf32, #tpu.memory_space<vmem>>, vector<1x256xf32>
    tpu.vector_store %arg4[%swap3A_311, %swap3A_312], %sub3A_310 {strides = array<i32>} : memref<16x256xf32, #tpu.memory_space<vmem>>, vector<1x256xf32>,
    %get3A_314 = arith.constant 11 : index
    %get3A_315 = arith.constant 0 : index
    %get3A_316 = arith.constant 0 : index
    %get3A_317 = vector.load %arg2[%get3A_314, %get3A_315, %get3A_316] : memref<16x2048x64xf32, #tpu.memory_space<vmem>>, vector<1x2048x64xf32>
    %get3A_318 = vector.shape_cast %get3A_317 : vector<1x2048x64xf32> to vector<2048x64xf32>
    %get3A_319 = arith.constant 11 : index
    %get3A_320 = arith.constant 0 : index
    %get3A_321 = arith.constant 0 : index
    %get3A_322 = vector.load %arg1[%get3A_319, %get3A_320, %get3A_321] : memref<16x256x64xf32, #tpu.memory_space<vmem>>, vector<1x256x64xf32>
    %get3A_323 = vector.shape_cast %get3A_322 : vector<1x256x64xf32> to vector<256x64xf32>
    %dot_general3A_324 = arith.constant dense<0.000000e+00> : vector<2048x256xf32>
    %dot_general3A_325 = tpu.matmul %get3A_318, %get3A_323, %dot_general3A_324 {dimension_numbers = #tpu.dot_dimension_numbers<[1], [1], [0], [0], [0, 0, 1, 0], [], []>, transpose_lhs_hint = false} : vector<2048x64xf32>, vector<256x64xf32>, vector<2048x256xf32> -> vector<2048x256xf32>
    %jit3A_326 = arith.constant -1.000000e+30 : f32
    %broadcast_in_dim3A_327 = vector.broadcast %jit3A_326 : f32 to vector<2048x256xf32>
    %select_n3A_328 = arith.select %gt3A_3, %dot_general3A_325, %broadcast_in_dim3A_327 : vector<2048x256xi1>, vector<2048x256xf32>
    %reduce_max3A_329 = arith.constant dense<0xFF800000> : vector<256xf32>
    %reduce_max3A_330 = vector.multi_reduction <maximumf>, %select_n3A_328, %reduce_max3A_329 [0] : vector<2048x256xf32> to vector<256xf32>
    %broadcast_in_dim3A_331 = vector.shape_cast %reduce_max3A_330 : vector<256xf32> to vector<1x256xf32>
    %mul3A_332 = arith.mulf %dot_general3A_325, %get3A_1 : vector<2048x256xf32>
    %reduce_sum3A_333 = arith.constant dense<0.000000e+00> : vector<256xf32>
    %reduce_sum3A_334 = vector.multi_reduction <add>, %mul3A_332, %reduce_sum3A_333 [0] : vector<2048x256xf32> to vector<256xf32>
    %broadcast_in_dim3A_335 = vector.shape_cast %reduce_sum3A_334 : vector<256xf32> to vector<1x256xf32>
    %mul3A_336 = arith.constant 4.8828125E-4 : f32
    %mul3A_337 = vector.broadcast %mul3A_336 : f32 to vector<1x256xf32>
    %mul3A_338 = arith.mulf %broadcast_in_dim3A_335, %mul3A_337 : vector<1x256xf32>
    %sub3A_339 = arith.subf %broadcast_in_dim3A_331, %mul3A_338 : vector<1x256xf32>
    %swap3A_340 = arith.constant 11 : index
    %swap3A_341 = arith.constant 0 : index
    %swap3A_342 = vector.load %arg4[%swap3A_340, %swap3A_341] : memref<16x256xf32, #tpu.memory_space<vmem>>, vector<1x256xf32>
    tpu.vector_store %arg4[%swap3A_340, %swap3A_341], %sub3A_339 {strides = array<i32>} : memref<16x256xf32, #tpu.memory_space<vmem>>, vector<1x256xf32>,
    %get3A_343 = arith.constant 12 : index
    %get3A_344 = arith.constant 0 : index
    %get3A_345 = arith.constant 0 : index
    %get3A_346 = vector.load %arg2[%get3A_343, %get3A_344, %get3A_345] : memref<16x2048x64xf32, #tpu.memory_space<vmem>>, vector<1x2048x64xf32>
    %get3A_347 = vector.shape_cast %get3A_346 : vector<1x2048x64xf32> to vector<2048x64xf32>
    %get3A_348 = arith.constant 12 : index
    %get3A_349 = arith.constant 0 : index
    %get3A_350 = arith.constant 0 : index
    %get3A_351 = vector.load %arg1[%get3A_348, %get3A_349, %get3A_350] : memref<16x256x64xf32, #tpu.memory_space<vmem>>, vector<1x256x64xf32>
    %get3A_352 = vector.shape_cast %get3A_351 : vector<1x256x64xf32> to vector<256x64xf32>
    %dot_general3A_353 = arith.constant dense<0.000000e+00> : vector<2048x256xf32>
    %dot_general3A_354 = tpu.matmul %get3A_347, %get3A_352, %dot_general3A_353 {dimension_numbers = #tpu.dot_dimension_numbers<[1], [1], [0], [0], [0, 0, 1, 0], [], []>, transpose_lhs_hint = false} : vector<2048x64xf32>, vector<256x64xf32>, vector<2048x256xf32> -> vector<2048x256xf32>
    %jit3A_355 = arith.constant -1.000000e+30 : f32
    %broadcast_in_dim3A_356 = vector.broadcast %jit3A_355 : f32 to vector<2048x256xf32>
    %select_n3A_357 = arith.select %gt3A_3, %dot_general3A_354, %broadcast_in_dim3A_356 : vector<2048x256xi1>, vector<2048x256xf32>
    %reduce_max3A_358 = arith.constant dense<0xFF800000> : vector<256xf32>
    %reduce_max3A_359 = vector.multi_reduction <maximumf>, %select_n3A_357, %reduce_max3A_358 [0] : vector<2048x256xf32> to vector<256xf32>
    %broadcast_in_dim3A_360 = vector.shape_cast %reduce_max3A_359 : vector<256xf32> to vector<1x256xf32>
    %mul3A_361 = arith.mulf %dot_general3A_354, %get3A_1 : vector<2048x256xf32>
    %reduce_sum3A_362 = arith.constant dense<0.000000e+00> : vector<256xf32>
    %reduce_sum3A_363 = vector.multi_reduction <add>, %mul3A_361, %reduce_sum3A_362 [0] : vector<2048x256xf32> to vector<256xf32>
    %broadcast_in_dim3A_364 = vector.shape_cast %reduce_sum3A_363 : vector<256xf32> to vector<1x256xf32>
    %mul3A_365 = arith.constant 4.8828125E-4 : f32
    %mul3A_366 = vector.broadcast %mul3A_365 : f32 to vector<1x256xf32>
    %mul3A_367 = arith.mulf %broadcast_in_dim3A_364, %mul3A_366 : vector<1x256xf32>
    %sub3A_368 = arith.subf %broadcast_in_dim3A_360, %mul3A_367 : vector<1x256xf32>
    %swap3A_369 = arith.constant 12 : index
    %swap3A_370 = arith.constant 0 : index
    %swap3A_371 = vector.load %arg4[%swap3A_369, %swap3A_370] : memref<16x256xf32, #tpu.memory_space<vmem>>, vector<1x256xf32>
    tpu.vector_store %arg4[%swap3A_369, %swap3A_370], %sub3A_368 {strides = array<i32>} : memref<16x256xf32, #tpu.memory_space<vmem>>, vector<1x256xf32>,
    %get3A_372 = arith.constant 13 : index
    %get3A_373 = arith.constant 0 : index
    %get3A_374 = arith.constant 0 : index
    %get3A_375 = vector.load %arg2[%get3A_372, %get3A_373, %get3A_374] : memref<16x2048x64xf32, #tpu.memory_space<vmem>>, vector<1x2048x64xf32>
    %get3A_376 = vector.shape_cast %get3A_375 : vector<1x2048x64xf32> to vector<2048x64xf32>
    %get3A_377 = arith.constant 13 : index
    %get3A_378 = arith.constant 0 : index
    %get3A_379 = arith.constant 0 : index
    %get3A_380 = vector.load %arg1[%get3A_377, %get3A_378, %get3A_379] : memref<16x256x64xf32, #tpu.memory_space<vmem>>, vector<1x256x64xf32>
    %get3A_381 = vector.shape_cast %get3A_380 : vector<1x256x64xf32> to vector<256x64xf32>
    %dot_general3A_382 = arith.constant dense<0.000000e+00> : vector<2048x256xf32>
    %dot_general3A_383 = tpu.matmul %get3A_376, %get3A_381, %dot_general3A_382 {dimension_numbers = #tpu.dot_dimension_numbers<[1], [1], [0], [0], [0, 0, 1, 0], [], []>, transpose_lhs_hint = false} : vector<2048x64xf32>, vector<256x64xf32>, vector<2048x256xf32> -> vector<2048x256xf32>
    %jit3A_384 = arith.constant -1.000000e+30 : f32
    %broadcast_in_dim3A_385 = vector.broadcast %jit3A_384 : f32 to vector<2048x256xf32>
    %select_n3A_386 = arith.select %gt3A_3, %dot_general3A_383, %broadcast_in_dim3A_385 : vector<2048x256xi1>, vector<2048x256xf32>
    %reduce_max3A_387 = arith.constant dense<0xFF800000> : vector<256xf32>
    %reduce_max3A_388 = vector.multi_reduction <maximumf>, %select_n3A_386, %reduce_max3A_387 [0] : vector<2048x256xf32> to vector<256xf32>
    %broadcast_in_dim3A_389 = vector.shape_cast %reduce_max3A_388 : vector<256xf32> to vector<1x256xf32>
    %mul3A_390 = arith.mulf %dot_general3A_383, %get3A_1 : vector<2048x256xf32>
    %reduce_sum3A_391 = arith.constant dense<0.000000e+00> : vector<256xf32>
    %reduce_sum3A_392 = vector.multi_reduction <add>, %mul3A_390, %reduce_sum3A_391 [0] : vector<2048x256xf32> to vector<256xf32>
    %broadcast_in_dim3A_393 = vector.shape_cast %reduce_sum3A_392 : vector<256xf32> to vector<1x256xf32>
    %mul3A_394 = arith.constant 4.8828125E-4 : f32
    %mul3A_395 = vector.broadcast %mul3A_394 : f32 to vector<1x256xf32>
    %mul3A_396 = arith.mulf %broadcast_in_dim3A_393, %mul3A_395 : vector<1x256xf32>
    %sub3A_397 = arith.subf %broadcast_in_dim3A_389, %mul3A_396 : vector<1x256xf32>
    %swap3A_398 = arith.constant 13 : index
    %swap3A_399 = arith.constant 0 : index
    %swap3A_400 = vector.load %arg4[%swap3A_398, %swap3A_399] : memref<16x256xf32, #tpu.memory_space<vmem>>, vector<1x256xf32>
    tpu.vector_store %arg4[%swap3A_398, %swap3A_399], %sub3A_397 {strides = array<i32>} : memref<16x256xf32, #tpu.memory_space<vmem>>, vector<1x256xf32>,
    %get3A_401 = arith.constant 14 : index
    %get3A_402 = arith.constant 0 : index
    %get3A_403 = arith.constant 0 : index
    %get3A_404 = vector.load %arg2[%get3A_401, %get3A_402, %get3A_403] : memref<16x2048x64xf32, #tpu.memory_space<vmem>>, vector<1x2048x64xf32>
    %get3A_405 = vector.shape_cast %get3A_404 : vector<1x2048x64xf32> to vector<2048x64xf32>
    %get3A_406 = arith.constant 14 : index
    %get3A_407 = arith.constant 0 : index
    %get3A_408 = arith.constant 0 : index
    %get3A_409 = vector.load %arg1[%get3A_406, %get3A_407, %get3A_408] : memref<16x256x64xf32, #tpu.memory_space<vmem>>, vector<1x256x64xf32>
    %get3A_410 = vector.shape_cast %get3A_409 : vector<1x256x64xf32> to vector<256x64xf32>
    %dot_general3A_411 = arith.constant dense<0.000000e+00> : vector<2048x256xf32>
    %dot_general3A_412 = tpu.matmul %get3A_405, %get3A_410, %dot_general3A_411 {dimension_numbers = #tpu.dot_dimension_numbers<[1], [1], [0], [0], [0, 0, 1, 0], [], []>, transpose_lhs_hint = false} : vector<2048x64xf32>, vector<256x64xf32>, vector<2048x256xf32> -> vector<2048x256xf32>
    %jit3A_413 = arith.constant -1.000000e+30 : f32
    %broadcast_in_dim3A_414 = vector.broadcast %jit3A_413 : f32 to vector<2048x256xf32>
    %select_n3A_415 = arith.select %gt3A_3, %dot_general3A_412, %broadcast_in_dim3A_414 : vector<2048x256xi1>, vector<2048x256xf32>
    %reduce_max3A_416 = arith.constant dense<0xFF800000> : vector<256xf32>
    %reduce_max3A_417 = vector.multi_reduction <maximumf>, %select_n3A_415, %reduce_max3A_416 [0] : vector<2048x256xf32> to vector<256xf32>
    %broadcast_in_dim3A_418 = vector.shape_cast %reduce_max3A_417 : vector<256xf32> to vector<1x256xf32>
    %mul3A_419 = arith.mulf %dot_general3A_412, %get3A_1 : vector<2048x256xf32>
    %reduce_sum3A_420 = arith.constant dense<0.000000e+00> : vector<256xf32>
    %reduce_sum3A_421 = vector.multi_reduction <add>, %mul3A_419, %reduce_sum3A_420 [0] : vector<2048x256xf32> to vector<256xf32>
    %broadcast_in_dim3A_422 = vector.shape_cast %reduce_sum3A_421 : vector<256xf32> to vector<1x256xf32>
    %mul3A_423 = arith.constant 4.8828125E-4 : f32
    %mul3A_424 = vector.broadcast %mul3A_423 : f32 to vector<1x256xf32>
    %mul3A_425 = arith.mulf %broadcast_in_dim3A_422, %mul3A_424 : vector<1x256xf32>
    %sub3A_426 = arith.subf %broadcast_in_dim3A_418, %mul3A_425 : vector<1x256xf32>
    %swap3A_427 = arith.constant 14 : index
    %swap3A_428 = arith.constant 0 : index
    %swap3A_429 = vector.load %arg4[%swap3A_427, %swap3A_428] : memref<16x256xf32, #tpu.memory_space<vmem>>, vector<1x256xf32>
    tpu.vector_store %arg4[%swap3A_427, %swap3A_428], %sub3A_426 {strides = array<i32>} : memref<16x256xf32, #tpu.memory_space<vmem>>, vector<1x256xf32>,
    %get3A_430 = arith.constant 15 : index
    %get3A_431 = arith.constant 0 : index
    %get3A_432 = arith.constant 0 : index
    %get3A_433 = vector.load %arg2[%get3A_430, %get3A_431, %get3A_432] : memref<16x2048x64xf32, #tpu.memory_space<vmem>>, vector<1x2048x64xf32>
    %get3A_434 = vector.shape_cast %get3A_433 : vector<1x2048x64xf32> to vector<2048x64xf32>
    %get3A_435 = arith.constant 15 : index
    %get3A_436 = arith.constant 0 : index
    %get3A_437 = arith.constant 0 : index
    %get3A_438 = vector.load %arg1[%get3A_435, %get3A_436, %get3A_437] : memref<16x256x64xf32, #tpu.memory_space<vmem>>, vector<1x256x64xf32>
    %get3A_439 = vector.shape_cast %get3A_438 : vector<1x256x64xf32> to vector<256x64xf32>
    %dot_general3A_440 = arith.constant dense<0.000000e+00> : vector<2048x256xf32>
    %dot_general3A_441 = tpu.matmul %get3A_434, %get3A_439, %dot_general3A_440 {dimension_numbers = #tpu.dot_dimension_numbers<[1], [1], [0], [0], [0, 0, 1, 0], [], []>, transpose_lhs_hint = false} : vector<2048x64xf32>, vector<256x64xf32>, vector<2048x256xf32> -> vector<2048x256xf32>
    %jit3A_442 = arith.constant -1.000000e+30 : f32
    %broadcast_in_dim3A_443 = vector.broadcast %jit3A_442 : f32 to vector<2048x256xf32>
    %select_n3A_444 = arith.select %gt3A_3, %dot_general3A_441, %broadcast_in_dim3A_443 : vector<2048x256xi1>, vector<2048x256xf32>
    %reduce_max3A_445 = arith.constant dense<0xFF800000> : vector<256xf32>
    %reduce_max3A_446 = vector.multi_reduction <maximumf>, %select_n3A_444, %reduce_max3A_445 [0] : vector<2048x256xf32> to vector<256xf32>
    %broadcast_in_dim3A_447 = vector.shape_cast %reduce_max3A_446 : vector<256xf32> to vector<1x256xf32>
    %mul3A_448 = arith.mulf %dot_general3A_441, %get3A_1 : vector<2048x256xf32>
    %reduce_sum3A_449 = arith.constant dense<0.000000e+00> : vector<256xf32>
    %reduce_sum3A_450 = vector.multi_reduction <add>, %mul3A_448, %reduce_sum3A_449 [0] : vector<2048x256xf32> to vector<256xf32>
    %broadcast_in_dim3A_451 = vector.shape_cast %reduce_sum3A_450 : vector<256xf32> to vector<1x256xf32>
    %mul3A_452 = arith.constant 4.8828125E-4 : f32
    %mul3A_453 = vector.broadcast %mul3A_452 : f32 to vector<1x256xf32>
    %mul3A_454 = arith.mulf %broadcast_in_dim3A_451, %mul3A_453 : vector<1x256xf32>
    %sub3A_455 = arith.subf %broadcast_in_dim3A_447, %mul3A_454 : vector<1x256xf32>
    %swap3A_456 = arith.constant 15 : index
    %swap3A_457 = arith.constant 0 : index
    %swap3A_458 = vector.load %arg4[%swap3A_456, %swap3A_457] : memref<16x256xf32, #tpu.memory_space<vmem>>, vector<1x256xf32>
    tpu.vector_store %arg4[%swap3A_456, %swap3A_457], %sub3A_455 {strides = array<i32>} : memref<16x256xf32, #tpu.memory_space<vmem>>, vector<1x256xf32>,
    return
  }
  func.func @transform_0(%arg0: i32) -> (i32, i32, i32) {
    %c0_i32 = arith.constant 0 : i32
    %c0_i32_0 = arith.constant 0 : i32
    %c0_i32_1 = arith.constant 0 : i32
    return %c0_i32, %arg0, %c0_i32_0 : i32, i32, i32
  }
  func.func @transform_1(%arg0: i32) -> (i32, i32, i32) {
    %c0_i32 = arith.constant 0 : i32
    %c0_i32_0 = arith.constant 0 : i32
    %c0_i32_1 = arith.constant 0 : i32
    %c0_i32_2 = arith.constant 0 : i32
    return %c0_i32, %c0_i32_0, %c0_i32_1 : i32, i32, i32
  }
  func.func @transform_2(%arg0: i32) -> (i32, i32) {
    %c0_i32 = arith.constant 0 : i32
    %c0_i32_0 = arith.constant 0 : i32
    return %c0_i32, %arg0 : i32, i32
  }
  func.func @transform_3(%arg0: i32) -> (i32, i32) {
    %c0_i32 = arith.constant 0 : i32
    %c0_i32_0 = arith.constant 0 : i32
    return %c0_i32, %arg0 : i32, i32
  }
}

module attributes {stable_mosaic.version = 14 : i64} {
  func.func @_final_body(%arg0: i32, %arg1: memref<256x1024xf32, #tpu.memory_space<vmem>>, %arg2: memref<256x1024xf32, #tpu.memory_space<vmem>>, %arg3: memref<1024x1024xf32, #tpu.memory_space<vmem>>, %arg4: memref<1x1024xf32, #tpu.memory_space<vmem>>, %arg5: memref<1x1024xf32, #tpu.memory_space<vmem>>, %arg6: memref<1x1024xf32, #tpu.memory_space<vmem>>, %arg7: memref<256x1024xf32, #tpu.memory_space<vmem>>) attributes {dimension_semantics = [#tpu.dimension_semantics<arbitrary>], iteration_bounds = array<i64: 8>, scalar_prefetch = 0 : i64, scratch_operands = 0 : i64, tpu.core_type = #tpu.core_type<tc>, window_params = [{transform_indices = @transform_0, window_bounds = array<i64: 256, 1024>}, {transform_indices = @transform_1, window_bounds = array<i64: 256, 1024>}, {pipeline_mode = #tpu.pipeline_mode<synchronous>, transform_indices = @transform_2, window_bounds = array<i64: 1024, 1024>}, {pipeline_mode = #tpu.pipeline_mode<synchronous>, transform_indices = @transform_3, window_bounds = array<i64: 1, 1024>}, {pipeline_mode = #tpu.pipeline_mode<synchronous>, transform_indices = @transform_4, window_bounds = array<i64: 1, 1024>}, {pipeline_mode = #tpu.pipeline_mode<synchronous>, transform_indices = @transform_5, window_bounds = array<i64: 1, 1024>}, {transform_indices = @transform_6, window_bounds = array<i64: 256, 1024>}]} {
    %get3A = arith.constant 0 : index
    %get3A_0 = arith.constant 0 : index
    %get3A_1 = vector.load %arg1[%get3A, %get3A_0] : memref<256x1024xf32, #tpu.memory_space<vmem>>, vector<256x1024xf32>
    %get3A_2 = arith.constant 0 : index
    %get3A_3 = arith.constant 0 : index
    %get3A_4 = vector.load %arg3[%get3A_2, %get3A_3] : memref<1024x1024xf32, #tpu.memory_space<vmem>>, vector<1024x1024xf32>
    %dot_general3A = arith.constant dense<0.000000e+00> : vector<256x1024xf32>
    %dot_general3A_5 = tpu.matmul %get3A_1, %get3A_4, %dot_general3A {dimension_numbers = #tpu.dot_dimension_numbers<[1], [1], [0], [0], [0, 0, 1, 0], [], []>, transpose_lhs_hint = false} : vector<256x1024xf32>, vector<1024x1024xf32>, vector<256x1024xf32> -> vector<256x1024xf32>
    %get3A_6 = arith.constant 0 : index
    %get3A_7 = arith.constant 0 : index
    %get3A_8 = vector.load %arg4[%get3A_6, %get3A_7] : memref<1x1024xf32, #tpu.memory_space<vmem>>, vector<1x1024xf32>
    %add3A = vector.broadcast %get3A_8 : vector<1x1024xf32> to vector<256x1024xf32>
    %add3A_9 = arith.addf %dot_general3A_5, %add3A : vector<256x1024xf32>
    %get3A_10 = arith.constant 0 : index
    %get3A_11 = arith.constant 0 : index
    %get3A_12 = vector.load %arg2[%get3A_10, %get3A_11] : memref<256x1024xf32, #tpu.memory_space<vmem>>, vector<256x1024xf32>
    %add3A_13 = arith.addf %add3A_9, %get3A_12 : vector<256x1024xf32>
    %reduce_sum3A = arith.constant dense<0.000000e+00> : vector<256xf32>
    %reduce_sum3A_14 = vector.multi_reduction <add>, %add3A_13, %reduce_sum3A [1] : vector<256x1024xf32> to vector<256xf32>
    %broadcast_in_dim3A = vector.shape_cast %reduce_sum3A_14 : vector<256xf32> to vector<256x1xf32>
    %div3A = arith.constant 1.024000e+03 : f32
    %div3A_15 = vector.broadcast %div3A : f32 to vector<256x1xf32>
    %div3A_16 = arith.divf %broadcast_in_dim3A, %div3A_15 : vector<256x1xf32>
    %sub3A = vector.broadcast %div3A_16 : vector<256x1xf32> to vector<256x1024xf32>
    %sub3A_17 = arith.subf %add3A_13, %sub3A : vector<256x1024xf32>
    %integer_pow3A = arith.mulf %sub3A_17, %sub3A_17 : vector<256x1024xf32>
    %reduce_sum3A_18 = arith.constant dense<0.000000e+00> : vector<256xf32>
    %reduce_sum3A_19 = vector.multi_reduction <add>, %integer_pow3A, %reduce_sum3A_18 [1] : vector<256x1024xf32> to vector<256xf32>
    %broadcast_in_dim3A_20 = vector.shape_cast %reduce_sum3A_19 : vector<256xf32> to vector<256x1xf32>
    %div3A_21 = arith.constant 1.024000e+03 : f32
    %div3A_22 = vector.broadcast %div3A_21 : f32 to vector<256x1xf32>
    %div3A_23 = arith.divf %broadcast_in_dim3A_20, %div3A_22 : vector<256x1xf32>
    %get3A_24 = arith.constant 0 : index
    %get3A_25 = arith.constant 0 : index
    %get3A_26 = vector.load %arg5[%get3A_24, %get3A_25] : memref<1x1024xf32, #tpu.memory_space<vmem>>, vector<1x1024xf32>
    %sub3A_27 = vector.broadcast %div3A_16 : vector<256x1xf32> to vector<256x1024xf32>
    %sub3A_28 = arith.subf %add3A_13, %sub3A_27 : vector<256x1024xf32>
    %mul3A = vector.broadcast %get3A_26 : vector<1x1024xf32> to vector<256x1024xf32>
    %mul3A_29 = arith.mulf %mul3A, %sub3A_28 : vector<256x1024xf32>
    %add3A_30 = arith.constant 9.99999993E-9 : f32
    %add3A_31 = vector.broadcast %add3A_30 : f32 to vector<256x1xf32>
    %add3A_32 = arith.addf %div3A_23, %add3A_31 : vector<256x1xf32>
    %sqrt3A = math.sqrt %add3A_32 : vector<256x1xf32>
    %div3A_33 = vector.broadcast %sqrt3A : vector<256x1xf32> to vector<256x1024xf32>
    %div3A_34 = arith.divf %mul3A_29, %div3A_33 : vector<256x1024xf32>
    %get3A_35 = arith.constant 0 : index
    %get3A_36 = arith.constant 0 : index
    %get3A_37 = vector.load %arg6[%get3A_35, %get3A_36] : memref<1x1024xf32, #tpu.memory_space<vmem>>, vector<1x1024xf32>
    %add3A_38 = vector.broadcast %get3A_37 : vector<1x1024xf32> to vector<256x1024xf32>
    %add3A_39 = arith.addf %div3A_34, %add3A_38 : vector<256x1024xf32>
    %swap3A = arith.constant 0 : index
    %swap3A_40 = arith.constant 0 : index
    %swap3A_41 = vector.load %arg7[%swap3A, %swap3A_40] : memref<256x1024xf32, #tpu.memory_space<vmem>>, vector<256x1024xf32>
    tpu.vector_store %arg7[%swap3A, %swap3A_40], %add3A_39 {strides = array<i32>} : memref<256x1024xf32, #tpu.memory_space<vmem>>, vector<256x1024xf32>,
    return
  }
  func.func @transform_0(%arg0: i32) -> (i32, i32) {
    %c0_i32 = arith.constant 0 : i32
    %c0_i32_0 = arith.constant 0 : i32
    return %arg0, %c0_i32 : i32, i32
  }
  func.func @transform_1(%arg0: i32) -> (i32, i32) {
    %c0_i32 = arith.constant 0 : i32
    %c0_i32_0 = arith.constant 0 : i32
    return %arg0, %c0_i32 : i32, i32
  }
  func.func @transform_2(%arg0: i32) -> (i32, i32) {
    %c0_i32 = arith.constant 0 : i32
    %c0_i32_0 = arith.constant 0 : i32
    %c0_i32_1 = arith.constant 0 : i32
    return %c0_i32, %c0_i32_0 : i32, i32
  }
  func.func @transform_3(%arg0: i32) -> (i32, i32) {
    %c0_i32 = arith.constant 0 : i32
    %c0_i32_0 = arith.constant 0 : i32
    %c0_i32_1 = arith.constant 0 : i32
    return %c0_i32, %c0_i32_0 : i32, i32
  }
  func.func @transform_4(%arg0: i32) -> (i32, i32) {
    %c0_i32 = arith.constant 0 : i32
    %c0_i32_0 = arith.constant 0 : i32
    %c0_i32_1 = arith.constant 0 : i32
    return %c0_i32, %c0_i32_0 : i32, i32
  }
  func.func @transform_5(%arg0: i32) -> (i32, i32) {
    %c0_i32 = arith.constant 0 : i32
    %c0_i32_0 = arith.constant 0 : i32
    %c0_i32_1 = arith.constant 0 : i32
    return %c0_i32, %c0_i32_0 : i32, i32
  }
  func.func @transform_6(%arg0: i32) -> (i32, i32) {
    %c0_i32 = arith.constant 0 : i32
    %c0_i32_0 = arith.constant 0 : i32
    return %arg0, %c0_i32 : i32, i32
  }
}

module attributes {stable_mosaic.version = 14 : i64} {
  func.func @_attn_body(%arg0: i32, %arg1: memref<16x40xi32, #tpu.memory_space<smem>>, %arg2: memref<1x2048xf32, #tpu.memory_space<smem>>, %arg3: memref<2x2048x64xf32, #tpu.memory_space<vmem>>, %arg4: memref<2x2048x64xf32, #tpu.memory_space<vmem>>, %arg5: memref<2x2048x64xf32, #tpu.memory_space<vmem>>, %arg6: memref<2x2048x64xf32, #tpu.memory_space<vmem>>, %arg7: memref<2048x128xf32, #tpu.memory_space<vmem>>, %arg8: memref<2048x64xf32, #tpu.memory_space<vmem>>, %arg9: memref<2048x64xf32, #tpu.memory_space<vmem>>, %arg10: memref<40x64xf32, #tpu.memory_space<vmem>>, %arg11: memref<40x2048xf32, #tpu.memory_space<vmem>>) attributes {dimension_semantics = [#tpu.dimension_semantics<arbitrary>], iteration_bounds = array<i64: 8>, scalar_prefetch = 0 : i64, scratch_operands = 4 : i64, tpu.core_type = #tpu.core_type<tc>, window_params = [{transform_indices = @transform_0, window_bounds = array<i64: 16, 40>}, {transform_indices = @transform_1, window_bounds = array<i64: 1, 2048>}, {transform_indices = @transform_2, window_bounds = array<i64: 2, 2048, 64>}, {transform_indices = @transform_3, window_bounds = array<i64: 2, 2048, 64>}, {transform_indices = @transform_4, window_bounds = array<i64: 2, 2048, 64>}, {transform_indices = @transform_5, window_bounds = array<i64: 2, 2048, 64>}, {transform_indices = @transform_6, window_bounds = array<i64: 2048, 128>}]} {
    %get3A = arith.constant 0 : index
    %get3A_0 = arith.constant 0 : index
    %get3A_1 = arith.constant 0 : index
    %get3A_2 = vector.load %arg6[%get3A, %get3A_0, %get3A_1] : memref<2x2048x64xf32, #tpu.memory_space<vmem>>, vector<1x2048x64xf32>
    %get3A_3 = vector.shape_cast %get3A_2 : vector<1x2048x64xf32> to vector<2048x64xf32>
    %swap3A = arith.constant 0 : index
    %swap3A_4 = arith.constant 0 : index
    %swap3A_5 = vector.load %arg8[%swap3A, %swap3A_4] : memref<2048x64xf32, #tpu.memory_space<vmem>>, vector<2048x64xf32>
    tpu.vector_store %arg8[%swap3A, %swap3A_4], %get3A_3 {strides = array<i32>} : memref<2048x64xf32, #tpu.memory_space<vmem>>, vector<2048x64xf32>,
    %get3A_6 = arith.constant 1 : index
    %get3A_7 = arith.constant 0 : index
    %get3A_8 = arith.constant 0 : index
    %get3A_9 = vector.load %arg6[%get3A_6, %get3A_7, %get3A_8] : memref<2x2048x64xf32, #tpu.memory_space<vmem>>, vector<1x2048x64xf32>
    %get3A_10 = vector.shape_cast %get3A_9 : vector<1x2048x64xf32> to vector<2048x64xf32>
    %swap3A_11 = arith.constant 0 : index
    %swap3A_12 = arith.constant 0 : index
    %swap3A_13 = vector.load %arg9[%swap3A_11, %swap3A_12] : memref<2048x64xf32, #tpu.memory_space<vmem>>, vector<2048x64xf32>
    tpu.vector_store %arg9[%swap3A_11, %swap3A_12], %get3A_10 {strides = array<i32>} : memref<2048x64xf32, #tpu.memory_space<vmem>>, vector<2048x64xf32>,
    %iota3A = tpu.iota {dimensions = array<i32: 1>} : vector<1x2048xi32>
    %mul3A = arith.constant 2 : i32
    %mul3A_14 = arith.muli %mul3A, %arg0 : i32
    %add3A = arith.constant 0 : i32
    %add3A_15 = arith.addi %mul3A_14, %add3A : i32
    %get3A_16 = arith.index_cast %add3A_15 : i32 to index
    %get3A_17 = arith.constant 0 : index
    %get3A_18 = memref.load %arg1[%get3A_16, %get3A_17] : memref<16x40xi32, #tpu.memory_space<smem>>
    %get3A_19 = arith.constant 0 : index
    %get3A_20 = arith.index_cast %get3A_18 : i32 to index
    %get3A_21 = arith.constant 0 : index
    %get3A_22 = vector.load %arg3[%get3A_19, %get3A_20, %get3A_21] : memref<2x2048x64xf32, #tpu.memory_space<vmem>>, vector<1x1x64xf32>
    %get3A_23 = vector.shape_cast %get3A_22 : vector<1x1x64xf32> to vector<1x64xf32>
    %swap3A_24 = arith.constant 0 : index
    %swap3A_25 = arith.constant 0 : index
    %swap3A_26 = vector.load %arg10[%swap3A_24, %swap3A_25] : memref<40x64xf32, #tpu.memory_space<vmem>>, vector<1x64xf32>
    tpu.vector_store %arg10[%swap3A_24, %swap3A_25], %get3A_23 {strides = array<i32>} : memref<40x64xf32, #tpu.memory_space<vmem>>, vector<1x64xf32>,
    %get3A_27 = arith.constant 0 : index
    %get3A_28 = arith.index_cast %get3A_18 : i32 to index
    %get3A_29 = memref.load %arg2[%get3A_27, %get3A_28] : memref<1x2048xf32, #tpu.memory_space<smem>>
    %le3A = vector.broadcast %get3A_18 : i32 to vector<1x2048xi32>
    %le3A_30 = arith.cmpi sle, %iota3A, %le3A : vector<1x2048xi32>
    %ne3A = arith.constant 0.000000e+00 : f32
    %ne3A_31 = arith.cmpf one, %get3A_29, %ne3A : f32
    %and3A = vector.broadcast %ne3A_31 : i1 to vector<1x2048xi1>
    %and3A_32 = arith.andi %le3A_30, %and3A : vector<1x2048xi1>
    %convert_element_type3A = arith.extui %and3A_32 : vector<1x2048xi1> to vector<1x2048xi32>
    %convert_element_type3A_33 = arith.sitofp %convert_element_type3A : vector<1x2048xi32> to vector<1x2048xf32>
    %swap3A_34 = arith.constant 0 : index
    %swap3A_35 = arith.constant 0 : index
    %swap3A_36 = vector.load %arg11[%swap3A_34, %swap3A_35] : memref<40x2048xf32, #tpu.memory_space<vmem>>, vector<1x2048xf32>
    tpu.vector_store %arg11[%swap3A_34, %swap3A_35], %convert_element_type3A_33 {strides = array<i32>} : memref<40x2048xf32, #tpu.memory_space<vmem>>, vector<1x2048xf32>,
    %get3A_37 = arith.index_cast %add3A_15 : i32 to index
    %get3A_38 = arith.constant 1 : index
    %get3A_39 = memref.load %arg1[%get3A_37, %get3A_38] : memref<16x40xi32, #tpu.memory_space<smem>>
    %get3A_40 = arith.constant 0 : index
    %get3A_41 = arith.index_cast %get3A_39 : i32 to index
    %get3A_42 = arith.constant 0 : index
    %get3A_43 = vector.load %arg3[%get3A_40, %get3A_41, %get3A_42] : memref<2x2048x64xf32, #tpu.memory_space<vmem>>, vector<1x1x64xf32>
    %get3A_44 = vector.shape_cast %get3A_43 : vector<1x1x64xf32> to vector<1x64xf32>
    %swap3A_45 = arith.constant 1 : index
    %swap3A_46 = arith.constant 0 : index
    %swap3A_47 = vector.load %arg10[%swap3A_45, %swap3A_46] : memref<40x64xf32, #tpu.memory_space<vmem>>, vector<1x64xf32>
    tpu.vector_store %arg10[%swap3A_45, %swap3A_46], %get3A_44 {strides = array<i32>} : memref<40x64xf32, #tpu.memory_space<vmem>>, vector<1x64xf32>,
    %get3A_48 = arith.constant 0 : index
    %get3A_49 = arith.index_cast %get3A_39 : i32 to index
    %get3A_50 = memref.load %arg2[%get3A_48, %get3A_49] : memref<1x2048xf32, #tpu.memory_space<smem>>
    %le3A_51 = vector.broadcast %get3A_39 : i32 to vector<1x2048xi32>
    %le3A_52 = arith.cmpi sle, %iota3A, %le3A_51 : vector<1x2048xi32>
    %ne3A_53 = arith.constant 0.000000e+00 : f32
    %ne3A_54 = arith.cmpf one, %get3A_50, %ne3A_53 : f32
    %and3A_55 = vector.broadcast %ne3A_54 : i1 to vector<1x2048xi1>
    %and3A_56 = arith.andi %le3A_52, %and3A_55 : vector<1x2048xi1>
    %convert_element_type3A_57 = arith.extui %and3A_56 : vector<1x2048xi1> to vector<1x2048xi32>
    %convert_element_type3A_58 = arith.sitofp %convert_element_type3A_57 : vector<1x2048xi32> to vector<1x2048xf32>
    %swap3A_59 = arith.constant 1 : index
    %swap3A_60 = arith.constant 0 : index
    %swap3A_61 = vector.load %arg11[%swap3A_59, %swap3A_60] : memref<40x2048xf32, #tpu.memory_space<vmem>>, vector<1x2048xf32>
    tpu.vector_store %arg11[%swap3A_59, %swap3A_60], %convert_element_type3A_58 {strides = array<i32>} : memref<40x2048xf32, #tpu.memory_space<vmem>>, vector<1x2048xf32>,
    %get3A_62 = arith.index_cast %add3A_15 : i32 to index
    %get3A_63 = arith.constant 2 : index
    %get3A_64 = memref.load %arg1[%get3A_62, %get3A_63] : memref<16x40xi32, #tpu.memory_space<smem>>
    %get3A_65 = arith.constant 0 : index
    %get3A_66 = arith.index_cast %get3A_64 : i32 to index
    %get3A_67 = arith.constant 0 : index
    %get3A_68 = vector.load %arg3[%get3A_65, %get3A_66, %get3A_67] : memref<2x2048x64xf32, #tpu.memory_space<vmem>>, vector<1x1x64xf32>
    %get3A_69 = vector.shape_cast %get3A_68 : vector<1x1x64xf32> to vector<1x64xf32>
    %swap3A_70 = arith.constant 2 : index
    %swap3A_71 = arith.constant 0 : index
    %swap3A_72 = vector.load %arg10[%swap3A_70, %swap3A_71] : memref<40x64xf32, #tpu.memory_space<vmem>>, vector<1x64xf32>
    tpu.vector_store %arg10[%swap3A_70, %swap3A_71], %get3A_69 {strides = array<i32>} : memref<40x64xf32, #tpu.memory_space<vmem>>, vector<1x64xf32>,
    %get3A_73 = arith.constant 0 : index
    %get3A_74 = arith.index_cast %get3A_64 : i32 to index
    %get3A_75 = memref.load %arg2[%get3A_73, %get3A_74] : memref<1x2048xf32, #tpu.memory_space<smem>>
    %le3A_76 = vector.broadcast %get3A_64 : i32 to vector<1x2048xi32>
    %le3A_77 = arith.cmpi sle, %iota3A, %le3A_76 : vector<1x2048xi32>
    %ne3A_78 = arith.constant 0.000000e+00 : f32
    %ne3A_79 = arith.cmpf one, %get3A_75, %ne3A_78 : f32
    %and3A_80 = vector.broadcast %ne3A_79 : i1 to vector<1x2048xi1>
    %and3A_81 = arith.andi %le3A_77, %and3A_80 : vector<1x2048xi1>
    %convert_element_type3A_82 = arith.extui %and3A_81 : vector<1x2048xi1> to vector<1x2048xi32>
    %convert_element_type3A_83 = arith.sitofp %convert_element_type3A_82 : vector<1x2048xi32> to vector<1x2048xf32>
    %swap3A_84 = arith.constant 2 : index
    %swap3A_85 = arith.constant 0 : index
    %swap3A_86 = vector.load %arg11[%swap3A_84, %swap3A_85] : memref<40x2048xf32, #tpu.memory_space<vmem>>, vector<1x2048xf32>
    tpu.vector_store %arg11[%swap3A_84, %swap3A_85], %convert_element_type3A_83 {strides = array<i32>} : memref<40x2048xf32, #tpu.memory_space<vmem>>, vector<1x2048xf32>,
    %get3A_87 = arith.index_cast %add3A_15 : i32 to index
    %get3A_88 = arith.constant 3 : index
    %get3A_89 = memref.load %arg1[%get3A_87, %get3A_88] : memref<16x40xi32, #tpu.memory_space<smem>>
    %get3A_90 = arith.constant 0 : index
    %get3A_91 = arith.index_cast %get3A_89 : i32 to index
    %get3A_92 = arith.constant 0 : index
    %get3A_93 = vector.load %arg3[%get3A_90, %get3A_91, %get3A_92] : memref<2x2048x64xf32, #tpu.memory_space<vmem>>, vector<1x1x64xf32>
    %get3A_94 = vector.shape_cast %get3A_93 : vector<1x1x64xf32> to vector<1x64xf32>
    %swap3A_95 = arith.constant 3 : index
    %swap3A_96 = arith.constant 0 : index
    %swap3A_97 = vector.load %arg10[%swap3A_95, %swap3A_96] : memref<40x64xf32, #tpu.memory_space<vmem>>, vector<1x64xf32>
    tpu.vector_store %arg10[%swap3A_95, %swap3A_96], %get3A_94 {strides = array<i32>} : memref<40x64xf32, #tpu.memory_space<vmem>>, vector<1x64xf32>,
    %get3A_98 = arith.constant 0 : index
    %get3A_99 = arith.index_cast %get3A_89 : i32 to index
    %get3A_100 = memref.load %arg2[%get3A_98, %get3A_99] : memref<1x2048xf32, #tpu.memory_space<smem>>
    %le3A_101 = vector.broadcast %get3A_89 : i32 to vector<1x2048xi32>
    %le3A_102 = arith.cmpi sle, %iota3A, %le3A_101 : vector<1x2048xi32>
    %ne3A_103 = arith.constant 0.000000e+00 : f32
    %ne3A_104 = arith.cmpf one, %get3A_100, %ne3A_103 : f32
    %and3A_105 = vector.broadcast %ne3A_104 : i1 to vector<1x2048xi1>
    %and3A_106 = arith.andi %le3A_102, %and3A_105 : vector<1x2048xi1>
    %convert_element_type3A_107 = arith.extui %and3A_106 : vector<1x2048xi1> to vector<1x2048xi32>
    %convert_element_type3A_108 = arith.sitofp %convert_element_type3A_107 : vector<1x2048xi32> to vector<1x2048xf32>
    %swap3A_109 = arith.constant 3 : index
    %swap3A_110 = arith.constant 0 : index
    %swap3A_111 = vector.load %arg11[%swap3A_109, %swap3A_110] : memref<40x2048xf32, #tpu.memory_space<vmem>>, vector<1x2048xf32>
    tpu.vector_store %arg11[%swap3A_109, %swap3A_110], %convert_element_type3A_108 {strides = array<i32>} : memref<40x2048xf32, #tpu.memory_space<vmem>>, vector<1x2048xf32>,
    %get3A_112 = arith.index_cast %add3A_15 : i32 to index
    %get3A_113 = arith.constant 4 : index
    %get3A_114 = memref.load %arg1[%get3A_112, %get3A_113] : memref<16x40xi32, #tpu.memory_space<smem>>
    %get3A_115 = arith.constant 0 : index
    %get3A_116 = arith.index_cast %get3A_114 : i32 to index
    %get3A_117 = arith.constant 0 : index
    %get3A_118 = vector.load %arg3[%get3A_115, %get3A_116, %get3A_117] : memref<2x2048x64xf32, #tpu.memory_space<vmem>>, vector<1x1x64xf32>
    %get3A_119 = vector.shape_cast %get3A_118 : vector<1x1x64xf32> to vector<1x64xf32>
    %swap3A_120 = arith.constant 4 : index
    %swap3A_121 = arith.constant 0 : index
    %swap3A_122 = vector.load %arg10[%swap3A_120, %swap3A_121] : memref<40x64xf32, #tpu.memory_space<vmem>>, vector<1x64xf32>
    tpu.vector_store %arg10[%swap3A_120, %swap3A_121], %get3A_119 {strides = array<i32>} : memref<40x64xf32, #tpu.memory_space<vmem>>, vector<1x64xf32>,
    %get3A_123 = arith.constant 0 : index
    %get3A_124 = arith.index_cast %get3A_114 : i32 to index
    %get3A_125 = memref.load %arg2[%get3A_123, %get3A_124] : memref<1x2048xf32, #tpu.memory_space<smem>>
    %le3A_126 = vector.broadcast %get3A_114 : i32 to vector<1x2048xi32>
    %le3A_127 = arith.cmpi sle, %iota3A, %le3A_126 : vector<1x2048xi32>
    %ne3A_128 = arith.constant 0.000000e+00 : f32
    %ne3A_129 = arith.cmpf one, %get3A_125, %ne3A_128 : f32
    %and3A_130 = vector.broadcast %ne3A_129 : i1 to vector<1x2048xi1>
    %and3A_131 = arith.andi %le3A_127, %and3A_130 : vector<1x2048xi1>
    %convert_element_type3A_132 = arith.extui %and3A_131 : vector<1x2048xi1> to vector<1x2048xi32>
    %convert_element_type3A_133 = arith.sitofp %convert_element_type3A_132 : vector<1x2048xi32> to vector<1x2048xf32>
    %swap3A_134 = arith.constant 4 : index
    %swap3A_135 = arith.constant 0 : index
    %swap3A_136 = vector.load %arg11[%swap3A_134, %swap3A_135] : memref<40x2048xf32, #tpu.memory_space<vmem>>, vector<1x2048xf32>
    tpu.vector_store %arg11[%swap3A_134, %swap3A_135], %convert_element_type3A_133 {strides = array<i32>} : memref<40x2048xf32, #tpu.memory_space<vmem>>, vector<1x2048xf32>,
    %get3A_137 = arith.index_cast %add3A_15 : i32 to index
    %get3A_138 = arith.constant 5 : index
    %get3A_139 = memref.load %arg1[%get3A_137, %get3A_138] : memref<16x40xi32, #tpu.memory_space<smem>>
    %get3A_140 = arith.constant 0 : index
    %get3A_141 = arith.index_cast %get3A_139 : i32 to index
    %get3A_142 = arith.constant 0 : index
    %get3A_143 = vector.load %arg3[%get3A_140, %get3A_141, %get3A_142] : memref<2x2048x64xf32, #tpu.memory_space<vmem>>, vector<1x1x64xf32>
    %get3A_144 = vector.shape_cast %get3A_143 : vector<1x1x64xf32> to vector<1x64xf32>
    %swap3A_145 = arith.constant 5 : index
    %swap3A_146 = arith.constant 0 : index
    %swap3A_147 = vector.load %arg10[%swap3A_145, %swap3A_146] : memref<40x64xf32, #tpu.memory_space<vmem>>, vector<1x64xf32>
    tpu.vector_store %arg10[%swap3A_145, %swap3A_146], %get3A_144 {strides = array<i32>} : memref<40x64xf32, #tpu.memory_space<vmem>>, vector<1x64xf32>,
    %get3A_148 = arith.constant 0 : index
    %get3A_149 = arith.index_cast %get3A_139 : i32 to index
    %get3A_150 = memref.load %arg2[%get3A_148, %get3A_149] : memref<1x2048xf32, #tpu.memory_space<smem>>
    %le3A_151 = vector.broadcast %get3A_139 : i32 to vector<1x2048xi32>
    %le3A_152 = arith.cmpi sle, %iota3A, %le3A_151 : vector<1x2048xi32>
    %ne3A_153 = arith.constant 0.000000e+00 : f32
    %ne3A_154 = arith.cmpf one, %get3A_150, %ne3A_153 : f32
    %and3A_155 = vector.broadcast %ne3A_154 : i1 to vector<1x2048xi1>
    %and3A_156 = arith.andi %le3A_152, %and3A_155 : vector<1x2048xi1>
    %convert_element_type3A_157 = arith.extui %and3A_156 : vector<1x2048xi1> to vector<1x2048xi32>
    %convert_element_type3A_158 = arith.sitofp %convert_element_type3A_157 : vector<1x2048xi32> to vector<1x2048xf32>
    %swap3A_159 = arith.constant 5 : index
    %swap3A_160 = arith.constant 0 : index
    %swap3A_161 = vector.load %arg11[%swap3A_159, %swap3A_160] : memref<40x2048xf32, #tpu.memory_space<vmem>>, vector<1x2048xf32>
    tpu.vector_store %arg11[%swap3A_159, %swap3A_160], %convert_element_type3A_158 {strides = array<i32>} : memref<40x2048xf32, #tpu.memory_space<vmem>>, vector<1x2048xf32>,
    %get3A_162 = arith.index_cast %add3A_15 : i32 to index
    %get3A_163 = arith.constant 6 : index
    %get3A_164 = memref.load %arg1[%get3A_162, %get3A_163] : memref<16x40xi32, #tpu.memory_space<smem>>
    %get3A_165 = arith.constant 0 : index
    %get3A_166 = arith.index_cast %get3A_164 : i32 to index
    %get3A_167 = arith.constant 0 : index
    %get3A_168 = vector.load %arg3[%get3A_165, %get3A_166, %get3A_167] : memref<2x2048x64xf32, #tpu.memory_space<vmem>>, vector<1x1x64xf32>
    %get3A_169 = vector.shape_cast %get3A_168 : vector<1x1x64xf32> to vector<1x64xf32>
    %swap3A_170 = arith.constant 6 : index
    %swap3A_171 = arith.constant 0 : index
    %swap3A_172 = vector.load %arg10[%swap3A_170, %swap3A_171] : memref<40x64xf32, #tpu.memory_space<vmem>>, vector<1x64xf32>
    tpu.vector_store %arg10[%swap3A_170, %swap3A_171], %get3A_169 {strides = array<i32>} : memref<40x64xf32, #tpu.memory_space<vmem>>, vector<1x64xf32>,
    %get3A_173 = arith.constant 0 : index
    %get3A_174 = arith.index_cast %get3A_164 : i32 to index
    %get3A_175 = memref.load %arg2[%get3A_173, %get3A_174] : memref<1x2048xf32, #tpu.memory_space<smem>>
    %le3A_176 = vector.broadcast %get3A_164 : i32 to vector<1x2048xi32>
    %le3A_177 = arith.cmpi sle, %iota3A, %le3A_176 : vector<1x2048xi32>
    %ne3A_178 = arith.constant 0.000000e+00 : f32
    %ne3A_179 = arith.cmpf one, %get3A_175, %ne3A_178 : f32
    %and3A_180 = vector.broadcast %ne3A_179 : i1 to vector<1x2048xi1>
    %and3A_181 = arith.andi %le3A_177, %and3A_180 : vector<1x2048xi1>
    %convert_element_type3A_182 = arith.extui %and3A_181 : vector<1x2048xi1> to vector<1x2048xi32>
    %convert_element_type3A_183 = arith.sitofp %convert_element_type3A_182 : vector<1x2048xi32> to vector<1x2048xf32>
    %swap3A_184 = arith.constant 6 : index
    %swap3A_185 = arith.constant 0 : index
    %swap3A_186 = vector.load %arg11[%swap3A_184, %swap3A_185] : memref<40x2048xf32, #tpu.memory_space<vmem>>, vector<1x2048xf32>
    tpu.vector_store %arg11[%swap3A_184, %swap3A_185], %convert_element_type3A_183 {strides = array<i32>} : memref<40x2048xf32, #tpu.memory_space<vmem>>, vector<1x2048xf32>,
    %get3A_187 = arith.index_cast %add3A_15 : i32 to index
    %get3A_188 = arith.constant 7 : index
    %get3A_189 = memref.load %arg1[%get3A_187, %get3A_188] : memref<16x40xi32, #tpu.memory_space<smem>>
    %get3A_190 = arith.constant 0 : index
    %get3A_191 = arith.index_cast %get3A_189 : i32 to index
    %get3A_192 = arith.constant 0 : index
    %get3A_193 = vector.load %arg3[%get3A_190, %get3A_191, %get3A_192] : memref<2x2048x64xf32, #tpu.memory_space<vmem>>, vector<1x1x64xf32>
    %get3A_194 = vector.shape_cast %get3A_193 : vector<1x1x64xf32> to vector<1x64xf32>
    %swap3A_195 = arith.constant 7 : index
    %swap3A_196 = arith.constant 0 : index
    %swap3A_197 = vector.load %arg10[%swap3A_195, %swap3A_196] : memref<40x64xf32, #tpu.memory_space<vmem>>, vector<1x64xf32>
    tpu.vector_store %arg10[%swap3A_195, %swap3A_196], %get3A_194 {strides = array<i32>} : memref<40x64xf32, #tpu.memory_space<vmem>>, vector<1x64xf32>,
    %get3A_198 = arith.constant 0 : index
    %get3A_199 = arith.index_cast %get3A_189 : i32 to index
    %get3A_200 = memref.load %arg2[%get3A_198, %get3A_199] : memref<1x2048xf32, #tpu.memory_space<smem>>
    %le3A_201 = vector.broadcast %get3A_189 : i32 to vector<1x2048xi32>
    %le3A_202 = arith.cmpi sle, %iota3A, %le3A_201 : vector<1x2048xi32>
    %ne3A_203 = arith.constant 0.000000e+00 : f32
    %ne3A_204 = arith.cmpf one, %get3A_200, %ne3A_203 : f32
    %and3A_205 = vector.broadcast %ne3A_204 : i1 to vector<1x2048xi1>
    %and3A_206 = arith.andi %le3A_202, %and3A_205 : vector<1x2048xi1>
    %convert_element_type3A_207 = arith.extui %and3A_206 : vector<1x2048xi1> to vector<1x2048xi32>
    %convert_element_type3A_208 = arith.sitofp %convert_element_type3A_207 : vector<1x2048xi32> to vector<1x2048xf32>
    %swap3A_209 = arith.constant 7 : index
    %swap3A_210 = arith.constant 0 : index
    %swap3A_211 = vector.load %arg11[%swap3A_209, %swap3A_210] : memref<40x2048xf32, #tpu.memory_space<vmem>>, vector<1x2048xf32>
    tpu.vector_store %arg11[%swap3A_209, %swap3A_210], %convert_element_type3A_208 {strides = array<i32>} : memref<40x2048xf32, #tpu.memory_space<vmem>>, vector<1x2048xf32>,
    %get3A_212 = arith.index_cast %add3A_15 : i32 to index
    %get3A_213 = arith.constant 8 : index
    %get3A_214 = memref.load %arg1[%get3A_212, %get3A_213] : memref<16x40xi32, #tpu.memory_space<smem>>
    %get3A_215 = arith.constant 0 : index
    %get3A_216 = arith.index_cast %get3A_214 : i32 to index
    %get3A_217 = arith.constant 0 : index
    %get3A_218 = vector.load %arg3[%get3A_215, %get3A_216, %get3A_217] : memref<2x2048x64xf32, #tpu.memory_space<vmem>>, vector<1x1x64xf32>
    %get3A_219 = vector.shape_cast %get3A_218 : vector<1x1x64xf32> to vector<1x64xf32>
    %swap3A_220 = arith.constant 8 : index
    %swap3A_221 = arith.constant 0 : index
    %swap3A_222 = vector.load %arg10[%swap3A_220, %swap3A_221] : memref<40x64xf32, #tpu.memory_space<vmem>>, vector<1x64xf32>
    tpu.vector_store %arg10[%swap3A_220, %swap3A_221], %get3A_219 {strides = array<i32>} : memref<40x64xf32, #tpu.memory_space<vmem>>, vector<1x64xf32>,
    %get3A_223 = arith.constant 0 : index
    %get3A_224 = arith.index_cast %get3A_214 : i32 to index
    %get3A_225 = memref.load %arg2[%get3A_223, %get3A_224] : memref<1x2048xf32, #tpu.memory_space<smem>>
    %le3A_226 = vector.broadcast %get3A_214 : i32 to vector<1x2048xi32>
    %le3A_227 = arith.cmpi sle, %iota3A, %le3A_226 : vector<1x2048xi32>
    %ne3A_228 = arith.constant 0.000000e+00 : f32
    %ne3A_229 = arith.cmpf one, %get3A_225, %ne3A_228 : f32
    %and3A_230 = vector.broadcast %ne3A_229 : i1 to vector<1x2048xi1>
    %and3A_231 = arith.andi %le3A_227, %and3A_230 : vector<1x2048xi1>
    %convert_element_type3A_232 = arith.extui %and3A_231 : vector<1x2048xi1> to vector<1x2048xi32>
    %convert_element_type3A_233 = arith.sitofp %convert_element_type3A_232 : vector<1x2048xi32> to vector<1x2048xf32>
    %swap3A_234 = arith.constant 8 : index
    %swap3A_235 = arith.constant 0 : index
    %swap3A_236 = vector.load %arg11[%swap3A_234, %swap3A_235] : memref<40x2048xf32, #tpu.memory_space<vmem>>, vector<1x2048xf32>
    tpu.vector_store %arg11[%swap3A_234, %swap3A_235], %convert_element_type3A_233 {strides = array<i32>} : memref<40x2048xf32, #tpu.memory_space<vmem>>, vector<1x2048xf32>,
    %get3A_237 = arith.index_cast %add3A_15 : i32 to index
    %get3A_238 = arith.constant 9 : index
    %get3A_239 = memref.load %arg1[%get3A_237, %get3A_238] : memref<16x40xi32, #tpu.memory_space<smem>>
    %get3A_240 = arith.constant 0 : index
    %get3A_241 = arith.index_cast %get3A_239 : i32 to index
    %get3A_242 = arith.constant 0 : index
    %get3A_243 = vector.load %arg3[%get3A_240, %get3A_241, %get3A_242] : memref<2x2048x64xf32, #tpu.memory_space<vmem>>, vector<1x1x64xf32>
    %get3A_244 = vector.shape_cast %get3A_243 : vector<1x1x64xf32> to vector<1x64xf32>
    %swap3A_245 = arith.constant 9 : index
    %swap3A_246 = arith.constant 0 : index
    %swap3A_247 = vector.load %arg10[%swap3A_245, %swap3A_246] : memref<40x64xf32, #tpu.memory_space<vmem>>, vector<1x64xf32>
    tpu.vector_store %arg10[%swap3A_245, %swap3A_246], %get3A_244 {strides = array<i32>} : memref<40x64xf32, #tpu.memory_space<vmem>>, vector<1x64xf32>,
    %get3A_248 = arith.constant 0 : index
    %get3A_249 = arith.index_cast %get3A_239 : i32 to index
    %get3A_250 = memref.load %arg2[%get3A_248, %get3A_249] : memref<1x2048xf32, #tpu.memory_space<smem>>
    %le3A_251 = vector.broadcast %get3A_239 : i32 to vector<1x2048xi32>
    %le3A_252 = arith.cmpi sle, %iota3A, %le3A_251 : vector<1x2048xi32>
    %ne3A_253 = arith.constant 0.000000e+00 : f32
    %ne3A_254 = arith.cmpf one, %get3A_250, %ne3A_253 : f32
    %and3A_255 = vector.broadcast %ne3A_254 : i1 to vector<1x2048xi1>
    %and3A_256 = arith.andi %le3A_252, %and3A_255 : vector<1x2048xi1>
    %convert_element_type3A_257 = arith.extui %and3A_256 : vector<1x2048xi1> to vector<1x2048xi32>
    %convert_element_type3A_258 = arith.sitofp %convert_element_type3A_257 : vector<1x2048xi32> to vector<1x2048xf32>
    %swap3A_259 = arith.constant 9 : index
    %swap3A_260 = arith.constant 0 : index
    %swap3A_261 = vector.load %arg11[%swap3A_259, %swap3A_260] : memref<40x2048xf32, #tpu.memory_space<vmem>>, vector<1x2048xf32>
    tpu.vector_store %arg11[%swap3A_259, %swap3A_260], %convert_element_type3A_258 {strides = array<i32>} : memref<40x2048xf32, #tpu.memory_space<vmem>>, vector<1x2048xf32>,
    %get3A_262 = arith.index_cast %add3A_15 : i32 to index
    %get3A_263 = arith.constant 10 : index
    %get3A_264 = memref.load %arg1[%get3A_262, %get3A_263] : memref<16x40xi32, #tpu.memory_space<smem>>
    %get3A_265 = arith.constant 0 : index
    %get3A_266 = arith.index_cast %get3A_264 : i32 to index
    %get3A_267 = arith.constant 0 : index
    %get3A_268 = vector.load %arg3[%get3A_265, %get3A_266, %get3A_267] : memref<2x2048x64xf32, #tpu.memory_space<vmem>>, vector<1x1x64xf32>
    %get3A_269 = vector.shape_cast %get3A_268 : vector<1x1x64xf32> to vector<1x64xf32>
    %swap3A_270 = arith.constant 10 : index
    %swap3A_271 = arith.constant 0 : index
    %swap3A_272 = vector.load %arg10[%swap3A_270, %swap3A_271] : memref<40x64xf32, #tpu.memory_space<vmem>>, vector<1x64xf32>
    tpu.vector_store %arg10[%swap3A_270, %swap3A_271], %get3A_269 {strides = array<i32>} : memref<40x64xf32, #tpu.memory_space<vmem>>, vector<1x64xf32>,
    %get3A_273 = arith.constant 0 : index
    %get3A_274 = arith.index_cast %get3A_264 : i32 to index
    %get3A_275 = memref.load %arg2[%get3A_273, %get3A_274] : memref<1x2048xf32, #tpu.memory_space<smem>>
    %le3A_276 = vector.broadcast %get3A_264 : i32 to vector<1x2048xi32>
    %le3A_277 = arith.cmpi sle, %iota3A, %le3A_276 : vector<1x2048xi32>
    %ne3A_278 = arith.constant 0.000000e+00 : f32
    %ne3A_279 = arith.cmpf one, %get3A_275, %ne3A_278 : f32
    %and3A_280 = vector.broadcast %ne3A_279 : i1 to vector<1x2048xi1>
    %and3A_281 = arith.andi %le3A_277, %and3A_280 : vector<1x2048xi1>
    %convert_element_type3A_282 = arith.extui %and3A_281 : vector<1x2048xi1> to vector<1x2048xi32>
    %convert_element_type3A_283 = arith.sitofp %convert_element_type3A_282 : vector<1x2048xi32> to vector<1x2048xf32>
    %swap3A_284 = arith.constant 10 : index
    %swap3A_285 = arith.constant 0 : index
    %swap3A_286 = vector.load %arg11[%swap3A_284, %swap3A_285] : memref<40x2048xf32, #tpu.memory_space<vmem>>, vector<1x2048xf32>
    tpu.vector_store %arg11[%swap3A_284, %swap3A_285], %convert_element_type3A_283 {strides = array<i32>} : memref<40x2048xf32, #tpu.memory_space<vmem>>, vector<1x2048xf32>,
    %get3A_287 = arith.index_cast %add3A_15 : i32 to index
    %get3A_288 = arith.constant 11 : index
    %get3A_289 = memref.load %arg1[%get3A_287, %get3A_288] : memref<16x40xi32, #tpu.memory_space<smem>>
    %get3A_290 = arith.constant 0 : index
    %get3A_291 = arith.index_cast %get3A_289 : i32 to index
    %get3A_292 = arith.constant 0 : index
    %get3A_293 = vector.load %arg3[%get3A_290, %get3A_291, %get3A_292] : memref<2x2048x64xf32, #tpu.memory_space<vmem>>, vector<1x1x64xf32>
    %get3A_294 = vector.shape_cast %get3A_293 : vector<1x1x64xf32> to vector<1x64xf32>
    %swap3A_295 = arith.constant 11 : index
    %swap3A_296 = arith.constant 0 : index
    %swap3A_297 = vector.load %arg10[%swap3A_295, %swap3A_296] : memref<40x64xf32, #tpu.memory_space<vmem>>, vector<1x64xf32>
    tpu.vector_store %arg10[%swap3A_295, %swap3A_296], %get3A_294 {strides = array<i32>} : memref<40x64xf32, #tpu.memory_space<vmem>>, vector<1x64xf32>,
    %get3A_298 = arith.constant 0 : index
    %get3A_299 = arith.index_cast %get3A_289 : i32 to index
    %get3A_300 = memref.load %arg2[%get3A_298, %get3A_299] : memref<1x2048xf32, #tpu.memory_space<smem>>
    %le3A_301 = vector.broadcast %get3A_289 : i32 to vector<1x2048xi32>
    %le3A_302 = arith.cmpi sle, %iota3A, %le3A_301 : vector<1x2048xi32>
    %ne3A_303 = arith.constant 0.000000e+00 : f32
    %ne3A_304 = arith.cmpf one, %get3A_300, %ne3A_303 : f32
    %and3A_305 = vector.broadcast %ne3A_304 : i1 to vector<1x2048xi1>
    %and3A_306 = arith.andi %le3A_302, %and3A_305 : vector<1x2048xi1>
    %convert_element_type3A_307 = arith.extui %and3A_306 : vector<1x2048xi1> to vector<1x2048xi32>
    %convert_element_type3A_308 = arith.sitofp %convert_element_type3A_307 : vector<1x2048xi32> to vector<1x2048xf32>
    %swap3A_309 = arith.constant 11 : index
    %swap3A_310 = arith.constant 0 : index
    %swap3A_311 = vector.load %arg11[%swap3A_309, %swap3A_310] : memref<40x2048xf32, #tpu.memory_space<vmem>>, vector<1x2048xf32>
    tpu.vector_store %arg11[%swap3A_309, %swap3A_310], %convert_element_type3A_308 {strides = array<i32>} : memref<40x2048xf32, #tpu.memory_space<vmem>>, vector<1x2048xf32>,
    %get3A_312 = arith.index_cast %add3A_15 : i32 to index
    %get3A_313 = arith.constant 12 : index
    %get3A_314 = memref.load %arg1[%get3A_312, %get3A_313] : memref<16x40xi32, #tpu.memory_space<smem>>
    %get3A_315 = arith.constant 0 : index
    %get3A_316 = arith.index_cast %get3A_314 : i32 to index
    %get3A_317 = arith.constant 0 : index
    %get3A_318 = vector.load %arg3[%get3A_315, %get3A_316, %get3A_317] : memref<2x2048x64xf32, #tpu.memory_space<vmem>>, vector<1x1x64xf32>
    %get3A_319 = vector.shape_cast %get3A_318 : vector<1x1x64xf32> to vector<1x64xf32>
    %swap3A_320 = arith.constant 12 : index
    %swap3A_321 = arith.constant 0 : index
    %swap3A_322 = vector.load %arg10[%swap3A_320, %swap3A_321] : memref<40x64xf32, #tpu.memory_space<vmem>>, vector<1x64xf32>
    tpu.vector_store %arg10[%swap3A_320, %swap3A_321], %get3A_319 {strides = array<i32>} : memref<40x64xf32, #tpu.memory_space<vmem>>, vector<1x64xf32>,
    %get3A_323 = arith.constant 0 : index
    %get3A_324 = arith.index_cast %get3A_314 : i32 to index
    %get3A_325 = memref.load %arg2[%get3A_323, %get3A_324] : memref<1x2048xf32, #tpu.memory_space<smem>>
    %le3A_326 = vector.broadcast %get3A_314 : i32 to vector<1x2048xi32>
    %le3A_327 = arith.cmpi sle, %iota3A, %le3A_326 : vector<1x2048xi32>
    %ne3A_328 = arith.constant 0.000000e+00 : f32
    %ne3A_329 = arith.cmpf one, %get3A_325, %ne3A_328 : f32
    %and3A_330 = vector.broadcast %ne3A_329 : i1 to vector<1x2048xi1>
    %and3A_331 = arith.andi %le3A_327, %and3A_330 : vector<1x2048xi1>
    %convert_element_type3A_332 = arith.extui %and3A_331 : vector<1x2048xi1> to vector<1x2048xi32>
    %convert_element_type3A_333 = arith.sitofp %convert_element_type3A_332 : vector<1x2048xi32> to vector<1x2048xf32>
    %swap3A_334 = arith.constant 12 : index
    %swap3A_335 = arith.constant 0 : index
    %swap3A_336 = vector.load %arg11[%swap3A_334, %swap3A_335] : memref<40x2048xf32, #tpu.memory_space<vmem>>, vector<1x2048xf32>
    tpu.vector_store %arg11[%swap3A_334, %swap3A_335], %convert_element_type3A_333 {strides = array<i32>} : memref<40x2048xf32, #tpu.memory_space<vmem>>, vector<1x2048xf32>,
    %get3A_337 = arith.index_cast %add3A_15 : i32 to index
    %get3A_338 = arith.constant 13 : index
    %get3A_339 = memref.load %arg1[%get3A_337, %get3A_338] : memref<16x40xi32, #tpu.memory_space<smem>>
    %get3A_340 = arith.constant 0 : index
    %get3A_341 = arith.index_cast %get3A_339 : i32 to index
    %get3A_342 = arith.constant 0 : index
    %get3A_343 = vector.load %arg3[%get3A_340, %get3A_341, %get3A_342] : memref<2x2048x64xf32, #tpu.memory_space<vmem>>, vector<1x1x64xf32>
    %get3A_344 = vector.shape_cast %get3A_343 : vector<1x1x64xf32> to vector<1x64xf32>
    %swap3A_345 = arith.constant 13 : index
    %swap3A_346 = arith.constant 0 : index
    %swap3A_347 = vector.load %arg10[%swap3A_345, %swap3A_346] : memref<40x64xf32, #tpu.memory_space<vmem>>, vector<1x64xf32>
    tpu.vector_store %arg10[%swap3A_345, %swap3A_346], %get3A_344 {strides = array<i32>} : memref<40x64xf32, #tpu.memory_space<vmem>>, vector<1x64xf32>,
    %get3A_348 = arith.constant 0 : index
    %get3A_349 = arith.index_cast %get3A_339 : i32 to index
    %get3A_350 = memref.load %arg2[%get3A_348, %get3A_349] : memref<1x2048xf32, #tpu.memory_space<smem>>
    %le3A_351 = vector.broadcast %get3A_339 : i32 to vector<1x2048xi32>
    %le3A_352 = arith.cmpi sle, %iota3A, %le3A_351 : vector<1x2048xi32>
    %ne3A_353 = arith.constant 0.000000e+00 : f32
    %ne3A_354 = arith.cmpf one, %get3A_350, %ne3A_353 : f32
    %and3A_355 = vector.broadcast %ne3A_354 : i1 to vector<1x2048xi1>
    %and3A_356 = arith.andi %le3A_352, %and3A_355 : vector<1x2048xi1>
    %convert_element_type3A_357 = arith.extui %and3A_356 : vector<1x2048xi1> to vector<1x2048xi32>
    %convert_element_type3A_358 = arith.sitofp %convert_element_type3A_357 : vector<1x2048xi32> to vector<1x2048xf32>
    %swap3A_359 = arith.constant 13 : index
    %swap3A_360 = arith.constant 0 : index
    %swap3A_361 = vector.load %arg11[%swap3A_359, %swap3A_360] : memref<40x2048xf32, #tpu.memory_space<vmem>>, vector<1x2048xf32>
    tpu.vector_store %arg11[%swap3A_359, %swap3A_360], %convert_element_type3A_358 {strides = array<i32>} : memref<40x2048xf32, #tpu.memory_space<vmem>>, vector<1x2048xf32>,
    %get3A_362 = arith.index_cast %add3A_15 : i32 to index
    %get3A_363 = arith.constant 14 : index
    %get3A_364 = memref.load %arg1[%get3A_362, %get3A_363] : memref<16x40xi32, #tpu.memory_space<smem>>
    %get3A_365 = arith.constant 0 : index
    %get3A_366 = arith.index_cast %get3A_364 : i32 to index
    %get3A_367 = arith.constant 0 : index
    %get3A_368 = vector.load %arg3[%get3A_365, %get3A_366, %get3A_367] : memref<2x2048x64xf32, #tpu.memory_space<vmem>>, vector<1x1x64xf32>
    %get3A_369 = vector.shape_cast %get3A_368 : vector<1x1x64xf32> to vector<1x64xf32>
    %swap3A_370 = arith.constant 14 : index
    %swap3A_371 = arith.constant 0 : index
    %swap3A_372 = vector.load %arg10[%swap3A_370, %swap3A_371] : memref<40x64xf32, #tpu.memory_space<vmem>>, vector<1x64xf32>
    tpu.vector_store %arg10[%swap3A_370, %swap3A_371], %get3A_369 {strides = array<i32>} : memref<40x64xf32, #tpu.memory_space<vmem>>, vector<1x64xf32>,
    %get3A_373 = arith.constant 0 : index
    %get3A_374 = arith.index_cast %get3A_364 : i32 to index
    %get3A_375 = memref.load %arg2[%get3A_373, %get3A_374] : memref<1x2048xf32, #tpu.memory_space<smem>>
    %le3A_376 = vector.broadcast %get3A_364 : i32 to vector<1x2048xi32>
    %le3A_377 = arith.cmpi sle, %iota3A, %le3A_376 : vector<1x2048xi32>
    %ne3A_378 = arith.constant 0.000000e+00 : f32
    %ne3A_379 = arith.cmpf one, %get3A_375, %ne3A_378 : f32
    %and3A_380 = vector.broadcast %ne3A_379 : i1 to vector<1x2048xi1>
    %and3A_381 = arith.andi %le3A_377, %and3A_380 : vector<1x2048xi1>
    %convert_element_type3A_382 = arith.extui %and3A_381 : vector<1x2048xi1> to vector<1x2048xi32>
    %convert_element_type3A_383 = arith.sitofp %convert_element_type3A_382 : vector<1x2048xi32> to vector<1x2048xf32>
    %swap3A_384 = arith.constant 14 : index
    %swap3A_385 = arith.constant 0 : index
    %swap3A_386 = vector.load %arg11[%swap3A_384, %swap3A_385] : memref<40x2048xf32, #tpu.memory_space<vmem>>, vector<1x2048xf32>
    tpu.vector_store %arg11[%swap3A_384, %swap3A_385], %convert_element_type3A_383 {strides = array<i32>} : memref<40x2048xf32, #tpu.memory_space<vmem>>, vector<1x2048xf32>,
    %get3A_387 = arith.index_cast %add3A_15 : i32 to index
    %get3A_388 = arith.constant 15 : index
    %get3A_389 = memref.load %arg1[%get3A_387, %get3A_388] : memref<16x40xi32, #tpu.memory_space<smem>>
    %get3A_390 = arith.constant 0 : index
    %get3A_391 = arith.index_cast %get3A_389 : i32 to index
    %get3A_392 = arith.constant 0 : index
    %get3A_393 = vector.load %arg3[%get3A_390, %get3A_391, %get3A_392] : memref<2x2048x64xf32, #tpu.memory_space<vmem>>, vector<1x1x64xf32>
    %get3A_394 = vector.shape_cast %get3A_393 : vector<1x1x64xf32> to vector<1x64xf32>
    %swap3A_395 = arith.constant 15 : index
    %swap3A_396 = arith.constant 0 : index
    %swap3A_397 = vector.load %arg10[%swap3A_395, %swap3A_396] : memref<40x64xf32, #tpu.memory_space<vmem>>, vector<1x64xf32>
    tpu.vector_store %arg10[%swap3A_395, %swap3A_396], %get3A_394 {strides = array<i32>} : memref<40x64xf32, #tpu.memory_space<vmem>>, vector<1x64xf32>,
    %get3A_398 = arith.constant 0 : index
    %get3A_399 = arith.index_cast %get3A_389 : i32 to index
    %get3A_400 = memref.load %arg2[%get3A_398, %get3A_399] : memref<1x2048xf32, #tpu.memory_space<smem>>
    %le3A_401 = vector.broadcast %get3A_389 : i32 to vector<1x2048xi32>
    %le3A_402 = arith.cmpi sle, %iota3A, %le3A_401 : vector<1x2048xi32>
    %ne3A_403 = arith.constant 0.000000e+00 : f32
    %ne3A_404 = arith.cmpf one, %get3A_400, %ne3A_403 : f32
    %and3A_405 = vector.broadcast %ne3A_404 : i1 to vector<1x2048xi1>
    %and3A_406 = arith.andi %le3A_402, %and3A_405 : vector<1x2048xi1>
    %convert_element_type3A_407 = arith.extui %and3A_406 : vector<1x2048xi1> to vector<1x2048xi32>
    %convert_element_type3A_408 = arith.sitofp %convert_element_type3A_407 : vector<1x2048xi32> to vector<1x2048xf32>
    %swap3A_409 = arith.constant 15 : index
    %swap3A_410 = arith.constant 0 : index
    %swap3A_411 = vector.load %arg11[%swap3A_409, %swap3A_410] : memref<40x2048xf32, #tpu.memory_space<vmem>>, vector<1x2048xf32>
    tpu.vector_store %arg11[%swap3A_409, %swap3A_410], %convert_element_type3A_408 {strides = array<i32>} : memref<40x2048xf32, #tpu.memory_space<vmem>>, vector<1x2048xf32>,
    %get3A_412 = arith.index_cast %add3A_15 : i32 to index
    %get3A_413 = arith.constant 16 : index
    %get3A_414 = memref.load %arg1[%get3A_412, %get3A_413] : memref<16x40xi32, #tpu.memory_space<smem>>
    %get3A_415 = arith.constant 0 : index
    %get3A_416 = arith.index_cast %get3A_414 : i32 to index
    %get3A_417 = arith.constant 0 : index
    %get3A_418 = vector.load %arg3[%get3A_415, %get3A_416, %get3A_417] : memref<2x2048x64xf32, #tpu.memory_space<vmem>>, vector<1x1x64xf32>
    %get3A_419 = vector.shape_cast %get3A_418 : vector<1x1x64xf32> to vector<1x64xf32>
    %swap3A_420 = arith.constant 16 : index
    %swap3A_421 = arith.constant 0 : index
    %swap3A_422 = vector.load %arg10[%swap3A_420, %swap3A_421] : memref<40x64xf32, #tpu.memory_space<vmem>>, vector<1x64xf32>
    tpu.vector_store %arg10[%swap3A_420, %swap3A_421], %get3A_419 {strides = array<i32>} : memref<40x64xf32, #tpu.memory_space<vmem>>, vector<1x64xf32>,
    %get3A_423 = arith.constant 0 : index
    %get3A_424 = arith.index_cast %get3A_414 : i32 to index
    %get3A_425 = memref.load %arg2[%get3A_423, %get3A_424] : memref<1x2048xf32, #tpu.memory_space<smem>>
    %le3A_426 = vector.broadcast %get3A_414 : i32 to vector<1x2048xi32>
    %le3A_427 = arith.cmpi sle, %iota3A, %le3A_426 : vector<1x2048xi32>
    %ne3A_428 = arith.constant 0.000000e+00 : f32
    %ne3A_429 = arith.cmpf one, %get3A_425, %ne3A_428 : f32
    %and3A_430 = vector.broadcast %ne3A_429 : i1 to vector<1x2048xi1>
    %and3A_431 = arith.andi %le3A_427, %and3A_430 : vector<1x2048xi1>
    %convert_element_type3A_432 = arith.extui %and3A_431 : vector<1x2048xi1> to vector<1x2048xi32>
    %convert_element_type3A_433 = arith.sitofp %convert_element_type3A_432 : vector<1x2048xi32> to vector<1x2048xf32>
    %swap3A_434 = arith.constant 16 : index
    %swap3A_435 = arith.constant 0 : index
    %swap3A_436 = vector.load %arg11[%swap3A_434, %swap3A_435] : memref<40x2048xf32, #tpu.memory_space<vmem>>, vector<1x2048xf32>
    tpu.vector_store %arg11[%swap3A_434, %swap3A_435], %convert_element_type3A_433 {strides = array<i32>} : memref<40x2048xf32, #tpu.memory_space<vmem>>, vector<1x2048xf32>,
    %get3A_437 = arith.index_cast %add3A_15 : i32 to index
    %get3A_438 = arith.constant 17 : index
    %get3A_439 = memref.load %arg1[%get3A_437, %get3A_438] : memref<16x40xi32, #tpu.memory_space<smem>>
    %get3A_440 = arith.constant 0 : index
    %get3A_441 = arith.index_cast %get3A_439 : i32 to index
    %get3A_442 = arith.constant 0 : index
    %get3A_443 = vector.load %arg3[%get3A_440, %get3A_441, %get3A_442] : memref<2x2048x64xf32, #tpu.memory_space<vmem>>, vector<1x1x64xf32>
    %get3A_444 = vector.shape_cast %get3A_443 : vector<1x1x64xf32> to vector<1x64xf32>
    %swap3A_445 = arith.constant 17 : index
    %swap3A_446 = arith.constant 0 : index
    %swap3A_447 = vector.load %arg10[%swap3A_445, %swap3A_446] : memref<40x64xf32, #tpu.memory_space<vmem>>, vector<1x64xf32>
    tpu.vector_store %arg10[%swap3A_445, %swap3A_446], %get3A_444 {strides = array<i32>} : memref<40x64xf32, #tpu.memory_space<vmem>>, vector<1x64xf32>,
    %get3A_448 = arith.constant 0 : index
    %get3A_449 = arith.index_cast %get3A_439 : i32 to index
    %get3A_450 = memref.load %arg2[%get3A_448, %get3A_449] : memref<1x2048xf32, #tpu.memory_space<smem>>
    %le3A_451 = vector.broadcast %get3A_439 : i32 to vector<1x2048xi32>
    %le3A_452 = arith.cmpi sle, %iota3A, %le3A_451 : vector<1x2048xi32>
    %ne3A_453 = arith.constant 0.000000e+00 : f32
    %ne3A_454 = arith.cmpf one, %get3A_450, %ne3A_453 : f32
    %and3A_455 = vector.broadcast %ne3A_454 : i1 to vector<1x2048xi1>
    %and3A_456 = arith.andi %le3A_452, %and3A_455 : vector<1x2048xi1>
    %convert_element_type3A_457 = arith.extui %and3A_456 : vector<1x2048xi1> to vector<1x2048xi32>
    %convert_element_type3A_458 = arith.sitofp %convert_element_type3A_457 : vector<1x2048xi32> to vector<1x2048xf32>
    %swap3A_459 = arith.constant 17 : index
    %swap3A_460 = arith.constant 0 : index
    %swap3A_461 = vector.load %arg11[%swap3A_459, %swap3A_460] : memref<40x2048xf32, #tpu.memory_space<vmem>>, vector<1x2048xf32>
    tpu.vector_store %arg11[%swap3A_459, %swap3A_460], %convert_element_type3A_458 {strides = array<i32>} : memref<40x2048xf32, #tpu.memory_space<vmem>>, vector<1x2048xf32>,
    %get3A_462 = arith.index_cast %add3A_15 : i32 to index
    %get3A_463 = arith.constant 18 : index
    %get3A_464 = memref.load %arg1[%get3A_462, %get3A_463] : memref<16x40xi32, #tpu.memory_space<smem>>
    %get3A_465 = arith.constant 0 : index
    %get3A_466 = arith.index_cast %get3A_464 : i32 to index
    %get3A_467 = arith.constant 0 : index
    %get3A_468 = vector.load %arg3[%get3A_465, %get3A_466, %get3A_467] : memref<2x2048x64xf32, #tpu.memory_space<vmem>>, vector<1x1x64xf32>
    %get3A_469 = vector.shape_cast %get3A_468 : vector<1x1x64xf32> to vector<1x64xf32>
    %swap3A_470 = arith.constant 18 : index
    %swap3A_471 = arith.constant 0 : index
    %swap3A_472 = vector.load %arg10[%swap3A_470, %swap3A_471] : memref<40x64xf32, #tpu.memory_space<vmem>>, vector<1x64xf32>
    tpu.vector_store %arg10[%swap3A_470, %swap3A_471], %get3A_469 {strides = array<i32>} : memref<40x64xf32, #tpu.memory_space<vmem>>, vector<1x64xf32>,
    %get3A_473 = arith.constant 0 : index
    %get3A_474 = arith.index_cast %get3A_464 : i32 to index
    %get3A_475 = memref.load %arg2[%get3A_473, %get3A_474] : memref<1x2048xf32, #tpu.memory_space<smem>>
    %le3A_476 = vector.broadcast %get3A_464 : i32 to vector<1x2048xi32>
    %le3A_477 = arith.cmpi sle, %iota3A, %le3A_476 : vector<1x2048xi32>
    %ne3A_478 = arith.constant 0.000000e+00 : f32
    %ne3A_479 = arith.cmpf one, %get3A_475, %ne3A_478 : f32
    %and3A_480 = vector.broadcast %ne3A_479 : i1 to vector<1x2048xi1>
    %and3A_481 = arith.andi %le3A_477, %and3A_480 : vector<1x2048xi1>
    %convert_element_type3A_482 = arith.extui %and3A_481 : vector<1x2048xi1> to vector<1x2048xi32>
    %convert_element_type3A_483 = arith.sitofp %convert_element_type3A_482 : vector<1x2048xi32> to vector<1x2048xf32>
    %swap3A_484 = arith.constant 18 : index
    %swap3A_485 = arith.constant 0 : index
    %swap3A_486 = vector.load %arg11[%swap3A_484, %swap3A_485] : memref<40x2048xf32, #tpu.memory_space<vmem>>, vector<1x2048xf32>
    tpu.vector_store %arg11[%swap3A_484, %swap3A_485], %convert_element_type3A_483 {strides = array<i32>} : memref<40x2048xf32, #tpu.memory_space<vmem>>, vector<1x2048xf32>,
    %get3A_487 = arith.index_cast %add3A_15 : i32 to index
    %get3A_488 = arith.constant 19 : index
    %get3A_489 = memref.load %arg1[%get3A_487, %get3A_488] : memref<16x40xi32, #tpu.memory_space<smem>>
    %get3A_490 = arith.constant 0 : index
    %get3A_491 = arith.index_cast %get3A_489 : i32 to index
    %get3A_492 = arith.constant 0 : index
    %get3A_493 = vector.load %arg3[%get3A_490, %get3A_491, %get3A_492] : memref<2x2048x64xf32, #tpu.memory_space<vmem>>, vector<1x1x64xf32>
    %get3A_494 = vector.shape_cast %get3A_493 : vector<1x1x64xf32> to vector<1x64xf32>
    %swap3A_495 = arith.constant 19 : index
    %swap3A_496 = arith.constant 0 : index
    %swap3A_497 = vector.load %arg10[%swap3A_495, %swap3A_496] : memref<40x64xf32, #tpu.memory_space<vmem>>, vector<1x64xf32>
    tpu.vector_store %arg10[%swap3A_495, %swap3A_496], %get3A_494 {strides = array<i32>} : memref<40x64xf32, #tpu.memory_space<vmem>>, vector<1x64xf32>,
    %get3A_498 = arith.constant 0 : index
    %get3A_499 = arith.index_cast %get3A_489 : i32 to index
    %get3A_500 = memref.load %arg2[%get3A_498, %get3A_499] : memref<1x2048xf32, #tpu.memory_space<smem>>
    %le3A_501 = vector.broadcast %get3A_489 : i32 to vector<1x2048xi32>
    %le3A_502 = arith.cmpi sle, %iota3A, %le3A_501 : vector<1x2048xi32>
    %ne3A_503 = arith.constant 0.000000e+00 : f32
    %ne3A_504 = arith.cmpf one, %get3A_500, %ne3A_503 : f32
    %and3A_505 = vector.broadcast %ne3A_504 : i1 to vector<1x2048xi1>
    %and3A_506 = arith.andi %le3A_502, %and3A_505 : vector<1x2048xi1>
    %convert_element_type3A_507 = arith.extui %and3A_506 : vector<1x2048xi1> to vector<1x2048xi32>
    %convert_element_type3A_508 = arith.sitofp %convert_element_type3A_507 : vector<1x2048xi32> to vector<1x2048xf32>
    %swap3A_509 = arith.constant 19 : index
    %swap3A_510 = arith.constant 0 : index
    %swap3A_511 = vector.load %arg11[%swap3A_509, %swap3A_510] : memref<40x2048xf32, #tpu.memory_space<vmem>>, vector<1x2048xf32>
    tpu.vector_store %arg11[%swap3A_509, %swap3A_510], %convert_element_type3A_508 {strides = array<i32>} : memref<40x2048xf32, #tpu.memory_space<vmem>>, vector<1x2048xf32>,
    %get3A_512 = arith.index_cast %add3A_15 : i32 to index
    %get3A_513 = arith.constant 20 : index
    %get3A_514 = memref.load %arg1[%get3A_512, %get3A_513] : memref<16x40xi32, #tpu.memory_space<smem>>
    %get3A_515 = arith.constant 0 : index
    %get3A_516 = arith.index_cast %get3A_514 : i32 to index
    %get3A_517 = arith.constant 0 : index
    %get3A_518 = vector.load %arg3[%get3A_515, %get3A_516, %get3A_517] : memref<2x2048x64xf32, #tpu.memory_space<vmem>>, vector<1x1x64xf32>
    %get3A_519 = vector.shape_cast %get3A_518 : vector<1x1x64xf32> to vector<1x64xf32>
    %swap3A_520 = arith.constant 20 : index
    %swap3A_521 = arith.constant 0 : index
    %swap3A_522 = vector.load %arg10[%swap3A_520, %swap3A_521] : memref<40x64xf32, #tpu.memory_space<vmem>>, vector<1x64xf32>
    tpu.vector_store %arg10[%swap3A_520, %swap3A_521], %get3A_519 {strides = array<i32>} : memref<40x64xf32, #tpu.memory_space<vmem>>, vector<1x64xf32>,
    %get3A_523 = arith.constant 0 : index
    %get3A_524 = arith.index_cast %get3A_514 : i32 to index
    %get3A_525 = memref.load %arg2[%get3A_523, %get3A_524] : memref<1x2048xf32, #tpu.memory_space<smem>>
    %le3A_526 = vector.broadcast %get3A_514 : i32 to vector<1x2048xi32>
    %le3A_527 = arith.cmpi sle, %iota3A, %le3A_526 : vector<1x2048xi32>
    %ne3A_528 = arith.constant 0.000000e+00 : f32
    %ne3A_529 = arith.cmpf one, %get3A_525, %ne3A_528 : f32
    %and3A_530 = vector.broadcast %ne3A_529 : i1 to vector<1x2048xi1>
    %and3A_531 = arith.andi %le3A_527, %and3A_530 : vector<1x2048xi1>
    %convert_element_type3A_532 = arith.extui %and3A_531 : vector<1x2048xi1> to vector<1x2048xi32>
    %convert_element_type3A_533 = arith.sitofp %convert_element_type3A_532 : vector<1x2048xi32> to vector<1x2048xf32>
    %swap3A_534 = arith.constant 20 : index
    %swap3A_535 = arith.constant 0 : index
    %swap3A_536 = vector.load %arg11[%swap3A_534, %swap3A_535] : memref<40x2048xf32, #tpu.memory_space<vmem>>, vector<1x2048xf32>
    tpu.vector_store %arg11[%swap3A_534, %swap3A_535], %convert_element_type3A_533 {strides = array<i32>} : memref<40x2048xf32, #tpu.memory_space<vmem>>, vector<1x2048xf32>,
    %get3A_537 = arith.index_cast %add3A_15 : i32 to index
    %get3A_538 = arith.constant 21 : index
    %get3A_539 = memref.load %arg1[%get3A_537, %get3A_538] : memref<16x40xi32, #tpu.memory_space<smem>>
    %get3A_540 = arith.constant 0 : index
    %get3A_541 = arith.index_cast %get3A_539 : i32 to index
    %get3A_542 = arith.constant 0 : index
    %get3A_543 = vector.load %arg3[%get3A_540, %get3A_541, %get3A_542] : memref<2x2048x64xf32, #tpu.memory_space<vmem>>, vector<1x1x64xf32>
    %get3A_544 = vector.shape_cast %get3A_543 : vector<1x1x64xf32> to vector<1x64xf32>
    %swap3A_545 = arith.constant 21 : index
    %swap3A_546 = arith.constant 0 : index
    %swap3A_547 = vector.load %arg10[%swap3A_545, %swap3A_546] : memref<40x64xf32, #tpu.memory_space<vmem>>, vector<1x64xf32>
    tpu.vector_store %arg10[%swap3A_545, %swap3A_546], %get3A_544 {strides = array<i32>} : memref<40x64xf32, #tpu.memory_space<vmem>>, vector<1x64xf32>,
    %get3A_548 = arith.constant 0 : index
    %get3A_549 = arith.index_cast %get3A_539 : i32 to index
    %get3A_550 = memref.load %arg2[%get3A_548, %get3A_549] : memref<1x2048xf32, #tpu.memory_space<smem>>
    %le3A_551 = vector.broadcast %get3A_539 : i32 to vector<1x2048xi32>
    %le3A_552 = arith.cmpi sle, %iota3A, %le3A_551 : vector<1x2048xi32>
    %ne3A_553 = arith.constant 0.000000e+00 : f32
    %ne3A_554 = arith.cmpf one, %get3A_550, %ne3A_553 : f32
    %and3A_555 = vector.broadcast %ne3A_554 : i1 to vector<1x2048xi1>
    %and3A_556 = arith.andi %le3A_552, %and3A_555 : vector<1x2048xi1>
    %convert_element_type3A_557 = arith.extui %and3A_556 : vector<1x2048xi1> to vector<1x2048xi32>
    %convert_element_type3A_558 = arith.sitofp %convert_element_type3A_557 : vector<1x2048xi32> to vector<1x2048xf32>
    %swap3A_559 = arith.constant 21 : index
    %swap3A_560 = arith.constant 0 : index
    %swap3A_561 = vector.load %arg11[%swap3A_559, %swap3A_560] : memref<40x2048xf32, #tpu.memory_space<vmem>>, vector<1x2048xf32>
    tpu.vector_store %arg11[%swap3A_559, %swap3A_560], %convert_element_type3A_558 {strides = array<i32>} : memref<40x2048xf32, #tpu.memory_space<vmem>>, vector<1x2048xf32>,
    %get3A_562 = arith.index_cast %add3A_15 : i32 to index
    %get3A_563 = arith.constant 22 : index
    %get3A_564 = memref.load %arg1[%get3A_562, %get3A_563] : memref<16x40xi32, #tpu.memory_space<smem>>
    %get3A_565 = arith.constant 0 : index
    %get3A_566 = arith.index_cast %get3A_564 : i32 to index
    %get3A_567 = arith.constant 0 : index
    %get3A_568 = vector.load %arg3[%get3A_565, %get3A_566, %get3A_567] : memref<2x2048x64xf32, #tpu.memory_space<vmem>>, vector<1x1x64xf32>
    %get3A_569 = vector.shape_cast %get3A_568 : vector<1x1x64xf32> to vector<1x64xf32>
    %swap3A_570 = arith.constant 22 : index
    %swap3A_571 = arith.constant 0 : index
    %swap3A_572 = vector.load %arg10[%swap3A_570, %swap3A_571] : memref<40x64xf32, #tpu.memory_space<vmem>>, vector<1x64xf32>
    tpu.vector_store %arg10[%swap3A_570, %swap3A_571], %get3A_569 {strides = array<i32>} : memref<40x64xf32, #tpu.memory_space<vmem>>, vector<1x64xf32>,
    %get3A_573 = arith.constant 0 : index
    %get3A_574 = arith.index_cast %get3A_564 : i32 to index
    %get3A_575 = memref.load %arg2[%get3A_573, %get3A_574] : memref<1x2048xf32, #tpu.memory_space<smem>>
    %le3A_576 = vector.broadcast %get3A_564 : i32 to vector<1x2048xi32>
    %le3A_577 = arith.cmpi sle, %iota3A, %le3A_576 : vector<1x2048xi32>
    %ne3A_578 = arith.constant 0.000000e+00 : f32
    %ne3A_579 = arith.cmpf one, %get3A_575, %ne3A_578 : f32
    %and3A_580 = vector.broadcast %ne3A_579 : i1 to vector<1x2048xi1>
    %and3A_581 = arith.andi %le3A_577, %and3A_580 : vector<1x2048xi1>
    %convert_element_type3A_582 = arith.extui %and3A_581 : vector<1x2048xi1> to vector<1x2048xi32>
    %convert_element_type3A_583 = arith.sitofp %convert_element_type3A_582 : vector<1x2048xi32> to vector<1x2048xf32>
    %swap3A_584 = arith.constant 22 : index
    %swap3A_585 = arith.constant 0 : index
    %swap3A_586 = vector.load %arg11[%swap3A_584, %swap3A_585] : memref<40x2048xf32, #tpu.memory_space<vmem>>, vector<1x2048xf32>
    tpu.vector_store %arg11[%swap3A_584, %swap3A_585], %convert_element_type3A_583 {strides = array<i32>} : memref<40x2048xf32, #tpu.memory_space<vmem>>, vector<1x2048xf32>,
    %get3A_587 = arith.index_cast %add3A_15 : i32 to index
    %get3A_588 = arith.constant 23 : index
    %get3A_589 = memref.load %arg1[%get3A_587, %get3A_588] : memref<16x40xi32, #tpu.memory_space<smem>>
    %get3A_590 = arith.constant 0 : index
    %get3A_591 = arith.index_cast %get3A_589 : i32 to index
    %get3A_592 = arith.constant 0 : index
    %get3A_593 = vector.load %arg3[%get3A_590, %get3A_591, %get3A_592] : memref<2x2048x64xf32, #tpu.memory_space<vmem>>, vector<1x1x64xf32>
    %get3A_594 = vector.shape_cast %get3A_593 : vector<1x1x64xf32> to vector<1x64xf32>
    %swap3A_595 = arith.constant 23 : index
    %swap3A_596 = arith.constant 0 : index
    %swap3A_597 = vector.load %arg10[%swap3A_595, %swap3A_596] : memref<40x64xf32, #tpu.memory_space<vmem>>, vector<1x64xf32>
    tpu.vector_store %arg10[%swap3A_595, %swap3A_596], %get3A_594 {strides = array<i32>} : memref<40x64xf32, #tpu.memory_space<vmem>>, vector<1x64xf32>,
    %get3A_598 = arith.constant 0 : index
    %get3A_599 = arith.index_cast %get3A_589 : i32 to index
    %get3A_600 = memref.load %arg2[%get3A_598, %get3A_599] : memref<1x2048xf32, #tpu.memory_space<smem>>
    %le3A_601 = vector.broadcast %get3A_589 : i32 to vector<1x2048xi32>
    %le3A_602 = arith.cmpi sle, %iota3A, %le3A_601 : vector<1x2048xi32>
    %ne3A_603 = arith.constant 0.000000e+00 : f32
    %ne3A_604 = arith.cmpf one, %get3A_600, %ne3A_603 : f32
    %and3A_605 = vector.broadcast %ne3A_604 : i1 to vector<1x2048xi1>
    %and3A_606 = arith.andi %le3A_602, %and3A_605 : vector<1x2048xi1>
    %convert_element_type3A_607 = arith.extui %and3A_606 : vector<1x2048xi1> to vector<1x2048xi32>
    %convert_element_type3A_608 = arith.sitofp %convert_element_type3A_607 : vector<1x2048xi32> to vector<1x2048xf32>
    %swap3A_609 = arith.constant 23 : index
    %swap3A_610 = arith.constant 0 : index
    %swap3A_611 = vector.load %arg11[%swap3A_609, %swap3A_610] : memref<40x2048xf32, #tpu.memory_space<vmem>>, vector<1x2048xf32>
    tpu.vector_store %arg11[%swap3A_609, %swap3A_610], %convert_element_type3A_608 {strides = array<i32>} : memref<40x2048xf32, #tpu.memory_space<vmem>>, vector<1x2048xf32>,
    %get3A_612 = arith.index_cast %add3A_15 : i32 to index
    %get3A_613 = arith.constant 24 : index
    %get3A_614 = memref.load %arg1[%get3A_612, %get3A_613] : memref<16x40xi32, #tpu.memory_space<smem>>
    %get3A_615 = arith.constant 0 : index
    %get3A_616 = arith.index_cast %get3A_614 : i32 to index
    %get3A_617 = arith.constant 0 : index
    %get3A_618 = vector.load %arg3[%get3A_615, %get3A_616, %get3A_617] : memref<2x2048x64xf32, #tpu.memory_space<vmem>>, vector<1x1x64xf32>
    %get3A_619 = vector.shape_cast %get3A_618 : vector<1x1x64xf32> to vector<1x64xf32>
    %swap3A_620 = arith.constant 24 : index
    %swap3A_621 = arith.constant 0 : index
    %swap3A_622 = vector.load %arg10[%swap3A_620, %swap3A_621] : memref<40x64xf32, #tpu.memory_space<vmem>>, vector<1x64xf32>
    tpu.vector_store %arg10[%swap3A_620, %swap3A_621], %get3A_619 {strides = array<i32>} : memref<40x64xf32, #tpu.memory_space<vmem>>, vector<1x64xf32>,
    %get3A_623 = arith.constant 0 : index
    %get3A_624 = arith.index_cast %get3A_614 : i32 to index
    %get3A_625 = memref.load %arg2[%get3A_623, %get3A_624] : memref<1x2048xf32, #tpu.memory_space<smem>>
    %le3A_626 = vector.broadcast %get3A_614 : i32 to vector<1x2048xi32>
    %le3A_627 = arith.cmpi sle, %iota3A, %le3A_626 : vector<1x2048xi32>
    %ne3A_628 = arith.constant 0.000000e+00 : f32
    %ne3A_629 = arith.cmpf one, %get3A_625, %ne3A_628 : f32
    %and3A_630 = vector.broadcast %ne3A_629 : i1 to vector<1x2048xi1>
    %and3A_631 = arith.andi %le3A_627, %and3A_630 : vector<1x2048xi1>
    %convert_element_type3A_632 = arith.extui %and3A_631 : vector<1x2048xi1> to vector<1x2048xi32>
    %convert_element_type3A_633 = arith.sitofp %convert_element_type3A_632 : vector<1x2048xi32> to vector<1x2048xf32>
    %swap3A_634 = arith.constant 24 : index
    %swap3A_635 = arith.constant 0 : index
    %swap3A_636 = vector.load %arg11[%swap3A_634, %swap3A_635] : memref<40x2048xf32, #tpu.memory_space<vmem>>, vector<1x2048xf32>
    tpu.vector_store %arg11[%swap3A_634, %swap3A_635], %convert_element_type3A_633 {strides = array<i32>} : memref<40x2048xf32, #tpu.memory_space<vmem>>, vector<1x2048xf32>,
    %get3A_637 = arith.index_cast %add3A_15 : i32 to index
    %get3A_638 = arith.constant 25 : index
    %get3A_639 = memref.load %arg1[%get3A_637, %get3A_638] : memref<16x40xi32, #tpu.memory_space<smem>>
    %get3A_640 = arith.constant 0 : index
    %get3A_641 = arith.index_cast %get3A_639 : i32 to index
    %get3A_642 = arith.constant 0 : index
    %get3A_643 = vector.load %arg3[%get3A_640, %get3A_641, %get3A_642] : memref<2x2048x64xf32, #tpu.memory_space<vmem>>, vector<1x1x64xf32>
    %get3A_644 = vector.shape_cast %get3A_643 : vector<1x1x64xf32> to vector<1x64xf32>
    %swap3A_645 = arith.constant 25 : index
    %swap3A_646 = arith.constant 0 : index
    %swap3A_647 = vector.load %arg10[%swap3A_645, %swap3A_646] : memref<40x64xf32, #tpu.memory_space<vmem>>, vector<1x64xf32>
    tpu.vector_store %arg10[%swap3A_645, %swap3A_646], %get3A_644 {strides = array<i32>} : memref<40x64xf32, #tpu.memory_space<vmem>>, vector<1x64xf32>,
    %get3A_648 = arith.constant 0 : index
    %get3A_649 = arith.index_cast %get3A_639 : i32 to index
    %get3A_650 = memref.load %arg2[%get3A_648, %get3A_649] : memref<1x2048xf32, #tpu.memory_space<smem>>
    %le3A_651 = vector.broadcast %get3A_639 : i32 to vector<1x2048xi32>
    %le3A_652 = arith.cmpi sle, %iota3A, %le3A_651 : vector<1x2048xi32>
    %ne3A_653 = arith.constant 0.000000e+00 : f32
    %ne3A_654 = arith.cmpf one, %get3A_650, %ne3A_653 : f32
    %and3A_655 = vector.broadcast %ne3A_654 : i1 to vector<1x2048xi1>
    %and3A_656 = arith.andi %le3A_652, %and3A_655 : vector<1x2048xi1>
    %convert_element_type3A_657 = arith.extui %and3A_656 : vector<1x2048xi1> to vector<1x2048xi32>
    %convert_element_type3A_658 = arith.sitofp %convert_element_type3A_657 : vector<1x2048xi32> to vector<1x2048xf32>
    %swap3A_659 = arith.constant 25 : index
    %swap3A_660 = arith.constant 0 : index
    %swap3A_661 = vector.load %arg11[%swap3A_659, %swap3A_660] : memref<40x2048xf32, #tpu.memory_space<vmem>>, vector<1x2048xf32>
    tpu.vector_store %arg11[%swap3A_659, %swap3A_660], %convert_element_type3A_658 {strides = array<i32>} : memref<40x2048xf32, #tpu.memory_space<vmem>>, vector<1x2048xf32>,
    %get3A_662 = arith.index_cast %add3A_15 : i32 to index
    %get3A_663 = arith.constant 26 : index
    %get3A_664 = memref.load %arg1[%get3A_662, %get3A_663] : memref<16x40xi32, #tpu.memory_space<smem>>
    %get3A_665 = arith.constant 0 : index
    %get3A_666 = arith.index_cast %get3A_664 : i32 to index
    %get3A_667 = arith.constant 0 : index
    %get3A_668 = vector.load %arg3[%get3A_665, %get3A_666, %get3A_667] : memref<2x2048x64xf32, #tpu.memory_space<vmem>>, vector<1x1x64xf32>
    %get3A_669 = vector.shape_cast %get3A_668 : vector<1x1x64xf32> to vector<1x64xf32>
    %swap3A_670 = arith.constant 26 : index
    %swap3A_671 = arith.constant 0 : index
    %swap3A_672 = vector.load %arg10[%swap3A_670, %swap3A_671] : memref<40x64xf32, #tpu.memory_space<vmem>>, vector<1x64xf32>
    tpu.vector_store %arg10[%swap3A_670, %swap3A_671], %get3A_669 {strides = array<i32>} : memref<40x64xf32, #tpu.memory_space<vmem>>, vector<1x64xf32>,
    %get3A_673 = arith.constant 0 : index
    %get3A_674 = arith.index_cast %get3A_664 : i32 to index
    %get3A_675 = memref.load %arg2[%get3A_673, %get3A_674] : memref<1x2048xf32, #tpu.memory_space<smem>>
    %le3A_676 = vector.broadcast %get3A_664 : i32 to vector<1x2048xi32>
    %le3A_677 = arith.cmpi sle, %iota3A, %le3A_676 : vector<1x2048xi32>
    %ne3A_678 = arith.constant 0.000000e+00 : f32
    %ne3A_679 = arith.cmpf one, %get3A_675, %ne3A_678 : f32
    %and3A_680 = vector.broadcast %ne3A_679 : i1 to vector<1x2048xi1>
    %and3A_681 = arith.andi %le3A_677, %and3A_680 : vector<1x2048xi1>
    %convert_element_type3A_682 = arith.extui %and3A_681 : vector<1x2048xi1> to vector<1x2048xi32>
    %convert_element_type3A_683 = arith.sitofp %convert_element_type3A_682 : vector<1x2048xi32> to vector<1x2048xf32>
    %swap3A_684 = arith.constant 26 : index
    %swap3A_685 = arith.constant 0 : index
    %swap3A_686 = vector.load %arg11[%swap3A_684, %swap3A_685] : memref<40x2048xf32, #tpu.memory_space<vmem>>, vector<1x2048xf32>
    tpu.vector_store %arg11[%swap3A_684, %swap3A_685], %convert_element_type3A_683 {strides = array<i32>} : memref<40x2048xf32, #tpu.memory_space<vmem>>, vector<1x2048xf32>,
    %get3A_687 = arith.index_cast %add3A_15 : i32 to index
    %get3A_688 = arith.constant 27 : index
    %get3A_689 = memref.load %arg1[%get3A_687, %get3A_688] : memref<16x40xi32, #tpu.memory_space<smem>>
    %get3A_690 = arith.constant 0 : index
    %get3A_691 = arith.index_cast %get3A_689 : i32 to index
    %get3A_692 = arith.constant 0 : index
    %get3A_693 = vector.load %arg3[%get3A_690, %get3A_691, %get3A_692] : memref<2x2048x64xf32, #tpu.memory_space<vmem>>, vector<1x1x64xf32>
    %get3A_694 = vector.shape_cast %get3A_693 : vector<1x1x64xf32> to vector<1x64xf32>
    %swap3A_695 = arith.constant 27 : index
    %swap3A_696 = arith.constant 0 : index
    %swap3A_697 = vector.load %arg10[%swap3A_695, %swap3A_696] : memref<40x64xf32, #tpu.memory_space<vmem>>, vector<1x64xf32>
    tpu.vector_store %arg10[%swap3A_695, %swap3A_696], %get3A_694 {strides = array<i32>} : memref<40x64xf32, #tpu.memory_space<vmem>>, vector<1x64xf32>,
    %get3A_698 = arith.constant 0 : index
    %get3A_699 = arith.index_cast %get3A_689 : i32 to index
    %get3A_700 = memref.load %arg2[%get3A_698, %get3A_699] : memref<1x2048xf32, #tpu.memory_space<smem>>
    %le3A_701 = vector.broadcast %get3A_689 : i32 to vector<1x2048xi32>
    %le3A_702 = arith.cmpi sle, %iota3A, %le3A_701 : vector<1x2048xi32>
    %ne3A_703 = arith.constant 0.000000e+00 : f32
    %ne3A_704 = arith.cmpf one, %get3A_700, %ne3A_703 : f32
    %and3A_705 = vector.broadcast %ne3A_704 : i1 to vector<1x2048xi1>
    %and3A_706 = arith.andi %le3A_702, %and3A_705 : vector<1x2048xi1>
    %convert_element_type3A_707 = arith.extui %and3A_706 : vector<1x2048xi1> to vector<1x2048xi32>
    %convert_element_type3A_708 = arith.sitofp %convert_element_type3A_707 : vector<1x2048xi32> to vector<1x2048xf32>
    %swap3A_709 = arith.constant 27 : index
    %swap3A_710 = arith.constant 0 : index
    %swap3A_711 = vector.load %arg11[%swap3A_709, %swap3A_710] : memref<40x2048xf32, #tpu.memory_space<vmem>>, vector<1x2048xf32>
    tpu.vector_store %arg11[%swap3A_709, %swap3A_710], %convert_element_type3A_708 {strides = array<i32>} : memref<40x2048xf32, #tpu.memory_space<vmem>>, vector<1x2048xf32>,
    %get3A_712 = arith.index_cast %add3A_15 : i32 to index
    %get3A_713 = arith.constant 28 : index
    %get3A_714 = memref.load %arg1[%get3A_712, %get3A_713] : memref<16x40xi32, #tpu.memory_space<smem>>
    %get3A_715 = arith.constant 0 : index
    %get3A_716 = arith.index_cast %get3A_714 : i32 to index
    %get3A_717 = arith.constant 0 : index
    %get3A_718 = vector.load %arg3[%get3A_715, %get3A_716, %get3A_717] : memref<2x2048x64xf32, #tpu.memory_space<vmem>>, vector<1x1x64xf32>
    %get3A_719 = vector.shape_cast %get3A_718 : vector<1x1x64xf32> to vector<1x64xf32>
    %swap3A_720 = arith.constant 28 : index
    %swap3A_721 = arith.constant 0 : index
    %swap3A_722 = vector.load %arg10[%swap3A_720, %swap3A_721] : memref<40x64xf32, #tpu.memory_space<vmem>>, vector<1x64xf32>
    tpu.vector_store %arg10[%swap3A_720, %swap3A_721], %get3A_719 {strides = array<i32>} : memref<40x64xf32, #tpu.memory_space<vmem>>, vector<1x64xf32>,
    %get3A_723 = arith.constant 0 : index
    %get3A_724 = arith.index_cast %get3A_714 : i32 to index
    %get3A_725 = memref.load %arg2[%get3A_723, %get3A_724] : memref<1x2048xf32, #tpu.memory_space<smem>>
    %le3A_726 = vector.broadcast %get3A_714 : i32 to vector<1x2048xi32>
    %le3A_727 = arith.cmpi sle, %iota3A, %le3A_726 : vector<1x2048xi32>
    %ne3A_728 = arith.constant 0.000000e+00 : f32
    %ne3A_729 = arith.cmpf one, %get3A_725, %ne3A_728 : f32
    %and3A_730 = vector.broadcast %ne3A_729 : i1 to vector<1x2048xi1>
    %and3A_731 = arith.andi %le3A_727, %and3A_730 : vector<1x2048xi1>
    %convert_element_type3A_732 = arith.extui %and3A_731 : vector<1x2048xi1> to vector<1x2048xi32>
    %convert_element_type3A_733 = arith.sitofp %convert_element_type3A_732 : vector<1x2048xi32> to vector<1x2048xf32>
    %swap3A_734 = arith.constant 28 : index
    %swap3A_735 = arith.constant 0 : index
    %swap3A_736 = vector.load %arg11[%swap3A_734, %swap3A_735] : memref<40x2048xf32, #tpu.memory_space<vmem>>, vector<1x2048xf32>
    tpu.vector_store %arg11[%swap3A_734, %swap3A_735], %convert_element_type3A_733 {strides = array<i32>} : memref<40x2048xf32, #tpu.memory_space<vmem>>, vector<1x2048xf32>,
    %get3A_737 = arith.index_cast %add3A_15 : i32 to index
    %get3A_738 = arith.constant 29 : index
    %get3A_739 = memref.load %arg1[%get3A_737, %get3A_738] : memref<16x40xi32, #tpu.memory_space<smem>>
    %get3A_740 = arith.constant 0 : index
    %get3A_741 = arith.index_cast %get3A_739 : i32 to index
    %get3A_742 = arith.constant 0 : index
    %get3A_743 = vector.load %arg3[%get3A_740, %get3A_741, %get3A_742] : memref<2x2048x64xf32, #tpu.memory_space<vmem>>, vector<1x1x64xf32>
    %get3A_744 = vector.shape_cast %get3A_743 : vector<1x1x64xf32> to vector<1x64xf32>
    %swap3A_745 = arith.constant 29 : index
    %swap3A_746 = arith.constant 0 : index
    %swap3A_747 = vector.load %arg10[%swap3A_745, %swap3A_746] : memref<40x64xf32, #tpu.memory_space<vmem>>, vector<1x64xf32>
    tpu.vector_store %arg10[%swap3A_745, %swap3A_746], %get3A_744 {strides = array<i32>} : memref<40x64xf32, #tpu.memory_space<vmem>>, vector<1x64xf32>,
    %get3A_748 = arith.constant 0 : index
    %get3A_749 = arith.index_cast %get3A_739 : i32 to index
    %get3A_750 = memref.load %arg2[%get3A_748, %get3A_749] : memref<1x2048xf32, #tpu.memory_space<smem>>
    %le3A_751 = vector.broadcast %get3A_739 : i32 to vector<1x2048xi32>
    %le3A_752 = arith.cmpi sle, %iota3A, %le3A_751 : vector<1x2048xi32>
    %ne3A_753 = arith.constant 0.000000e+00 : f32
    %ne3A_754 = arith.cmpf one, %get3A_750, %ne3A_753 : f32
    %and3A_755 = vector.broadcast %ne3A_754 : i1 to vector<1x2048xi1>
    %and3A_756 = arith.andi %le3A_752, %and3A_755 : vector<1x2048xi1>
    %convert_element_type3A_757 = arith.extui %and3A_756 : vector<1x2048xi1> to vector<1x2048xi32>
    %convert_element_type3A_758 = arith.sitofp %convert_element_type3A_757 : vector<1x2048xi32> to vector<1x2048xf32>
    %swap3A_759 = arith.constant 29 : index
    %swap3A_760 = arith.constant 0 : index
    %swap3A_761 = vector.load %arg11[%swap3A_759, %swap3A_760] : memref<40x2048xf32, #tpu.memory_space<vmem>>, vector<1x2048xf32>
    tpu.vector_store %arg11[%swap3A_759, %swap3A_760], %convert_element_type3A_758 {strides = array<i32>} : memref<40x2048xf32, #tpu.memory_space<vmem>>, vector<1x2048xf32>,
    %get3A_762 = arith.index_cast %add3A_15 : i32 to index
    %get3A_763 = arith.constant 30 : index
    %get3A_764 = memref.load %arg1[%get3A_762, %get3A_763] : memref<16x40xi32, #tpu.memory_space<smem>>
    %get3A_765 = arith.constant 0 : index
    %get3A_766 = arith.index_cast %get3A_764 : i32 to index
    %get3A_767 = arith.constant 0 : index
    %get3A_768 = vector.load %arg3[%get3A_765, %get3A_766, %get3A_767] : memref<2x2048x64xf32, #tpu.memory_space<vmem>>, vector<1x1x64xf32>
    %get3A_769 = vector.shape_cast %get3A_768 : vector<1x1x64xf32> to vector<1x64xf32>
    %swap3A_770 = arith.constant 30 : index
    %swap3A_771 = arith.constant 0 : index
    %swap3A_772 = vector.load %arg10[%swap3A_770, %swap3A_771] : memref<40x64xf32, #tpu.memory_space<vmem>>, vector<1x64xf32>
    tpu.vector_store %arg10[%swap3A_770, %swap3A_771], %get3A_769 {strides = array<i32>} : memref<40x64xf32, #tpu.memory_space<vmem>>, vector<1x64xf32>,
    %get3A_773 = arith.constant 0 : index
    %get3A_774 = arith.index_cast %get3A_764 : i32 to index
    %get3A_775 = memref.load %arg2[%get3A_773, %get3A_774] : memref<1x2048xf32, #tpu.memory_space<smem>>
    %le3A_776 = vector.broadcast %get3A_764 : i32 to vector<1x2048xi32>
    %le3A_777 = arith.cmpi sle, %iota3A, %le3A_776 : vector<1x2048xi32>
    %ne3A_778 = arith.constant 0.000000e+00 : f32
    %ne3A_779 = arith.cmpf one, %get3A_775, %ne3A_778 : f32
    %and3A_780 = vector.broadcast %ne3A_779 : i1 to vector<1x2048xi1>
    %and3A_781 = arith.andi %le3A_777, %and3A_780 : vector<1x2048xi1>
    %convert_element_type3A_782 = arith.extui %and3A_781 : vector<1x2048xi1> to vector<1x2048xi32>
    %convert_element_type3A_783 = arith.sitofp %convert_element_type3A_782 : vector<1x2048xi32> to vector<1x2048xf32>
    %swap3A_784 = arith.constant 30 : index
    %swap3A_785 = arith.constant 0 : index
    %swap3A_786 = vector.load %arg11[%swap3A_784, %swap3A_785] : memref<40x2048xf32, #tpu.memory_space<vmem>>, vector<1x2048xf32>
    tpu.vector_store %arg11[%swap3A_784, %swap3A_785], %convert_element_type3A_783 {strides = array<i32>} : memref<40x2048xf32, #tpu.memory_space<vmem>>, vector<1x2048xf32>,
    %get3A_787 = arith.index_cast %add3A_15 : i32 to index
    %get3A_788 = arith.constant 31 : index
    %get3A_789 = memref.load %arg1[%get3A_787, %get3A_788] : memref<16x40xi32, #tpu.memory_space<smem>>
    %get3A_790 = arith.constant 0 : index
    %get3A_791 = arith.index_cast %get3A_789 : i32 to index
    %get3A_792 = arith.constant 0 : index
    %get3A_793 = vector.load %arg3[%get3A_790, %get3A_791, %get3A_792] : memref<2x2048x64xf32, #tpu.memory_space<vmem>>, vector<1x1x64xf32>
    %get3A_794 = vector.shape_cast %get3A_793 : vector<1x1x64xf32> to vector<1x64xf32>
    %swap3A_795 = arith.constant 31 : index
    %swap3A_796 = arith.constant 0 : index
    %swap3A_797 = vector.load %arg10[%swap3A_795, %swap3A_796] : memref<40x64xf32, #tpu.memory_space<vmem>>, vector<1x64xf32>
    tpu.vector_store %arg10[%swap3A_795, %swap3A_796], %get3A_794 {strides = array<i32>} : memref<40x64xf32, #tpu.memory_space<vmem>>, vector<1x64xf32>,
    %get3A_798 = arith.constant 0 : index
    %get3A_799 = arith.index_cast %get3A_789 : i32 to index
    %get3A_800 = memref.load %arg2[%get3A_798, %get3A_799] : memref<1x2048xf32, #tpu.memory_space<smem>>
    %le3A_801 = vector.broadcast %get3A_789 : i32 to vector<1x2048xi32>
    %le3A_802 = arith.cmpi sle, %iota3A, %le3A_801 : vector<1x2048xi32>
    %ne3A_803 = arith.constant 0.000000e+00 : f32
    %ne3A_804 = arith.cmpf one, %get3A_800, %ne3A_803 : f32
    %and3A_805 = vector.broadcast %ne3A_804 : i1 to vector<1x2048xi1>
    %and3A_806 = arith.andi %le3A_802, %and3A_805 : vector<1x2048xi1>
    %convert_element_type3A_807 = arith.extui %and3A_806 : vector<1x2048xi1> to vector<1x2048xi32>
    %convert_element_type3A_808 = arith.sitofp %convert_element_type3A_807 : vector<1x2048xi32> to vector<1x2048xf32>
    %swap3A_809 = arith.constant 31 : index
    %swap3A_810 = arith.constant 0 : index
    %swap3A_811 = vector.load %arg11[%swap3A_809, %swap3A_810] : memref<40x2048xf32, #tpu.memory_space<vmem>>, vector<1x2048xf32>
    tpu.vector_store %arg11[%swap3A_809, %swap3A_810], %convert_element_type3A_808 {strides = array<i32>} : memref<40x2048xf32, #tpu.memory_space<vmem>>, vector<1x2048xf32>,
    %get3A_812 = arith.index_cast %add3A_15 : i32 to index
    %get3A_813 = arith.constant 32 : index
    %get3A_814 = memref.load %arg1[%get3A_812, %get3A_813] : memref<16x40xi32, #tpu.memory_space<smem>>
    %get3A_815 = arith.constant 0 : index
    %get3A_816 = arith.index_cast %get3A_814 : i32 to index
    %get3A_817 = arith.constant 0 : index
    %get3A_818 = vector.load %arg3[%get3A_815, %get3A_816, %get3A_817] : memref<2x2048x64xf32, #tpu.memory_space<vmem>>, vector<1x1x64xf32>
    %get3A_819 = vector.shape_cast %get3A_818 : vector<1x1x64xf32> to vector<1x64xf32>
    %swap3A_820 = arith.constant 32 : index
    %swap3A_821 = arith.constant 0 : index
    %swap3A_822 = vector.load %arg10[%swap3A_820, %swap3A_821] : memref<40x64xf32, #tpu.memory_space<vmem>>, vector<1x64xf32>
    tpu.vector_store %arg10[%swap3A_820, %swap3A_821], %get3A_819 {strides = array<i32>} : memref<40x64xf32, #tpu.memory_space<vmem>>, vector<1x64xf32>,
    %get3A_823 = arith.constant 0 : index
    %get3A_824 = arith.index_cast %get3A_814 : i32 to index
    %get3A_825 = memref.load %arg2[%get3A_823, %get3A_824] : memref<1x2048xf32, #tpu.memory_space<smem>>
    %le3A_826 = vector.broadcast %get3A_814 : i32 to vector<1x2048xi32>
    %le3A_827 = arith.cmpi sle, %iota3A, %le3A_826 : vector<1x2048xi32>
    %ne3A_828 = arith.constant 0.000000e+00 : f32
    %ne3A_829 = arith.cmpf one, %get3A_825, %ne3A_828 : f32
    %and3A_830 = vector.broadcast %ne3A_829 : i1 to vector<1x2048xi1>
    %and3A_831 = arith.andi %le3A_827, %and3A_830 : vector<1x2048xi1>
    %convert_element_type3A_832 = arith.extui %and3A_831 : vector<1x2048xi1> to vector<1x2048xi32>
    %convert_element_type3A_833 = arith.sitofp %convert_element_type3A_832 : vector<1x2048xi32> to vector<1x2048xf32>
    %swap3A_834 = arith.constant 32 : index
    %swap3A_835 = arith.constant 0 : index
    %swap3A_836 = vector.load %arg11[%swap3A_834, %swap3A_835] : memref<40x2048xf32, #tpu.memory_space<vmem>>, vector<1x2048xf32>
    tpu.vector_store %arg11[%swap3A_834, %swap3A_835], %convert_element_type3A_833 {strides = array<i32>} : memref<40x2048xf32, #tpu.memory_space<vmem>>, vector<1x2048xf32>,
    %get3A_837 = arith.index_cast %add3A_15 : i32 to index
    %get3A_838 = arith.constant 33 : index
    %get3A_839 = memref.load %arg1[%get3A_837, %get3A_838] : memref<16x40xi32, #tpu.memory_space<smem>>
    %get3A_840 = arith.constant 0 : index
    %get3A_841 = arith.index_cast %get3A_839 : i32 to index
    %get3A_842 = arith.constant 0 : index
    %get3A_843 = vector.load %arg3[%get3A_840, %get3A_841, %get3A_842] : memref<2x2048x64xf32, #tpu.memory_space<vmem>>, vector<1x1x64xf32>
    %get3A_844 = vector.shape_cast %get3A_843 : vector<1x1x64xf32> to vector<1x64xf32>
    %swap3A_845 = arith.constant 33 : index
    %swap3A_846 = arith.constant 0 : index
    %swap3A_847 = vector.load %arg10[%swap3A_845, %swap3A_846] : memref<40x64xf32, #tpu.memory_space<vmem>>, vector<1x64xf32>
    tpu.vector_store %arg10[%swap3A_845, %swap3A_846], %get3A_844 {strides = array<i32>} : memref<40x64xf32, #tpu.memory_space<vmem>>, vector<1x64xf32>,
    %get3A_848 = arith.constant 0 : index
    %get3A_849 = arith.index_cast %get3A_839 : i32 to index
    %get3A_850 = memref.load %arg2[%get3A_848, %get3A_849] : memref<1x2048xf32, #tpu.memory_space<smem>>
    %le3A_851 = vector.broadcast %get3A_839 : i32 to vector<1x2048xi32>
    %le3A_852 = arith.cmpi sle, %iota3A, %le3A_851 : vector<1x2048xi32>
    %ne3A_853 = arith.constant 0.000000e+00 : f32
    %ne3A_854 = arith.cmpf one, %get3A_850, %ne3A_853 : f32
    %and3A_855 = vector.broadcast %ne3A_854 : i1 to vector<1x2048xi1>
    %and3A_856 = arith.andi %le3A_852, %and3A_855 : vector<1x2048xi1>
    %convert_element_type3A_857 = arith.extui %and3A_856 : vector<1x2048xi1> to vector<1x2048xi32>
    %convert_element_type3A_858 = arith.sitofp %convert_element_type3A_857 : vector<1x2048xi32> to vector<1x2048xf32>
    %swap3A_859 = arith.constant 33 : index
    %swap3A_860 = arith.constant 0 : index
    %swap3A_861 = vector.load %arg11[%swap3A_859, %swap3A_860] : memref<40x2048xf32, #tpu.memory_space<vmem>>, vector<1x2048xf32>
    tpu.vector_store %arg11[%swap3A_859, %swap3A_860], %convert_element_type3A_858 {strides = array<i32>} : memref<40x2048xf32, #tpu.memory_space<vmem>>, vector<1x2048xf32>,
    %get3A_862 = arith.index_cast %add3A_15 : i32 to index
    %get3A_863 = arith.constant 34 : index
    %get3A_864 = memref.load %arg1[%get3A_862, %get3A_863] : memref<16x40xi32, #tpu.memory_space<smem>>
    %get3A_865 = arith.constant 0 : index
    %get3A_866 = arith.index_cast %get3A_864 : i32 to index
    %get3A_867 = arith.constant 0 : index
    %get3A_868 = vector.load %arg3[%get3A_865, %get3A_866, %get3A_867] : memref<2x2048x64xf32, #tpu.memory_space<vmem>>, vector<1x1x64xf32>
    %get3A_869 = vector.shape_cast %get3A_868 : vector<1x1x64xf32> to vector<1x64xf32>
    %swap3A_870 = arith.constant 34 : index
    %swap3A_871 = arith.constant 0 : index
    %swap3A_872 = vector.load %arg10[%swap3A_870, %swap3A_871] : memref<40x64xf32, #tpu.memory_space<vmem>>, vector<1x64xf32>
    tpu.vector_store %arg10[%swap3A_870, %swap3A_871], %get3A_869 {strides = array<i32>} : memref<40x64xf32, #tpu.memory_space<vmem>>, vector<1x64xf32>,
    %get3A_873 = arith.constant 0 : index
    %get3A_874 = arith.index_cast %get3A_864 : i32 to index
    %get3A_875 = memref.load %arg2[%get3A_873, %get3A_874] : memref<1x2048xf32, #tpu.memory_space<smem>>
    %le3A_876 = vector.broadcast %get3A_864 : i32 to vector<1x2048xi32>
    %le3A_877 = arith.cmpi sle, %iota3A, %le3A_876 : vector<1x2048xi32>
    %ne3A_878 = arith.constant 0.000000e+00 : f32
    %ne3A_879 = arith.cmpf one, %get3A_875, %ne3A_878 : f32
    %and3A_880 = vector.broadcast %ne3A_879 : i1 to vector<1x2048xi1>
    %and3A_881 = arith.andi %le3A_877, %and3A_880 : vector<1x2048xi1>
    %convert_element_type3A_882 = arith.extui %and3A_881 : vector<1x2048xi1> to vector<1x2048xi32>
    %convert_element_type3A_883 = arith.sitofp %convert_element_type3A_882 : vector<1x2048xi32> to vector<1x2048xf32>
    %swap3A_884 = arith.constant 34 : index
    %swap3A_885 = arith.constant 0 : index
    %swap3A_886 = vector.load %arg11[%swap3A_884, %swap3A_885] : memref<40x2048xf32, #tpu.memory_space<vmem>>, vector<1x2048xf32>
    tpu.vector_store %arg11[%swap3A_884, %swap3A_885], %convert_element_type3A_883 {strides = array<i32>} : memref<40x2048xf32, #tpu.memory_space<vmem>>, vector<1x2048xf32>,
    %get3A_887 = arith.index_cast %add3A_15 : i32 to index
    %get3A_888 = arith.constant 35 : index
    %get3A_889 = memref.load %arg1[%get3A_887, %get3A_888] : memref<16x40xi32, #tpu.memory_space<smem>>
    %get3A_890 = arith.constant 0 : index
    %get3A_891 = arith.index_cast %get3A_889 : i32 to index
    %get3A_892 = arith.constant 0 : index
    %get3A_893 = vector.load %arg3[%get3A_890, %get3A_891, %get3A_892] : memref<2x2048x64xf32, #tpu.memory_space<vmem>>, vector<1x1x64xf32>
    %get3A_894 = vector.shape_cast %get3A_893 : vector<1x1x64xf32> to vector<1x64xf32>
    %swap3A_895 = arith.constant 35 : index
    %swap3A_896 = arith.constant 0 : index
    %swap3A_897 = vector.load %arg10[%swap3A_895, %swap3A_896] : memref<40x64xf32, #tpu.memory_space<vmem>>, vector<1x64xf32>
    tpu.vector_store %arg10[%swap3A_895, %swap3A_896], %get3A_894 {strides = array<i32>} : memref<40x64xf32, #tpu.memory_space<vmem>>, vector<1x64xf32>,
    %get3A_898 = arith.constant 0 : index
    %get3A_899 = arith.index_cast %get3A_889 : i32 to index
    %get3A_900 = memref.load %arg2[%get3A_898, %get3A_899] : memref<1x2048xf32, #tpu.memory_space<smem>>
    %le3A_901 = vector.broadcast %get3A_889 : i32 to vector<1x2048xi32>
    %le3A_902 = arith.cmpi sle, %iota3A, %le3A_901 : vector<1x2048xi32>
    %ne3A_903 = arith.constant 0.000000e+00 : f32
    %ne3A_904 = arith.cmpf one, %get3A_900, %ne3A_903 : f32
    %and3A_905 = vector.broadcast %ne3A_904 : i1 to vector<1x2048xi1>
    %and3A_906 = arith.andi %le3A_902, %and3A_905 : vector<1x2048xi1>
    %convert_element_type3A_907 = arith.extui %and3A_906 : vector<1x2048xi1> to vector<1x2048xi32>
    %convert_element_type3A_908 = arith.sitofp %convert_element_type3A_907 : vector<1x2048xi32> to vector<1x2048xf32>
    %swap3A_909 = arith.constant 35 : index
    %swap3A_910 = arith.constant 0 : index
    %swap3A_911 = vector.load %arg11[%swap3A_909, %swap3A_910] : memref<40x2048xf32, #tpu.memory_space<vmem>>, vector<1x2048xf32>
    tpu.vector_store %arg11[%swap3A_909, %swap3A_910], %convert_element_type3A_908 {strides = array<i32>} : memref<40x2048xf32, #tpu.memory_space<vmem>>, vector<1x2048xf32>,
    %get3A_912 = arith.index_cast %add3A_15 : i32 to index
    %get3A_913 = arith.constant 36 : index
    %get3A_914 = memref.load %arg1[%get3A_912, %get3A_913] : memref<16x40xi32, #tpu.memory_space<smem>>
    %get3A_915 = arith.constant 0 : index
    %get3A_916 = arith.index_cast %get3A_914 : i32 to index
    %get3A_917 = arith.constant 0 : index
    %get3A_918 = vector.load %arg3[%get3A_915, %get3A_916, %get3A_917] : memref<2x2048x64xf32, #tpu.memory_space<vmem>>, vector<1x1x64xf32>
    %get3A_919 = vector.shape_cast %get3A_918 : vector<1x1x64xf32> to vector<1x64xf32>
    %swap3A_920 = arith.constant 36 : index
    %swap3A_921 = arith.constant 0 : index
    %swap3A_922 = vector.load %arg10[%swap3A_920, %swap3A_921] : memref<40x64xf32, #tpu.memory_space<vmem>>, vector<1x64xf32>
    tpu.vector_store %arg10[%swap3A_920, %swap3A_921], %get3A_919 {strides = array<i32>} : memref<40x64xf32, #tpu.memory_space<vmem>>, vector<1x64xf32>,
    %get3A_923 = arith.constant 0 : index
    %get3A_924 = arith.index_cast %get3A_914 : i32 to index
    %get3A_925 = memref.load %arg2[%get3A_923, %get3A_924] : memref<1x2048xf32, #tpu.memory_space<smem>>
    %le3A_926 = vector.broadcast %get3A_914 : i32 to vector<1x2048xi32>
    %le3A_927 = arith.cmpi sle, %iota3A, %le3A_926 : vector<1x2048xi32>
    %ne3A_928 = arith.constant 0.000000e+00 : f32
    %ne3A_929 = arith.cmpf one, %get3A_925, %ne3A_928 : f32
    %and3A_930 = vector.broadcast %ne3A_929 : i1 to vector<1x2048xi1>
    %and3A_931 = arith.andi %le3A_927, %and3A_930 : vector<1x2048xi1>
    %convert_element_type3A_932 = arith.extui %and3A_931 : vector<1x2048xi1> to vector<1x2048xi32>
    %convert_element_type3A_933 = arith.sitofp %convert_element_type3A_932 : vector<1x2048xi32> to vector<1x2048xf32>
    %swap3A_934 = arith.constant 36 : index
    %swap3A_935 = arith.constant 0 : index
    %swap3A_936 = vector.load %arg11[%swap3A_934, %swap3A_935] : memref<40x2048xf32, #tpu.memory_space<vmem>>, vector<1x2048xf32>
    tpu.vector_store %arg11[%swap3A_934, %swap3A_935], %convert_element_type3A_933 {strides = array<i32>} : memref<40x2048xf32, #tpu.memory_space<vmem>>, vector<1x2048xf32>,
    %get3A_937 = arith.index_cast %add3A_15 : i32 to index
    %get3A_938 = arith.constant 37 : index
    %get3A_939 = memref.load %arg1[%get3A_937, %get3A_938] : memref<16x40xi32, #tpu.memory_space<smem>>
    %get3A_940 = arith.constant 0 : index
    %get3A_941 = arith.index_cast %get3A_939 : i32 to index
    %get3A_942 = arith.constant 0 : index
    %get3A_943 = vector.load %arg3[%get3A_940, %get3A_941, %get3A_942] : memref<2x2048x64xf32, #tpu.memory_space<vmem>>, vector<1x1x64xf32>
    %get3A_944 = vector.shape_cast %get3A_943 : vector<1x1x64xf32> to vector<1x64xf32>
    %swap3A_945 = arith.constant 37 : index
    %swap3A_946 = arith.constant 0 : index
    %swap3A_947 = vector.load %arg10[%swap3A_945, %swap3A_946] : memref<40x64xf32, #tpu.memory_space<vmem>>, vector<1x64xf32>
    tpu.vector_store %arg10[%swap3A_945, %swap3A_946], %get3A_944 {strides = array<i32>} : memref<40x64xf32, #tpu.memory_space<vmem>>, vector<1x64xf32>,
    %get3A_948 = arith.constant 0 : index
    %get3A_949 = arith.index_cast %get3A_939 : i32 to index
    %get3A_950 = memref.load %arg2[%get3A_948, %get3A_949] : memref<1x2048xf32, #tpu.memory_space<smem>>
    %le3A_951 = vector.broadcast %get3A_939 : i32 to vector<1x2048xi32>
    %le3A_952 = arith.cmpi sle, %iota3A, %le3A_951 : vector<1x2048xi32>
    %ne3A_953 = arith.constant 0.000000e+00 : f32
    %ne3A_954 = arith.cmpf one, %get3A_950, %ne3A_953 : f32
    %and3A_955 = vector.broadcast %ne3A_954 : i1 to vector<1x2048xi1>
    %and3A_956 = arith.andi %le3A_952, %and3A_955 : vector<1x2048xi1>
    %convert_element_type3A_957 = arith.extui %and3A_956 : vector<1x2048xi1> to vector<1x2048xi32>
    %convert_element_type3A_958 = arith.sitofp %convert_element_type3A_957 : vector<1x2048xi32> to vector<1x2048xf32>
    %swap3A_959 = arith.constant 37 : index
    %swap3A_960 = arith.constant 0 : index
    %swap3A_961 = vector.load %arg11[%swap3A_959, %swap3A_960] : memref<40x2048xf32, #tpu.memory_space<vmem>>, vector<1x2048xf32>
    tpu.vector_store %arg11[%swap3A_959, %swap3A_960], %convert_element_type3A_958 {strides = array<i32>} : memref<40x2048xf32, #tpu.memory_space<vmem>>, vector<1x2048xf32>,
    %get3A_962 = arith.index_cast %add3A_15 : i32 to index
    %get3A_963 = arith.constant 38 : index
    %get3A_964 = memref.load %arg1[%get3A_962, %get3A_963] : memref<16x40xi32, #tpu.memory_space<smem>>
    %get3A_965 = arith.constant 0 : index
    %get3A_966 = arith.index_cast %get3A_964 : i32 to index
    %get3A_967 = arith.constant 0 : index
    %get3A_968 = vector.load %arg3[%get3A_965, %get3A_966, %get3A_967] : memref<2x2048x64xf32, #tpu.memory_space<vmem>>, vector<1x1x64xf32>
    %get3A_969 = vector.shape_cast %get3A_968 : vector<1x1x64xf32> to vector<1x64xf32>
    %swap3A_970 = arith.constant 38 : index
    %swap3A_971 = arith.constant 0 : index
    %swap3A_972 = vector.load %arg10[%swap3A_970, %swap3A_971] : memref<40x64xf32, #tpu.memory_space<vmem>>, vector<1x64xf32>
    tpu.vector_store %arg10[%swap3A_970, %swap3A_971], %get3A_969 {strides = array<i32>} : memref<40x64xf32, #tpu.memory_space<vmem>>, vector<1x64xf32>,
    %get3A_973 = arith.constant 0 : index
    %get3A_974 = arith.index_cast %get3A_964 : i32 to index
    %get3A_975 = memref.load %arg2[%get3A_973, %get3A_974] : memref<1x2048xf32, #tpu.memory_space<smem>>
    %le3A_976 = vector.broadcast %get3A_964 : i32 to vector<1x2048xi32>
    %le3A_977 = arith.cmpi sle, %iota3A, %le3A_976 : vector<1x2048xi32>
    %ne3A_978 = arith.constant 0.000000e+00 : f32
    %ne3A_979 = arith.cmpf one, %get3A_975, %ne3A_978 : f32
    %and3A_980 = vector.broadcast %ne3A_979 : i1 to vector<1x2048xi1>
    %and3A_981 = arith.andi %le3A_977, %and3A_980 : vector<1x2048xi1>
    %convert_element_type3A_982 = arith.extui %and3A_981 : vector<1x2048xi1> to vector<1x2048xi32>
    %convert_element_type3A_983 = arith.sitofp %convert_element_type3A_982 : vector<1x2048xi32> to vector<1x2048xf32>
    %swap3A_984 = arith.constant 38 : index
    %swap3A_985 = arith.constant 0 : index
    %swap3A_986 = vector.load %arg11[%swap3A_984, %swap3A_985] : memref<40x2048xf32, #tpu.memory_space<vmem>>, vector<1x2048xf32>
    tpu.vector_store %arg11[%swap3A_984, %swap3A_985], %convert_element_type3A_983 {strides = array<i32>} : memref<40x2048xf32, #tpu.memory_space<vmem>>, vector<1x2048xf32>,
    %get3A_987 = arith.index_cast %add3A_15 : i32 to index
    %get3A_988 = arith.constant 39 : index
    %get3A_989 = memref.load %arg1[%get3A_987, %get3A_988] : memref<16x40xi32, #tpu.memory_space<smem>>
    %get3A_990 = arith.constant 0 : index
    %get3A_991 = arith.index_cast %get3A_989 : i32 to index
    %get3A_992 = arith.constant 0 : index
    %get3A_993 = vector.load %arg3[%get3A_990, %get3A_991, %get3A_992] : memref<2x2048x64xf32, #tpu.memory_space<vmem>>, vector<1x1x64xf32>
    %get3A_994 = vector.shape_cast %get3A_993 : vector<1x1x64xf32> to vector<1x64xf32>
    %swap3A_995 = arith.constant 39 : index
    %swap3A_996 = arith.constant 0 : index
    %swap3A_997 = vector.load %arg10[%swap3A_995, %swap3A_996] : memref<40x64xf32, #tpu.memory_space<vmem>>, vector<1x64xf32>
    tpu.vector_store %arg10[%swap3A_995, %swap3A_996], %get3A_994 {strides = array<i32>} : memref<40x64xf32, #tpu.memory_space<vmem>>, vector<1x64xf32>,
    %get3A_998 = arith.constant 0 : index
    %get3A_999 = arith.index_cast %get3A_989 : i32 to index
    %get3A_1000 = memref.load %arg2[%get3A_998, %get3A_999] : memref<1x2048xf32, #tpu.memory_space<smem>>
    %le3A_1001 = vector.broadcast %get3A_989 : i32 to vector<1x2048xi32>
    %le3A_1002 = arith.cmpi sle, %iota3A, %le3A_1001 : vector<1x2048xi32>
    %ne3A_1003 = arith.constant 0.000000e+00 : f32
    %ne3A_1004 = arith.cmpf one, %get3A_1000, %ne3A_1003 : f32
    %and3A_1005 = vector.broadcast %ne3A_1004 : i1 to vector<1x2048xi1>
    %and3A_1006 = arith.andi %le3A_1002, %and3A_1005 : vector<1x2048xi1>
    %convert_element_type3A_1007 = arith.extui %and3A_1006 : vector<1x2048xi1> to vector<1x2048xi32>
    %convert_element_type3A_1008 = arith.sitofp %convert_element_type3A_1007 : vector<1x2048xi32> to vector<1x2048xf32>
    %swap3A_1009 = arith.constant 39 : index
    %swap3A_1010 = arith.constant 0 : index
    %swap3A_1011 = vector.load %arg11[%swap3A_1009, %swap3A_1010] : memref<40x2048xf32, #tpu.memory_space<vmem>>, vector<1x2048xf32>
    tpu.vector_store %arg11[%swap3A_1009, %swap3A_1010], %convert_element_type3A_1008 {strides = array<i32>} : memref<40x2048xf32, #tpu.memory_space<vmem>>, vector<1x2048xf32>,
    %get3A_1012 = arith.constant 0 : index
    %get3A_1013 = arith.constant 0 : index
    %get3A_1014 = vector.load %arg10[%get3A_1012, %get3A_1013] : memref<40x64xf32, #tpu.memory_space<vmem>>, vector<40x64xf32>
    %get3A_1015 = arith.constant 0 : index
    %get3A_1016 = arith.constant 0 : index
    %get3A_1017 = arith.constant 0 : index
    %get3A_1018 = vector.load %arg4[%get3A_1015, %get3A_1016, %get3A_1017] : memref<2x2048x64xf32, #tpu.memory_space<vmem>>, vector<1x2048x64xf32>
    %get3A_1019 = vector.shape_cast %get3A_1018 : vector<1x2048x64xf32> to vector<2048x64xf32>
    %dot_general3A = arith.constant dense<0.000000e+00> : vector<40x2048xf32>
    %dot_general3A_1020 = tpu.matmul %get3A_1014, %get3A_1019, %dot_general3A {dimension_numbers = #tpu.dot_dimension_numbers<[1], [1], [0], [0], [0, 0, 1, 0], [], []>, transpose_lhs_hint = false} : vector<40x64xf32>, vector<2048x64xf32>, vector<40x2048xf32> -> vector<40x2048xf32>
    %mul3A_1021 = arith.constant 3.125000e-02 : f32
    %mul3A_1022 = vector.broadcast %mul3A_1021 : f32 to vector<40x2048xf32>
    %mul3A_1023 = arith.mulf %dot_general3A_1020, %mul3A_1022 : vector<40x2048xf32>
    %get3A_1024 = arith.constant 0 : index
    %get3A_1025 = arith.constant 0 : index
    %get3A_1026 = vector.load %arg11[%get3A_1024, %get3A_1025] : memref<40x2048xf32, #tpu.memory_space<vmem>>, vector<40x2048xf32>
    %gt3A = arith.constant 0.000000e+00 : f32
    %gt3A_1027 = vector.broadcast %gt3A : f32 to vector<40x2048xf32>
    %gt3A_1028 = arith.cmpf ogt, %get3A_1026, %gt3A_1027 : vector<40x2048xf32>
    %jit3A = arith.constant -1.000000e+05 : f32
    %broadcast_in_dim3A = vector.broadcast %jit3A : f32 to vector<40x2048xf32>
    %select_n3A = arith.select %gt3A_1028, %mul3A_1023, %broadcast_in_dim3A : vector<40x2048xi1>, vector<40x2048xf32>
    %reduce_max3A = arith.constant dense<0xFF800000> : vector<40xf32>
    %reduce_max3A_1029 = vector.multi_reduction <maximumf>, %select_n3A, %reduce_max3A [1] : vector<40x2048xf32> to vector<40xf32>
    %broadcast_in_dim3A_1030 = vector.shape_cast %reduce_max3A_1029 : vector<40xf32> to vector<40x1xf32>
    %sub3A = vector.broadcast %broadcast_in_dim3A_1030 : vector<40x1xf32> to vector<40x2048xf32>
    %sub3A_1031 = arith.subf %select_n3A, %sub3A : vector<40x2048xf32>
    %exp3A = math.exp %sub3A_1031 : vector<40x2048xf32>
    %reduce_sum3A = arith.constant dense<0.000000e+00> : vector<40xf32>
    %reduce_sum3A_1032 = vector.multi_reduction <add>, %exp3A, %reduce_sum3A [1] : vector<40x2048xf32> to vector<40xf32>
    %broadcast_in_dim3A_1033 = vector.shape_cast %reduce_sum3A_1032 : vector<40xf32> to vector<40x1xf32>
    %div3A = vector.broadcast %broadcast_in_dim3A_1033 : vector<40x1xf32> to vector<40x2048xf32>
    %div3A_1034 = arith.divf %exp3A, %div3A : vector<40x2048xf32>
    %get3A_1035 = arith.constant 0 : index
    %get3A_1036 = arith.constant 0 : index
    %get3A_1037 = arith.constant 0 : index
    %get3A_1038 = vector.load %arg5[%get3A_1035, %get3A_1036, %get3A_1037] : memref<2x2048x64xf32, #tpu.memory_space<vmem>>, vector<1x2048x64xf32>
    %get3A_1039 = vector.shape_cast %get3A_1038 : vector<1x2048x64xf32> to vector<2048x64xf32>
    %dot_general3A_1040 = arith.constant dense<0.000000e+00> : vector<40x64xf32>
    %dot_general3A_1041 = tpu.matmul %div3A_1034, %get3A_1039, %dot_general3A_1040 {dimension_numbers = #tpu.dot_dimension_numbers<[1], [0], [0], [1], [0, 0, 1, 1], [], []>, transpose_lhs_hint = false} : vector<40x2048xf32>, vector<2048x64xf32>, vector<40x64xf32> -> vector<40x64xf32>
    %get3A_1042 = arith.index_cast %add3A_15 : i32 to index
    %get3A_1043 = arith.constant 0 : index
    %get3A_1044 = memref.load %arg1[%get3A_1042, %get3A_1043] : memref<16x40xi32, #tpu.memory_space<smem>>
    %slice3A = vector.extract_strided_slice %dot_general3A_1041 {offsets = [0, 0], sizes = [1, 64], strides = [1, 1]} : vector<40x64xf32> to vector<1x64xf32>
    %swap3A_1045 = arith.index_cast %get3A_1044 : i32 to index
    %swap3A_1046 = arith.constant 0 : index
    %swap3A_1047 = vector.load %arg8[%swap3A_1045, %swap3A_1046] : memref<2048x64xf32, #tpu.memory_space<vmem>>, vector<1x64xf32>
    tpu.vector_store %arg8[%swap3A_1045, %swap3A_1046], %slice3A {strides = array<i32>} : memref<2048x64xf32, #tpu.memory_space<vmem>>, vector<1x64xf32>,
    %get3A_1048 = arith.index_cast %add3A_15 : i32 to index
    %get3A_1049 = arith.constant 1 : index
    %get3A_1050 = memref.load %arg1[%get3A_1048, %get3A_1049] : memref<16x40xi32, #tpu.memory_space<smem>>
    %slice3A_1051 = vector.extract_strided_slice %dot_general3A_1041 {offsets = [1, 0], sizes = [1, 64], strides = [1, 1]} : vector<40x64xf32> to vector<1x64xf32>
    %swap3A_1052 = arith.index_cast %get3A_1050 : i32 to index
    %swap3A_1053 = arith.constant 0 : index
    %swap3A_1054 = vector.load %arg8[%swap3A_1052, %swap3A_1053] : memref<2048x64xf32, #tpu.memory_space<vmem>>, vector<1x64xf32>
    tpu.vector_store %arg8[%swap3A_1052, %swap3A_1053], %slice3A_1051 {strides = array<i32>} : memref<2048x64xf32, #tpu.memory_space<vmem>>, vector<1x64xf32>,
    %get3A_1055 = arith.index_cast %add3A_15 : i32 to index
    %get3A_1056 = arith.constant 2 : index
    %get3A_1057 = memref.load %arg1[%get3A_1055, %get3A_1056] : memref<16x40xi32, #tpu.memory_space<smem>>
    %slice3A_1058 = vector.extract_strided_slice %dot_general3A_1041 {offsets = [2, 0], sizes = [1, 64], strides = [1, 1]} : vector<40x64xf32> to vector<1x64xf32>
    %swap3A_1059 = arith.index_cast %get3A_1057 : i32 to index
    %swap3A_1060 = arith.constant 0 : index
    %swap3A_1061 = vector.load %arg8[%swap3A_1059, %swap3A_1060] : memref<2048x64xf32, #tpu.memory_space<vmem>>, vector<1x64xf32>
    tpu.vector_store %arg8[%swap3A_1059, %swap3A_1060], %slice3A_1058 {strides = array<i32>} : memref<2048x64xf32, #tpu.memory_space<vmem>>, vector<1x64xf32>,
    %get3A_1062 = arith.index_cast %add3A_15 : i32 to index
    %get3A_1063 = arith.constant 3 : index
    %get3A_1064 = memref.load %arg1[%get3A_1062, %get3A_1063] : memref<16x40xi32, #tpu.memory_space<smem>>
    %slice3A_1065 = vector.extract_strided_slice %dot_general3A_1041 {offsets = [3, 0], sizes = [1, 64], strides = [1, 1]} : vector<40x64xf32> to vector<1x64xf32>
    %swap3A_1066 = arith.index_cast %get3A_1064 : i32 to index
    %swap3A_1067 = arith.constant 0 : index
    %swap3A_1068 = vector.load %arg8[%swap3A_1066, %swap3A_1067] : memref<2048x64xf32, #tpu.memory_space<vmem>>, vector<1x64xf32>
    tpu.vector_store %arg8[%swap3A_1066, %swap3A_1067], %slice3A_1065 {strides = array<i32>} : memref<2048x64xf32, #tpu.memory_space<vmem>>, vector<1x64xf32>,
    %get3A_1069 = arith.index_cast %add3A_15 : i32 to index
    %get3A_1070 = arith.constant 4 : index
    %get3A_1071 = memref.load %arg1[%get3A_1069, %get3A_1070] : memref<16x40xi32, #tpu.memory_space<smem>>
    %slice3A_1072 = vector.extract_strided_slice %dot_general3A_1041 {offsets = [4, 0], sizes = [1, 64], strides = [1, 1]} : vector<40x64xf32> to vector<1x64xf32>
    %swap3A_1073 = arith.index_cast %get3A_1071 : i32 to index
    %swap3A_1074 = arith.constant 0 : index
    %swap3A_1075 = vector.load %arg8[%swap3A_1073, %swap3A_1074] : memref<2048x64xf32, #tpu.memory_space<vmem>>, vector<1x64xf32>
    tpu.vector_store %arg8[%swap3A_1073, %swap3A_1074], %slice3A_1072 {strides = array<i32>} : memref<2048x64xf32, #tpu.memory_space<vmem>>, vector<1x64xf32>,
    %get3A_1076 = arith.index_cast %add3A_15 : i32 to index
    %get3A_1077 = arith.constant 5 : index
    %get3A_1078 = memref.load %arg1[%get3A_1076, %get3A_1077] : memref<16x40xi32, #tpu.memory_space<smem>>
    %slice3A_1079 = vector.extract_strided_slice %dot_general3A_1041 {offsets = [5, 0], sizes = [1, 64], strides = [1, 1]} : vector<40x64xf32> to vector<1x64xf32>
    %swap3A_1080 = arith.index_cast %get3A_1078 : i32 to index
    %swap3A_1081 = arith.constant 0 : index
    %swap3A_1082 = vector.load %arg8[%swap3A_1080, %swap3A_1081] : memref<2048x64xf32, #tpu.memory_space<vmem>>, vector<1x64xf32>
    tpu.vector_store %arg8[%swap3A_1080, %swap3A_1081], %slice3A_1079 {strides = array<i32>} : memref<2048x64xf32, #tpu.memory_space<vmem>>, vector<1x64xf32>,
    %get3A_1083 = arith.index_cast %add3A_15 : i32 to index
    %get3A_1084 = arith.constant 6 : index
    %get3A_1085 = memref.load %arg1[%get3A_1083, %get3A_1084] : memref<16x40xi32, #tpu.memory_space<smem>>
    %slice3A_1086 = vector.extract_strided_slice %dot_general3A_1041 {offsets = [6, 0], sizes = [1, 64], strides = [1, 1]} : vector<40x64xf32> to vector<1x64xf32>
    %swap3A_1087 = arith.index_cast %get3A_1085 : i32 to index
    %swap3A_1088 = arith.constant 0 : index
    %swap3A_1089 = vector.load %arg8[%swap3A_1087, %swap3A_1088] : memref<2048x64xf32, #tpu.memory_space<vmem>>, vector<1x64xf32>
    tpu.vector_store %arg8[%swap3A_1087, %swap3A_1088], %slice3A_1086 {strides = array<i32>} : memref<2048x64xf32, #tpu.memory_space<vmem>>, vector<1x64xf32>,
    %get3A_1090 = arith.index_cast %add3A_15 : i32 to index
    %get3A_1091 = arith.constant 7 : index
    %get3A_1092 = memref.load %arg1[%get3A_1090, %get3A_1091] : memref<16x40xi32, #tpu.memory_space<smem>>
    %slice3A_1093 = vector.extract_strided_slice %dot_general3A_1041 {offsets = [7, 0], sizes = [1, 64], strides = [1, 1]} : vector<40x64xf32> to vector<1x64xf32>
    %swap3A_1094 = arith.index_cast %get3A_1092 : i32 to index
    %swap3A_1095 = arith.constant 0 : index
    %swap3A_1096 = vector.load %arg8[%swap3A_1094, %swap3A_1095] : memref<2048x64xf32, #tpu.memory_space<vmem>>, vector<1x64xf32>
    tpu.vector_store %arg8[%swap3A_1094, %swap3A_1095], %slice3A_1093 {strides = array<i32>} : memref<2048x64xf32, #tpu.memory_space<vmem>>, vector<1x64xf32>,
    %get3A_1097 = arith.index_cast %add3A_15 : i32 to index
    %get3A_1098 = arith.constant 8 : index
    %get3A_1099 = memref.load %arg1[%get3A_1097, %get3A_1098] : memref<16x40xi32, #tpu.memory_space<smem>>
    %slice3A_1100 = vector.extract_strided_slice %dot_general3A_1041 {offsets = [8, 0], sizes = [1, 64], strides = [1, 1]} : vector<40x64xf32> to vector<1x64xf32>
    %swap3A_1101 = arith.index_cast %get3A_1099 : i32 to index
    %swap3A_1102 = arith.constant 0 : index
    %swap3A_1103 = vector.load %arg8[%swap3A_1101, %swap3A_1102] : memref<2048x64xf32, #tpu.memory_space<vmem>>, vector<1x64xf32>
    tpu.vector_store %arg8[%swap3A_1101, %swap3A_1102], %slice3A_1100 {strides = array<i32>} : memref<2048x64xf32, #tpu.memory_space<vmem>>, vector<1x64xf32>,
    %get3A_1104 = arith.index_cast %add3A_15 : i32 to index
    %get3A_1105 = arith.constant 9 : index
    %get3A_1106 = memref.load %arg1[%get3A_1104, %get3A_1105] : memref<16x40xi32, #tpu.memory_space<smem>>
    %slice3A_1107 = vector.extract_strided_slice %dot_general3A_1041 {offsets = [9, 0], sizes = [1, 64], strides = [1, 1]} : vector<40x64xf32> to vector<1x64xf32>
    %swap3A_1108 = arith.index_cast %get3A_1106 : i32 to index
    %swap3A_1109 = arith.constant 0 : index
    %swap3A_1110 = vector.load %arg8[%swap3A_1108, %swap3A_1109] : memref<2048x64xf32, #tpu.memory_space<vmem>>, vector<1x64xf32>
    tpu.vector_store %arg8[%swap3A_1108, %swap3A_1109], %slice3A_1107 {strides = array<i32>} : memref<2048x64xf32, #tpu.memory_space<vmem>>, vector<1x64xf32>,
    %get3A_1111 = arith.index_cast %add3A_15 : i32 to index
    %get3A_1112 = arith.constant 10 : index
    %get3A_1113 = memref.load %arg1[%get3A_1111, %get3A_1112] : memref<16x40xi32, #tpu.memory_space<smem>>
    %slice3A_1114 = vector.extract_strided_slice %dot_general3A_1041 {offsets = [10, 0], sizes = [1, 64], strides = [1, 1]} : vector<40x64xf32> to vector<1x64xf32>
    %swap3A_1115 = arith.index_cast %get3A_1113 : i32 to index
    %swap3A_1116 = arith.constant 0 : index
    %swap3A_1117 = vector.load %arg8[%swap3A_1115, %swap3A_1116] : memref<2048x64xf32, #tpu.memory_space<vmem>>, vector<1x64xf32>
    tpu.vector_store %arg8[%swap3A_1115, %swap3A_1116], %slice3A_1114 {strides = array<i32>} : memref<2048x64xf32, #tpu.memory_space<vmem>>, vector<1x64xf32>,
    %get3A_1118 = arith.index_cast %add3A_15 : i32 to index
    %get3A_1119 = arith.constant 11 : index
    %get3A_1120 = memref.load %arg1[%get3A_1118, %get3A_1119] : memref<16x40xi32, #tpu.memory_space<smem>>
    %slice3A_1121 = vector.extract_strided_slice %dot_general3A_1041 {offsets = [11, 0], sizes = [1, 64], strides = [1, 1]} : vector<40x64xf32> to vector<1x64xf32>
    %swap3A_1122 = arith.index_cast %get3A_1120 : i32 to index
    %swap3A_1123 = arith.constant 0 : index
    %swap3A_1124 = vector.load %arg8[%swap3A_1122, %swap3A_1123] : memref<2048x64xf32, #tpu.memory_space<vmem>>, vector<1x64xf32>
    tpu.vector_store %arg8[%swap3A_1122, %swap3A_1123], %slice3A_1121 {strides = array<i32>} : memref<2048x64xf32, #tpu.memory_space<vmem>>, vector<1x64xf32>,
    %get3A_1125 = arith.index_cast %add3A_15 : i32 to index
    %get3A_1126 = arith.constant 12 : index
    %get3A_1127 = memref.load %arg1[%get3A_1125, %get3A_1126] : memref<16x40xi32, #tpu.memory_space<smem>>
    %slice3A_1128 = vector.extract_strided_slice %dot_general3A_1041 {offsets = [12, 0], sizes = [1, 64], strides = [1, 1]} : vector<40x64xf32> to vector<1x64xf32>
    %swap3A_1129 = arith.index_cast %get3A_1127 : i32 to index
    %swap3A_1130 = arith.constant 0 : index
    %swap3A_1131 = vector.load %arg8[%swap3A_1129, %swap3A_1130] : memref<2048x64xf32, #tpu.memory_space<vmem>>, vector<1x64xf32>
    tpu.vector_store %arg8[%swap3A_1129, %swap3A_1130], %slice3A_1128 {strides = array<i32>} : memref<2048x64xf32, #tpu.memory_space<vmem>>, vector<1x64xf32>,
    %get3A_1132 = arith.index_cast %add3A_15 : i32 to index
    %get3A_1133 = arith.constant 13 : index
    %get3A_1134 = memref.load %arg1[%get3A_1132, %get3A_1133] : memref<16x40xi32, #tpu.memory_space<smem>>
    %slice3A_1135 = vector.extract_strided_slice %dot_general3A_1041 {offsets = [13, 0], sizes = [1, 64], strides = [1, 1]} : vector<40x64xf32> to vector<1x64xf32>
    %swap3A_1136 = arith.index_cast %get3A_1134 : i32 to index
    %swap3A_1137 = arith.constant 0 : index
    %swap3A_1138 = vector.load %arg8[%swap3A_1136, %swap3A_1137] : memref<2048x64xf32, #tpu.memory_space<vmem>>, vector<1x64xf32>
    tpu.vector_store %arg8[%swap3A_1136, %swap3A_1137], %slice3A_1135 {strides = array<i32>} : memref<2048x64xf32, #tpu.memory_space<vmem>>, vector<1x64xf32>,
    %get3A_1139 = arith.index_cast %add3A_15 : i32 to index
    %get3A_1140 = arith.constant 14 : index
    %get3A_1141 = memref.load %arg1[%get3A_1139, %get3A_1140] : memref<16x40xi32, #tpu.memory_space<smem>>
    %slice3A_1142 = vector.extract_strided_slice %dot_general3A_1041 {offsets = [14, 0], sizes = [1, 64], strides = [1, 1]} : vector<40x64xf32> to vector<1x64xf32>
    %swap3A_1143 = arith.index_cast %get3A_1141 : i32 to index
    %swap3A_1144 = arith.constant 0 : index
    %swap3A_1145 = vector.load %arg8[%swap3A_1143, %swap3A_1144] : memref<2048x64xf32, #tpu.memory_space<vmem>>, vector<1x64xf32>
    tpu.vector_store %arg8[%swap3A_1143, %swap3A_1144], %slice3A_1142 {strides = array<i32>} : memref<2048x64xf32, #tpu.memory_space<vmem>>, vector<1x64xf32>,
    %get3A_1146 = arith.index_cast %add3A_15 : i32 to index
    %get3A_1147 = arith.constant 15 : index
    %get3A_1148 = memref.load %arg1[%get3A_1146, %get3A_1147] : memref<16x40xi32, #tpu.memory_space<smem>>
    %slice3A_1149 = vector.extract_strided_slice %dot_general3A_1041 {offsets = [15, 0], sizes = [1, 64], strides = [1, 1]} : vector<40x64xf32> to vector<1x64xf32>
    %swap3A_1150 = arith.index_cast %get3A_1148 : i32 to index
    %swap3A_1151 = arith.constant 0 : index
    %swap3A_1152 = vector.load %arg8[%swap3A_1150, %swap3A_1151] : memref<2048x64xf32, #tpu.memory_space<vmem>>, vector<1x64xf32>
    tpu.vector_store %arg8[%swap3A_1150, %swap3A_1151], %slice3A_1149 {strides = array<i32>} : memref<2048x64xf32, #tpu.memory_space<vmem>>, vector<1x64xf32>,
    %get3A_1153 = arith.index_cast %add3A_15 : i32 to index
    %get3A_1154 = arith.constant 16 : index
    %get3A_1155 = memref.load %arg1[%get3A_1153, %get3A_1154] : memref<16x40xi32, #tpu.memory_space<smem>>
    %slice3A_1156 = vector.extract_strided_slice %dot_general3A_1041 {offsets = [16, 0], sizes = [1, 64], strides = [1, 1]} : vector<40x64xf32> to vector<1x64xf32>
    %swap3A_1157 = arith.index_cast %get3A_1155 : i32 to index
    %swap3A_1158 = arith.constant 0 : index
    %swap3A_1159 = vector.load %arg8[%swap3A_1157, %swap3A_1158] : memref<2048x64xf32, #tpu.memory_space<vmem>>, vector<1x64xf32>
    tpu.vector_store %arg8[%swap3A_1157, %swap3A_1158], %slice3A_1156 {strides = array<i32>} : memref<2048x64xf32, #tpu.memory_space<vmem>>, vector<1x64xf32>,
    %get3A_1160 = arith.index_cast %add3A_15 : i32 to index
    %get3A_1161 = arith.constant 17 : index
    %get3A_1162 = memref.load %arg1[%get3A_1160, %get3A_1161] : memref<16x40xi32, #tpu.memory_space<smem>>
    %slice3A_1163 = vector.extract_strided_slice %dot_general3A_1041 {offsets = [17, 0], sizes = [1, 64], strides = [1, 1]} : vector<40x64xf32> to vector<1x64xf32>
    %swap3A_1164 = arith.index_cast %get3A_1162 : i32 to index
    %swap3A_1165 = arith.constant 0 : index
    %swap3A_1166 = vector.load %arg8[%swap3A_1164, %swap3A_1165] : memref<2048x64xf32, #tpu.memory_space<vmem>>, vector<1x64xf32>
    tpu.vector_store %arg8[%swap3A_1164, %swap3A_1165], %slice3A_1163 {strides = array<i32>} : memref<2048x64xf32, #tpu.memory_space<vmem>>, vector<1x64xf32>,
    %get3A_1167 = arith.index_cast %add3A_15 : i32 to index
    %get3A_1168 = arith.constant 18 : index
    %get3A_1169 = memref.load %arg1[%get3A_1167, %get3A_1168] : memref<16x40xi32, #tpu.memory_space<smem>>
    %slice3A_1170 = vector.extract_strided_slice %dot_general3A_1041 {offsets = [18, 0], sizes = [1, 64], strides = [1, 1]} : vector<40x64xf32> to vector<1x64xf32>
    %swap3A_1171 = arith.index_cast %get3A_1169 : i32 to index
    %swap3A_1172 = arith.constant 0 : index
    %swap3A_1173 = vector.load %arg8[%swap3A_1171, %swap3A_1172] : memref<2048x64xf32, #tpu.memory_space<vmem>>, vector<1x64xf32>
    tpu.vector_store %arg8[%swap3A_1171, %swap3A_1172], %slice3A_1170 {strides = array<i32>} : memref<2048x64xf32, #tpu.memory_space<vmem>>, vector<1x64xf32>,
    %get3A_1174 = arith.index_cast %add3A_15 : i32 to index
    %get3A_1175 = arith.constant 19 : index
    %get3A_1176 = memref.load %arg1[%get3A_1174, %get3A_1175] : memref<16x40xi32, #tpu.memory_space<smem>>
    %slice3A_1177 = vector.extract_strided_slice %dot_general3A_1041 {offsets = [19, 0], sizes = [1, 64], strides = [1, 1]} : vector<40x64xf32> to vector<1x64xf32>
    %swap3A_1178 = arith.index_cast %get3A_1176 : i32 to index
    %swap3A_1179 = arith.constant 0 : index
    %swap3A_1180 = vector.load %arg8[%swap3A_1178, %swap3A_1179] : memref<2048x64xf32, #tpu.memory_space<vmem>>, vector<1x64xf32>
    tpu.vector_store %arg8[%swap3A_1178, %swap3A_1179], %slice3A_1177 {strides = array<i32>} : memref<2048x64xf32, #tpu.memory_space<vmem>>, vector<1x64xf32>,
    %get3A_1181 = arith.index_cast %add3A_15 : i32 to index
    %get3A_1182 = arith.constant 20 : index
    %get3A_1183 = memref.load %arg1[%get3A_1181, %get3A_1182] : memref<16x40xi32, #tpu.memory_space<smem>>
    %slice3A_1184 = vector.extract_strided_slice %dot_general3A_1041 {offsets = [20, 0], sizes = [1, 64], strides = [1, 1]} : vector<40x64xf32> to vector<1x64xf32>
    %swap3A_1185 = arith.index_cast %get3A_1183 : i32 to index
    %swap3A_1186 = arith.constant 0 : index
    %swap3A_1187 = vector.load %arg8[%swap3A_1185, %swap3A_1186] : memref<2048x64xf32, #tpu.memory_space<vmem>>, vector<1x64xf32>
    tpu.vector_store %arg8[%swap3A_1185, %swap3A_1186], %slice3A_1184 {strides = array<i32>} : memref<2048x64xf32, #tpu.memory_space<vmem>>, vector<1x64xf32>,
    %get3A_1188 = arith.index_cast %add3A_15 : i32 to index
    %get3A_1189 = arith.constant 21 : index
    %get3A_1190 = memref.load %arg1[%get3A_1188, %get3A_1189] : memref<16x40xi32, #tpu.memory_space<smem>>
    %slice3A_1191 = vector.extract_strided_slice %dot_general3A_1041 {offsets = [21, 0], sizes = [1, 64], strides = [1, 1]} : vector<40x64xf32> to vector<1x64xf32>
    %swap3A_1192 = arith.index_cast %get3A_1190 : i32 to index
    %swap3A_1193 = arith.constant 0 : index
    %swap3A_1194 = vector.load %arg8[%swap3A_1192, %swap3A_1193] : memref<2048x64xf32, #tpu.memory_space<vmem>>, vector<1x64xf32>
    tpu.vector_store %arg8[%swap3A_1192, %swap3A_1193], %slice3A_1191 {strides = array<i32>} : memref<2048x64xf32, #tpu.memory_space<vmem>>, vector<1x64xf32>,
    %get3A_1195 = arith.index_cast %add3A_15 : i32 to index
    %get3A_1196 = arith.constant 22 : index
    %get3A_1197 = memref.load %arg1[%get3A_1195, %get3A_1196] : memref<16x40xi32, #tpu.memory_space<smem>>
    %slice3A_1198 = vector.extract_strided_slice %dot_general3A_1041 {offsets = [22, 0], sizes = [1, 64], strides = [1, 1]} : vector<40x64xf32> to vector<1x64xf32>
    %swap3A_1199 = arith.index_cast %get3A_1197 : i32 to index
    %swap3A_1200 = arith.constant 0 : index
    %swap3A_1201 = vector.load %arg8[%swap3A_1199, %swap3A_1200] : memref<2048x64xf32, #tpu.memory_space<vmem>>, vector<1x64xf32>
    tpu.vector_store %arg8[%swap3A_1199, %swap3A_1200], %slice3A_1198 {strides = array<i32>} : memref<2048x64xf32, #tpu.memory_space<vmem>>, vector<1x64xf32>,
    %get3A_1202 = arith.index_cast %add3A_15 : i32 to index
    %get3A_1203 = arith.constant 23 : index
    %get3A_1204 = memref.load %arg1[%get3A_1202, %get3A_1203] : memref<16x40xi32, #tpu.memory_space<smem>>
    %slice3A_1205 = vector.extract_strided_slice %dot_general3A_1041 {offsets = [23, 0], sizes = [1, 64], strides = [1, 1]} : vector<40x64xf32> to vector<1x64xf32>
    %swap3A_1206 = arith.index_cast %get3A_1204 : i32 to index
    %swap3A_1207 = arith.constant 0 : index
    %swap3A_1208 = vector.load %arg8[%swap3A_1206, %swap3A_1207] : memref<2048x64xf32, #tpu.memory_space<vmem>>, vector<1x64xf32>
    tpu.vector_store %arg8[%swap3A_1206, %swap3A_1207], %slice3A_1205 {strides = array<i32>} : memref<2048x64xf32, #tpu.memory_space<vmem>>, vector<1x64xf32>,
    %get3A_1209 = arith.index_cast %add3A_15 : i32 to index
    %get3A_1210 = arith.constant 24 : index
    %get3A_1211 = memref.load %arg1[%get3A_1209, %get3A_1210] : memref<16x40xi32, #tpu.memory_space<smem>>
    %slice3A_1212 = vector.extract_strided_slice %dot_general3A_1041 {offsets = [24, 0], sizes = [1, 64], strides = [1, 1]} : vector<40x64xf32> to vector<1x64xf32>
    %swap3A_1213 = arith.index_cast %get3A_1211 : i32 to index
    %swap3A_1214 = arith.constant 0 : index
    %swap3A_1215 = vector.load %arg8[%swap3A_1213, %swap3A_1214] : memref<2048x64xf32, #tpu.memory_space<vmem>>, vector<1x64xf32>
    tpu.vector_store %arg8[%swap3A_1213, %swap3A_1214], %slice3A_1212 {strides = array<i32>} : memref<2048x64xf32, #tpu.memory_space<vmem>>, vector<1x64xf32>,
    %get3A_1216 = arith.index_cast %add3A_15 : i32 to index
    %get3A_1217 = arith.constant 25 : index
    %get3A_1218 = memref.load %arg1[%get3A_1216, %get3A_1217] : memref<16x40xi32, #tpu.memory_space<smem>>
    %slice3A_1219 = vector.extract_strided_slice %dot_general3A_1041 {offsets = [25, 0], sizes = [1, 64], strides = [1, 1]} : vector<40x64xf32> to vector<1x64xf32>
    %swap3A_1220 = arith.index_cast %get3A_1218 : i32 to index
    %swap3A_1221 = arith.constant 0 : index
    %swap3A_1222 = vector.load %arg8[%swap3A_1220, %swap3A_1221] : memref<2048x64xf32, #tpu.memory_space<vmem>>, vector<1x64xf32>
    tpu.vector_store %arg8[%swap3A_1220, %swap3A_1221], %slice3A_1219 {strides = array<i32>} : memref<2048x64xf32, #tpu.memory_space<vmem>>, vector<1x64xf32>,
    %get3A_1223 = arith.index_cast %add3A_15 : i32 to index
    %get3A_1224 = arith.constant 26 : index
    %get3A_1225 = memref.load %arg1[%get3A_1223, %get3A_1224] : memref<16x40xi32, #tpu.memory_space<smem>>
    %slice3A_1226 = vector.extract_strided_slice %dot_general3A_1041 {offsets = [26, 0], sizes = [1, 64], strides = [1, 1]} : vector<40x64xf32> to vector<1x64xf32>
    %swap3A_1227 = arith.index_cast %get3A_1225 : i32 to index
    %swap3A_1228 = arith.constant 0 : index
    %swap3A_1229 = vector.load %arg8[%swap3A_1227, %swap3A_1228] : memref<2048x64xf32, #tpu.memory_space<vmem>>, vector<1x64xf32>
    tpu.vector_store %arg8[%swap3A_1227, %swap3A_1228], %slice3A_1226 {strides = array<i32>} : memref<2048x64xf32, #tpu.memory_space<vmem>>, vector<1x64xf32>,
    %get3A_1230 = arith.index_cast %add3A_15 : i32 to index
    %get3A_1231 = arith.constant 27 : index
    %get3A_1232 = memref.load %arg1[%get3A_1230, %get3A_1231] : memref<16x40xi32, #tpu.memory_space<smem>>
    %slice3A_1233 = vector.extract_strided_slice %dot_general3A_1041 {offsets = [27, 0], sizes = [1, 64], strides = [1, 1]} : vector<40x64xf32> to vector<1x64xf32>
    %swap3A_1234 = arith.index_cast %get3A_1232 : i32 to index
    %swap3A_1235 = arith.constant 0 : index
    %swap3A_1236 = vector.load %arg8[%swap3A_1234, %swap3A_1235] : memref<2048x64xf32, #tpu.memory_space<vmem>>, vector<1x64xf32>
    tpu.vector_store %arg8[%swap3A_1234, %swap3A_1235], %slice3A_1233 {strides = array<i32>} : memref<2048x64xf32, #tpu.memory_space<vmem>>, vector<1x64xf32>,
    %get3A_1237 = arith.index_cast %add3A_15 : i32 to index
    %get3A_1238 = arith.constant 28 : index
    %get3A_1239 = memref.load %arg1[%get3A_1237, %get3A_1238] : memref<16x40xi32, #tpu.memory_space<smem>>
    %slice3A_1240 = vector.extract_strided_slice %dot_general3A_1041 {offsets = [28, 0], sizes = [1, 64], strides = [1, 1]} : vector<40x64xf32> to vector<1x64xf32>
    %swap3A_1241 = arith.index_cast %get3A_1239 : i32 to index
    %swap3A_1242 = arith.constant 0 : index
    %swap3A_1243 = vector.load %arg8[%swap3A_1241, %swap3A_1242] : memref<2048x64xf32, #tpu.memory_space<vmem>>, vector<1x64xf32>
    tpu.vector_store %arg8[%swap3A_1241, %swap3A_1242], %slice3A_1240 {strides = array<i32>} : memref<2048x64xf32, #tpu.memory_space<vmem>>, vector<1x64xf32>,
    %get3A_1244 = arith.index_cast %add3A_15 : i32 to index
    %get3A_1245 = arith.constant 29 : index
    %get3A_1246 = memref.load %arg1[%get3A_1244, %get3A_1245] : memref<16x40xi32, #tpu.memory_space<smem>>
    %slice3A_1247 = vector.extract_strided_slice %dot_general3A_1041 {offsets = [29, 0], sizes = [1, 64], strides = [1, 1]} : vector<40x64xf32> to vector<1x64xf32>
    %swap3A_1248 = arith.index_cast %get3A_1246 : i32 to index
    %swap3A_1249 = arith.constant 0 : index
    %swap3A_1250 = vector.load %arg8[%swap3A_1248, %swap3A_1249] : memref<2048x64xf32, #tpu.memory_space<vmem>>, vector<1x64xf32>
    tpu.vector_store %arg8[%swap3A_1248, %swap3A_1249], %slice3A_1247 {strides = array<i32>} : memref<2048x64xf32, #tpu.memory_space<vmem>>, vector<1x64xf32>,
    %get3A_1251 = arith.index_cast %add3A_15 : i32 to index
    %get3A_1252 = arith.constant 30 : index
    %get3A_1253 = memref.load %arg1[%get3A_1251, %get3A_1252] : memref<16x40xi32, #tpu.memory_space<smem>>
    %slice3A_1254 = vector.extract_strided_slice %dot_general3A_1041 {offsets = [30, 0], sizes = [1, 64], strides = [1, 1]} : vector<40x64xf32> to vector<1x64xf32>
    %swap3A_1255 = arith.index_cast %get3A_1253 : i32 to index
    %swap3A_1256 = arith.constant 0 : index
    %swap3A_1257 = vector.load %arg8[%swap3A_1255, %swap3A_1256] : memref<2048x64xf32, #tpu.memory_space<vmem>>, vector<1x64xf32>
    tpu.vector_store %arg8[%swap3A_1255, %swap3A_1256], %slice3A_1254 {strides = array<i32>} : memref<2048x64xf32, #tpu.memory_space<vmem>>, vector<1x64xf32>,
    %get3A_1258 = arith.index_cast %add3A_15 : i32 to index
    %get3A_1259 = arith.constant 31 : index
    %get3A_1260 = memref.load %arg1[%get3A_1258, %get3A_1259] : memref<16x40xi32, #tpu.memory_space<smem>>
    %slice3A_1261 = vector.extract_strided_slice %dot_general3A_1041 {offsets = [31, 0], sizes = [1, 64], strides = [1, 1]} : vector<40x64xf32> to vector<1x64xf32>
    %swap3A_1262 = arith.index_cast %get3A_1260 : i32 to index
    %swap3A_1263 = arith.constant 0 : index
    %swap3A_1264 = vector.load %arg8[%swap3A_1262, %swap3A_1263] : memref<2048x64xf32, #tpu.memory_space<vmem>>, vector<1x64xf32>
    tpu.vector_store %arg8[%swap3A_1262, %swap3A_1263], %slice3A_1261 {strides = array<i32>} : memref<2048x64xf32, #tpu.memory_space<vmem>>, vector<1x64xf32>,
    %get3A_1265 = arith.index_cast %add3A_15 : i32 to index
    %get3A_1266 = arith.constant 32 : index
    %get3A_1267 = memref.load %arg1[%get3A_1265, %get3A_1266] : memref<16x40xi32, #tpu.memory_space<smem>>
    %slice3A_1268 = vector.extract_strided_slice %dot_general3A_1041 {offsets = [32, 0], sizes = [1, 64], strides = [1, 1]} : vector<40x64xf32> to vector<1x64xf32>
    %swap3A_1269 = arith.index_cast %get3A_1267 : i32 to index
    %swap3A_1270 = arith.constant 0 : index
    %swap3A_1271 = vector.load %arg8[%swap3A_1269, %swap3A_1270] : memref<2048x64xf32, #tpu.memory_space<vmem>>, vector<1x64xf32>
    tpu.vector_store %arg8[%swap3A_1269, %swap3A_1270], %slice3A_1268 {strides = array<i32>} : memref<2048x64xf32, #tpu.memory_space<vmem>>, vector<1x64xf32>,
    %get3A_1272 = arith.index_cast %add3A_15 : i32 to index
    %get3A_1273 = arith.constant 33 : index
    %get3A_1274 = memref.load %arg1[%get3A_1272, %get3A_1273] : memref<16x40xi32, #tpu.memory_space<smem>>
    %slice3A_1275 = vector.extract_strided_slice %dot_general3A_1041 {offsets = [33, 0], sizes = [1, 64], strides = [1, 1]} : vector<40x64xf32> to vector<1x64xf32>
    %swap3A_1276 = arith.index_cast %get3A_1274 : i32 to index
    %swap3A_1277 = arith.constant 0 : index
    %swap3A_1278 = vector.load %arg8[%swap3A_1276, %swap3A_1277] : memref<2048x64xf32, #tpu.memory_space<vmem>>, vector<1x64xf32>
    tpu.vector_store %arg8[%swap3A_1276, %swap3A_1277], %slice3A_1275 {strides = array<i32>} : memref<2048x64xf32, #tpu.memory_space<vmem>>, vector<1x64xf32>,
    %get3A_1279 = arith.index_cast %add3A_15 : i32 to index
    %get3A_1280 = arith.constant 34 : index
    %get3A_1281 = memref.load %arg1[%get3A_1279, %get3A_1280] : memref<16x40xi32, #tpu.memory_space<smem>>
    %slice3A_1282 = vector.extract_strided_slice %dot_general3A_1041 {offsets = [34, 0], sizes = [1, 64], strides = [1, 1]} : vector<40x64xf32> to vector<1x64xf32>
    %swap3A_1283 = arith.index_cast %get3A_1281 : i32 to index
    %swap3A_1284 = arith.constant 0 : index
    %swap3A_1285 = vector.load %arg8[%swap3A_1283, %swap3A_1284] : memref<2048x64xf32, #tpu.memory_space<vmem>>, vector<1x64xf32>
    tpu.vector_store %arg8[%swap3A_1283, %swap3A_1284], %slice3A_1282 {strides = array<i32>} : memref<2048x64xf32, #tpu.memory_space<vmem>>, vector<1x64xf32>,
    %get3A_1286 = arith.index_cast %add3A_15 : i32 to index
    %get3A_1287 = arith.constant 35 : index
    %get3A_1288 = memref.load %arg1[%get3A_1286, %get3A_1287] : memref<16x40xi32, #tpu.memory_space<smem>>
    %slice3A_1289 = vector.extract_strided_slice %dot_general3A_1041 {offsets = [35, 0], sizes = [1, 64], strides = [1, 1]} : vector<40x64xf32> to vector<1x64xf32>
    %swap3A_1290 = arith.index_cast %get3A_1288 : i32 to index
    %swap3A_1291 = arith.constant 0 : index
    %swap3A_1292 = vector.load %arg8[%swap3A_1290, %swap3A_1291] : memref<2048x64xf32, #tpu.memory_space<vmem>>, vector<1x64xf32>
    tpu.vector_store %arg8[%swap3A_1290, %swap3A_1291], %slice3A_1289 {strides = array<i32>} : memref<2048x64xf32, #tpu.memory_space<vmem>>, vector<1x64xf32>,
    %get3A_1293 = arith.index_cast %add3A_15 : i32 to index
    %get3A_1294 = arith.constant 36 : index
    %get3A_1295 = memref.load %arg1[%get3A_1293, %get3A_1294] : memref<16x40xi32, #tpu.memory_space<smem>>
    %slice3A_1296 = vector.extract_strided_slice %dot_general3A_1041 {offsets = [36, 0], sizes = [1, 64], strides = [1, 1]} : vector<40x64xf32> to vector<1x64xf32>
    %swap3A_1297 = arith.index_cast %get3A_1295 : i32 to index
    %swap3A_1298 = arith.constant 0 : index
    %swap3A_1299 = vector.load %arg8[%swap3A_1297, %swap3A_1298] : memref<2048x64xf32, #tpu.memory_space<vmem>>, vector<1x64xf32>
    tpu.vector_store %arg8[%swap3A_1297, %swap3A_1298], %slice3A_1296 {strides = array<i32>} : memref<2048x64xf32, #tpu.memory_space<vmem>>, vector<1x64xf32>,
    %get3A_1300 = arith.index_cast %add3A_15 : i32 to index
    %get3A_1301 = arith.constant 37 : index
    %get3A_1302 = memref.load %arg1[%get3A_1300, %get3A_1301] : memref<16x40xi32, #tpu.memory_space<smem>>
    %slice3A_1303 = vector.extract_strided_slice %dot_general3A_1041 {offsets = [37, 0], sizes = [1, 64], strides = [1, 1]} : vector<40x64xf32> to vector<1x64xf32>
    %swap3A_1304 = arith.index_cast %get3A_1302 : i32 to index
    %swap3A_1305 = arith.constant 0 : index
    %swap3A_1306 = vector.load %arg8[%swap3A_1304, %swap3A_1305] : memref<2048x64xf32, #tpu.memory_space<vmem>>, vector<1x64xf32>
    tpu.vector_store %arg8[%swap3A_1304, %swap3A_1305], %slice3A_1303 {strides = array<i32>} : memref<2048x64xf32, #tpu.memory_space<vmem>>, vector<1x64xf32>,
    %get3A_1307 = arith.index_cast %add3A_15 : i32 to index
    %get3A_1308 = arith.constant 38 : index
    %get3A_1309 = memref.load %arg1[%get3A_1307, %get3A_1308] : memref<16x40xi32, #tpu.memory_space<smem>>
    %slice3A_1310 = vector.extract_strided_slice %dot_general3A_1041 {offsets = [38, 0], sizes = [1, 64], strides = [1, 1]} : vector<40x64xf32> to vector<1x64xf32>
    %swap3A_1311 = arith.index_cast %get3A_1309 : i32 to index
    %swap3A_1312 = arith.constant 0 : index
    %swap3A_1313 = vector.load %arg8[%swap3A_1311, %swap3A_1312] : memref<2048x64xf32, #tpu.memory_space<vmem>>, vector<1x64xf32>
    tpu.vector_store %arg8[%swap3A_1311, %swap3A_1312], %slice3A_1310 {strides = array<i32>} : memref<2048x64xf32, #tpu.memory_space<vmem>>, vector<1x64xf32>,
    %get3A_1314 = arith.index_cast %add3A_15 : i32 to index
    %get3A_1315 = arith.constant 39 : index
    %get3A_1316 = memref.load %arg1[%get3A_1314, %get3A_1315] : memref<16x40xi32, #tpu.memory_space<smem>>
    %slice3A_1317 = vector.extract_strided_slice %dot_general3A_1041 {offsets = [39, 0], sizes = [1, 64], strides = [1, 1]} : vector<40x64xf32> to vector<1x64xf32>
    %swap3A_1318 = arith.index_cast %get3A_1316 : i32 to index
    %swap3A_1319 = arith.constant 0 : index
    %swap3A_1320 = vector.load %arg8[%swap3A_1318, %swap3A_1319] : memref<2048x64xf32, #tpu.memory_space<vmem>>, vector<1x64xf32>
    tpu.vector_store %arg8[%swap3A_1318, %swap3A_1319], %slice3A_1317 {strides = array<i32>} : memref<2048x64xf32, #tpu.memory_space<vmem>>, vector<1x64xf32>,
    %mul3A_1321 = arith.constant 2 : i32
    %mul3A_1322 = arith.muli %mul3A_1321, %arg0 : i32
    %add3A_1323 = arith.constant 1 : i32
    %add3A_1324 = arith.addi %mul3A_1322, %add3A_1323 : i32
    %get3A_1325 = arith.index_cast %add3A_1324 : i32 to index
    %get3A_1326 = arith.constant 0 : index
    %get3A_1327 = memref.load %arg1[%get3A_1325, %get3A_1326] : memref<16x40xi32, #tpu.memory_space<smem>>
    %get3A_1328 = arith.constant 1 : index
    %get3A_1329 = arith.index_cast %get3A_1327 : i32 to index
    %get3A_1330 = arith.constant 0 : index
    %get3A_1331 = vector.load %arg3[%get3A_1328, %get3A_1329, %get3A_1330] : memref<2x2048x64xf32, #tpu.memory_space<vmem>>, vector<1x1x64xf32>
    %get3A_1332 = vector.shape_cast %get3A_1331 : vector<1x1x64xf32> to vector<1x64xf32>
    %swap3A_1333 = arith.constant 0 : index
    %swap3A_1334 = arith.constant 0 : index
    %swap3A_1335 = vector.load %arg10[%swap3A_1333, %swap3A_1334] : memref<40x64xf32, #tpu.memory_space<vmem>>, vector<1x64xf32>
    tpu.vector_store %arg10[%swap3A_1333, %swap3A_1334], %get3A_1332 {strides = array<i32>} : memref<40x64xf32, #tpu.memory_space<vmem>>, vector<1x64xf32>,
    %get3A_1336 = arith.constant 0 : index
    %get3A_1337 = arith.index_cast %get3A_1327 : i32 to index
    %get3A_1338 = memref.load %arg2[%get3A_1336, %get3A_1337] : memref<1x2048xf32, #tpu.memory_space<smem>>
    %le3A_1339 = vector.broadcast %get3A_1327 : i32 to vector<1x2048xi32>
    %le3A_1340 = arith.cmpi sle, %iota3A, %le3A_1339 : vector<1x2048xi32>
    %ne3A_1341 = arith.constant 0.000000e+00 : f32
    %ne3A_1342 = arith.cmpf one, %get3A_1338, %ne3A_1341 : f32
    %and3A_1343 = vector.broadcast %ne3A_1342 : i1 to vector<1x2048xi1>
    %and3A_1344 = arith.andi %le3A_1340, %and3A_1343 : vector<1x2048xi1>
    %convert_element_type3A_1345 = arith.extui %and3A_1344 : vector<1x2048xi1> to vector<1x2048xi32>
    %convert_element_type3A_1346 = arith.sitofp %convert_element_type3A_1345 : vector<1x2048xi32> to vector<1x2048xf32>
    %swap3A_1347 = arith.constant 0 : index
    %swap3A_1348 = arith.constant 0 : index
    %swap3A_1349 = vector.load %arg11[%swap3A_1347, %swap3A_1348] : memref<40x2048xf32, #tpu.memory_space<vmem>>, vector<1x2048xf32>
    tpu.vector_store %arg11[%swap3A_1347, %swap3A_1348], %convert_element_type3A_1346 {strides = array<i32>} : memref<40x2048xf32, #tpu.memory_space<vmem>>, vector<1x2048xf32>,
    %get3A_1350 = arith.index_cast %add3A_1324 : i32 to index
    %get3A_1351 = arith.constant 1 : index
    %get3A_1352 = memref.load %arg1[%get3A_1350, %get3A_1351] : memref<16x40xi32, #tpu.memory_space<smem>>
    %get3A_1353 = arith.constant 1 : index
    %get3A_1354 = arith.index_cast %get3A_1352 : i32 to index
    %get3A_1355 = arith.constant 0 : index
    %get3A_1356 = vector.load %arg3[%get3A_1353, %get3A_1354, %get3A_1355] : memref<2x2048x64xf32, #tpu.memory_space<vmem>>, vector<1x1x64xf32>
    %get3A_1357 = vector.shape_cast %get3A_1356 : vector<1x1x64xf32> to vector<1x64xf32>
    %swap3A_1358 = arith.constant 1 : index
    %swap3A_1359 = arith.constant 0 : index
    %swap3A_1360 = vector.load %arg10[%swap3A_1358, %swap3A_1359] : memref<40x64xf32, #tpu.memory_space<vmem>>, vector<1x64xf32>
    tpu.vector_store %arg10[%swap3A_1358, %swap3A_1359], %get3A_1357 {strides = array<i32>} : memref<40x64xf32, #tpu.memory_space<vmem>>, vector<1x64xf32>,
    %get3A_1361 = arith.constant 0 : index
    %get3A_1362 = arith.index_cast %get3A_1352 : i32 to index
    %get3A_1363 = memref.load %arg2[%get3A_1361, %get3A_1362] : memref<1x2048xf32, #tpu.memory_space<smem>>
    %le3A_1364 = vector.broadcast %get3A_1352 : i32 to vector<1x2048xi32>
    %le3A_1365 = arith.cmpi sle, %iota3A, %le3A_1364 : vector<1x2048xi32>
    %ne3A_1366 = arith.constant 0.000000e+00 : f32
    %ne3A_1367 = arith.cmpf one, %get3A_1363, %ne3A_1366 : f32
    %and3A_1368 = vector.broadcast %ne3A_1367 : i1 to vector<1x2048xi1>
    %and3A_1369 = arith.andi %le3A_1365, %and3A_1368 : vector<1x2048xi1>
    %convert_element_type3A_1370 = arith.extui %and3A_1369 : vector<1x2048xi1> to vector<1x2048xi32>
    %convert_element_type3A_1371 = arith.sitofp %convert_element_type3A_1370 : vector<1x2048xi32> to vector<1x2048xf32>
    %swap3A_1372 = arith.constant 1 : index
    %swap3A_1373 = arith.constant 0 : index
    %swap3A_1374 = vector.load %arg11[%swap3A_1372, %swap3A_1373] : memref<40x2048xf32, #tpu.memory_space<vmem>>, vector<1x2048xf32>
    tpu.vector_store %arg11[%swap3A_1372, %swap3A_1373], %convert_element_type3A_1371 {strides = array<i32>} : memref<40x2048xf32, #tpu.memory_space<vmem>>, vector<1x2048xf32>,
    %get3A_1375 = arith.index_cast %add3A_1324 : i32 to index
    %get3A_1376 = arith.constant 2 : index
    %get3A_1377 = memref.load %arg1[%get3A_1375, %get3A_1376] : memref<16x40xi32, #tpu.memory_space<smem>>
    %get3A_1378 = arith.constant 1 : index
    %get3A_1379 = arith.index_cast %get3A_1377 : i32 to index
    %get3A_1380 = arith.constant 0 : index
    %get3A_1381 = vector.load %arg3[%get3A_1378, %get3A_1379, %get3A_1380] : memref<2x2048x64xf32, #tpu.memory_space<vmem>>, vector<1x1x64xf32>
    %get3A_1382 = vector.shape_cast %get3A_1381 : vector<1x1x64xf32> to vector<1x64xf32>
    %swap3A_1383 = arith.constant 2 : index
    %swap3A_1384 = arith.constant 0 : index
    %swap3A_1385 = vector.load %arg10[%swap3A_1383, %swap3A_1384] : memref<40x64xf32, #tpu.memory_space<vmem>>, vector<1x64xf32>
    tpu.vector_store %arg10[%swap3A_1383, %swap3A_1384], %get3A_1382 {strides = array<i32>} : memref<40x64xf32, #tpu.memory_space<vmem>>, vector<1x64xf32>,
    %get3A_1386 = arith.constant 0 : index
    %get3A_1387 = arith.index_cast %get3A_1377 : i32 to index
    %get3A_1388 = memref.load %arg2[%get3A_1386, %get3A_1387] : memref<1x2048xf32, #tpu.memory_space<smem>>
    %le3A_1389 = vector.broadcast %get3A_1377 : i32 to vector<1x2048xi32>
    %le3A_1390 = arith.cmpi sle, %iota3A, %le3A_1389 : vector<1x2048xi32>
    %ne3A_1391 = arith.constant 0.000000e+00 : f32
    %ne3A_1392 = arith.cmpf one, %get3A_1388, %ne3A_1391 : f32
    %and3A_1393 = vector.broadcast %ne3A_1392 : i1 to vector<1x2048xi1>
    %and3A_1394 = arith.andi %le3A_1390, %and3A_1393 : vector<1x2048xi1>
    %convert_element_type3A_1395 = arith.extui %and3A_1394 : vector<1x2048xi1> to vector<1x2048xi32>
    %convert_element_type3A_1396 = arith.sitofp %convert_element_type3A_1395 : vector<1x2048xi32> to vector<1x2048xf32>
    %swap3A_1397 = arith.constant 2 : index
    %swap3A_1398 = arith.constant 0 : index
    %swap3A_1399 = vector.load %arg11[%swap3A_1397, %swap3A_1398] : memref<40x2048xf32, #tpu.memory_space<vmem>>, vector<1x2048xf32>
    tpu.vector_store %arg11[%swap3A_1397, %swap3A_1398], %convert_element_type3A_1396 {strides = array<i32>} : memref<40x2048xf32, #tpu.memory_space<vmem>>, vector<1x2048xf32>,
    %get3A_1400 = arith.index_cast %add3A_1324 : i32 to index
    %get3A_1401 = arith.constant 3 : index
    %get3A_1402 = memref.load %arg1[%get3A_1400, %get3A_1401] : memref<16x40xi32, #tpu.memory_space<smem>>
    %get3A_1403 = arith.constant 1 : index
    %get3A_1404 = arith.index_cast %get3A_1402 : i32 to index
    %get3A_1405 = arith.constant 0 : index
    %get3A_1406 = vector.load %arg3[%get3A_1403, %get3A_1404, %get3A_1405] : memref<2x2048x64xf32, #tpu.memory_space<vmem>>, vector<1x1x64xf32>
    %get3A_1407 = vector.shape_cast %get3A_1406 : vector<1x1x64xf32> to vector<1x64xf32>
    %swap3A_1408 = arith.constant 3 : index
    %swap3A_1409 = arith.constant 0 : index
    %swap3A_1410 = vector.load %arg10[%swap3A_1408, %swap3A_1409] : memref<40x64xf32, #tpu.memory_space<vmem>>, vector<1x64xf32>
    tpu.vector_store %arg10[%swap3A_1408, %swap3A_1409], %get3A_1407 {strides = array<i32>} : memref<40x64xf32, #tpu.memory_space<vmem>>, vector<1x64xf32>,
    %get3A_1411 = arith.constant 0 : index
    %get3A_1412 = arith.index_cast %get3A_1402 : i32 to index
    %get3A_1413 = memref.load %arg2[%get3A_1411, %get3A_1412] : memref<1x2048xf32, #tpu.memory_space<smem>>
    %le3A_1414 = vector.broadcast %get3A_1402 : i32 to vector<1x2048xi32>
    %le3A_1415 = arith.cmpi sle, %iota3A, %le3A_1414 : vector<1x2048xi32>
    %ne3A_1416 = arith.constant 0.000000e+00 : f32
    %ne3A_1417 = arith.cmpf one, %get3A_1413, %ne3A_1416 : f32
    %and3A_1418 = vector.broadcast %ne3A_1417 : i1 to vector<1x2048xi1>
    %and3A_1419 = arith.andi %le3A_1415, %and3A_1418 : vector<1x2048xi1>
    %convert_element_type3A_1420 = arith.extui %and3A_1419 : vector<1x2048xi1> to vector<1x2048xi32>
    %convert_element_type3A_1421 = arith.sitofp %convert_element_type3A_1420 : vector<1x2048xi32> to vector<1x2048xf32>
    %swap3A_1422 = arith.constant 3 : index
    %swap3A_1423 = arith.constant 0 : index
    %swap3A_1424 = vector.load %arg11[%swap3A_1422, %swap3A_1423] : memref<40x2048xf32, #tpu.memory_space<vmem>>, vector<1x2048xf32>
    tpu.vector_store %arg11[%swap3A_1422, %swap3A_1423], %convert_element_type3A_1421 {strides = array<i32>} : memref<40x2048xf32, #tpu.memory_space<vmem>>, vector<1x2048xf32>,
    %get3A_1425 = arith.index_cast %add3A_1324 : i32 to index
    %get3A_1426 = arith.constant 4 : index
    %get3A_1427 = memref.load %arg1[%get3A_1425, %get3A_1426] : memref<16x40xi32, #tpu.memory_space<smem>>
    %get3A_1428 = arith.constant 1 : index
    %get3A_1429 = arith.index_cast %get3A_1427 : i32 to index
    %get3A_1430 = arith.constant 0 : index
    %get3A_1431 = vector.load %arg3[%get3A_1428, %get3A_1429, %get3A_1430] : memref<2x2048x64xf32, #tpu.memory_space<vmem>>, vector<1x1x64xf32>
    %get3A_1432 = vector.shape_cast %get3A_1431 : vector<1x1x64xf32> to vector<1x64xf32>
    %swap3A_1433 = arith.constant 4 : index
    %swap3A_1434 = arith.constant 0 : index
    %swap3A_1435 = vector.load %arg10[%swap3A_1433, %swap3A_1434] : memref<40x64xf32, #tpu.memory_space<vmem>>, vector<1x64xf32>
    tpu.vector_store %arg10[%swap3A_1433, %swap3A_1434], %get3A_1432 {strides = array<i32>} : memref<40x64xf32, #tpu.memory_space<vmem>>, vector<1x64xf32>,
    %get3A_1436 = arith.constant 0 : index
    %get3A_1437 = arith.index_cast %get3A_1427 : i32 to index
    %get3A_1438 = memref.load %arg2[%get3A_1436, %get3A_1437] : memref<1x2048xf32, #tpu.memory_space<smem>>
    %le3A_1439 = vector.broadcast %get3A_1427 : i32 to vector<1x2048xi32>
    %le3A_1440 = arith.cmpi sle, %iota3A, %le3A_1439 : vector<1x2048xi32>
    %ne3A_1441 = arith.constant 0.000000e+00 : f32
    %ne3A_1442 = arith.cmpf one, %get3A_1438, %ne3A_1441 : f32
    %and3A_1443 = vector.broadcast %ne3A_1442 : i1 to vector<1x2048xi1>
    %and3A_1444 = arith.andi %le3A_1440, %and3A_1443 : vector<1x2048xi1>
    %convert_element_type3A_1445 = arith.extui %and3A_1444 : vector<1x2048xi1> to vector<1x2048xi32>
    %convert_element_type3A_1446 = arith.sitofp %convert_element_type3A_1445 : vector<1x2048xi32> to vector<1x2048xf32>
    %swap3A_1447 = arith.constant 4 : index
    %swap3A_1448 = arith.constant 0 : index
    %swap3A_1449 = vector.load %arg11[%swap3A_1447, %swap3A_1448] : memref<40x2048xf32, #tpu.memory_space<vmem>>, vector<1x2048xf32>
    tpu.vector_store %arg11[%swap3A_1447, %swap3A_1448], %convert_element_type3A_1446 {strides = array<i32>} : memref<40x2048xf32, #tpu.memory_space<vmem>>, vector<1x2048xf32>,
    %get3A_1450 = arith.index_cast %add3A_1324 : i32 to index
    %get3A_1451 = arith.constant 5 : index
    %get3A_1452 = memref.load %arg1[%get3A_1450, %get3A_1451] : memref<16x40xi32, #tpu.memory_space<smem>>
    %get3A_1453 = arith.constant 1 : index
    %get3A_1454 = arith.index_cast %get3A_1452 : i32 to index
    %get3A_1455 = arith.constant 0 : index
    %get3A_1456 = vector.load %arg3[%get3A_1453, %get3A_1454, %get3A_1455] : memref<2x2048x64xf32, #tpu.memory_space<vmem>>, vector<1x1x64xf32>
    %get3A_1457 = vector.shape_cast %get3A_1456 : vector<1x1x64xf32> to vector<1x64xf32>
    %swap3A_1458 = arith.constant 5 : index
    %swap3A_1459 = arith.constant 0 : index
    %swap3A_1460 = vector.load %arg10[%swap3A_1458, %swap3A_1459] : memref<40x64xf32, #tpu.memory_space<vmem>>, vector<1x64xf32>
    tpu.vector_store %arg10[%swap3A_1458, %swap3A_1459], %get3A_1457 {strides = array<i32>} : memref<40x64xf32, #tpu.memory_space<vmem>>, vector<1x64xf32>,
    %get3A_1461 = arith.constant 0 : index
    %get3A_1462 = arith.index_cast %get3A_1452 : i32 to index
    %get3A_1463 = memref.load %arg2[%get3A_1461, %get3A_1462] : memref<1x2048xf32, #tpu.memory_space<smem>>
    %le3A_1464 = vector.broadcast %get3A_1452 : i32 to vector<1x2048xi32>
    %le3A_1465 = arith.cmpi sle, %iota3A, %le3A_1464 : vector<1x2048xi32>
    %ne3A_1466 = arith.constant 0.000000e+00 : f32
    %ne3A_1467 = arith.cmpf one, %get3A_1463, %ne3A_1466 : f32
    %and3A_1468 = vector.broadcast %ne3A_1467 : i1 to vector<1x2048xi1>
    %and3A_1469 = arith.andi %le3A_1465, %and3A_1468 : vector<1x2048xi1>
    %convert_element_type3A_1470 = arith.extui %and3A_1469 : vector<1x2048xi1> to vector<1x2048xi32>
    %convert_element_type3A_1471 = arith.sitofp %convert_element_type3A_1470 : vector<1x2048xi32> to vector<1x2048xf32>
    %swap3A_1472 = arith.constant 5 : index
    %swap3A_1473 = arith.constant 0 : index
    %swap3A_1474 = vector.load %arg11[%swap3A_1472, %swap3A_1473] : memref<40x2048xf32, #tpu.memory_space<vmem>>, vector<1x2048xf32>
    tpu.vector_store %arg11[%swap3A_1472, %swap3A_1473], %convert_element_type3A_1471 {strides = array<i32>} : memref<40x2048xf32, #tpu.memory_space<vmem>>, vector<1x2048xf32>,
    %get3A_1475 = arith.index_cast %add3A_1324 : i32 to index
    %get3A_1476 = arith.constant 6 : index
    %get3A_1477 = memref.load %arg1[%get3A_1475, %get3A_1476] : memref<16x40xi32, #tpu.memory_space<smem>>
    %get3A_1478 = arith.constant 1 : index
    %get3A_1479 = arith.index_cast %get3A_1477 : i32 to index
    %get3A_1480 = arith.constant 0 : index
    %get3A_1481 = vector.load %arg3[%get3A_1478, %get3A_1479, %get3A_1480] : memref<2x2048x64xf32, #tpu.memory_space<vmem>>, vector<1x1x64xf32>
    %get3A_1482 = vector.shape_cast %get3A_1481 : vector<1x1x64xf32> to vector<1x64xf32>
    %swap3A_1483 = arith.constant 6 : index
    %swap3A_1484 = arith.constant 0 : index
    %swap3A_1485 = vector.load %arg10[%swap3A_1483, %swap3A_1484] : memref<40x64xf32, #tpu.memory_space<vmem>>, vector<1x64xf32>
    tpu.vector_store %arg10[%swap3A_1483, %swap3A_1484], %get3A_1482 {strides = array<i32>} : memref<40x64xf32, #tpu.memory_space<vmem>>, vector<1x64xf32>,
    %get3A_1486 = arith.constant 0 : index
    %get3A_1487 = arith.index_cast %get3A_1477 : i32 to index
    %get3A_1488 = memref.load %arg2[%get3A_1486, %get3A_1487] : memref<1x2048xf32, #tpu.memory_space<smem>>
    %le3A_1489 = vector.broadcast %get3A_1477 : i32 to vector<1x2048xi32>
    %le3A_1490 = arith.cmpi sle, %iota3A, %le3A_1489 : vector<1x2048xi32>
    %ne3A_1491 = arith.constant 0.000000e+00 : f32
    %ne3A_1492 = arith.cmpf one, %get3A_1488, %ne3A_1491 : f32
    %and3A_1493 = vector.broadcast %ne3A_1492 : i1 to vector<1x2048xi1>
    %and3A_1494 = arith.andi %le3A_1490, %and3A_1493 : vector<1x2048xi1>
    %convert_element_type3A_1495 = arith.extui %and3A_1494 : vector<1x2048xi1> to vector<1x2048xi32>
    %convert_element_type3A_1496 = arith.sitofp %convert_element_type3A_1495 : vector<1x2048xi32> to vector<1x2048xf32>
    %swap3A_1497 = arith.constant 6 : index
    %swap3A_1498 = arith.constant 0 : index
    %swap3A_1499 = vector.load %arg11[%swap3A_1497, %swap3A_1498] : memref<40x2048xf32, #tpu.memory_space<vmem>>, vector<1x2048xf32>
    tpu.vector_store %arg11[%swap3A_1497, %swap3A_1498], %convert_element_type3A_1496 {strides = array<i32>} : memref<40x2048xf32, #tpu.memory_space<vmem>>, vector<1x2048xf32>,
    %get3A_1500 = arith.index_cast %add3A_1324 : i32 to index
    %get3A_1501 = arith.constant 7 : index
    %get3A_1502 = memref.load %arg1[%get3A_1500, %get3A_1501] : memref<16x40xi32, #tpu.memory_space<smem>>
    %get3A_1503 = arith.constant 1 : index
    %get3A_1504 = arith.index_cast %get3A_1502 : i32 to index
    %get3A_1505 = arith.constant 0 : index
    %get3A_1506 = vector.load %arg3[%get3A_1503, %get3A_1504, %get3A_1505] : memref<2x2048x64xf32, #tpu.memory_space<vmem>>, vector<1x1x64xf32>
    %get3A_1507 = vector.shape_cast %get3A_1506 : vector<1x1x64xf32> to vector<1x64xf32>
    %swap3A_1508 = arith.constant 7 : index
    %swap3A_1509 = arith.constant 0 : index
    %swap3A_1510 = vector.load %arg10[%swap3A_1508, %swap3A_1509] : memref<40x64xf32, #tpu.memory_space<vmem>>, vector<1x64xf32>
    tpu.vector_store %arg10[%swap3A_1508, %swap3A_1509], %get3A_1507 {strides = array<i32>} : memref<40x64xf32, #tpu.memory_space<vmem>>, vector<1x64xf32>,
    %get3A_1511 = arith.constant 0 : index
    %get3A_1512 = arith.index_cast %get3A_1502 : i32 to index
    %get3A_1513 = memref.load %arg2[%get3A_1511, %get3A_1512] : memref<1x2048xf32, #tpu.memory_space<smem>>
    %le3A_1514 = vector.broadcast %get3A_1502 : i32 to vector<1x2048xi32>
    %le3A_1515 = arith.cmpi sle, %iota3A, %le3A_1514 : vector<1x2048xi32>
    %ne3A_1516 = arith.constant 0.000000e+00 : f32
    %ne3A_1517 = arith.cmpf one, %get3A_1513, %ne3A_1516 : f32
    %and3A_1518 = vector.broadcast %ne3A_1517 : i1 to vector<1x2048xi1>
    %and3A_1519 = arith.andi %le3A_1515, %and3A_1518 : vector<1x2048xi1>
    %convert_element_type3A_1520 = arith.extui %and3A_1519 : vector<1x2048xi1> to vector<1x2048xi32>
    %convert_element_type3A_1521 = arith.sitofp %convert_element_type3A_1520 : vector<1x2048xi32> to vector<1x2048xf32>
    %swap3A_1522 = arith.constant 7 : index
    %swap3A_1523 = arith.constant 0 : index
    %swap3A_1524 = vector.load %arg11[%swap3A_1522, %swap3A_1523] : memref<40x2048xf32, #tpu.memory_space<vmem>>, vector<1x2048xf32>
    tpu.vector_store %arg11[%swap3A_1522, %swap3A_1523], %convert_element_type3A_1521 {strides = array<i32>} : memref<40x2048xf32, #tpu.memory_space<vmem>>, vector<1x2048xf32>,
    %get3A_1525 = arith.index_cast %add3A_1324 : i32 to index
    %get3A_1526 = arith.constant 8 : index
    %get3A_1527 = memref.load %arg1[%get3A_1525, %get3A_1526] : memref<16x40xi32, #tpu.memory_space<smem>>
    %get3A_1528 = arith.constant 1 : index
    %get3A_1529 = arith.index_cast %get3A_1527 : i32 to index
    %get3A_1530 = arith.constant 0 : index
    %get3A_1531 = vector.load %arg3[%get3A_1528, %get3A_1529, %get3A_1530] : memref<2x2048x64xf32, #tpu.memory_space<vmem>>, vector<1x1x64xf32>
    %get3A_1532 = vector.shape_cast %get3A_1531 : vector<1x1x64xf32> to vector<1x64xf32>
    %swap3A_1533 = arith.constant 8 : index
    %swap3A_1534 = arith.constant 0 : index
    %swap3A_1535 = vector.load %arg10[%swap3A_1533, %swap3A_1534] : memref<40x64xf32, #tpu.memory_space<vmem>>, vector<1x64xf32>
    tpu.vector_store %arg10[%swap3A_1533, %swap3A_1534], %get3A_1532 {strides = array<i32>} : memref<40x64xf32, #tpu.memory_space<vmem>>, vector<1x64xf32>,
    %get3A_1536 = arith.constant 0 : index
    %get3A_1537 = arith.index_cast %get3A_1527 : i32 to index
    %get3A_1538 = memref.load %arg2[%get3A_1536, %get3A_1537] : memref<1x2048xf32, #tpu.memory_space<smem>>
    %le3A_1539 = vector.broadcast %get3A_1527 : i32 to vector<1x2048xi32>
    %le3A_1540 = arith.cmpi sle, %iota3A, %le3A_1539 : vector<1x2048xi32>
    %ne3A_1541 = arith.constant 0.000000e+00 : f32
    %ne3A_1542 = arith.cmpf one, %get3A_1538, %ne3A_1541 : f32
    %and3A_1543 = vector.broadcast %ne3A_1542 : i1 to vector<1x2048xi1>
    %and3A_1544 = arith.andi %le3A_1540, %and3A_1543 : vector<1x2048xi1>
    %convert_element_type3A_1545 = arith.extui %and3A_1544 : vector<1x2048xi1> to vector<1x2048xi32>
    %convert_element_type3A_1546 = arith.sitofp %convert_element_type3A_1545 : vector<1x2048xi32> to vector<1x2048xf32>
    %swap3A_1547 = arith.constant 8 : index
    %swap3A_1548 = arith.constant 0 : index
    %swap3A_1549 = vector.load %arg11[%swap3A_1547, %swap3A_1548] : memref<40x2048xf32, #tpu.memory_space<vmem>>, vector<1x2048xf32>
    tpu.vector_store %arg11[%swap3A_1547, %swap3A_1548], %convert_element_type3A_1546 {strides = array<i32>} : memref<40x2048xf32, #tpu.memory_space<vmem>>, vector<1x2048xf32>,
    %get3A_1550 = arith.index_cast %add3A_1324 : i32 to index
    %get3A_1551 = arith.constant 9 : index
    %get3A_1552 = memref.load %arg1[%get3A_1550, %get3A_1551] : memref<16x40xi32, #tpu.memory_space<smem>>
    %get3A_1553 = arith.constant 1 : index
    %get3A_1554 = arith.index_cast %get3A_1552 : i32 to index
    %get3A_1555 = arith.constant 0 : index
    %get3A_1556 = vector.load %arg3[%get3A_1553, %get3A_1554, %get3A_1555] : memref<2x2048x64xf32, #tpu.memory_space<vmem>>, vector<1x1x64xf32>
    %get3A_1557 = vector.shape_cast %get3A_1556 : vector<1x1x64xf32> to vector<1x64xf32>
    %swap3A_1558 = arith.constant 9 : index
    %swap3A_1559 = arith.constant 0 : index
    %swap3A_1560 = vector.load %arg10[%swap3A_1558, %swap3A_1559] : memref<40x64xf32, #tpu.memory_space<vmem>>, vector<1x64xf32>
    tpu.vector_store %arg10[%swap3A_1558, %swap3A_1559], %get3A_1557 {strides = array<i32>} : memref<40x64xf32, #tpu.memory_space<vmem>>, vector<1x64xf32>,
    %get3A_1561 = arith.constant 0 : index
    %get3A_1562 = arith.index_cast %get3A_1552 : i32 to index
    %get3A_1563 = memref.load %arg2[%get3A_1561, %get3A_1562] : memref<1x2048xf32, #tpu.memory_space<smem>>
    %le3A_1564 = vector.broadcast %get3A_1552 : i32 to vector<1x2048xi32>
    %le3A_1565 = arith.cmpi sle, %iota3A, %le3A_1564 : vector<1x2048xi32>
    %ne3A_1566 = arith.constant 0.000000e+00 : f32
    %ne3A_1567 = arith.cmpf one, %get3A_1563, %ne3A_1566 : f32
    %and3A_1568 = vector.broadcast %ne3A_1567 : i1 to vector<1x2048xi1>
    %and3A_1569 = arith.andi %le3A_1565, %and3A_1568 : vector<1x2048xi1>
    %convert_element_type3A_1570 = arith.extui %and3A_1569 : vector<1x2048xi1> to vector<1x2048xi32>
    %convert_element_type3A_1571 = arith.sitofp %convert_element_type3A_1570 : vector<1x2048xi32> to vector<1x2048xf32>
    %swap3A_1572 = arith.constant 9 : index
    %swap3A_1573 = arith.constant 0 : index
    %swap3A_1574 = vector.load %arg11[%swap3A_1572, %swap3A_1573] : memref<40x2048xf32, #tpu.memory_space<vmem>>, vector<1x2048xf32>
    tpu.vector_store %arg11[%swap3A_1572, %swap3A_1573], %convert_element_type3A_1571 {strides = array<i32>} : memref<40x2048xf32, #tpu.memory_space<vmem>>, vector<1x2048xf32>,
    %get3A_1575 = arith.index_cast %add3A_1324 : i32 to index
    %get3A_1576 = arith.constant 10 : index
    %get3A_1577 = memref.load %arg1[%get3A_1575, %get3A_1576] : memref<16x40xi32, #tpu.memory_space<smem>>
    %get3A_1578 = arith.constant 1 : index
    %get3A_1579 = arith.index_cast %get3A_1577 : i32 to index
    %get3A_1580 = arith.constant 0 : index
    %get3A_1581 = vector.load %arg3[%get3A_1578, %get3A_1579, %get3A_1580] : memref<2x2048x64xf32, #tpu.memory_space<vmem>>, vector<1x1x64xf32>
    %get3A_1582 = vector.shape_cast %get3A_1581 : vector<1x1x64xf32> to vector<1x64xf32>
    %swap3A_1583 = arith.constant 10 : index
    %swap3A_1584 = arith.constant 0 : index
    %swap3A_1585 = vector.load %arg10[%swap3A_1583, %swap3A_1584] : memref<40x64xf32, #tpu.memory_space<vmem>>, vector<1x64xf32>
    tpu.vector_store %arg10[%swap3A_1583, %swap3A_1584], %get3A_1582 {strides = array<i32>} : memref<40x64xf32, #tpu.memory_space<vmem>>, vector<1x64xf32>,
    %get3A_1586 = arith.constant 0 : index
    %get3A_1587 = arith.index_cast %get3A_1577 : i32 to index
    %get3A_1588 = memref.load %arg2[%get3A_1586, %get3A_1587] : memref<1x2048xf32, #tpu.memory_space<smem>>
    %le3A_1589 = vector.broadcast %get3A_1577 : i32 to vector<1x2048xi32>
    %le3A_1590 = arith.cmpi sle, %iota3A, %le3A_1589 : vector<1x2048xi32>
    %ne3A_1591 = arith.constant 0.000000e+00 : f32
    %ne3A_1592 = arith.cmpf one, %get3A_1588, %ne3A_1591 : f32
    %and3A_1593 = vector.broadcast %ne3A_1592 : i1 to vector<1x2048xi1>
    %and3A_1594 = arith.andi %le3A_1590, %and3A_1593 : vector<1x2048xi1>
    %convert_element_type3A_1595 = arith.extui %and3A_1594 : vector<1x2048xi1> to vector<1x2048xi32>
    %convert_element_type3A_1596 = arith.sitofp %convert_element_type3A_1595 : vector<1x2048xi32> to vector<1x2048xf32>
    %swap3A_1597 = arith.constant 10 : index
    %swap3A_1598 = arith.constant 0 : index
    %swap3A_1599 = vector.load %arg11[%swap3A_1597, %swap3A_1598] : memref<40x2048xf32, #tpu.memory_space<vmem>>, vector<1x2048xf32>
    tpu.vector_store %arg11[%swap3A_1597, %swap3A_1598], %convert_element_type3A_1596 {strides = array<i32>} : memref<40x2048xf32, #tpu.memory_space<vmem>>, vector<1x2048xf32>,
    %get3A_1600 = arith.index_cast %add3A_1324 : i32 to index
    %get3A_1601 = arith.constant 11 : index
    %get3A_1602 = memref.load %arg1[%get3A_1600, %get3A_1601] : memref<16x40xi32, #tpu.memory_space<smem>>
    %get3A_1603 = arith.constant 1 : index
    %get3A_1604 = arith.index_cast %get3A_1602 : i32 to index
    %get3A_1605 = arith.constant 0 : index
    %get3A_1606 = vector.load %arg3[%get3A_1603, %get3A_1604, %get3A_1605] : memref<2x2048x64xf32, #tpu.memory_space<vmem>>, vector<1x1x64xf32>
    %get3A_1607 = vector.shape_cast %get3A_1606 : vector<1x1x64xf32> to vector<1x64xf32>
    %swap3A_1608 = arith.constant 11 : index
    %swap3A_1609 = arith.constant 0 : index
    %swap3A_1610 = vector.load %arg10[%swap3A_1608, %swap3A_1609] : memref<40x64xf32, #tpu.memory_space<vmem>>, vector<1x64xf32>
    tpu.vector_store %arg10[%swap3A_1608, %swap3A_1609], %get3A_1607 {strides = array<i32>} : memref<40x64xf32, #tpu.memory_space<vmem>>, vector<1x64xf32>,
    %get3A_1611 = arith.constant 0 : index
    %get3A_1612 = arith.index_cast %get3A_1602 : i32 to index
    %get3A_1613 = memref.load %arg2[%get3A_1611, %get3A_1612] : memref<1x2048xf32, #tpu.memory_space<smem>>
    %le3A_1614 = vector.broadcast %get3A_1602 : i32 to vector<1x2048xi32>
    %le3A_1615 = arith.cmpi sle, %iota3A, %le3A_1614 : vector<1x2048xi32>
    %ne3A_1616 = arith.constant 0.000000e+00 : f32
    %ne3A_1617 = arith.cmpf one, %get3A_1613, %ne3A_1616 : f32
    %and3A_1618 = vector.broadcast %ne3A_1617 : i1 to vector<1x2048xi1>
    %and3A_1619 = arith.andi %le3A_1615, %and3A_1618 : vector<1x2048xi1>
    %convert_element_type3A_1620 = arith.extui %and3A_1619 : vector<1x2048xi1> to vector<1x2048xi32>
    %convert_element_type3A_1621 = arith.sitofp %convert_element_type3A_1620 : vector<1x2048xi32> to vector<1x2048xf32>
    %swap3A_1622 = arith.constant 11 : index
    %swap3A_1623 = arith.constant 0 : index
    %swap3A_1624 = vector.load %arg11[%swap3A_1622, %swap3A_1623] : memref<40x2048xf32, #tpu.memory_space<vmem>>, vector<1x2048xf32>
    tpu.vector_store %arg11[%swap3A_1622, %swap3A_1623], %convert_element_type3A_1621 {strides = array<i32>} : memref<40x2048xf32, #tpu.memory_space<vmem>>, vector<1x2048xf32>,
    %get3A_1625 = arith.index_cast %add3A_1324 : i32 to index
    %get3A_1626 = arith.constant 12 : index
    %get3A_1627 = memref.load %arg1[%get3A_1625, %get3A_1626] : memref<16x40xi32, #tpu.memory_space<smem>>
    %get3A_1628 = arith.constant 1 : index
    %get3A_1629 = arith.index_cast %get3A_1627 : i32 to index
    %get3A_1630 = arith.constant 0 : index
    %get3A_1631 = vector.load %arg3[%get3A_1628, %get3A_1629, %get3A_1630] : memref<2x2048x64xf32, #tpu.memory_space<vmem>>, vector<1x1x64xf32>
    %get3A_1632 = vector.shape_cast %get3A_1631 : vector<1x1x64xf32> to vector<1x64xf32>
    %swap3A_1633 = arith.constant 12 : index
    %swap3A_1634 = arith.constant 0 : index
    %swap3A_1635 = vector.load %arg10[%swap3A_1633, %swap3A_1634] : memref<40x64xf32, #tpu.memory_space<vmem>>, vector<1x64xf32>
    tpu.vector_store %arg10[%swap3A_1633, %swap3A_1634], %get3A_1632 {strides = array<i32>} : memref<40x64xf32, #tpu.memory_space<vmem>>, vector<1x64xf32>,
    %get3A_1636 = arith.constant 0 : index
    %get3A_1637 = arith.index_cast %get3A_1627 : i32 to index
    %get3A_1638 = memref.load %arg2[%get3A_1636, %get3A_1637] : memref<1x2048xf32, #tpu.memory_space<smem>>
    %le3A_1639 = vector.broadcast %get3A_1627 : i32 to vector<1x2048xi32>
    %le3A_1640 = arith.cmpi sle, %iota3A, %le3A_1639 : vector<1x2048xi32>
    %ne3A_1641 = arith.constant 0.000000e+00 : f32
    %ne3A_1642 = arith.cmpf one, %get3A_1638, %ne3A_1641 : f32
    %and3A_1643 = vector.broadcast %ne3A_1642 : i1 to vector<1x2048xi1>
    %and3A_1644 = arith.andi %le3A_1640, %and3A_1643 : vector<1x2048xi1>
    %convert_element_type3A_1645 = arith.extui %and3A_1644 : vector<1x2048xi1> to vector<1x2048xi32>
    %convert_element_type3A_1646 = arith.sitofp %convert_element_type3A_1645 : vector<1x2048xi32> to vector<1x2048xf32>
    %swap3A_1647 = arith.constant 12 : index
    %swap3A_1648 = arith.constant 0 : index
    %swap3A_1649 = vector.load %arg11[%swap3A_1647, %swap3A_1648] : memref<40x2048xf32, #tpu.memory_space<vmem>>, vector<1x2048xf32>
    tpu.vector_store %arg11[%swap3A_1647, %swap3A_1648], %convert_element_type3A_1646 {strides = array<i32>} : memref<40x2048xf32, #tpu.memory_space<vmem>>, vector<1x2048xf32>,
    %get3A_1650 = arith.index_cast %add3A_1324 : i32 to index
    %get3A_1651 = arith.constant 13 : index
    %get3A_1652 = memref.load %arg1[%get3A_1650, %get3A_1651] : memref<16x40xi32, #tpu.memory_space<smem>>
    %get3A_1653 = arith.constant 1 : index
    %get3A_1654 = arith.index_cast %get3A_1652 : i32 to index
    %get3A_1655 = arith.constant 0 : index
    %get3A_1656 = vector.load %arg3[%get3A_1653, %get3A_1654, %get3A_1655] : memref<2x2048x64xf32, #tpu.memory_space<vmem>>, vector<1x1x64xf32>
    %get3A_1657 = vector.shape_cast %get3A_1656 : vector<1x1x64xf32> to vector<1x64xf32>
    %swap3A_1658 = arith.constant 13 : index
    %swap3A_1659 = arith.constant 0 : index
    %swap3A_1660 = vector.load %arg10[%swap3A_1658, %swap3A_1659] : memref<40x64xf32, #tpu.memory_space<vmem>>, vector<1x64xf32>
    tpu.vector_store %arg10[%swap3A_1658, %swap3A_1659], %get3A_1657 {strides = array<i32>} : memref<40x64xf32, #tpu.memory_space<vmem>>, vector<1x64xf32>,
    %get3A_1661 = arith.constant 0 : index
    %get3A_1662 = arith.index_cast %get3A_1652 : i32 to index
    %get3A_1663 = memref.load %arg2[%get3A_1661, %get3A_1662] : memref<1x2048xf32, #tpu.memory_space<smem>>
    %le3A_1664 = vector.broadcast %get3A_1652 : i32 to vector<1x2048xi32>
    %le3A_1665 = arith.cmpi sle, %iota3A, %le3A_1664 : vector<1x2048xi32>
    %ne3A_1666 = arith.constant 0.000000e+00 : f32
    %ne3A_1667 = arith.cmpf one, %get3A_1663, %ne3A_1666 : f32
    %and3A_1668 = vector.broadcast %ne3A_1667 : i1 to vector<1x2048xi1>
    %and3A_1669 = arith.andi %le3A_1665, %and3A_1668 : vector<1x2048xi1>
    %convert_element_type3A_1670 = arith.extui %and3A_1669 : vector<1x2048xi1> to vector<1x2048xi32>
    %convert_element_type3A_1671 = arith.sitofp %convert_element_type3A_1670 : vector<1x2048xi32> to vector<1x2048xf32>
    %swap3A_1672 = arith.constant 13 : index
    %swap3A_1673 = arith.constant 0 : index
    %swap3A_1674 = vector.load %arg11[%swap3A_1672, %swap3A_1673] : memref<40x2048xf32, #tpu.memory_space<vmem>>, vector<1x2048xf32>
    tpu.vector_store %arg11[%swap3A_1672, %swap3A_1673], %convert_element_type3A_1671 {strides = array<i32>} : memref<40x2048xf32, #tpu.memory_space<vmem>>, vector<1x2048xf32>,
    %get3A_1675 = arith.index_cast %add3A_1324 : i32 to index
    %get3A_1676 = arith.constant 14 : index
    %get3A_1677 = memref.load %arg1[%get3A_1675, %get3A_1676] : memref<16x40xi32, #tpu.memory_space<smem>>
    %get3A_1678 = arith.constant 1 : index
    %get3A_1679 = arith.index_cast %get3A_1677 : i32 to index
    %get3A_1680 = arith.constant 0 : index
    %get3A_1681 = vector.load %arg3[%get3A_1678, %get3A_1679, %get3A_1680] : memref<2x2048x64xf32, #tpu.memory_space<vmem>>, vector<1x1x64xf32>
    %get3A_1682 = vector.shape_cast %get3A_1681 : vector<1x1x64xf32> to vector<1x64xf32>
    %swap3A_1683 = arith.constant 14 : index
    %swap3A_1684 = arith.constant 0 : index
    %swap3A_1685 = vector.load %arg10[%swap3A_1683, %swap3A_1684] : memref<40x64xf32, #tpu.memory_space<vmem>>, vector<1x64xf32>
    tpu.vector_store %arg10[%swap3A_1683, %swap3A_1684], %get3A_1682 {strides = array<i32>} : memref<40x64xf32, #tpu.memory_space<vmem>>, vector<1x64xf32>,
    %get3A_1686 = arith.constant 0 : index
    %get3A_1687 = arith.index_cast %get3A_1677 : i32 to index
    %get3A_1688 = memref.load %arg2[%get3A_1686, %get3A_1687] : memref<1x2048xf32, #tpu.memory_space<smem>>
    %le3A_1689 = vector.broadcast %get3A_1677 : i32 to vector<1x2048xi32>
    %le3A_1690 = arith.cmpi sle, %iota3A, %le3A_1689 : vector<1x2048xi32>
    %ne3A_1691 = arith.constant 0.000000e+00 : f32
    %ne3A_1692 = arith.cmpf one, %get3A_1688, %ne3A_1691 : f32
    %and3A_1693 = vector.broadcast %ne3A_1692 : i1 to vector<1x2048xi1>
    %and3A_1694 = arith.andi %le3A_1690, %and3A_1693 : vector<1x2048xi1>
    %convert_element_type3A_1695 = arith.extui %and3A_1694 : vector<1x2048xi1> to vector<1x2048xi32>
    %convert_element_type3A_1696 = arith.sitofp %convert_element_type3A_1695 : vector<1x2048xi32> to vector<1x2048xf32>
    %swap3A_1697 = arith.constant 14 : index
    %swap3A_1698 = arith.constant 0 : index
    %swap3A_1699 = vector.load %arg11[%swap3A_1697, %swap3A_1698] : memref<40x2048xf32, #tpu.memory_space<vmem>>, vector<1x2048xf32>
    tpu.vector_store %arg11[%swap3A_1697, %swap3A_1698], %convert_element_type3A_1696 {strides = array<i32>} : memref<40x2048xf32, #tpu.memory_space<vmem>>, vector<1x2048xf32>,
    %get3A_1700 = arith.index_cast %add3A_1324 : i32 to index
    %get3A_1701 = arith.constant 15 : index
    %get3A_1702 = memref.load %arg1[%get3A_1700, %get3A_1701] : memref<16x40xi32, #tpu.memory_space<smem>>
    %get3A_1703 = arith.constant 1 : index
    %get3A_1704 = arith.index_cast %get3A_1702 : i32 to index
    %get3A_1705 = arith.constant 0 : index
    %get3A_1706 = vector.load %arg3[%get3A_1703, %get3A_1704, %get3A_1705] : memref<2x2048x64xf32, #tpu.memory_space<vmem>>, vector<1x1x64xf32>
    %get3A_1707 = vector.shape_cast %get3A_1706 : vector<1x1x64xf32> to vector<1x64xf32>
    %swap3A_1708 = arith.constant 15 : index
    %swap3A_1709 = arith.constant 0 : index
    %swap3A_1710 = vector.load %arg10[%swap3A_1708, %swap3A_1709] : memref<40x64xf32, #tpu.memory_space<vmem>>, vector<1x64xf32>
    tpu.vector_store %arg10[%swap3A_1708, %swap3A_1709], %get3A_1707 {strides = array<i32>} : memref<40x64xf32, #tpu.memory_space<vmem>>, vector<1x64xf32>,
    %get3A_1711 = arith.constant 0 : index
    %get3A_1712 = arith.index_cast %get3A_1702 : i32 to index
    %get3A_1713 = memref.load %arg2[%get3A_1711, %get3A_1712] : memref<1x2048xf32, #tpu.memory_space<smem>>
    %le3A_1714 = vector.broadcast %get3A_1702 : i32 to vector<1x2048xi32>
    %le3A_1715 = arith.cmpi sle, %iota3A, %le3A_1714 : vector<1x2048xi32>
    %ne3A_1716 = arith.constant 0.000000e+00 : f32
    %ne3A_1717 = arith.cmpf one, %get3A_1713, %ne3A_1716 : f32
    %and3A_1718 = vector.broadcast %ne3A_1717 : i1 to vector<1x2048xi1>
    %and3A_1719 = arith.andi %le3A_1715, %and3A_1718 : vector<1x2048xi1>
    %convert_element_type3A_1720 = arith.extui %and3A_1719 : vector<1x2048xi1> to vector<1x2048xi32>
    %convert_element_type3A_1721 = arith.sitofp %convert_element_type3A_1720 : vector<1x2048xi32> to vector<1x2048xf32>
    %swap3A_1722 = arith.constant 15 : index
    %swap3A_1723 = arith.constant 0 : index
    %swap3A_1724 = vector.load %arg11[%swap3A_1722, %swap3A_1723] : memref<40x2048xf32, #tpu.memory_space<vmem>>, vector<1x2048xf32>
    tpu.vector_store %arg11[%swap3A_1722, %swap3A_1723], %convert_element_type3A_1721 {strides = array<i32>} : memref<40x2048xf32, #tpu.memory_space<vmem>>, vector<1x2048xf32>,
    %get3A_1725 = arith.index_cast %add3A_1324 : i32 to index
    %get3A_1726 = arith.constant 16 : index
    %get3A_1727 = memref.load %arg1[%get3A_1725, %get3A_1726] : memref<16x40xi32, #tpu.memory_space<smem>>
    %get3A_1728 = arith.constant 1 : index
    %get3A_1729 = arith.index_cast %get3A_1727 : i32 to index
    %get3A_1730 = arith.constant 0 : index
    %get3A_1731 = vector.load %arg3[%get3A_1728, %get3A_1729, %get3A_1730] : memref<2x2048x64xf32, #tpu.memory_space<vmem>>, vector<1x1x64xf32>
    %get3A_1732 = vector.shape_cast %get3A_1731 : vector<1x1x64xf32> to vector<1x64xf32>
    %swap3A_1733 = arith.constant 16 : index
    %swap3A_1734 = arith.constant 0 : index
    %swap3A_1735 = vector.load %arg10[%swap3A_1733, %swap3A_1734] : memref<40x64xf32, #tpu.memory_space<vmem>>, vector<1x64xf32>
    tpu.vector_store %arg10[%swap3A_1733, %swap3A_1734], %get3A_1732 {strides = array<i32>} : memref<40x64xf32, #tpu.memory_space<vmem>>, vector<1x64xf32>,
    %get3A_1736 = arith.constant 0 : index
    %get3A_1737 = arith.index_cast %get3A_1727 : i32 to index
    %get3A_1738 = memref.load %arg2[%get3A_1736, %get3A_1737] : memref<1x2048xf32, #tpu.memory_space<smem>>
    %le3A_1739 = vector.broadcast %get3A_1727 : i32 to vector<1x2048xi32>
    %le3A_1740 = arith.cmpi sle, %iota3A, %le3A_1739 : vector<1x2048xi32>
    %ne3A_1741 = arith.constant 0.000000e+00 : f32
    %ne3A_1742 = arith.cmpf one, %get3A_1738, %ne3A_1741 : f32
    %and3A_1743 = vector.broadcast %ne3A_1742 : i1 to vector<1x2048xi1>
    %and3A_1744 = arith.andi %le3A_1740, %and3A_1743 : vector<1x2048xi1>
    %convert_element_type3A_1745 = arith.extui %and3A_1744 : vector<1x2048xi1> to vector<1x2048xi32>
    %convert_element_type3A_1746 = arith.sitofp %convert_element_type3A_1745 : vector<1x2048xi32> to vector<1x2048xf32>
    %swap3A_1747 = arith.constant 16 : index
    %swap3A_1748 = arith.constant 0 : index
    %swap3A_1749 = vector.load %arg11[%swap3A_1747, %swap3A_1748] : memref<40x2048xf32, #tpu.memory_space<vmem>>, vector<1x2048xf32>
    tpu.vector_store %arg11[%swap3A_1747, %swap3A_1748], %convert_element_type3A_1746 {strides = array<i32>} : memref<40x2048xf32, #tpu.memory_space<vmem>>, vector<1x2048xf32>,
    %get3A_1750 = arith.index_cast %add3A_1324 : i32 to index
    %get3A_1751 = arith.constant 17 : index
    %get3A_1752 = memref.load %arg1[%get3A_1750, %get3A_1751] : memref<16x40xi32, #tpu.memory_space<smem>>
    %get3A_1753 = arith.constant 1 : index
    %get3A_1754 = arith.index_cast %get3A_1752 : i32 to index
    %get3A_1755 = arith.constant 0 : index
    %get3A_1756 = vector.load %arg3[%get3A_1753, %get3A_1754, %get3A_1755] : memref<2x2048x64xf32, #tpu.memory_space<vmem>>, vector<1x1x64xf32>
    %get3A_1757 = vector.shape_cast %get3A_1756 : vector<1x1x64xf32> to vector<1x64xf32>
    %swap3A_1758 = arith.constant 17 : index
    %swap3A_1759 = arith.constant 0 : index
    %swap3A_1760 = vector.load %arg10[%swap3A_1758, %swap3A_1759] : memref<40x64xf32, #tpu.memory_space<vmem>>, vector<1x64xf32>
    tpu.vector_store %arg10[%swap3A_1758, %swap3A_1759], %get3A_1757 {strides = array<i32>} : memref<40x64xf32, #tpu.memory_space<vmem>>, vector<1x64xf32>,
    %get3A_1761 = arith.constant 0 : index
    %get3A_1762 = arith.index_cast %get3A_1752 : i32 to index
    %get3A_1763 = memref.load %arg2[%get3A_1761, %get3A_1762] : memref<1x2048xf32, #tpu.memory_space<smem>>
    %le3A_1764 = vector.broadcast %get3A_1752 : i32 to vector<1x2048xi32>
    %le3A_1765 = arith.cmpi sle, %iota3A, %le3A_1764 : vector<1x2048xi32>
    %ne3A_1766 = arith.constant 0.000000e+00 : f32
    %ne3A_1767 = arith.cmpf one, %get3A_1763, %ne3A_1766 : f32
    %and3A_1768 = vector.broadcast %ne3A_1767 : i1 to vector<1x2048xi1>
    %and3A_1769 = arith.andi %le3A_1765, %and3A_1768 : vector<1x2048xi1>
    %convert_element_type3A_1770 = arith.extui %and3A_1769 : vector<1x2048xi1> to vector<1x2048xi32>
    %convert_element_type3A_1771 = arith.sitofp %convert_element_type3A_1770 : vector<1x2048xi32> to vector<1x2048xf32>
    %swap3A_1772 = arith.constant 17 : index
    %swap3A_1773 = arith.constant 0 : index
    %swap3A_1774 = vector.load %arg11[%swap3A_1772, %swap3A_1773] : memref<40x2048xf32, #tpu.memory_space<vmem>>, vector<1x2048xf32>
    tpu.vector_store %arg11[%swap3A_1772, %swap3A_1773], %convert_element_type3A_1771 {strides = array<i32>} : memref<40x2048xf32, #tpu.memory_space<vmem>>, vector<1x2048xf32>,
    %get3A_1775 = arith.index_cast %add3A_1324 : i32 to index
    %get3A_1776 = arith.constant 18 : index
    %get3A_1777 = memref.load %arg1[%get3A_1775, %get3A_1776] : memref<16x40xi32, #tpu.memory_space<smem>>
    %get3A_1778 = arith.constant 1 : index
    %get3A_1779 = arith.index_cast %get3A_1777 : i32 to index
    %get3A_1780 = arith.constant 0 : index
    %get3A_1781 = vector.load %arg3[%get3A_1778, %get3A_1779, %get3A_1780] : memref<2x2048x64xf32, #tpu.memory_space<vmem>>, vector<1x1x64xf32>
    %get3A_1782 = vector.shape_cast %get3A_1781 : vector<1x1x64xf32> to vector<1x64xf32>
    %swap3A_1783 = arith.constant 18 : index
    %swap3A_1784 = arith.constant 0 : index
    %swap3A_1785 = vector.load %arg10[%swap3A_1783, %swap3A_1784] : memref<40x64xf32, #tpu.memory_space<vmem>>, vector<1x64xf32>
    tpu.vector_store %arg10[%swap3A_1783, %swap3A_1784], %get3A_1782 {strides = array<i32>} : memref<40x64xf32, #tpu.memory_space<vmem>>, vector<1x64xf32>,
    %get3A_1786 = arith.constant 0 : index
    %get3A_1787 = arith.index_cast %get3A_1777 : i32 to index
    %get3A_1788 = memref.load %arg2[%get3A_1786, %get3A_1787] : memref<1x2048xf32, #tpu.memory_space<smem>>
    %le3A_1789 = vector.broadcast %get3A_1777 : i32 to vector<1x2048xi32>
    %le3A_1790 = arith.cmpi sle, %iota3A, %le3A_1789 : vector<1x2048xi32>
    %ne3A_1791 = arith.constant 0.000000e+00 : f32
    %ne3A_1792 = arith.cmpf one, %get3A_1788, %ne3A_1791 : f32
    %and3A_1793 = vector.broadcast %ne3A_1792 : i1 to vector<1x2048xi1>
    %and3A_1794 = arith.andi %le3A_1790, %and3A_1793 : vector<1x2048xi1>
    %convert_element_type3A_1795 = arith.extui %and3A_1794 : vector<1x2048xi1> to vector<1x2048xi32>
    %convert_element_type3A_1796 = arith.sitofp %convert_element_type3A_1795 : vector<1x2048xi32> to vector<1x2048xf32>
    %swap3A_1797 = arith.constant 18 : index
    %swap3A_1798 = arith.constant 0 : index
    %swap3A_1799 = vector.load %arg11[%swap3A_1797, %swap3A_1798] : memref<40x2048xf32, #tpu.memory_space<vmem>>, vector<1x2048xf32>
    tpu.vector_store %arg11[%swap3A_1797, %swap3A_1798], %convert_element_type3A_1796 {strides = array<i32>} : memref<40x2048xf32, #tpu.memory_space<vmem>>, vector<1x2048xf32>,
    %get3A_1800 = arith.index_cast %add3A_1324 : i32 to index
    %get3A_1801 = arith.constant 19 : index
    %get3A_1802 = memref.load %arg1[%get3A_1800, %get3A_1801] : memref<16x40xi32, #tpu.memory_space<smem>>
    %get3A_1803 = arith.constant 1 : index
    %get3A_1804 = arith.index_cast %get3A_1802 : i32 to index
    %get3A_1805 = arith.constant 0 : index
    %get3A_1806 = vector.load %arg3[%get3A_1803, %get3A_1804, %get3A_1805] : memref<2x2048x64xf32, #tpu.memory_space<vmem>>, vector<1x1x64xf32>
    %get3A_1807 = vector.shape_cast %get3A_1806 : vector<1x1x64xf32> to vector<1x64xf32>
    %swap3A_1808 = arith.constant 19 : index
    %swap3A_1809 = arith.constant 0 : index
    %swap3A_1810 = vector.load %arg10[%swap3A_1808, %swap3A_1809] : memref<40x64xf32, #tpu.memory_space<vmem>>, vector<1x64xf32>
    tpu.vector_store %arg10[%swap3A_1808, %swap3A_1809], %get3A_1807 {strides = array<i32>} : memref<40x64xf32, #tpu.memory_space<vmem>>, vector<1x64xf32>,
    %get3A_1811 = arith.constant 0 : index
    %get3A_1812 = arith.index_cast %get3A_1802 : i32 to index
    %get3A_1813 = memref.load %arg2[%get3A_1811, %get3A_1812] : memref<1x2048xf32, #tpu.memory_space<smem>>
    %le3A_1814 = vector.broadcast %get3A_1802 : i32 to vector<1x2048xi32>
    %le3A_1815 = arith.cmpi sle, %iota3A, %le3A_1814 : vector<1x2048xi32>
    %ne3A_1816 = arith.constant 0.000000e+00 : f32
    %ne3A_1817 = arith.cmpf one, %get3A_1813, %ne3A_1816 : f32
    %and3A_1818 = vector.broadcast %ne3A_1817 : i1 to vector<1x2048xi1>
    %and3A_1819 = arith.andi %le3A_1815, %and3A_1818 : vector<1x2048xi1>
    %convert_element_type3A_1820 = arith.extui %and3A_1819 : vector<1x2048xi1> to vector<1x2048xi32>
    %convert_element_type3A_1821 = arith.sitofp %convert_element_type3A_1820 : vector<1x2048xi32> to vector<1x2048xf32>
    %swap3A_1822 = arith.constant 19 : index
    %swap3A_1823 = arith.constant 0 : index
    %swap3A_1824 = vector.load %arg11[%swap3A_1822, %swap3A_1823] : memref<40x2048xf32, #tpu.memory_space<vmem>>, vector<1x2048xf32>
    tpu.vector_store %arg11[%swap3A_1822, %swap3A_1823], %convert_element_type3A_1821 {strides = array<i32>} : memref<40x2048xf32, #tpu.memory_space<vmem>>, vector<1x2048xf32>,
    %get3A_1825 = arith.index_cast %add3A_1324 : i32 to index
    %get3A_1826 = arith.constant 20 : index
    %get3A_1827 = memref.load %arg1[%get3A_1825, %get3A_1826] : memref<16x40xi32, #tpu.memory_space<smem>>
    %get3A_1828 = arith.constant 1 : index
    %get3A_1829 = arith.index_cast %get3A_1827 : i32 to index
    %get3A_1830 = arith.constant 0 : index
    %get3A_1831 = vector.load %arg3[%get3A_1828, %get3A_1829, %get3A_1830] : memref<2x2048x64xf32, #tpu.memory_space<vmem>>, vector<1x1x64xf32>
    %get3A_1832 = vector.shape_cast %get3A_1831 : vector<1x1x64xf32> to vector<1x64xf32>
    %swap3A_1833 = arith.constant 20 : index
    %swap3A_1834 = arith.constant 0 : index
    %swap3A_1835 = vector.load %arg10[%swap3A_1833, %swap3A_1834] : memref<40x64xf32, #tpu.memory_space<vmem>>, vector<1x64xf32>
    tpu.vector_store %arg10[%swap3A_1833, %swap3A_1834], %get3A_1832 {strides = array<i32>} : memref<40x64xf32, #tpu.memory_space<vmem>>, vector<1x64xf32>,
    %get3A_1836 = arith.constant 0 : index
    %get3A_1837 = arith.index_cast %get3A_1827 : i32 to index
    %get3A_1838 = memref.load %arg2[%get3A_1836, %get3A_1837] : memref<1x2048xf32, #tpu.memory_space<smem>>
    %le3A_1839 = vector.broadcast %get3A_1827 : i32 to vector<1x2048xi32>
    %le3A_1840 = arith.cmpi sle, %iota3A, %le3A_1839 : vector<1x2048xi32>
    %ne3A_1841 = arith.constant 0.000000e+00 : f32
    %ne3A_1842 = arith.cmpf one, %get3A_1838, %ne3A_1841 : f32
    %and3A_1843 = vector.broadcast %ne3A_1842 : i1 to vector<1x2048xi1>
    %and3A_1844 = arith.andi %le3A_1840, %and3A_1843 : vector<1x2048xi1>
    %convert_element_type3A_1845 = arith.extui %and3A_1844 : vector<1x2048xi1> to vector<1x2048xi32>
    %convert_element_type3A_1846 = arith.sitofp %convert_element_type3A_1845 : vector<1x2048xi32> to vector<1x2048xf32>
    %swap3A_1847 = arith.constant 20 : index
    %swap3A_1848 = arith.constant 0 : index
    %swap3A_1849 = vector.load %arg11[%swap3A_1847, %swap3A_1848] : memref<40x2048xf32, #tpu.memory_space<vmem>>, vector<1x2048xf32>
    tpu.vector_store %arg11[%swap3A_1847, %swap3A_1848], %convert_element_type3A_1846 {strides = array<i32>} : memref<40x2048xf32, #tpu.memory_space<vmem>>, vector<1x2048xf32>,
    %get3A_1850 = arith.index_cast %add3A_1324 : i32 to index
    %get3A_1851 = arith.constant 21 : index
    %get3A_1852 = memref.load %arg1[%get3A_1850, %get3A_1851] : memref<16x40xi32, #tpu.memory_space<smem>>
    %get3A_1853 = arith.constant 1 : index
    %get3A_1854 = arith.index_cast %get3A_1852 : i32 to index
    %get3A_1855 = arith.constant 0 : index
    %get3A_1856 = vector.load %arg3[%get3A_1853, %get3A_1854, %get3A_1855] : memref<2x2048x64xf32, #tpu.memory_space<vmem>>, vector<1x1x64xf32>
    %get3A_1857 = vector.shape_cast %get3A_1856 : vector<1x1x64xf32> to vector<1x64xf32>
    %swap3A_1858 = arith.constant 21 : index
    %swap3A_1859 = arith.constant 0 : index
    %swap3A_1860 = vector.load %arg10[%swap3A_1858, %swap3A_1859] : memref<40x64xf32, #tpu.memory_space<vmem>>, vector<1x64xf32>
    tpu.vector_store %arg10[%swap3A_1858, %swap3A_1859], %get3A_1857 {strides = array<i32>} : memref<40x64xf32, #tpu.memory_space<vmem>>, vector<1x64xf32>,
    %get3A_1861 = arith.constant 0 : index
    %get3A_1862 = arith.index_cast %get3A_1852 : i32 to index
    %get3A_1863 = memref.load %arg2[%get3A_1861, %get3A_1862] : memref<1x2048xf32, #tpu.memory_space<smem>>
    %le3A_1864 = vector.broadcast %get3A_1852 : i32 to vector<1x2048xi32>
    %le3A_1865 = arith.cmpi sle, %iota3A, %le3A_1864 : vector<1x2048xi32>
    %ne3A_1866 = arith.constant 0.000000e+00 : f32
    %ne3A_1867 = arith.cmpf one, %get3A_1863, %ne3A_1866 : f32
    %and3A_1868 = vector.broadcast %ne3A_1867 : i1 to vector<1x2048xi1>
    %and3A_1869 = arith.andi %le3A_1865, %and3A_1868 : vector<1x2048xi1>
    %convert_element_type3A_1870 = arith.extui %and3A_1869 : vector<1x2048xi1> to vector<1x2048xi32>
    %convert_element_type3A_1871 = arith.sitofp %convert_element_type3A_1870 : vector<1x2048xi32> to vector<1x2048xf32>
    %swap3A_1872 = arith.constant 21 : index
    %swap3A_1873 = arith.constant 0 : index
    %swap3A_1874 = vector.load %arg11[%swap3A_1872, %swap3A_1873] : memref<40x2048xf32, #tpu.memory_space<vmem>>, vector<1x2048xf32>
    tpu.vector_store %arg11[%swap3A_1872, %swap3A_1873], %convert_element_type3A_1871 {strides = array<i32>} : memref<40x2048xf32, #tpu.memory_space<vmem>>, vector<1x2048xf32>,
    %get3A_1875 = arith.index_cast %add3A_1324 : i32 to index
    %get3A_1876 = arith.constant 22 : index
    %get3A_1877 = memref.load %arg1[%get3A_1875, %get3A_1876] : memref<16x40xi32, #tpu.memory_space<smem>>
    %get3A_1878 = arith.constant 1 : index
    %get3A_1879 = arith.index_cast %get3A_1877 : i32 to index
    %get3A_1880 = arith.constant 0 : index
    %get3A_1881 = vector.load %arg3[%get3A_1878, %get3A_1879, %get3A_1880] : memref<2x2048x64xf32, #tpu.memory_space<vmem>>, vector<1x1x64xf32>
    %get3A_1882 = vector.shape_cast %get3A_1881 : vector<1x1x64xf32> to vector<1x64xf32>
    %swap3A_1883 = arith.constant 22 : index
    %swap3A_1884 = arith.constant 0 : index
    %swap3A_1885 = vector.load %arg10[%swap3A_1883, %swap3A_1884] : memref<40x64xf32, #tpu.memory_space<vmem>>, vector<1x64xf32>
    tpu.vector_store %arg10[%swap3A_1883, %swap3A_1884], %get3A_1882 {strides = array<i32>} : memref<40x64xf32, #tpu.memory_space<vmem>>, vector<1x64xf32>,
    %get3A_1886 = arith.constant 0 : index
    %get3A_1887 = arith.index_cast %get3A_1877 : i32 to index
    %get3A_1888 = memref.load %arg2[%get3A_1886, %get3A_1887] : memref<1x2048xf32, #tpu.memory_space<smem>>
    %le3A_1889 = vector.broadcast %get3A_1877 : i32 to vector<1x2048xi32>
    %le3A_1890 = arith.cmpi sle, %iota3A, %le3A_1889 : vector<1x2048xi32>
    %ne3A_1891 = arith.constant 0.000000e+00 : f32
    %ne3A_1892 = arith.cmpf one, %get3A_1888, %ne3A_1891 : f32
    %and3A_1893 = vector.broadcast %ne3A_1892 : i1 to vector<1x2048xi1>
    %and3A_1894 = arith.andi %le3A_1890, %and3A_1893 : vector<1x2048xi1>
    %convert_element_type3A_1895 = arith.extui %and3A_1894 : vector<1x2048xi1> to vector<1x2048xi32>
    %convert_element_type3A_1896 = arith.sitofp %convert_element_type3A_1895 : vector<1x2048xi32> to vector<1x2048xf32>
    %swap3A_1897 = arith.constant 22 : index
    %swap3A_1898 = arith.constant 0 : index
    %swap3A_1899 = vector.load %arg11[%swap3A_1897, %swap3A_1898] : memref<40x2048xf32, #tpu.memory_space<vmem>>, vector<1x2048xf32>
    tpu.vector_store %arg11[%swap3A_1897, %swap3A_1898], %convert_element_type3A_1896 {strides = array<i32>} : memref<40x2048xf32, #tpu.memory_space<vmem>>, vector<1x2048xf32>,
    %get3A_1900 = arith.index_cast %add3A_1324 : i32 to index
    %get3A_1901 = arith.constant 23 : index
    %get3A_1902 = memref.load %arg1[%get3A_1900, %get3A_1901] : memref<16x40xi32, #tpu.memory_space<smem>>
    %get3A_1903 = arith.constant 1 : index
    %get3A_1904 = arith.index_cast %get3A_1902 : i32 to index
    %get3A_1905 = arith.constant 0 : index
    %get3A_1906 = vector.load %arg3[%get3A_1903, %get3A_1904, %get3A_1905] : memref<2x2048x64xf32, #tpu.memory_space<vmem>>, vector<1x1x64xf32>
    %get3A_1907 = vector.shape_cast %get3A_1906 : vector<1x1x64xf32> to vector<1x64xf32>
    %swap3A_1908 = arith.constant 23 : index
    %swap3A_1909 = arith.constant 0 : index
    %swap3A_1910 = vector.load %arg10[%swap3A_1908, %swap3A_1909] : memref<40x64xf32, #tpu.memory_space<vmem>>, vector<1x64xf32>
    tpu.vector_store %arg10[%swap3A_1908, %swap3A_1909], %get3A_1907 {strides = array<i32>} : memref<40x64xf32, #tpu.memory_space<vmem>>, vector<1x64xf32>,
    %get3A_1911 = arith.constant 0 : index
    %get3A_1912 = arith.index_cast %get3A_1902 : i32 to index
    %get3A_1913 = memref.load %arg2[%get3A_1911, %get3A_1912] : memref<1x2048xf32, #tpu.memory_space<smem>>
    %le3A_1914 = vector.broadcast %get3A_1902 : i32 to vector<1x2048xi32>
    %le3A_1915 = arith.cmpi sle, %iota3A, %le3A_1914 : vector<1x2048xi32>
    %ne3A_1916 = arith.constant 0.000000e+00 : f32
    %ne3A_1917 = arith.cmpf one, %get3A_1913, %ne3A_1916 : f32
    %and3A_1918 = vector.broadcast %ne3A_1917 : i1 to vector<1x2048xi1>
    %and3A_1919 = arith.andi %le3A_1915, %and3A_1918 : vector<1x2048xi1>
    %convert_element_type3A_1920 = arith.extui %and3A_1919 : vector<1x2048xi1> to vector<1x2048xi32>
    %convert_element_type3A_1921 = arith.sitofp %convert_element_type3A_1920 : vector<1x2048xi32> to vector<1x2048xf32>
    %swap3A_1922 = arith.constant 23 : index
    %swap3A_1923 = arith.constant 0 : index
    %swap3A_1924 = vector.load %arg11[%swap3A_1922, %swap3A_1923] : memref<40x2048xf32, #tpu.memory_space<vmem>>, vector<1x2048xf32>
    tpu.vector_store %arg11[%swap3A_1922, %swap3A_1923], %convert_element_type3A_1921 {strides = array<i32>} : memref<40x2048xf32, #tpu.memory_space<vmem>>, vector<1x2048xf32>,
    %get3A_1925 = arith.index_cast %add3A_1324 : i32 to index
    %get3A_1926 = arith.constant 24 : index
    %get3A_1927 = memref.load %arg1[%get3A_1925, %get3A_1926] : memref<16x40xi32, #tpu.memory_space<smem>>
    %get3A_1928 = arith.constant 1 : index
    %get3A_1929 = arith.index_cast %get3A_1927 : i32 to index
    %get3A_1930 = arith.constant 0 : index
    %get3A_1931 = vector.load %arg3[%get3A_1928, %get3A_1929, %get3A_1930] : memref<2x2048x64xf32, #tpu.memory_space<vmem>>, vector<1x1x64xf32>
    %get3A_1932 = vector.shape_cast %get3A_1931 : vector<1x1x64xf32> to vector<1x64xf32>
    %swap3A_1933 = arith.constant 24 : index
    %swap3A_1934 = arith.constant 0 : index
    %swap3A_1935 = vector.load %arg10[%swap3A_1933, %swap3A_1934] : memref<40x64xf32, #tpu.memory_space<vmem>>, vector<1x64xf32>
    tpu.vector_store %arg10[%swap3A_1933, %swap3A_1934], %get3A_1932 {strides = array<i32>} : memref<40x64xf32, #tpu.memory_space<vmem>>, vector<1x64xf32>,
    %get3A_1936 = arith.constant 0 : index
    %get3A_1937 = arith.index_cast %get3A_1927 : i32 to index
    %get3A_1938 = memref.load %arg2[%get3A_1936, %get3A_1937] : memref<1x2048xf32, #tpu.memory_space<smem>>
    %le3A_1939 = vector.broadcast %get3A_1927 : i32 to vector<1x2048xi32>
    %le3A_1940 = arith.cmpi sle, %iota3A, %le3A_1939 : vector<1x2048xi32>
    %ne3A_1941 = arith.constant 0.000000e+00 : f32
    %ne3A_1942 = arith.cmpf one, %get3A_1938, %ne3A_1941 : f32
    %and3A_1943 = vector.broadcast %ne3A_1942 : i1 to vector<1x2048xi1>
    %and3A_1944 = arith.andi %le3A_1940, %and3A_1943 : vector<1x2048xi1>
    %convert_element_type3A_1945 = arith.extui %and3A_1944 : vector<1x2048xi1> to vector<1x2048xi32>
    %convert_element_type3A_1946 = arith.sitofp %convert_element_type3A_1945 : vector<1x2048xi32> to vector<1x2048xf32>
    %swap3A_1947 = arith.constant 24 : index
    %swap3A_1948 = arith.constant 0 : index
    %swap3A_1949 = vector.load %arg11[%swap3A_1947, %swap3A_1948] : memref<40x2048xf32, #tpu.memory_space<vmem>>, vector<1x2048xf32>
    tpu.vector_store %arg11[%swap3A_1947, %swap3A_1948], %convert_element_type3A_1946 {strides = array<i32>} : memref<40x2048xf32, #tpu.memory_space<vmem>>, vector<1x2048xf32>,
    %get3A_1950 = arith.index_cast %add3A_1324 : i32 to index
    %get3A_1951 = arith.constant 25 : index
    %get3A_1952 = memref.load %arg1[%get3A_1950, %get3A_1951] : memref<16x40xi32, #tpu.memory_space<smem>>
    %get3A_1953 = arith.constant 1 : index
    %get3A_1954 = arith.index_cast %get3A_1952 : i32 to index
    %get3A_1955 = arith.constant 0 : index
    %get3A_1956 = vector.load %arg3[%get3A_1953, %get3A_1954, %get3A_1955] : memref<2x2048x64xf32, #tpu.memory_space<vmem>>, vector<1x1x64xf32>
    %get3A_1957 = vector.shape_cast %get3A_1956 : vector<1x1x64xf32> to vector<1x64xf32>
    %swap3A_1958 = arith.constant 25 : index
    %swap3A_1959 = arith.constant 0 : index
    %swap3A_1960 = vector.load %arg10[%swap3A_1958, %swap3A_1959] : memref<40x64xf32, #tpu.memory_space<vmem>>, vector<1x64xf32>
    tpu.vector_store %arg10[%swap3A_1958, %swap3A_1959], %get3A_1957 {strides = array<i32>} : memref<40x64xf32, #tpu.memory_space<vmem>>, vector<1x64xf32>,
    %get3A_1961 = arith.constant 0 : index
    %get3A_1962 = arith.index_cast %get3A_1952 : i32 to index
    %get3A_1963 = memref.load %arg2[%get3A_1961, %get3A_1962] : memref<1x2048xf32, #tpu.memory_space<smem>>
    %le3A_1964 = vector.broadcast %get3A_1952 : i32 to vector<1x2048xi32>
    %le3A_1965 = arith.cmpi sle, %iota3A, %le3A_1964 : vector<1x2048xi32>
    %ne3A_1966 = arith.constant 0.000000e+00 : f32
    %ne3A_1967 = arith.cmpf one, %get3A_1963, %ne3A_1966 : f32
    %and3A_1968 = vector.broadcast %ne3A_1967 : i1 to vector<1x2048xi1>
    %and3A_1969 = arith.andi %le3A_1965, %and3A_1968 : vector<1x2048xi1>
    %convert_element_type3A_1970 = arith.extui %and3A_1969 : vector<1x2048xi1> to vector<1x2048xi32>
    %convert_element_type3A_1971 = arith.sitofp %convert_element_type3A_1970 : vector<1x2048xi32> to vector<1x2048xf32>
    %swap3A_1972 = arith.constant 25 : index
    %swap3A_1973 = arith.constant 0 : index
    %swap3A_1974 = vector.load %arg11[%swap3A_1972, %swap3A_1973] : memref<40x2048xf32, #tpu.memory_space<vmem>>, vector<1x2048xf32>
    tpu.vector_store %arg11[%swap3A_1972, %swap3A_1973], %convert_element_type3A_1971 {strides = array<i32>} : memref<40x2048xf32, #tpu.memory_space<vmem>>, vector<1x2048xf32>,
    %get3A_1975 = arith.index_cast %add3A_1324 : i32 to index
    %get3A_1976 = arith.constant 26 : index
    %get3A_1977 = memref.load %arg1[%get3A_1975, %get3A_1976] : memref<16x40xi32, #tpu.memory_space<smem>>
    %get3A_1978 = arith.constant 1 : index
    %get3A_1979 = arith.index_cast %get3A_1977 : i32 to index
    %get3A_1980 = arith.constant 0 : index
    %get3A_1981 = vector.load %arg3[%get3A_1978, %get3A_1979, %get3A_1980] : memref<2x2048x64xf32, #tpu.memory_space<vmem>>, vector<1x1x64xf32>
    %get3A_1982 = vector.shape_cast %get3A_1981 : vector<1x1x64xf32> to vector<1x64xf32>
    %swap3A_1983 = arith.constant 26 : index
    %swap3A_1984 = arith.constant 0 : index
    %swap3A_1985 = vector.load %arg10[%swap3A_1983, %swap3A_1984] : memref<40x64xf32, #tpu.memory_space<vmem>>, vector<1x64xf32>
    tpu.vector_store %arg10[%swap3A_1983, %swap3A_1984], %get3A_1982 {strides = array<i32>} : memref<40x64xf32, #tpu.memory_space<vmem>>, vector<1x64xf32>,
    %get3A_1986 = arith.constant 0 : index
    %get3A_1987 = arith.index_cast %get3A_1977 : i32 to index
    %get3A_1988 = memref.load %arg2[%get3A_1986, %get3A_1987] : memref<1x2048xf32, #tpu.memory_space<smem>>
    %le3A_1989 = vector.broadcast %get3A_1977 : i32 to vector<1x2048xi32>
    %le3A_1990 = arith.cmpi sle, %iota3A, %le3A_1989 : vector<1x2048xi32>
    %ne3A_1991 = arith.constant 0.000000e+00 : f32
    %ne3A_1992 = arith.cmpf one, %get3A_1988, %ne3A_1991 : f32
    %and3A_1993 = vector.broadcast %ne3A_1992 : i1 to vector<1x2048xi1>
    %and3A_1994 = arith.andi %le3A_1990, %and3A_1993 : vector<1x2048xi1>
    %convert_element_type3A_1995 = arith.extui %and3A_1994 : vector<1x2048xi1> to vector<1x2048xi32>
    %convert_element_type3A_1996 = arith.sitofp %convert_element_type3A_1995 : vector<1x2048xi32> to vector<1x2048xf32>
    %swap3A_1997 = arith.constant 26 : index
    %swap3A_1998 = arith.constant 0 : index
    %swap3A_1999 = vector.load %arg11[%swap3A_1997, %swap3A_1998] : memref<40x2048xf32, #tpu.memory_space<vmem>>, vector<1x2048xf32>
    tpu.vector_store %arg11[%swap3A_1997, %swap3A_1998], %convert_element_type3A_1996 {strides = array<i32>} : memref<40x2048xf32, #tpu.memory_space<vmem>>, vector<1x2048xf32>,
    %get3A_2000 = arith.index_cast %add3A_1324 : i32 to index
    %get3A_2001 = arith.constant 27 : index
    %get3A_2002 = memref.load %arg1[%get3A_2000, %get3A_2001] : memref<16x40xi32, #tpu.memory_space<smem>>
    %get3A_2003 = arith.constant 1 : index
    %get3A_2004 = arith.index_cast %get3A_2002 : i32 to index
    %get3A_2005 = arith.constant 0 : index
    %get3A_2006 = vector.load %arg3[%get3A_2003, %get3A_2004, %get3A_2005] : memref<2x2048x64xf32, #tpu.memory_space<vmem>>, vector<1x1x64xf32>
    %get3A_2007 = vector.shape_cast %get3A_2006 : vector<1x1x64xf32> to vector<1x64xf32>
    %swap3A_2008 = arith.constant 27 : index
    %swap3A_2009 = arith.constant 0 : index
    %swap3A_2010 = vector.load %arg10[%swap3A_2008, %swap3A_2009] : memref<40x64xf32, #tpu.memory_space<vmem>>, vector<1x64xf32>
    tpu.vector_store %arg10[%swap3A_2008, %swap3A_2009], %get3A_2007 {strides = array<i32>} : memref<40x64xf32, #tpu.memory_space<vmem>>, vector<1x64xf32>,
    %get3A_2011 = arith.constant 0 : index
    %get3A_2012 = arith.index_cast %get3A_2002 : i32 to index
    %get3A_2013 = memref.load %arg2[%get3A_2011, %get3A_2012] : memref<1x2048xf32, #tpu.memory_space<smem>>
    %le3A_2014 = vector.broadcast %get3A_2002 : i32 to vector<1x2048xi32>
    %le3A_2015 = arith.cmpi sle, %iota3A, %le3A_2014 : vector<1x2048xi32>
    %ne3A_2016 = arith.constant 0.000000e+00 : f32
    %ne3A_2017 = arith.cmpf one, %get3A_2013, %ne3A_2016 : f32
    %and3A_2018 = vector.broadcast %ne3A_2017 : i1 to vector<1x2048xi1>
    %and3A_2019 = arith.andi %le3A_2015, %and3A_2018 : vector<1x2048xi1>
    %convert_element_type3A_2020 = arith.extui %and3A_2019 : vector<1x2048xi1> to vector<1x2048xi32>
    %convert_element_type3A_2021 = arith.sitofp %convert_element_type3A_2020 : vector<1x2048xi32> to vector<1x2048xf32>
    %swap3A_2022 = arith.constant 27 : index
    %swap3A_2023 = arith.constant 0 : index
    %swap3A_2024 = vector.load %arg11[%swap3A_2022, %swap3A_2023] : memref<40x2048xf32, #tpu.memory_space<vmem>>, vector<1x2048xf32>
    tpu.vector_store %arg11[%swap3A_2022, %swap3A_2023], %convert_element_type3A_2021 {strides = array<i32>} : memref<40x2048xf32, #tpu.memory_space<vmem>>, vector<1x2048xf32>,
    %get3A_2025 = arith.index_cast %add3A_1324 : i32 to index
    %get3A_2026 = arith.constant 28 : index
    %get3A_2027 = memref.load %arg1[%get3A_2025, %get3A_2026] : memref<16x40xi32, #tpu.memory_space<smem>>
    %get3A_2028 = arith.constant 1 : index
    %get3A_2029 = arith.index_cast %get3A_2027 : i32 to index
    %get3A_2030 = arith.constant 0 : index
    %get3A_2031 = vector.load %arg3[%get3A_2028, %get3A_2029, %get3A_2030] : memref<2x2048x64xf32, #tpu.memory_space<vmem>>, vector<1x1x64xf32>
    %get3A_2032 = vector.shape_cast %get3A_2031 : vector<1x1x64xf32> to vector<1x64xf32>
    %swap3A_2033 = arith.constant 28 : index
    %swap3A_2034 = arith.constant 0 : index
    %swap3A_2035 = vector.load %arg10[%swap3A_2033, %swap3A_2034] : memref<40x64xf32, #tpu.memory_space<vmem>>, vector<1x64xf32>
    tpu.vector_store %arg10[%swap3A_2033, %swap3A_2034], %get3A_2032 {strides = array<i32>} : memref<40x64xf32, #tpu.memory_space<vmem>>, vector<1x64xf32>,
    %get3A_2036 = arith.constant 0 : index
    %get3A_2037 = arith.index_cast %get3A_2027 : i32 to index
    %get3A_2038 = memref.load %arg2[%get3A_2036, %get3A_2037] : memref<1x2048xf32, #tpu.memory_space<smem>>
    %le3A_2039 = vector.broadcast %get3A_2027 : i32 to vector<1x2048xi32>
    %le3A_2040 = arith.cmpi sle, %iota3A, %le3A_2039 : vector<1x2048xi32>
    %ne3A_2041 = arith.constant 0.000000e+00 : f32
    %ne3A_2042 = arith.cmpf one, %get3A_2038, %ne3A_2041 : f32
    %and3A_2043 = vector.broadcast %ne3A_2042 : i1 to vector<1x2048xi1>
    %and3A_2044 = arith.andi %le3A_2040, %and3A_2043 : vector<1x2048xi1>
    %convert_element_type3A_2045 = arith.extui %and3A_2044 : vector<1x2048xi1> to vector<1x2048xi32>
    %convert_element_type3A_2046 = arith.sitofp %convert_element_type3A_2045 : vector<1x2048xi32> to vector<1x2048xf32>
    %swap3A_2047 = arith.constant 28 : index
    %swap3A_2048 = arith.constant 0 : index
    %swap3A_2049 = vector.load %arg11[%swap3A_2047, %swap3A_2048] : memref<40x2048xf32, #tpu.memory_space<vmem>>, vector<1x2048xf32>
    tpu.vector_store %arg11[%swap3A_2047, %swap3A_2048], %convert_element_type3A_2046 {strides = array<i32>} : memref<40x2048xf32, #tpu.memory_space<vmem>>, vector<1x2048xf32>,
    %get3A_2050 = arith.index_cast %add3A_1324 : i32 to index
    %get3A_2051 = arith.constant 29 : index
    %get3A_2052 = memref.load %arg1[%get3A_2050, %get3A_2051] : memref<16x40xi32, #tpu.memory_space<smem>>
    %get3A_2053 = arith.constant 1 : index
    %get3A_2054 = arith.index_cast %get3A_2052 : i32 to index
    %get3A_2055 = arith.constant 0 : index
    %get3A_2056 = vector.load %arg3[%get3A_2053, %get3A_2054, %get3A_2055] : memref<2x2048x64xf32, #tpu.memory_space<vmem>>, vector<1x1x64xf32>
    %get3A_2057 = vector.shape_cast %get3A_2056 : vector<1x1x64xf32> to vector<1x64xf32>
    %swap3A_2058 = arith.constant 29 : index
    %swap3A_2059 = arith.constant 0 : index
    %swap3A_2060 = vector.load %arg10[%swap3A_2058, %swap3A_2059] : memref<40x64xf32, #tpu.memory_space<vmem>>, vector<1x64xf32>
    tpu.vector_store %arg10[%swap3A_2058, %swap3A_2059], %get3A_2057 {strides = array<i32>} : memref<40x64xf32, #tpu.memory_space<vmem>>, vector<1x64xf32>,
    %get3A_2061 = arith.constant 0 : index
    %get3A_2062 = arith.index_cast %get3A_2052 : i32 to index
    %get3A_2063 = memref.load %arg2[%get3A_2061, %get3A_2062] : memref<1x2048xf32, #tpu.memory_space<smem>>
    %le3A_2064 = vector.broadcast %get3A_2052 : i32 to vector<1x2048xi32>
    %le3A_2065 = arith.cmpi sle, %iota3A, %le3A_2064 : vector<1x2048xi32>
    %ne3A_2066 = arith.constant 0.000000e+00 : f32
    %ne3A_2067 = arith.cmpf one, %get3A_2063, %ne3A_2066 : f32
    %and3A_2068 = vector.broadcast %ne3A_2067 : i1 to vector<1x2048xi1>
    %and3A_2069 = arith.andi %le3A_2065, %and3A_2068 : vector<1x2048xi1>
    %convert_element_type3A_2070 = arith.extui %and3A_2069 : vector<1x2048xi1> to vector<1x2048xi32>
    %convert_element_type3A_2071 = arith.sitofp %convert_element_type3A_2070 : vector<1x2048xi32> to vector<1x2048xf32>
    %swap3A_2072 = arith.constant 29 : index
    %swap3A_2073 = arith.constant 0 : index
    %swap3A_2074 = vector.load %arg11[%swap3A_2072, %swap3A_2073] : memref<40x2048xf32, #tpu.memory_space<vmem>>, vector<1x2048xf32>
    tpu.vector_store %arg11[%swap3A_2072, %swap3A_2073], %convert_element_type3A_2071 {strides = array<i32>} : memref<40x2048xf32, #tpu.memory_space<vmem>>, vector<1x2048xf32>,
    %get3A_2075 = arith.index_cast %add3A_1324 : i32 to index
    %get3A_2076 = arith.constant 30 : index
    %get3A_2077 = memref.load %arg1[%get3A_2075, %get3A_2076] : memref<16x40xi32, #tpu.memory_space<smem>>
    %get3A_2078 = arith.constant 1 : index
    %get3A_2079 = arith.index_cast %get3A_2077 : i32 to index
    %get3A_2080 = arith.constant 0 : index
    %get3A_2081 = vector.load %arg3[%get3A_2078, %get3A_2079, %get3A_2080] : memref<2x2048x64xf32, #tpu.memory_space<vmem>>, vector<1x1x64xf32>
    %get3A_2082 = vector.shape_cast %get3A_2081 : vector<1x1x64xf32> to vector<1x64xf32>
    %swap3A_2083 = arith.constant 30 : index
    %swap3A_2084 = arith.constant 0 : index
    %swap3A_2085 = vector.load %arg10[%swap3A_2083, %swap3A_2084] : memref<40x64xf32, #tpu.memory_space<vmem>>, vector<1x64xf32>
    tpu.vector_store %arg10[%swap3A_2083, %swap3A_2084], %get3A_2082 {strides = array<i32>} : memref<40x64xf32, #tpu.memory_space<vmem>>, vector<1x64xf32>,
    %get3A_2086 = arith.constant 0 : index
    %get3A_2087 = arith.index_cast %get3A_2077 : i32 to index
    %get3A_2088 = memref.load %arg2[%get3A_2086, %get3A_2087] : memref<1x2048xf32, #tpu.memory_space<smem>>
    %le3A_2089 = vector.broadcast %get3A_2077 : i32 to vector<1x2048xi32>
    %le3A_2090 = arith.cmpi sle, %iota3A, %le3A_2089 : vector<1x2048xi32>
    %ne3A_2091 = arith.constant 0.000000e+00 : f32
    %ne3A_2092 = arith.cmpf one, %get3A_2088, %ne3A_2091 : f32
    %and3A_2093 = vector.broadcast %ne3A_2092 : i1 to vector<1x2048xi1>
    %and3A_2094 = arith.andi %le3A_2090, %and3A_2093 : vector<1x2048xi1>
    %convert_element_type3A_2095 = arith.extui %and3A_2094 : vector<1x2048xi1> to vector<1x2048xi32>
    %convert_element_type3A_2096 = arith.sitofp %convert_element_type3A_2095 : vector<1x2048xi32> to vector<1x2048xf32>
    %swap3A_2097 = arith.constant 30 : index
    %swap3A_2098 = arith.constant 0 : index
    %swap3A_2099 = vector.load %arg11[%swap3A_2097, %swap3A_2098] : memref<40x2048xf32, #tpu.memory_space<vmem>>, vector<1x2048xf32>
    tpu.vector_store %arg11[%swap3A_2097, %swap3A_2098], %convert_element_type3A_2096 {strides = array<i32>} : memref<40x2048xf32, #tpu.memory_space<vmem>>, vector<1x2048xf32>,
    %get3A_2100 = arith.index_cast %add3A_1324 : i32 to index
    %get3A_2101 = arith.constant 31 : index
    %get3A_2102 = memref.load %arg1[%get3A_2100, %get3A_2101] : memref<16x40xi32, #tpu.memory_space<smem>>
    %get3A_2103 = arith.constant 1 : index
    %get3A_2104 = arith.index_cast %get3A_2102 : i32 to index
    %get3A_2105 = arith.constant 0 : index
    %get3A_2106 = vector.load %arg3[%get3A_2103, %get3A_2104, %get3A_2105] : memref<2x2048x64xf32, #tpu.memory_space<vmem>>, vector<1x1x64xf32>
    %get3A_2107 = vector.shape_cast %get3A_2106 : vector<1x1x64xf32> to vector<1x64xf32>
    %swap3A_2108 = arith.constant 31 : index
    %swap3A_2109 = arith.constant 0 : index
    %swap3A_2110 = vector.load %arg10[%swap3A_2108, %swap3A_2109] : memref<40x64xf32, #tpu.memory_space<vmem>>, vector<1x64xf32>
    tpu.vector_store %arg10[%swap3A_2108, %swap3A_2109], %get3A_2107 {strides = array<i32>} : memref<40x64xf32, #tpu.memory_space<vmem>>, vector<1x64xf32>,
    %get3A_2111 = arith.constant 0 : index
    %get3A_2112 = arith.index_cast %get3A_2102 : i32 to index
    %get3A_2113 = memref.load %arg2[%get3A_2111, %get3A_2112] : memref<1x2048xf32, #tpu.memory_space<smem>>
    %le3A_2114 = vector.broadcast %get3A_2102 : i32 to vector<1x2048xi32>
    %le3A_2115 = arith.cmpi sle, %iota3A, %le3A_2114 : vector<1x2048xi32>
    %ne3A_2116 = arith.constant 0.000000e+00 : f32
    %ne3A_2117 = arith.cmpf one, %get3A_2113, %ne3A_2116 : f32
    %and3A_2118 = vector.broadcast %ne3A_2117 : i1 to vector<1x2048xi1>
    %and3A_2119 = arith.andi %le3A_2115, %and3A_2118 : vector<1x2048xi1>
    %convert_element_type3A_2120 = arith.extui %and3A_2119 : vector<1x2048xi1> to vector<1x2048xi32>
    %convert_element_type3A_2121 = arith.sitofp %convert_element_type3A_2120 : vector<1x2048xi32> to vector<1x2048xf32>
    %swap3A_2122 = arith.constant 31 : index
    %swap3A_2123 = arith.constant 0 : index
    %swap3A_2124 = vector.load %arg11[%swap3A_2122, %swap3A_2123] : memref<40x2048xf32, #tpu.memory_space<vmem>>, vector<1x2048xf32>
    tpu.vector_store %arg11[%swap3A_2122, %swap3A_2123], %convert_element_type3A_2121 {strides = array<i32>} : memref<40x2048xf32, #tpu.memory_space<vmem>>, vector<1x2048xf32>,
    %get3A_2125 = arith.index_cast %add3A_1324 : i32 to index
    %get3A_2126 = arith.constant 32 : index
    %get3A_2127 = memref.load %arg1[%get3A_2125, %get3A_2126] : memref<16x40xi32, #tpu.memory_space<smem>>
    %get3A_2128 = arith.constant 1 : index
    %get3A_2129 = arith.index_cast %get3A_2127 : i32 to index
    %get3A_2130 = arith.constant 0 : index
    %get3A_2131 = vector.load %arg3[%get3A_2128, %get3A_2129, %get3A_2130] : memref<2x2048x64xf32, #tpu.memory_space<vmem>>, vector<1x1x64xf32>
    %get3A_2132 = vector.shape_cast %get3A_2131 : vector<1x1x64xf32> to vector<1x64xf32>
    %swap3A_2133 = arith.constant 32 : index
    %swap3A_2134 = arith.constant 0 : index
    %swap3A_2135 = vector.load %arg10[%swap3A_2133, %swap3A_2134] : memref<40x64xf32, #tpu.memory_space<vmem>>, vector<1x64xf32>
    tpu.vector_store %arg10[%swap3A_2133, %swap3A_2134], %get3A_2132 {strides = array<i32>} : memref<40x64xf32, #tpu.memory_space<vmem>>, vector<1x64xf32>,
    %get3A_2136 = arith.constant 0 : index
    %get3A_2137 = arith.index_cast %get3A_2127 : i32 to index
    %get3A_2138 = memref.load %arg2[%get3A_2136, %get3A_2137] : memref<1x2048xf32, #tpu.memory_space<smem>>
    %le3A_2139 = vector.broadcast %get3A_2127 : i32 to vector<1x2048xi32>
    %le3A_2140 = arith.cmpi sle, %iota3A, %le3A_2139 : vector<1x2048xi32>
    %ne3A_2141 = arith.constant 0.000000e+00 : f32
    %ne3A_2142 = arith.cmpf one, %get3A_2138, %ne3A_2141 : f32
    %and3A_2143 = vector.broadcast %ne3A_2142 : i1 to vector<1x2048xi1>
    %and3A_2144 = arith.andi %le3A_2140, %and3A_2143 : vector<1x2048xi1>
    %convert_element_type3A_2145 = arith.extui %and3A_2144 : vector<1x2048xi1> to vector<1x2048xi32>
    %convert_element_type3A_2146 = arith.sitofp %convert_element_type3A_2145 : vector<1x2048xi32> to vector<1x2048xf32>
    %swap3A_2147 = arith.constant 32 : index
    %swap3A_2148 = arith.constant 0 : index
    %swap3A_2149 = vector.load %arg11[%swap3A_2147, %swap3A_2148] : memref<40x2048xf32, #tpu.memory_space<vmem>>, vector<1x2048xf32>
    tpu.vector_store %arg11[%swap3A_2147, %swap3A_2148], %convert_element_type3A_2146 {strides = array<i32>} : memref<40x2048xf32, #tpu.memory_space<vmem>>, vector<1x2048xf32>,
    %get3A_2150 = arith.index_cast %add3A_1324 : i32 to index
    %get3A_2151 = arith.constant 33 : index
    %get3A_2152 = memref.load %arg1[%get3A_2150, %get3A_2151] : memref<16x40xi32, #tpu.memory_space<smem>>
    %get3A_2153 = arith.constant 1 : index
    %get3A_2154 = arith.index_cast %get3A_2152 : i32 to index
    %get3A_2155 = arith.constant 0 : index
    %get3A_2156 = vector.load %arg3[%get3A_2153, %get3A_2154, %get3A_2155] : memref<2x2048x64xf32, #tpu.memory_space<vmem>>, vector<1x1x64xf32>
    %get3A_2157 = vector.shape_cast %get3A_2156 : vector<1x1x64xf32> to vector<1x64xf32>
    %swap3A_2158 = arith.constant 33 : index
    %swap3A_2159 = arith.constant 0 : index
    %swap3A_2160 = vector.load %arg10[%swap3A_2158, %swap3A_2159] : memref<40x64xf32, #tpu.memory_space<vmem>>, vector<1x64xf32>
    tpu.vector_store %arg10[%swap3A_2158, %swap3A_2159], %get3A_2157 {strides = array<i32>} : memref<40x64xf32, #tpu.memory_space<vmem>>, vector<1x64xf32>,
    %get3A_2161 = arith.constant 0 : index
    %get3A_2162 = arith.index_cast %get3A_2152 : i32 to index
    %get3A_2163 = memref.load %arg2[%get3A_2161, %get3A_2162] : memref<1x2048xf32, #tpu.memory_space<smem>>
    %le3A_2164 = vector.broadcast %get3A_2152 : i32 to vector<1x2048xi32>
    %le3A_2165 = arith.cmpi sle, %iota3A, %le3A_2164 : vector<1x2048xi32>
    %ne3A_2166 = arith.constant 0.000000e+00 : f32
    %ne3A_2167 = arith.cmpf one, %get3A_2163, %ne3A_2166 : f32
    %and3A_2168 = vector.broadcast %ne3A_2167 : i1 to vector<1x2048xi1>
    %and3A_2169 = arith.andi %le3A_2165, %and3A_2168 : vector<1x2048xi1>
    %convert_element_type3A_2170 = arith.extui %and3A_2169 : vector<1x2048xi1> to vector<1x2048xi32>
    %convert_element_type3A_2171 = arith.sitofp %convert_element_type3A_2170 : vector<1x2048xi32> to vector<1x2048xf32>
    %swap3A_2172 = arith.constant 33 : index
    %swap3A_2173 = arith.constant 0 : index
    %swap3A_2174 = vector.load %arg11[%swap3A_2172, %swap3A_2173] : memref<40x2048xf32, #tpu.memory_space<vmem>>, vector<1x2048xf32>
    tpu.vector_store %arg11[%swap3A_2172, %swap3A_2173], %convert_element_type3A_2171 {strides = array<i32>} : memref<40x2048xf32, #tpu.memory_space<vmem>>, vector<1x2048xf32>,
    %get3A_2175 = arith.index_cast %add3A_1324 : i32 to index
    %get3A_2176 = arith.constant 34 : index
    %get3A_2177 = memref.load %arg1[%get3A_2175, %get3A_2176] : memref<16x40xi32, #tpu.memory_space<smem>>
    %get3A_2178 = arith.constant 1 : index
    %get3A_2179 = arith.index_cast %get3A_2177 : i32 to index
    %get3A_2180 = arith.constant 0 : index
    %get3A_2181 = vector.load %arg3[%get3A_2178, %get3A_2179, %get3A_2180] : memref<2x2048x64xf32, #tpu.memory_space<vmem>>, vector<1x1x64xf32>
    %get3A_2182 = vector.shape_cast %get3A_2181 : vector<1x1x64xf32> to vector<1x64xf32>
    %swap3A_2183 = arith.constant 34 : index
    %swap3A_2184 = arith.constant 0 : index
    %swap3A_2185 = vector.load %arg10[%swap3A_2183, %swap3A_2184] : memref<40x64xf32, #tpu.memory_space<vmem>>, vector<1x64xf32>
    tpu.vector_store %arg10[%swap3A_2183, %swap3A_2184], %get3A_2182 {strides = array<i32>} : memref<40x64xf32, #tpu.memory_space<vmem>>, vector<1x64xf32>,
    %get3A_2186 = arith.constant 0 : index
    %get3A_2187 = arith.index_cast %get3A_2177 : i32 to index
    %get3A_2188 = memref.load %arg2[%get3A_2186, %get3A_2187] : memref<1x2048xf32, #tpu.memory_space<smem>>
    %le3A_2189 = vector.broadcast %get3A_2177 : i32 to vector<1x2048xi32>
    %le3A_2190 = arith.cmpi sle, %iota3A, %le3A_2189 : vector<1x2048xi32>
    %ne3A_2191 = arith.constant 0.000000e+00 : f32
    %ne3A_2192 = arith.cmpf one, %get3A_2188, %ne3A_2191 : f32
    %and3A_2193 = vector.broadcast %ne3A_2192 : i1 to vector<1x2048xi1>
    %and3A_2194 = arith.andi %le3A_2190, %and3A_2193 : vector<1x2048xi1>
    %convert_element_type3A_2195 = arith.extui %and3A_2194 : vector<1x2048xi1> to vector<1x2048xi32>
    %convert_element_type3A_2196 = arith.sitofp %convert_element_type3A_2195 : vector<1x2048xi32> to vector<1x2048xf32>
    %swap3A_2197 = arith.constant 34 : index
    %swap3A_2198 = arith.constant 0 : index
    %swap3A_2199 = vector.load %arg11[%swap3A_2197, %swap3A_2198] : memref<40x2048xf32, #tpu.memory_space<vmem>>, vector<1x2048xf32>
    tpu.vector_store %arg11[%swap3A_2197, %swap3A_2198], %convert_element_type3A_2196 {strides = array<i32>} : memref<40x2048xf32, #tpu.memory_space<vmem>>, vector<1x2048xf32>,
    %get3A_2200 = arith.index_cast %add3A_1324 : i32 to index
    %get3A_2201 = arith.constant 35 : index
    %get3A_2202 = memref.load %arg1[%get3A_2200, %get3A_2201] : memref<16x40xi32, #tpu.memory_space<smem>>
    %get3A_2203 = arith.constant 1 : index
    %get3A_2204 = arith.index_cast %get3A_2202 : i32 to index
    %get3A_2205 = arith.constant 0 : index
    %get3A_2206 = vector.load %arg3[%get3A_2203, %get3A_2204, %get3A_2205] : memref<2x2048x64xf32, #tpu.memory_space<vmem>>, vector<1x1x64xf32>
    %get3A_2207 = vector.shape_cast %get3A_2206 : vector<1x1x64xf32> to vector<1x64xf32>
    %swap3A_2208 = arith.constant 35 : index
    %swap3A_2209 = arith.constant 0 : index
    %swap3A_2210 = vector.load %arg10[%swap3A_2208, %swap3A_2209] : memref<40x64xf32, #tpu.memory_space<vmem>>, vector<1x64xf32>
    tpu.vector_store %arg10[%swap3A_2208, %swap3A_2209], %get3A_2207 {strides = array<i32>} : memref<40x64xf32, #tpu.memory_space<vmem>>, vector<1x64xf32>,
    %get3A_2211 = arith.constant 0 : index
    %get3A_2212 = arith.index_cast %get3A_2202 : i32 to index
    %get3A_2213 = memref.load %arg2[%get3A_2211, %get3A_2212] : memref<1x2048xf32, #tpu.memory_space<smem>>
    %le3A_2214 = vector.broadcast %get3A_2202 : i32 to vector<1x2048xi32>
    %le3A_2215 = arith.cmpi sle, %iota3A, %le3A_2214 : vector<1x2048xi32>
    %ne3A_2216 = arith.constant 0.000000e+00 : f32
    %ne3A_2217 = arith.cmpf one, %get3A_2213, %ne3A_2216 : f32
    %and3A_2218 = vector.broadcast %ne3A_2217 : i1 to vector<1x2048xi1>
    %and3A_2219 = arith.andi %le3A_2215, %and3A_2218 : vector<1x2048xi1>
    %convert_element_type3A_2220 = arith.extui %and3A_2219 : vector<1x2048xi1> to vector<1x2048xi32>
    %convert_element_type3A_2221 = arith.sitofp %convert_element_type3A_2220 : vector<1x2048xi32> to vector<1x2048xf32>
    %swap3A_2222 = arith.constant 35 : index
    %swap3A_2223 = arith.constant 0 : index
    %swap3A_2224 = vector.load %arg11[%swap3A_2222, %swap3A_2223] : memref<40x2048xf32, #tpu.memory_space<vmem>>, vector<1x2048xf32>
    tpu.vector_store %arg11[%swap3A_2222, %swap3A_2223], %convert_element_type3A_2221 {strides = array<i32>} : memref<40x2048xf32, #tpu.memory_space<vmem>>, vector<1x2048xf32>,
    %get3A_2225 = arith.index_cast %add3A_1324 : i32 to index
    %get3A_2226 = arith.constant 36 : index
    %get3A_2227 = memref.load %arg1[%get3A_2225, %get3A_2226] : memref<16x40xi32, #tpu.memory_space<smem>>
    %get3A_2228 = arith.constant 1 : index
    %get3A_2229 = arith.index_cast %get3A_2227 : i32 to index
    %get3A_2230 = arith.constant 0 : index
    %get3A_2231 = vector.load %arg3[%get3A_2228, %get3A_2229, %get3A_2230] : memref<2x2048x64xf32, #tpu.memory_space<vmem>>, vector<1x1x64xf32>
    %get3A_2232 = vector.shape_cast %get3A_2231 : vector<1x1x64xf32> to vector<1x64xf32>
    %swap3A_2233 = arith.constant 36 : index
    %swap3A_2234 = arith.constant 0 : index
    %swap3A_2235 = vector.load %arg10[%swap3A_2233, %swap3A_2234] : memref<40x64xf32, #tpu.memory_space<vmem>>, vector<1x64xf32>
    tpu.vector_store %arg10[%swap3A_2233, %swap3A_2234], %get3A_2232 {strides = array<i32>} : memref<40x64xf32, #tpu.memory_space<vmem>>, vector<1x64xf32>,
    %get3A_2236 = arith.constant 0 : index
    %get3A_2237 = arith.index_cast %get3A_2227 : i32 to index
    %get3A_2238 = memref.load %arg2[%get3A_2236, %get3A_2237] : memref<1x2048xf32, #tpu.memory_space<smem>>
    %le3A_2239 = vector.broadcast %get3A_2227 : i32 to vector<1x2048xi32>
    %le3A_2240 = arith.cmpi sle, %iota3A, %le3A_2239 : vector<1x2048xi32>
    %ne3A_2241 = arith.constant 0.000000e+00 : f32
    %ne3A_2242 = arith.cmpf one, %get3A_2238, %ne3A_2241 : f32
    %and3A_2243 = vector.broadcast %ne3A_2242 : i1 to vector<1x2048xi1>
    %and3A_2244 = arith.andi %le3A_2240, %and3A_2243 : vector<1x2048xi1>
    %convert_element_type3A_2245 = arith.extui %and3A_2244 : vector<1x2048xi1> to vector<1x2048xi32>
    %convert_element_type3A_2246 = arith.sitofp %convert_element_type3A_2245 : vector<1x2048xi32> to vector<1x2048xf32>
    %swap3A_2247 = arith.constant 36 : index
    %swap3A_2248 = arith.constant 0 : index
    %swap3A_2249 = vector.load %arg11[%swap3A_2247, %swap3A_2248] : memref<40x2048xf32, #tpu.memory_space<vmem>>, vector<1x2048xf32>
    tpu.vector_store %arg11[%swap3A_2247, %swap3A_2248], %convert_element_type3A_2246 {strides = array<i32>} : memref<40x2048xf32, #tpu.memory_space<vmem>>, vector<1x2048xf32>,
    %get3A_2250 = arith.index_cast %add3A_1324 : i32 to index
    %get3A_2251 = arith.constant 37 : index
    %get3A_2252 = memref.load %arg1[%get3A_2250, %get3A_2251] : memref<16x40xi32, #tpu.memory_space<smem>>
    %get3A_2253 = arith.constant 1 : index
    %get3A_2254 = arith.index_cast %get3A_2252 : i32 to index
    %get3A_2255 = arith.constant 0 : index
    %get3A_2256 = vector.load %arg3[%get3A_2253, %get3A_2254, %get3A_2255] : memref<2x2048x64xf32, #tpu.memory_space<vmem>>, vector<1x1x64xf32>
    %get3A_2257 = vector.shape_cast %get3A_2256 : vector<1x1x64xf32> to vector<1x64xf32>
    %swap3A_2258 = arith.constant 37 : index
    %swap3A_2259 = arith.constant 0 : index
    %swap3A_2260 = vector.load %arg10[%swap3A_2258, %swap3A_2259] : memref<40x64xf32, #tpu.memory_space<vmem>>, vector<1x64xf32>
    tpu.vector_store %arg10[%swap3A_2258, %swap3A_2259], %get3A_2257 {strides = array<i32>} : memref<40x64xf32, #tpu.memory_space<vmem>>, vector<1x64xf32>,
    %get3A_2261 = arith.constant 0 : index
    %get3A_2262 = arith.index_cast %get3A_2252 : i32 to index
    %get3A_2263 = memref.load %arg2[%get3A_2261, %get3A_2262] : memref<1x2048xf32, #tpu.memory_space<smem>>
    %le3A_2264 = vector.broadcast %get3A_2252 : i32 to vector<1x2048xi32>
    %le3A_2265 = arith.cmpi sle, %iota3A, %le3A_2264 : vector<1x2048xi32>
    %ne3A_2266 = arith.constant 0.000000e+00 : f32
    %ne3A_2267 = arith.cmpf one, %get3A_2263, %ne3A_2266 : f32
    %and3A_2268 = vector.broadcast %ne3A_2267 : i1 to vector<1x2048xi1>
    %and3A_2269 = arith.andi %le3A_2265, %and3A_2268 : vector<1x2048xi1>
    %convert_element_type3A_2270 = arith.extui %and3A_2269 : vector<1x2048xi1> to vector<1x2048xi32>
    %convert_element_type3A_2271 = arith.sitofp %convert_element_type3A_2270 : vector<1x2048xi32> to vector<1x2048xf32>
    %swap3A_2272 = arith.constant 37 : index
    %swap3A_2273 = arith.constant 0 : index
    %swap3A_2274 = vector.load %arg11[%swap3A_2272, %swap3A_2273] : memref<40x2048xf32, #tpu.memory_space<vmem>>, vector<1x2048xf32>
    tpu.vector_store %arg11[%swap3A_2272, %swap3A_2273], %convert_element_type3A_2271 {strides = array<i32>} : memref<40x2048xf32, #tpu.memory_space<vmem>>, vector<1x2048xf32>,
    %get3A_2275 = arith.index_cast %add3A_1324 : i32 to index
    %get3A_2276 = arith.constant 38 : index
    %get3A_2277 = memref.load %arg1[%get3A_2275, %get3A_2276] : memref<16x40xi32, #tpu.memory_space<smem>>
    %get3A_2278 = arith.constant 1 : index
    %get3A_2279 = arith.index_cast %get3A_2277 : i32 to index
    %get3A_2280 = arith.constant 0 : index
    %get3A_2281 = vector.load %arg3[%get3A_2278, %get3A_2279, %get3A_2280] : memref<2x2048x64xf32, #tpu.memory_space<vmem>>, vector<1x1x64xf32>
    %get3A_2282 = vector.shape_cast %get3A_2281 : vector<1x1x64xf32> to vector<1x64xf32>
    %swap3A_2283 = arith.constant 38 : index
    %swap3A_2284 = arith.constant 0 : index
    %swap3A_2285 = vector.load %arg10[%swap3A_2283, %swap3A_2284] : memref<40x64xf32, #tpu.memory_space<vmem>>, vector<1x64xf32>
    tpu.vector_store %arg10[%swap3A_2283, %swap3A_2284], %get3A_2282 {strides = array<i32>} : memref<40x64xf32, #tpu.memory_space<vmem>>, vector<1x64xf32>,
    %get3A_2286 = arith.constant 0 : index
    %get3A_2287 = arith.index_cast %get3A_2277 : i32 to index
    %get3A_2288 = memref.load %arg2[%get3A_2286, %get3A_2287] : memref<1x2048xf32, #tpu.memory_space<smem>>
    %le3A_2289 = vector.broadcast %get3A_2277 : i32 to vector<1x2048xi32>
    %le3A_2290 = arith.cmpi sle, %iota3A, %le3A_2289 : vector<1x2048xi32>
    %ne3A_2291 = arith.constant 0.000000e+00 : f32
    %ne3A_2292 = arith.cmpf one, %get3A_2288, %ne3A_2291 : f32
    %and3A_2293 = vector.broadcast %ne3A_2292 : i1 to vector<1x2048xi1>
    %and3A_2294 = arith.andi %le3A_2290, %and3A_2293 : vector<1x2048xi1>
    %convert_element_type3A_2295 = arith.extui %and3A_2294 : vector<1x2048xi1> to vector<1x2048xi32>
    %convert_element_type3A_2296 = arith.sitofp %convert_element_type3A_2295 : vector<1x2048xi32> to vector<1x2048xf32>
    %swap3A_2297 = arith.constant 38 : index
    %swap3A_2298 = arith.constant 0 : index
    %swap3A_2299 = vector.load %arg11[%swap3A_2297, %swap3A_2298] : memref<40x2048xf32, #tpu.memory_space<vmem>>, vector<1x2048xf32>
    tpu.vector_store %arg11[%swap3A_2297, %swap3A_2298], %convert_element_type3A_2296 {strides = array<i32>} : memref<40x2048xf32, #tpu.memory_space<vmem>>, vector<1x2048xf32>,
    %get3A_2300 = arith.index_cast %add3A_1324 : i32 to index
    %get3A_2301 = arith.constant 39 : index
    %get3A_2302 = memref.load %arg1[%get3A_2300, %get3A_2301] : memref<16x40xi32, #tpu.memory_space<smem>>
    %get3A_2303 = arith.constant 1 : index
    %get3A_2304 = arith.index_cast %get3A_2302 : i32 to index
    %get3A_2305 = arith.constant 0 : index
    %get3A_2306 = vector.load %arg3[%get3A_2303, %get3A_2304, %get3A_2305] : memref<2x2048x64xf32, #tpu.memory_space<vmem>>, vector<1x1x64xf32>
    %get3A_2307 = vector.shape_cast %get3A_2306 : vector<1x1x64xf32> to vector<1x64xf32>
    %swap3A_2308 = arith.constant 39 : index
    %swap3A_2309 = arith.constant 0 : index
    %swap3A_2310 = vector.load %arg10[%swap3A_2308, %swap3A_2309] : memref<40x64xf32, #tpu.memory_space<vmem>>, vector<1x64xf32>
    tpu.vector_store %arg10[%swap3A_2308, %swap3A_2309], %get3A_2307 {strides = array<i32>} : memref<40x64xf32, #tpu.memory_space<vmem>>, vector<1x64xf32>,
    %get3A_2311 = arith.constant 0 : index
    %get3A_2312 = arith.index_cast %get3A_2302 : i32 to index
    %get3A_2313 = memref.load %arg2[%get3A_2311, %get3A_2312] : memref<1x2048xf32, #tpu.memory_space<smem>>
    %le3A_2314 = vector.broadcast %get3A_2302 : i32 to vector<1x2048xi32>
    %le3A_2315 = arith.cmpi sle, %iota3A, %le3A_2314 : vector<1x2048xi32>
    %ne3A_2316 = arith.constant 0.000000e+00 : f32
    %ne3A_2317 = arith.cmpf one, %get3A_2313, %ne3A_2316 : f32
    %and3A_2318 = vector.broadcast %ne3A_2317 : i1 to vector<1x2048xi1>
    %and3A_2319 = arith.andi %le3A_2315, %and3A_2318 : vector<1x2048xi1>
    %convert_element_type3A_2320 = arith.extui %and3A_2319 : vector<1x2048xi1> to vector<1x2048xi32>
    %convert_element_type3A_2321 = arith.sitofp %convert_element_type3A_2320 : vector<1x2048xi32> to vector<1x2048xf32>
    %swap3A_2322 = arith.constant 39 : index
    %swap3A_2323 = arith.constant 0 : index
    %swap3A_2324 = vector.load %arg11[%swap3A_2322, %swap3A_2323] : memref<40x2048xf32, #tpu.memory_space<vmem>>, vector<1x2048xf32>
    tpu.vector_store %arg11[%swap3A_2322, %swap3A_2323], %convert_element_type3A_2321 {strides = array<i32>} : memref<40x2048xf32, #tpu.memory_space<vmem>>, vector<1x2048xf32>,
    %get3A_2325 = arith.constant 0 : index
    %get3A_2326 = arith.constant 0 : index
    %get3A_2327 = vector.load %arg10[%get3A_2325, %get3A_2326] : memref<40x64xf32, #tpu.memory_space<vmem>>, vector<40x64xf32>
    %get3A_2328 = arith.constant 1 : index
    %get3A_2329 = arith.constant 0 : index
    %get3A_2330 = arith.constant 0 : index
    %get3A_2331 = vector.load %arg4[%get3A_2328, %get3A_2329, %get3A_2330] : memref<2x2048x64xf32, #tpu.memory_space<vmem>>, vector<1x2048x64xf32>
    %get3A_2332 = vector.shape_cast %get3A_2331 : vector<1x2048x64xf32> to vector<2048x64xf32>
    %dot_general3A_2333 = arith.constant dense<0.000000e+00> : vector<40x2048xf32>
    %dot_general3A_2334 = tpu.matmul %get3A_2327, %get3A_2332, %dot_general3A_2333 {dimension_numbers = #tpu.dot_dimension_numbers<[1], [1], [0], [0], [0, 0, 1, 0], [], []>, transpose_lhs_hint = false} : vector<40x64xf32>, vector<2048x64xf32>, vector<40x2048xf32> -> vector<40x2048xf32>
    %mul3A_2335 = arith.constant 3.125000e-02 : f32
    %mul3A_2336 = vector.broadcast %mul3A_2335 : f32 to vector<40x2048xf32>
    %mul3A_2337 = arith.mulf %dot_general3A_2334, %mul3A_2336 : vector<40x2048xf32>
    %get3A_2338 = arith.constant 0 : index
    %get3A_2339 = arith.constant 0 : index
    %get3A_2340 = vector.load %arg11[%get3A_2338, %get3A_2339] : memref<40x2048xf32, #tpu.memory_space<vmem>>, vector<40x2048xf32>
    %gt3A_2341 = arith.constant 0.000000e+00 : f32
    %gt3A_2342 = vector.broadcast %gt3A_2341 : f32 to vector<40x2048xf32>
    %gt3A_2343 = arith.cmpf ogt, %get3A_2340, %gt3A_2342 : vector<40x2048xf32>
    %jit3A_2344 = arith.constant -1.000000e+05 : f32
    %broadcast_in_dim3A_2345 = vector.broadcast %jit3A_2344 : f32 to vector<40x2048xf32>
    %select_n3A_2346 = arith.select %gt3A_2343, %mul3A_2337, %broadcast_in_dim3A_2345 : vector<40x2048xi1>, vector<40x2048xf32>
    %reduce_max3A_2347 = arith.constant dense<0xFF800000> : vector<40xf32>
    %reduce_max3A_2348 = vector.multi_reduction <maximumf>, %select_n3A_2346, %reduce_max3A_2347 [1] : vector<40x2048xf32> to vector<40xf32>
    %broadcast_in_dim3A_2349 = vector.shape_cast %reduce_max3A_2348 : vector<40xf32> to vector<40x1xf32>
    %sub3A_2350 = vector.broadcast %broadcast_in_dim3A_2349 : vector<40x1xf32> to vector<40x2048xf32>
    %sub3A_2351 = arith.subf %select_n3A_2346, %sub3A_2350 : vector<40x2048xf32>
    %exp3A_2352 = math.exp %sub3A_2351 : vector<40x2048xf32>
    %reduce_sum3A_2353 = arith.constant dense<0.000000e+00> : vector<40xf32>
    %reduce_sum3A_2354 = vector.multi_reduction <add>, %exp3A_2352, %reduce_sum3A_2353 [1] : vector<40x2048xf32> to vector<40xf32>
    %broadcast_in_dim3A_2355 = vector.shape_cast %reduce_sum3A_2354 : vector<40xf32> to vector<40x1xf32>
    %div3A_2356 = vector.broadcast %broadcast_in_dim3A_2355 : vector<40x1xf32> to vector<40x2048xf32>
    %div3A_2357 = arith.divf %exp3A_2352, %div3A_2356 : vector<40x2048xf32>
    %get3A_2358 = arith.constant 1 : index
    %get3A_2359 = arith.constant 0 : index
    %get3A_2360 = arith.constant 0 : index
    %get3A_2361 = vector.load %arg5[%get3A_2358, %get3A_2359, %get3A_2360] : memref<2x2048x64xf32, #tpu.memory_space<vmem>>, vector<1x2048x64xf32>
    %get3A_2362 = vector.shape_cast %get3A_2361 : vector<1x2048x64xf32> to vector<2048x64xf32>
    %dot_general3A_2363 = arith.constant dense<0.000000e+00> : vector<40x64xf32>
    %dot_general3A_2364 = tpu.matmul %div3A_2357, %get3A_2362, %dot_general3A_2363 {dimension_numbers = #tpu.dot_dimension_numbers<[1], [0], [0], [1], [0, 0, 1, 1], [], []>, transpose_lhs_hint = false} : vector<40x2048xf32>, vector<2048x64xf32>, vector<40x64xf32> -> vector<40x64xf32>
    %get3A_2365 = arith.index_cast %add3A_1324 : i32 to index
    %get3A_2366 = arith.constant 0 : index
    %get3A_2367 = memref.load %arg1[%get3A_2365, %get3A_2366] : memref<16x40xi32, #tpu.memory_space<smem>>
    %slice3A_2368 = vector.extract_strided_slice %dot_general3A_2364 {offsets = [0, 0], sizes = [1, 64], strides = [1, 1]} : vector<40x64xf32> to vector<1x64xf32>
    %swap3A_2369 = arith.index_cast %get3A_2367 : i32 to index
    %swap3A_2370 = arith.constant 0 : index
    %swap3A_2371 = vector.load %arg9[%swap3A_2369, %swap3A_2370] : memref<2048x64xf32, #tpu.memory_space<vmem>>, vector<1x64xf32>
    tpu.vector_store %arg9[%swap3A_2369, %swap3A_2370], %slice3A_2368 {strides = array<i32>} : memref<2048x64xf32, #tpu.memory_space<vmem>>, vector<1x64xf32>,
    %get3A_2372 = arith.index_cast %add3A_1324 : i32 to index
    %get3A_2373 = arith.constant 1 : index
    %get3A_2374 = memref.load %arg1[%get3A_2372, %get3A_2373] : memref<16x40xi32, #tpu.memory_space<smem>>
    %slice3A_2375 = vector.extract_strided_slice %dot_general3A_2364 {offsets = [1, 0], sizes = [1, 64], strides = [1, 1]} : vector<40x64xf32> to vector<1x64xf32>
    %swap3A_2376 = arith.index_cast %get3A_2374 : i32 to index
    %swap3A_2377 = arith.constant 0 : index
    %swap3A_2378 = vector.load %arg9[%swap3A_2376, %swap3A_2377] : memref<2048x64xf32, #tpu.memory_space<vmem>>, vector<1x64xf32>
    tpu.vector_store %arg9[%swap3A_2376, %swap3A_2377], %slice3A_2375 {strides = array<i32>} : memref<2048x64xf32, #tpu.memory_space<vmem>>, vector<1x64xf32>,
    %get3A_2379 = arith.index_cast %add3A_1324 : i32 to index
    %get3A_2380 = arith.constant 2 : index
    %get3A_2381 = memref.load %arg1[%get3A_2379, %get3A_2380] : memref<16x40xi32, #tpu.memory_space<smem>>
    %slice3A_2382 = vector.extract_strided_slice %dot_general3A_2364 {offsets = [2, 0], sizes = [1, 64], strides = [1, 1]} : vector<40x64xf32> to vector<1x64xf32>
    %swap3A_2383 = arith.index_cast %get3A_2381 : i32 to index
    %swap3A_2384 = arith.constant 0 : index
    %swap3A_2385 = vector.load %arg9[%swap3A_2383, %swap3A_2384] : memref<2048x64xf32, #tpu.memory_space<vmem>>, vector<1x64xf32>
    tpu.vector_store %arg9[%swap3A_2383, %swap3A_2384], %slice3A_2382 {strides = array<i32>} : memref<2048x64xf32, #tpu.memory_space<vmem>>, vector<1x64xf32>,
    %get3A_2386 = arith.index_cast %add3A_1324 : i32 to index
    %get3A_2387 = arith.constant 3 : index
    %get3A_2388 = memref.load %arg1[%get3A_2386, %get3A_2387] : memref<16x40xi32, #tpu.memory_space<smem>>
    %slice3A_2389 = vector.extract_strided_slice %dot_general3A_2364 {offsets = [3, 0], sizes = [1, 64], strides = [1, 1]} : vector<40x64xf32> to vector<1x64xf32>
    %swap3A_2390 = arith.index_cast %get3A_2388 : i32 to index
    %swap3A_2391 = arith.constant 0 : index
    %swap3A_2392 = vector.load %arg9[%swap3A_2390, %swap3A_2391] : memref<2048x64xf32, #tpu.memory_space<vmem>>, vector<1x64xf32>
    tpu.vector_store %arg9[%swap3A_2390, %swap3A_2391], %slice3A_2389 {strides = array<i32>} : memref<2048x64xf32, #tpu.memory_space<vmem>>, vector<1x64xf32>,
    %get3A_2393 = arith.index_cast %add3A_1324 : i32 to index
    %get3A_2394 = arith.constant 4 : index
    %get3A_2395 = memref.load %arg1[%get3A_2393, %get3A_2394] : memref<16x40xi32, #tpu.memory_space<smem>>
    %slice3A_2396 = vector.extract_strided_slice %dot_general3A_2364 {offsets = [4, 0], sizes = [1, 64], strides = [1, 1]} : vector<40x64xf32> to vector<1x64xf32>
    %swap3A_2397 = arith.index_cast %get3A_2395 : i32 to index
    %swap3A_2398 = arith.constant 0 : index
    %swap3A_2399 = vector.load %arg9[%swap3A_2397, %swap3A_2398] : memref<2048x64xf32, #tpu.memory_space<vmem>>, vector<1x64xf32>
    tpu.vector_store %arg9[%swap3A_2397, %swap3A_2398], %slice3A_2396 {strides = array<i32>} : memref<2048x64xf32, #tpu.memory_space<vmem>>, vector<1x64xf32>,
    %get3A_2400 = arith.index_cast %add3A_1324 : i32 to index
    %get3A_2401 = arith.constant 5 : index
    %get3A_2402 = memref.load %arg1[%get3A_2400, %get3A_2401] : memref<16x40xi32, #tpu.memory_space<smem>>
    %slice3A_2403 = vector.extract_strided_slice %dot_general3A_2364 {offsets = [5, 0], sizes = [1, 64], strides = [1, 1]} : vector<40x64xf32> to vector<1x64xf32>
    %swap3A_2404 = arith.index_cast %get3A_2402 : i32 to index
    %swap3A_2405 = arith.constant 0 : index
    %swap3A_2406 = vector.load %arg9[%swap3A_2404, %swap3A_2405] : memref<2048x64xf32, #tpu.memory_space<vmem>>, vector<1x64xf32>
    tpu.vector_store %arg9[%swap3A_2404, %swap3A_2405], %slice3A_2403 {strides = array<i32>} : memref<2048x64xf32, #tpu.memory_space<vmem>>, vector<1x64xf32>,
    %get3A_2407 = arith.index_cast %add3A_1324 : i32 to index
    %get3A_2408 = arith.constant 6 : index
    %get3A_2409 = memref.load %arg1[%get3A_2407, %get3A_2408] : memref<16x40xi32, #tpu.memory_space<smem>>
    %slice3A_2410 = vector.extract_strided_slice %dot_general3A_2364 {offsets = [6, 0], sizes = [1, 64], strides = [1, 1]} : vector<40x64xf32> to vector<1x64xf32>
    %swap3A_2411 = arith.index_cast %get3A_2409 : i32 to index
    %swap3A_2412 = arith.constant 0 : index
    %swap3A_2413 = vector.load %arg9[%swap3A_2411, %swap3A_2412] : memref<2048x64xf32, #tpu.memory_space<vmem>>, vector<1x64xf32>
    tpu.vector_store %arg9[%swap3A_2411, %swap3A_2412], %slice3A_2410 {strides = array<i32>} : memref<2048x64xf32, #tpu.memory_space<vmem>>, vector<1x64xf32>,
    %get3A_2414 = arith.index_cast %add3A_1324 : i32 to index
    %get3A_2415 = arith.constant 7 : index
    %get3A_2416 = memref.load %arg1[%get3A_2414, %get3A_2415] : memref<16x40xi32, #tpu.memory_space<smem>>
    %slice3A_2417 = vector.extract_strided_slice %dot_general3A_2364 {offsets = [7, 0], sizes = [1, 64], strides = [1, 1]} : vector<40x64xf32> to vector<1x64xf32>
    %swap3A_2418 = arith.index_cast %get3A_2416 : i32 to index
    %swap3A_2419 = arith.constant 0 : index
    %swap3A_2420 = vector.load %arg9[%swap3A_2418, %swap3A_2419] : memref<2048x64xf32, #tpu.memory_space<vmem>>, vector<1x64xf32>
    tpu.vector_store %arg9[%swap3A_2418, %swap3A_2419], %slice3A_2417 {strides = array<i32>} : memref<2048x64xf32, #tpu.memory_space<vmem>>, vector<1x64xf32>,
    %get3A_2421 = arith.index_cast %add3A_1324 : i32 to index
    %get3A_2422 = arith.constant 8 : index
    %get3A_2423 = memref.load %arg1[%get3A_2421, %get3A_2422] : memref<16x40xi32, #tpu.memory_space<smem>>
    %slice3A_2424 = vector.extract_strided_slice %dot_general3A_2364 {offsets = [8, 0], sizes = [1, 64], strides = [1, 1]} : vector<40x64xf32> to vector<1x64xf32>
    %swap3A_2425 = arith.index_cast %get3A_2423 : i32 to index
    %swap3A_2426 = arith.constant 0 : index
    %swap3A_2427 = vector.load %arg9[%swap3A_2425, %swap3A_2426] : memref<2048x64xf32, #tpu.memory_space<vmem>>, vector<1x64xf32>
    tpu.vector_store %arg9[%swap3A_2425, %swap3A_2426], %slice3A_2424 {strides = array<i32>} : memref<2048x64xf32, #tpu.memory_space<vmem>>, vector<1x64xf32>,
    %get3A_2428 = arith.index_cast %add3A_1324 : i32 to index
    %get3A_2429 = arith.constant 9 : index
    %get3A_2430 = memref.load %arg1[%get3A_2428, %get3A_2429] : memref<16x40xi32, #tpu.memory_space<smem>>
    %slice3A_2431 = vector.extract_strided_slice %dot_general3A_2364 {offsets = [9, 0], sizes = [1, 64], strides = [1, 1]} : vector<40x64xf32> to vector<1x64xf32>
    %swap3A_2432 = arith.index_cast %get3A_2430 : i32 to index
    %swap3A_2433 = arith.constant 0 : index
    %swap3A_2434 = vector.load %arg9[%swap3A_2432, %swap3A_2433] : memref<2048x64xf32, #tpu.memory_space<vmem>>, vector<1x64xf32>
    tpu.vector_store %arg9[%swap3A_2432, %swap3A_2433], %slice3A_2431 {strides = array<i32>} : memref<2048x64xf32, #tpu.memory_space<vmem>>, vector<1x64xf32>,
    %get3A_2435 = arith.index_cast %add3A_1324 : i32 to index
    %get3A_2436 = arith.constant 10 : index
    %get3A_2437 = memref.load %arg1[%get3A_2435, %get3A_2436] : memref<16x40xi32, #tpu.memory_space<smem>>
    %slice3A_2438 = vector.extract_strided_slice %dot_general3A_2364 {offsets = [10, 0], sizes = [1, 64], strides = [1, 1]} : vector<40x64xf32> to vector<1x64xf32>
    %swap3A_2439 = arith.index_cast %get3A_2437 : i32 to index
    %swap3A_2440 = arith.constant 0 : index
    %swap3A_2441 = vector.load %arg9[%swap3A_2439, %swap3A_2440] : memref<2048x64xf32, #tpu.memory_space<vmem>>, vector<1x64xf32>
    tpu.vector_store %arg9[%swap3A_2439, %swap3A_2440], %slice3A_2438 {strides = array<i32>} : memref<2048x64xf32, #tpu.memory_space<vmem>>, vector<1x64xf32>,
    %get3A_2442 = arith.index_cast %add3A_1324 : i32 to index
    %get3A_2443 = arith.constant 11 : index
    %get3A_2444 = memref.load %arg1[%get3A_2442, %get3A_2443] : memref<16x40xi32, #tpu.memory_space<smem>>
    %slice3A_2445 = vector.extract_strided_slice %dot_general3A_2364 {offsets = [11, 0], sizes = [1, 64], strides = [1, 1]} : vector<40x64xf32> to vector<1x64xf32>
    %swap3A_2446 = arith.index_cast %get3A_2444 : i32 to index
    %swap3A_2447 = arith.constant 0 : index
    %swap3A_2448 = vector.load %arg9[%swap3A_2446, %swap3A_2447] : memref<2048x64xf32, #tpu.memory_space<vmem>>, vector<1x64xf32>
    tpu.vector_store %arg9[%swap3A_2446, %swap3A_2447], %slice3A_2445 {strides = array<i32>} : memref<2048x64xf32, #tpu.memory_space<vmem>>, vector<1x64xf32>,
    %get3A_2449 = arith.index_cast %add3A_1324 : i32 to index
    %get3A_2450 = arith.constant 12 : index
    %get3A_2451 = memref.load %arg1[%get3A_2449, %get3A_2450] : memref<16x40xi32, #tpu.memory_space<smem>>
    %slice3A_2452 = vector.extract_strided_slice %dot_general3A_2364 {offsets = [12, 0], sizes = [1, 64], strides = [1, 1]} : vector<40x64xf32> to vector<1x64xf32>
    %swap3A_2453 = arith.index_cast %get3A_2451 : i32 to index
    %swap3A_2454 = arith.constant 0 : index
    %swap3A_2455 = vector.load %arg9[%swap3A_2453, %swap3A_2454] : memref<2048x64xf32, #tpu.memory_space<vmem>>, vector<1x64xf32>
    tpu.vector_store %arg9[%swap3A_2453, %swap3A_2454], %slice3A_2452 {strides = array<i32>} : memref<2048x64xf32, #tpu.memory_space<vmem>>, vector<1x64xf32>,
    %get3A_2456 = arith.index_cast %add3A_1324 : i32 to index
    %get3A_2457 = arith.constant 13 : index
    %get3A_2458 = memref.load %arg1[%get3A_2456, %get3A_2457] : memref<16x40xi32, #tpu.memory_space<smem>>
    %slice3A_2459 = vector.extract_strided_slice %dot_general3A_2364 {offsets = [13, 0], sizes = [1, 64], strides = [1, 1]} : vector<40x64xf32> to vector<1x64xf32>
    %swap3A_2460 = arith.index_cast %get3A_2458 : i32 to index
    %swap3A_2461 = arith.constant 0 : index
    %swap3A_2462 = vector.load %arg9[%swap3A_2460, %swap3A_2461] : memref<2048x64xf32, #tpu.memory_space<vmem>>, vector<1x64xf32>
    tpu.vector_store %arg9[%swap3A_2460, %swap3A_2461], %slice3A_2459 {strides = array<i32>} : memref<2048x64xf32, #tpu.memory_space<vmem>>, vector<1x64xf32>,
    %get3A_2463 = arith.index_cast %add3A_1324 : i32 to index
    %get3A_2464 = arith.constant 14 : index
    %get3A_2465 = memref.load %arg1[%get3A_2463, %get3A_2464] : memref<16x40xi32, #tpu.memory_space<smem>>
    %slice3A_2466 = vector.extract_strided_slice %dot_general3A_2364 {offsets = [14, 0], sizes = [1, 64], strides = [1, 1]} : vector<40x64xf32> to vector<1x64xf32>
    %swap3A_2467 = arith.index_cast %get3A_2465 : i32 to index
    %swap3A_2468 = arith.constant 0 : index
    %swap3A_2469 = vector.load %arg9[%swap3A_2467, %swap3A_2468] : memref<2048x64xf32, #tpu.memory_space<vmem>>, vector<1x64xf32>
    tpu.vector_store %arg9[%swap3A_2467, %swap3A_2468], %slice3A_2466 {strides = array<i32>} : memref<2048x64xf32, #tpu.memory_space<vmem>>, vector<1x64xf32>,
    %get3A_2470 = arith.index_cast %add3A_1324 : i32 to index
    %get3A_2471 = arith.constant 15 : index
    %get3A_2472 = memref.load %arg1[%get3A_2470, %get3A_2471] : memref<16x40xi32, #tpu.memory_space<smem>>
    %slice3A_2473 = vector.extract_strided_slice %dot_general3A_2364 {offsets = [15, 0], sizes = [1, 64], strides = [1, 1]} : vector<40x64xf32> to vector<1x64xf32>
    %swap3A_2474 = arith.index_cast %get3A_2472 : i32 to index
    %swap3A_2475 = arith.constant 0 : index
    %swap3A_2476 = vector.load %arg9[%swap3A_2474, %swap3A_2475] : memref<2048x64xf32, #tpu.memory_space<vmem>>, vector<1x64xf32>
    tpu.vector_store %arg9[%swap3A_2474, %swap3A_2475], %slice3A_2473 {strides = array<i32>} : memref<2048x64xf32, #tpu.memory_space<vmem>>, vector<1x64xf32>,
    %get3A_2477 = arith.index_cast %add3A_1324 : i32 to index
    %get3A_2478 = arith.constant 16 : index
    %get3A_2479 = memref.load %arg1[%get3A_2477, %get3A_2478] : memref<16x40xi32, #tpu.memory_space<smem>>
    %slice3A_2480 = vector.extract_strided_slice %dot_general3A_2364 {offsets = [16, 0], sizes = [1, 64], strides = [1, 1]} : vector<40x64xf32> to vector<1x64xf32>
    %swap3A_2481 = arith.index_cast %get3A_2479 : i32 to index
    %swap3A_2482 = arith.constant 0 : index
    %swap3A_2483 = vector.load %arg9[%swap3A_2481, %swap3A_2482] : memref<2048x64xf32, #tpu.memory_space<vmem>>, vector<1x64xf32>
    tpu.vector_store %arg9[%swap3A_2481, %swap3A_2482], %slice3A_2480 {strides = array<i32>} : memref<2048x64xf32, #tpu.memory_space<vmem>>, vector<1x64xf32>,
    %get3A_2484 = arith.index_cast %add3A_1324 : i32 to index
    %get3A_2485 = arith.constant 17 : index
    %get3A_2486 = memref.load %arg1[%get3A_2484, %get3A_2485] : memref<16x40xi32, #tpu.memory_space<smem>>
    %slice3A_2487 = vector.extract_strided_slice %dot_general3A_2364 {offsets = [17, 0], sizes = [1, 64], strides = [1, 1]} : vector<40x64xf32> to vector<1x64xf32>
    %swap3A_2488 = arith.index_cast %get3A_2486 : i32 to index
    %swap3A_2489 = arith.constant 0 : index
    %swap3A_2490 = vector.load %arg9[%swap3A_2488, %swap3A_2489] : memref<2048x64xf32, #tpu.memory_space<vmem>>, vector<1x64xf32>
    tpu.vector_store %arg9[%swap3A_2488, %swap3A_2489], %slice3A_2487 {strides = array<i32>} : memref<2048x64xf32, #tpu.memory_space<vmem>>, vector<1x64xf32>,
    %get3A_2491 = arith.index_cast %add3A_1324 : i32 to index
    %get3A_2492 = arith.constant 18 : index
    %get3A_2493 = memref.load %arg1[%get3A_2491, %get3A_2492] : memref<16x40xi32, #tpu.memory_space<smem>>
    %slice3A_2494 = vector.extract_strided_slice %dot_general3A_2364 {offsets = [18, 0], sizes = [1, 64], strides = [1, 1]} : vector<40x64xf32> to vector<1x64xf32>
    %swap3A_2495 = arith.index_cast %get3A_2493 : i32 to index
    %swap3A_2496 = arith.constant 0 : index
    %swap3A_2497 = vector.load %arg9[%swap3A_2495, %swap3A_2496] : memref<2048x64xf32, #tpu.memory_space<vmem>>, vector<1x64xf32>
    tpu.vector_store %arg9[%swap3A_2495, %swap3A_2496], %slice3A_2494 {strides = array<i32>} : memref<2048x64xf32, #tpu.memory_space<vmem>>, vector<1x64xf32>,
    %get3A_2498 = arith.index_cast %add3A_1324 : i32 to index
    %get3A_2499 = arith.constant 19 : index
    %get3A_2500 = memref.load %arg1[%get3A_2498, %get3A_2499] : memref<16x40xi32, #tpu.memory_space<smem>>
    %slice3A_2501 = vector.extract_strided_slice %dot_general3A_2364 {offsets = [19, 0], sizes = [1, 64], strides = [1, 1]} : vector<40x64xf32> to vector<1x64xf32>
    %swap3A_2502 = arith.index_cast %get3A_2500 : i32 to index
    %swap3A_2503 = arith.constant 0 : index
    %swap3A_2504 = vector.load %arg9[%swap3A_2502, %swap3A_2503] : memref<2048x64xf32, #tpu.memory_space<vmem>>, vector<1x64xf32>
    tpu.vector_store %arg9[%swap3A_2502, %swap3A_2503], %slice3A_2501 {strides = array<i32>} : memref<2048x64xf32, #tpu.memory_space<vmem>>, vector<1x64xf32>,
    %get3A_2505 = arith.index_cast %add3A_1324 : i32 to index
    %get3A_2506 = arith.constant 20 : index
    %get3A_2507 = memref.load %arg1[%get3A_2505, %get3A_2506] : memref<16x40xi32, #tpu.memory_space<smem>>
    %slice3A_2508 = vector.extract_strided_slice %dot_general3A_2364 {offsets = [20, 0], sizes = [1, 64], strides = [1, 1]} : vector<40x64xf32> to vector<1x64xf32>
    %swap3A_2509 = arith.index_cast %get3A_2507 : i32 to index
    %swap3A_2510 = arith.constant 0 : index
    %swap3A_2511 = vector.load %arg9[%swap3A_2509, %swap3A_2510] : memref<2048x64xf32, #tpu.memory_space<vmem>>, vector<1x64xf32>
    tpu.vector_store %arg9[%swap3A_2509, %swap3A_2510], %slice3A_2508 {strides = array<i32>} : memref<2048x64xf32, #tpu.memory_space<vmem>>, vector<1x64xf32>,
    %get3A_2512 = arith.index_cast %add3A_1324 : i32 to index
    %get3A_2513 = arith.constant 21 : index
    %get3A_2514 = memref.load %arg1[%get3A_2512, %get3A_2513] : memref<16x40xi32, #tpu.memory_space<smem>>
    %slice3A_2515 = vector.extract_strided_slice %dot_general3A_2364 {offsets = [21, 0], sizes = [1, 64], strides = [1, 1]} : vector<40x64xf32> to vector<1x64xf32>
    %swap3A_2516 = arith.index_cast %get3A_2514 : i32 to index
    %swap3A_2517 = arith.constant 0 : index
    %swap3A_2518 = vector.load %arg9[%swap3A_2516, %swap3A_2517] : memref<2048x64xf32, #tpu.memory_space<vmem>>, vector<1x64xf32>
    tpu.vector_store %arg9[%swap3A_2516, %swap3A_2517], %slice3A_2515 {strides = array<i32>} : memref<2048x64xf32, #tpu.memory_space<vmem>>, vector<1x64xf32>,
    %get3A_2519 = arith.index_cast %add3A_1324 : i32 to index
    %get3A_2520 = arith.constant 22 : index
    %get3A_2521 = memref.load %arg1[%get3A_2519, %get3A_2520] : memref<16x40xi32, #tpu.memory_space<smem>>
    %slice3A_2522 = vector.extract_strided_slice %dot_general3A_2364 {offsets = [22, 0], sizes = [1, 64], strides = [1, 1]} : vector<40x64xf32> to vector<1x64xf32>
    %swap3A_2523 = arith.index_cast %get3A_2521 : i32 to index
    %swap3A_2524 = arith.constant 0 : index
    %swap3A_2525 = vector.load %arg9[%swap3A_2523, %swap3A_2524] : memref<2048x64xf32, #tpu.memory_space<vmem>>, vector<1x64xf32>
    tpu.vector_store %arg9[%swap3A_2523, %swap3A_2524], %slice3A_2522 {strides = array<i32>} : memref<2048x64xf32, #tpu.memory_space<vmem>>, vector<1x64xf32>,
    %get3A_2526 = arith.index_cast %add3A_1324 : i32 to index
    %get3A_2527 = arith.constant 23 : index
    %get3A_2528 = memref.load %arg1[%get3A_2526, %get3A_2527] : memref<16x40xi32, #tpu.memory_space<smem>>
    %slice3A_2529 = vector.extract_strided_slice %dot_general3A_2364 {offsets = [23, 0], sizes = [1, 64], strides = [1, 1]} : vector<40x64xf32> to vector<1x64xf32>
    %swap3A_2530 = arith.index_cast %get3A_2528 : i32 to index
    %swap3A_2531 = arith.constant 0 : index
    %swap3A_2532 = vector.load %arg9[%swap3A_2530, %swap3A_2531] : memref<2048x64xf32, #tpu.memory_space<vmem>>, vector<1x64xf32>
    tpu.vector_store %arg9[%swap3A_2530, %swap3A_2531], %slice3A_2529 {strides = array<i32>} : memref<2048x64xf32, #tpu.memory_space<vmem>>, vector<1x64xf32>,
    %get3A_2533 = arith.index_cast %add3A_1324 : i32 to index
    %get3A_2534 = arith.constant 24 : index
    %get3A_2535 = memref.load %arg1[%get3A_2533, %get3A_2534] : memref<16x40xi32, #tpu.memory_space<smem>>
    %slice3A_2536 = vector.extract_strided_slice %dot_general3A_2364 {offsets = [24, 0], sizes = [1, 64], strides = [1, 1]} : vector<40x64xf32> to vector<1x64xf32>
    %swap3A_2537 = arith.index_cast %get3A_2535 : i32 to index
    %swap3A_2538 = arith.constant 0 : index
    %swap3A_2539 = vector.load %arg9[%swap3A_2537, %swap3A_2538] : memref<2048x64xf32, #tpu.memory_space<vmem>>, vector<1x64xf32>
    tpu.vector_store %arg9[%swap3A_2537, %swap3A_2538], %slice3A_2536 {strides = array<i32>} : memref<2048x64xf32, #tpu.memory_space<vmem>>, vector<1x64xf32>,
    %get3A_2540 = arith.index_cast %add3A_1324 : i32 to index
    %get3A_2541 = arith.constant 25 : index
    %get3A_2542 = memref.load %arg1[%get3A_2540, %get3A_2541] : memref<16x40xi32, #tpu.memory_space<smem>>
    %slice3A_2543 = vector.extract_strided_slice %dot_general3A_2364 {offsets = [25, 0], sizes = [1, 64], strides = [1, 1]} : vector<40x64xf32> to vector<1x64xf32>
    %swap3A_2544 = arith.index_cast %get3A_2542 : i32 to index
    %swap3A_2545 = arith.constant 0 : index
    %swap3A_2546 = vector.load %arg9[%swap3A_2544, %swap3A_2545] : memref<2048x64xf32, #tpu.memory_space<vmem>>, vector<1x64xf32>
    tpu.vector_store %arg9[%swap3A_2544, %swap3A_2545], %slice3A_2543 {strides = array<i32>} : memref<2048x64xf32, #tpu.memory_space<vmem>>, vector<1x64xf32>,
    %get3A_2547 = arith.index_cast %add3A_1324 : i32 to index
    %get3A_2548 = arith.constant 26 : index
    %get3A_2549 = memref.load %arg1[%get3A_2547, %get3A_2548] : memref<16x40xi32, #tpu.memory_space<smem>>
    %slice3A_2550 = vector.extract_strided_slice %dot_general3A_2364 {offsets = [26, 0], sizes = [1, 64], strides = [1, 1]} : vector<40x64xf32> to vector<1x64xf32>
    %swap3A_2551 = arith.index_cast %get3A_2549 : i32 to index
    %swap3A_2552 = arith.constant 0 : index
    %swap3A_2553 = vector.load %arg9[%swap3A_2551, %swap3A_2552] : memref<2048x64xf32, #tpu.memory_space<vmem>>, vector<1x64xf32>
    tpu.vector_store %arg9[%swap3A_2551, %swap3A_2552], %slice3A_2550 {strides = array<i32>} : memref<2048x64xf32, #tpu.memory_space<vmem>>, vector<1x64xf32>,
    %get3A_2554 = arith.index_cast %add3A_1324 : i32 to index
    %get3A_2555 = arith.constant 27 : index
    %get3A_2556 = memref.load %arg1[%get3A_2554, %get3A_2555] : memref<16x40xi32, #tpu.memory_space<smem>>
    %slice3A_2557 = vector.extract_strided_slice %dot_general3A_2364 {offsets = [27, 0], sizes = [1, 64], strides = [1, 1]} : vector<40x64xf32> to vector<1x64xf32>
    %swap3A_2558 = arith.index_cast %get3A_2556 : i32 to index
    %swap3A_2559 = arith.constant 0 : index
    %swap3A_2560 = vector.load %arg9[%swap3A_2558, %swap3A_2559] : memref<2048x64xf32, #tpu.memory_space<vmem>>, vector<1x64xf32>
    tpu.vector_store %arg9[%swap3A_2558, %swap3A_2559], %slice3A_2557 {strides = array<i32>} : memref<2048x64xf32, #tpu.memory_space<vmem>>, vector<1x64xf32>,
    %get3A_2561 = arith.index_cast %add3A_1324 : i32 to index
    %get3A_2562 = arith.constant 28 : index
    %get3A_2563 = memref.load %arg1[%get3A_2561, %get3A_2562] : memref<16x40xi32, #tpu.memory_space<smem>>
    %slice3A_2564 = vector.extract_strided_slice %dot_general3A_2364 {offsets = [28, 0], sizes = [1, 64], strides = [1, 1]} : vector<40x64xf32> to vector<1x64xf32>
    %swap3A_2565 = arith.index_cast %get3A_2563 : i32 to index
    %swap3A_2566 = arith.constant 0 : index
    %swap3A_2567 = vector.load %arg9[%swap3A_2565, %swap3A_2566] : memref<2048x64xf32, #tpu.memory_space<vmem>>, vector<1x64xf32>
    tpu.vector_store %arg9[%swap3A_2565, %swap3A_2566], %slice3A_2564 {strides = array<i32>} : memref<2048x64xf32, #tpu.memory_space<vmem>>, vector<1x64xf32>,
    %get3A_2568 = arith.index_cast %add3A_1324 : i32 to index
    %get3A_2569 = arith.constant 29 : index
    %get3A_2570 = memref.load %arg1[%get3A_2568, %get3A_2569] : memref<16x40xi32, #tpu.memory_space<smem>>
    %slice3A_2571 = vector.extract_strided_slice %dot_general3A_2364 {offsets = [29, 0], sizes = [1, 64], strides = [1, 1]} : vector<40x64xf32> to vector<1x64xf32>
    %swap3A_2572 = arith.index_cast %get3A_2570 : i32 to index
    %swap3A_2573 = arith.constant 0 : index
    %swap3A_2574 = vector.load %arg9[%swap3A_2572, %swap3A_2573] : memref<2048x64xf32, #tpu.memory_space<vmem>>, vector<1x64xf32>
    tpu.vector_store %arg9[%swap3A_2572, %swap3A_2573], %slice3A_2571 {strides = array<i32>} : memref<2048x64xf32, #tpu.memory_space<vmem>>, vector<1x64xf32>,
    %get3A_2575 = arith.index_cast %add3A_1324 : i32 to index
    %get3A_2576 = arith.constant 30 : index
    %get3A_2577 = memref.load %arg1[%get3A_2575, %get3A_2576] : memref<16x40xi32, #tpu.memory_space<smem>>
    %slice3A_2578 = vector.extract_strided_slice %dot_general3A_2364 {offsets = [30, 0], sizes = [1, 64], strides = [1, 1]} : vector<40x64xf32> to vector<1x64xf32>
    %swap3A_2579 = arith.index_cast %get3A_2577 : i32 to index
    %swap3A_2580 = arith.constant 0 : index
    %swap3A_2581 = vector.load %arg9[%swap3A_2579, %swap3A_2580] : memref<2048x64xf32, #tpu.memory_space<vmem>>, vector<1x64xf32>
    tpu.vector_store %arg9[%swap3A_2579, %swap3A_2580], %slice3A_2578 {strides = array<i32>} : memref<2048x64xf32, #tpu.memory_space<vmem>>, vector<1x64xf32>,
    %get3A_2582 = arith.index_cast %add3A_1324 : i32 to index
    %get3A_2583 = arith.constant 31 : index
    %get3A_2584 = memref.load %arg1[%get3A_2582, %get3A_2583] : memref<16x40xi32, #tpu.memory_space<smem>>
    %slice3A_2585 = vector.extract_strided_slice %dot_general3A_2364 {offsets = [31, 0], sizes = [1, 64], strides = [1, 1]} : vector<40x64xf32> to vector<1x64xf32>
    %swap3A_2586 = arith.index_cast %get3A_2584 : i32 to index
    %swap3A_2587 = arith.constant 0 : index
    %swap3A_2588 = vector.load %arg9[%swap3A_2586, %swap3A_2587] : memref<2048x64xf32, #tpu.memory_space<vmem>>, vector<1x64xf32>
    tpu.vector_store %arg9[%swap3A_2586, %swap3A_2587], %slice3A_2585 {strides = array<i32>} : memref<2048x64xf32, #tpu.memory_space<vmem>>, vector<1x64xf32>,
    %get3A_2589 = arith.index_cast %add3A_1324 : i32 to index
    %get3A_2590 = arith.constant 32 : index
    %get3A_2591 = memref.load %arg1[%get3A_2589, %get3A_2590] : memref<16x40xi32, #tpu.memory_space<smem>>
    %slice3A_2592 = vector.extract_strided_slice %dot_general3A_2364 {offsets = [32, 0], sizes = [1, 64], strides = [1, 1]} : vector<40x64xf32> to vector<1x64xf32>
    %swap3A_2593 = arith.index_cast %get3A_2591 : i32 to index
    %swap3A_2594 = arith.constant 0 : index
    %swap3A_2595 = vector.load %arg9[%swap3A_2593, %swap3A_2594] : memref<2048x64xf32, #tpu.memory_space<vmem>>, vector<1x64xf32>
    tpu.vector_store %arg9[%swap3A_2593, %swap3A_2594], %slice3A_2592 {strides = array<i32>} : memref<2048x64xf32, #tpu.memory_space<vmem>>, vector<1x64xf32>,
    %get3A_2596 = arith.index_cast %add3A_1324 : i32 to index
    %get3A_2597 = arith.constant 33 : index
    %get3A_2598 = memref.load %arg1[%get3A_2596, %get3A_2597] : memref<16x40xi32, #tpu.memory_space<smem>>
    %slice3A_2599 = vector.extract_strided_slice %dot_general3A_2364 {offsets = [33, 0], sizes = [1, 64], strides = [1, 1]} : vector<40x64xf32> to vector<1x64xf32>
    %swap3A_2600 = arith.index_cast %get3A_2598 : i32 to index
    %swap3A_2601 = arith.constant 0 : index
    %swap3A_2602 = vector.load %arg9[%swap3A_2600, %swap3A_2601] : memref<2048x64xf32, #tpu.memory_space<vmem>>, vector<1x64xf32>
    tpu.vector_store %arg9[%swap3A_2600, %swap3A_2601], %slice3A_2599 {strides = array<i32>} : memref<2048x64xf32, #tpu.memory_space<vmem>>, vector<1x64xf32>,
    %get3A_2603 = arith.index_cast %add3A_1324 : i32 to index
    %get3A_2604 = arith.constant 34 : index
    %get3A_2605 = memref.load %arg1[%get3A_2603, %get3A_2604] : memref<16x40xi32, #tpu.memory_space<smem>>
    %slice3A_2606 = vector.extract_strided_slice %dot_general3A_2364 {offsets = [34, 0], sizes = [1, 64], strides = [1, 1]} : vector<40x64xf32> to vector<1x64xf32>
    %swap3A_2607 = arith.index_cast %get3A_2605 : i32 to index
    %swap3A_2608 = arith.constant 0 : index
    %swap3A_2609 = vector.load %arg9[%swap3A_2607, %swap3A_2608] : memref<2048x64xf32, #tpu.memory_space<vmem>>, vector<1x64xf32>
    tpu.vector_store %arg9[%swap3A_2607, %swap3A_2608], %slice3A_2606 {strides = array<i32>} : memref<2048x64xf32, #tpu.memory_space<vmem>>, vector<1x64xf32>,
    %get3A_2610 = arith.index_cast %add3A_1324 : i32 to index
    %get3A_2611 = arith.constant 35 : index
    %get3A_2612 = memref.load %arg1[%get3A_2610, %get3A_2611] : memref<16x40xi32, #tpu.memory_space<smem>>
    %slice3A_2613 = vector.extract_strided_slice %dot_general3A_2364 {offsets = [35, 0], sizes = [1, 64], strides = [1, 1]} : vector<40x64xf32> to vector<1x64xf32>
    %swap3A_2614 = arith.index_cast %get3A_2612 : i32 to index
    %swap3A_2615 = arith.constant 0 : index
    %swap3A_2616 = vector.load %arg9[%swap3A_2614, %swap3A_2615] : memref<2048x64xf32, #tpu.memory_space<vmem>>, vector<1x64xf32>
    tpu.vector_store %arg9[%swap3A_2614, %swap3A_2615], %slice3A_2613 {strides = array<i32>} : memref<2048x64xf32, #tpu.memory_space<vmem>>, vector<1x64xf32>,
    %get3A_2617 = arith.index_cast %add3A_1324 : i32 to index
    %get3A_2618 = arith.constant 36 : index
    %get3A_2619 = memref.load %arg1[%get3A_2617, %get3A_2618] : memref<16x40xi32, #tpu.memory_space<smem>>
    %slice3A_2620 = vector.extract_strided_slice %dot_general3A_2364 {offsets = [36, 0], sizes = [1, 64], strides = [1, 1]} : vector<40x64xf32> to vector<1x64xf32>
    %swap3A_2621 = arith.index_cast %get3A_2619 : i32 to index
    %swap3A_2622 = arith.constant 0 : index
    %swap3A_2623 = vector.load %arg9[%swap3A_2621, %swap3A_2622] : memref<2048x64xf32, #tpu.memory_space<vmem>>, vector<1x64xf32>
    tpu.vector_store %arg9[%swap3A_2621, %swap3A_2622], %slice3A_2620 {strides = array<i32>} : memref<2048x64xf32, #tpu.memory_space<vmem>>, vector<1x64xf32>,
    %get3A_2624 = arith.index_cast %add3A_1324 : i32 to index
    %get3A_2625 = arith.constant 37 : index
    %get3A_2626 = memref.load %arg1[%get3A_2624, %get3A_2625] : memref<16x40xi32, #tpu.memory_space<smem>>
    %slice3A_2627 = vector.extract_strided_slice %dot_general3A_2364 {offsets = [37, 0], sizes = [1, 64], strides = [1, 1]} : vector<40x64xf32> to vector<1x64xf32>
    %swap3A_2628 = arith.index_cast %get3A_2626 : i32 to index
    %swap3A_2629 = arith.constant 0 : index
    %swap3A_2630 = vector.load %arg9[%swap3A_2628, %swap3A_2629] : memref<2048x64xf32, #tpu.memory_space<vmem>>, vector<1x64xf32>
    tpu.vector_store %arg9[%swap3A_2628, %swap3A_2629], %slice3A_2627 {strides = array<i32>} : memref<2048x64xf32, #tpu.memory_space<vmem>>, vector<1x64xf32>,
    %get3A_2631 = arith.index_cast %add3A_1324 : i32 to index
    %get3A_2632 = arith.constant 38 : index
    %get3A_2633 = memref.load %arg1[%get3A_2631, %get3A_2632] : memref<16x40xi32, #tpu.memory_space<smem>>
    %slice3A_2634 = vector.extract_strided_slice %dot_general3A_2364 {offsets = [38, 0], sizes = [1, 64], strides = [1, 1]} : vector<40x64xf32> to vector<1x64xf32>
    %swap3A_2635 = arith.index_cast %get3A_2633 : i32 to index
    %swap3A_2636 = arith.constant 0 : index
    %swap3A_2637 = vector.load %arg9[%swap3A_2635, %swap3A_2636] : memref<2048x64xf32, #tpu.memory_space<vmem>>, vector<1x64xf32>
    tpu.vector_store %arg9[%swap3A_2635, %swap3A_2636], %slice3A_2634 {strides = array<i32>} : memref<2048x64xf32, #tpu.memory_space<vmem>>, vector<1x64xf32>,
    %get3A_2638 = arith.index_cast %add3A_1324 : i32 to index
    %get3A_2639 = arith.constant 39 : index
    %get3A_2640 = memref.load %arg1[%get3A_2638, %get3A_2639] : memref<16x40xi32, #tpu.memory_space<smem>>
    %slice3A_2641 = vector.extract_strided_slice %dot_general3A_2364 {offsets = [39, 0], sizes = [1, 64], strides = [1, 1]} : vector<40x64xf32> to vector<1x64xf32>
    %swap3A_2642 = arith.index_cast %get3A_2640 : i32 to index
    %swap3A_2643 = arith.constant 0 : index
    %swap3A_2644 = vector.load %arg9[%swap3A_2642, %swap3A_2643] : memref<2048x64xf32, #tpu.memory_space<vmem>>, vector<1x64xf32>
    tpu.vector_store %arg9[%swap3A_2642, %swap3A_2643], %slice3A_2641 {strides = array<i32>} : memref<2048x64xf32, #tpu.memory_space<vmem>>, vector<1x64xf32>,
    %get3A_2645 = arith.constant 0 : index
    %get3A_2646 = arith.constant 0 : index
    %get3A_2647 = vector.load %arg8[%get3A_2645, %get3A_2646] : memref<2048x64xf32, #tpu.memory_space<vmem>>, vector<2048x64xf32>
    %get3A_2648 = arith.constant 0 : index
    %get3A_2649 = arith.constant 0 : index
    %get3A_2650 = vector.load %arg9[%get3A_2648, %get3A_2649] : memref<2048x64xf32, #tpu.memory_space<vmem>>, vector<2048x64xf32>
    %concatenate3A = tpu.concatenate %get3A_2647, %get3A_2650 in 1 : vector<2048x64xf32>, vector<2048x64xf32> -> vector<2048x128xf32>
    %swap3A_2651 = arith.constant 0 : index
    %swap3A_2652 = arith.constant 0 : index
    %swap3A_2653 = vector.load %arg7[%swap3A_2651, %swap3A_2652] : memref<2048x128xf32, #tpu.memory_space<vmem>>, vector<2048x128xf32>
    tpu.vector_store %arg7[%swap3A_2651, %swap3A_2652], %concatenate3A {strides = array<i32>} : memref<2048x128xf32, #tpu.memory_space<vmem>>, vector<2048x128xf32>,
    return
  }
  func.func @transform_0(%arg0: i32) -> (i32, i32) {
    %c0_i32 = arith.constant 0 : i32
    %c0_i32_0 = arith.constant 0 : i32
    %c0_i32_1 = arith.constant 0 : i32
    return %c0_i32, %c0_i32_0 : i32, i32
  }
  func.func @transform_1(%arg0: i32) -> (i32, i32) {
    %c0_i32 = arith.constant 0 : i32
    %c0_i32_0 = arith.constant 0 : i32
    %c0_i32_1 = arith.constant 0 : i32
    return %c0_i32, %c0_i32_0 : i32, i32
  }
  func.func @transform_2(%arg0: i32) -> (i32, i32, i32) {
    %c0_i32 = arith.constant 0 : i32
    %c0_i32_0 = arith.constant 0 : i32
    %c0_i32_1 = arith.constant 0 : i32
    return %arg0, %c0_i32, %c0_i32_0 : i32, i32, i32
  }
  func.func @transform_3(%arg0: i32) -> (i32, i32, i32) {
    %c0_i32 = arith.constant 0 : i32
    %c0_i32_0 = arith.constant 0 : i32
    %c0_i32_1 = arith.constant 0 : i32
    return %arg0, %c0_i32, %c0_i32_0 : i32, i32, i32
  }
  func.func @transform_4(%arg0: i32) -> (i32, i32, i32) {
    %c0_i32 = arith.constant 0 : i32
    %c0_i32_0 = arith.constant 0 : i32
    %c0_i32_1 = arith.constant 0 : i32
    return %arg0, %c0_i32, %c0_i32_0 : i32, i32, i32
  }
  func.func @transform_5(%arg0: i32) -> (i32, i32, i32) {
    %c0_i32 = arith.constant 0 : i32
    %c0_i32_0 = arith.constant 0 : i32
    %c0_i32_1 = arith.constant 0 : i32
    return %arg0, %c0_i32, %c0_i32_0 : i32, i32, i32
  }
  func.func @transform_6(%arg0: i32) -> (i32, i32) {
    %c0_i32 = arith.constant 0 : i32
    %c0_i32_0 = arith.constant 0 : i32
    return %c0_i32, %arg0 : i32, i32
  }
}

</mosaic_0001>

<sc_bundles>
// kernel: kernel.7.cloned.1.call-start
scs
__scs_entry_jumppad:
0x0: {  	(pc) =	sbr.rel $0x88, $3  }
0x1: {  	(tag) =	ssettag $0x0;
	lr =	simm.s32 $0x1  }
0x2: {  	[smem:$0x3F91] =	sst lr;
	_ =	strace $0xD0000000  }
0x3: {  	_ = 	snop  }
0x4: {  	_ = 	snop  }
0x5: {  	_ = 	snop  }
0x6: {  	_ = 	snop  }
0x7: {  	_ = 	snop  }
__scs_overlays_trampoline_lowered:
0x8: {  	[smem:$0x3FA0] =	sst s0  }
0x9: {  	[smem:$0x3FA1] =	sst s1  }
0xa: {  	[smem:$0x3FA2] =	sst s2  }
0xb: {  	[smem:$0x3FA3] =	sst s3  }
0xc: {  	[smem:$0x3FA4] =	sst s4  }
0xd: {  	[smem:$0x3FA5] =	sst s5  }
0xe: {  	[smem:$0x3FA6] =	sst s6  }
0xf: {  	[smem:$0x3FA7] =	sst s7  }
0x10: {  	[smem:$0x3FA8] =	sst s8  }
0x11: {  	[smem:$0x3FA9] =	sst s9;
	s0 =	simm.s32 @!p0 $0x0  }
0x12: {  	s1 =	sld [smem:$0x3F8F];
	s0 =	simm.s32 @p0 $0x1  }
0x13: {  	[smem:$0x3FAA] =	sst s0;
	s0 =	simm.s32 @!p1 $0x0  }
0x14: {  	s2 =	sld [smem:$0x3F8E];
	s0 =	simm.s32 @p1 $0x1  }
0x15: {  	[smem:$0x3FAB] =	sst s0;
	s0 =	simm.s32 @!p2 $0x0  }
0x16: {  	s3 =	sld [smem:$0x3FDB];
	s0 =	simm.s32 @p2 $0x1  }
0x17: {  	s4 =	simm.s32 $0x1BF5;
	[smem:$0x3FAD] =	sst s0  }
0x18: {  	s0 =	sld [smem:$0x3F90];
	_ =	swait.ge [sflag:s4], $0x0  }
0x19: {  	s7 =	sld [smem:$0x3F91]  }
0x1a: {  	s8 =	sadd.s32 $0xFFFFE003, lr  }
0x1b: {  	s9 =	sadd.s32 $0xFFFFFEF7, lr;
	s5 =	simm.s32 $0xFFFFFFFF;
	p2 =	slt.u32 s8, $0xFFFFF086  }
0x1c: {  	p1 =	slt.u32 s9, $0xF7A;
	s5 =	simm.s32 @!p2 $0x0  }
0x1d: {  	s5 =	simm.s32 @p1 $0x1;
	p0 =	seq.s32 s7, s2  }
0x1e: {  	s7 =	smul.u32 @!p0 $0xF7A, s2;
	p2 =	seq.s32 @!p0 s5, $0x0  }
0x1f: {  	s9 =	smul.u32 $0xF7A, s1;
	s8 =	simm.s32 @!p0 $0x1BF5;
	p2 =	por !p2, p0  }
0x20: {  	[sflag:s8] =	ssyncset.s32 @!p0 $0xFFFFF086;
	s6 =	sadd.s32 @!p0 s3, s7;
	s7 =	simm.s32 @!p0 $0x108  }
0x21: {  	s3 =	sadd.s32 s3, s9;
	s6 =	sadd.s32 @!p0 $0x88, s6;
	s7 =	simm.s32 @p2 $0x1082  }
0x22: {  	[simem:s7], [sflag:s8] =	dma.local @!p0 [hbm:s6], $0xF7A  }
0x23: {  	s9 =	sor.u32 $0xD0000000, s2;
	s6 =	simm.s32 $0x108;
	_ =	swait.ge @!p0 [sflag:s8], $0x0  }
0x24: {  	s3 =	sadd.s32 $0x88, s3;
	s6 =	simm.s32 @!p1 $0x1082;
	[sflag:s4] =	ssyncset.s32 $0xFFFFF086  }
0x25: {  	[simem:s6], [sflag:s4] =	dma.local [hbm:s3], $0xF7A  }
0x26: {  	[smem:$0x3F91] =	sst s1;
	(tag) =	ssettag s2;
	_ =	strace s9  }
0x27: {  	s1 =	sld [smem:$0x3FA1]  }
0x28: {  	s2 =	sld [smem:$0x3FA2]  }
0x29: {  	s4 =	sld [smem:$0x3FA4]  }
0x2a: {  	p0 =	seq.s32 s5, $0x0;
	s5 =	sld [smem:$0x3FA5]  }
0x2b: {  	s6 =	sld [smem:$0x3FA6]  }
0x2c: {  	s7 =	sld [smem:$0x3FA7]  }
0x2d: {  	s3 =	simm.s32 $0x108;
	s8 =	sld [smem:$0x3FA8]  }
0x2e: {  	s3 =	simm.s32 @!p0 $0x1082;
	s9 =	sld [smem:$0x3FA9]  }
0x2f: {  	lr =	sadd.s32 s0, s3;
	s0 =	sld [smem:$0x3FA0]  }
0x30: {  	s3 =	sld [smem:$0x3FA3]  }
0x31: {  	[smem:$0x3FAC] =	sst s10  }
0x32: {  	s10 =	sld [smem:$0x3FAA];
	_ =	sdelay $0x3  }
0x33: {  	p0 =	seq.s32 s10, $0x1;
	s10 =	sld [smem:$0x3FAC];
	_ =	sdelay $0x3  }
0x34: {  	[smem:$0x3FAC] =	sst s10  }
0x35: {  	s10 =	sld [smem:$0x3FAB];
	_ =	sdelay $0x3  }
0x36: {  	p1 =	seq.s32 s10, $0x1;
	s10 =	sld [smem:$0x3FAC];
	_ =	sdelay $0x3  }
0x37: {  	[smem:$0x3FAC] =	sst s10  }
0x38: {  	s10 =	sld [smem:$0x3FAD]  }
0x39: {  	_ = 	snop;
	(pc) =	sbr.ind lr, $3  }
0x3a: {  	_ = 	snop  }
0x3b: {  	_ = 	snop  }
0x3c: {  	p2 =	seq.s32 s10, $0x1;
	s10 =	sld [smem:$0x3FAC]  }
0x3d: {  	_ =	shalt  }
0x3e: {  	_ =	shalt  }
0x3f: {  	_ =	shalt  }
0x40: {  	_ =	shalt  }
0x41: {  	_ =	shalt  }
0x42: {  	_ =	shalt  }
0x43: {  	_ =	shalt  }
0x44: {  	_ =	shalt  }
0x45: {  	_ =	shalt  }
0x46: {  	_ =	shalt  }
0x47: {  	_ =	shalt  }
0x48: {  	_ =	shalt  }
0x49: {  	_ =	shalt  }
0x4a: {  	_ =	shalt  }
0x4b: {  	_ =	shalt  }
0x4c: {  	_ =	shalt  }
0x4d: {  	_ =	shalt  }
0x4e: {  	_ =	shalt  }
0x4f: {  	_ =	shalt  }
0x50: {  	_ =	shalt  }
0x51: {  	_ =	shalt  }
0x52: {  	_ =	shalt  }
0x53: {  	_ =	shalt  }
0x54: {  	_ =	shalt  }
0x55: {  	_ =	shalt  }
0x56: {  	_ =	shalt  }
0x57: {  	_ =	shalt  }
0x58: {  	_ =	shalt  }
0x59: {  	_ =	shalt  }
0x5a: {  	_ =	shalt  }
0x5b: {  	_ =	shalt  }
0x5c: {  	_ =	shalt  }
0x5d: {  	_ =	shalt  }
0x5e: {  	_ =	shalt  }
0x5f: {  	_ =	shalt  }
0x60: {  	_ =	shalt  }
0x61: {  	_ =	shalt  }
0x62: {  	_ =	shalt  }
0x63: {  	_ =	shalt  }
0x64: {  	_ =	shalt  }
0x65: {  	_ =	shalt  }
0x66: {  	_ =	shalt  }
0x67: {  	_ =	shalt  }
0x68: {  	_ =	shalt  }
0x69: {  	_ =	shalt  }
0x6a: {  	_ =	shalt  }
0x6b: {  	_ =	shalt  }
0x6c: {  	_ =	shalt  }
0x6d: {  	_ =	shalt  }
0x6e: {  	_ =	shalt  }
0x6f: {  	_ =	shalt  }
0x70: {  	_ =	shalt  }
0x71: {  	_ =	shalt  }
0x72: {  	_ =	shalt  }
0x73: {  	_ =	shalt  }
0x74: {  	_ =	shalt  }
0x75: {  	_ =	shalt  }
0x76: {  	_ =	shalt  }
0x77: {  	_ =	shalt  }
0x78: {  	_ =	shalt  }
0x79: {  	_ =	shalt  }
0x7a: {  	_ =	shalt  }
0x7b: {  	_ =	shalt  }
0x7c: {  	_ =	shalt  }
0x7d: {  	_ =	shalt  }
0x7e: {  	_ =	shalt  }
0x7f: {  	_ =	shalt  }
0x80: {  	_ =	shalt  }
0x81: {  	_ =	shalt  }
0x82: {  	_ =	shalt  }
0x83: {  	_ =	shalt  }
0x84: {  	_ =	shalt  }
0x85: {  	_ =	shalt  }
0x86: {  	_ =	shalt  }
0x87: {  	_ =	shalt  }
.Lfunc_end0:
.L_simem_size_0:
called_computation_lowered:
.L_overlay_start_0:
0x88: {  	s0 =	sld [smem:$0x3FD9]  }
0x89: {  	s1 =	sld [smem:$0x3FFE];
	_ =	sdelay $0x3  }
0x8a: {  	s0 =	sadd.s32 s1, s0  }
0x8b: {  	[smem:$0x3FB8] =	sst s0  }
0x8c: {  	_ = 	snop  }
0x8d: {  	s0 =	sld [smem:$0x3FD0];
	(tm) =	ssettm $0x1  }
0x8e: {  	s16 =	sld [smem:$0x3FFB];
	_ =	sdelay $0x3  }
0x8f: {  	_ =	strace s16  }
0x90: {  	s1 =	sld [smem:$0x3FFC];
	_ =	sdelay $0x3  }
0x91: {  	_ =	strace s1  }
0x92: {  	s1 =	sld [smem:$0x3FFD];
	_ =	sdelay $0x3  }
0x93: {  	_ =	strace s1  }
0x94: {  	_ =	strace $0x8FFFFFFF  }
0x95: {  	s17 =	sld [smem:$0x3FDB];
	_ =	sdelay $0x1  }
0x96: {  	s2 =	simm.s32 $_scs_section_size  }
0x97: {  	s3 =	simm.s32 $_size__tile_overlayer_lowered;
	s4 =	simm.s32 $_tile_overlayer_lowered  }
0x98: {  	s20 =	simm.s32 $0x1BFF;
	s19 =	sshll.u32 s4, $0x1;
	s1 =	sadd.s32 s2, s17  }
0x99: {  	s5 =	simm.s32 $0x0;
	s18 =	sshll.u32 s3, $0x1;
	s3 =	sadd.s32 s19, s1  }
0x9a: {  	[timem:s5], [sflag:s20] =	dma.local [hbm:s3], s18  }
0x9b: {  	_ =	swait.ge [sflag:s20], s18  }
0x9c: {  	s2 =	ssub.s32 $0x0, s18;
	[sflag:s20] =	ssyncset.done $0x0  }
0x9d: {  	[sflag:s20] =	ssyncadd.s32 s2;
	_ =	sdelay $0x1  }
0x9e: {  	s21 =	simm.s32 $0x1B8B  }
0x9f: {  	_ =	swait.ge [sflag:s21], $0x1  }
0xa0: {  	[sflag:s21] =	ssyncset.done $0x0  }
0xa1: {  	s23 =	simm.s32 $0x1B8E;
	s22 =	sld [smem:$0x3FFE];
	[sflag:s21] =	ssyncadd.s32 $0xFFFFFFFF  }
0xa2: {  	s24 =	simm.s32 $execute0_lowered;
	[smem:$0x3FD2] =	sst s23  }
0xa3: {  	s3 =	sshll.u32 s24, $0x1;
	_ =	strace $0x80000046;
	[dreg:$0x1] =	wrdreg $0xFFFFFFFF  }
0xa4: {  	s25 =	simm.s32 $_size_execute0_lowered;
	s1 =	sadd.s32 s1, s3;
	[dreg:$0x0] =	wrdreg $0x0  }
0xa5: {  	s3 =	sshll.u32 s25, $0x1;
	[dreg:$0x2] =	wrdreg s1  }
0xa6: {  	[dreg:$0x3] =	wrdreg s3  }
0xa7: {  	[dreg:$0x4] =	wrdreg $0xC0  }
0xa8: {  	_ =	task [dreg:s5], $0x5FFFF  }
0xa9: {  	[dreg:$0x1] =	wrdreg $0xFFFFFFFF  }
0xaa: {  	[dreg:$0x0] =	wrdreg $0x60  }
0xab: {  	[dreg:$0x2] =	wrdreg s0  }
0xac: {  	[dreg:$0x3] =	wrdreg s22  }
0xad: {  	[dreg:$0x4] =	wrdreg $0x9  }
0xae: {  	_ =	task.clear_ibuf [dreg:s5], $0x5FFFF;
	_ =	strace $0x90000046  }
0xaf: {  	s26 =	simm.s32 $0x9;
	_ =	strace $0x80000048  }
0xb0: {  	_ =	swait.ge [sflag:s26], $0x1  }
0xb1: {  	[sflag:s26] =	ssyncadd.s32 $0xFFFFFFFF  }
0xb2: {  	_ =	strace $0x90000048  }
0xb3: {  	_ =	sfence  }
0xb4: {  	s28 =	sld [smem:$0x0];
	_ =	sdelay $0x1  }
0xb5: {  	s29 =	srdreg.scid  }
0xb6: {  	s30 =	sshll.u32 s29, $0xD;
	s31 =	sshrl.u32 s29, $0x2  }
0xb7: {  	s2 =	sand.u32 $0x4000, s30;
	s1 =	sand.u32 $0x1, s29;
	s0 =	sadd.s32 s31, s28  }
0xb8: {  	s1 =	sor.u32 s2, s1;
	s0 =	sshll.u32 s0, $0x11  }
0xb9: {  	s0 =	sor.u32 s0, s1  }
0xba: {  	s0 =	sadd.s32 $0x8F2B, s0  }
0xbb: {  	[sflag:s0] =	ssyncadd.remote.s32 $0x1  }
0xbc: {  	_ =	sfence.sel $0xFFFF  }
0xbd: {  	[dreg:$0x0] =	wrdreg $0xFFFFFFFF;
	(pc) =	sbr.abs _section_cstart, $3  }
0xbe: {  	[dreg:$0x1] =	wrdreg $0xFFFFFFFF  }
0xbf: {  	_ =	task.clear_ibuf [dreg:s5], $0x2FFFF;
	_ =	strace $0x9FFFFFFF  }
0xc0: {  	(tm) =	ssettm $0x7FFFFFFF  }
0xc1: {  	_ =	shalt  }
tec
execute0_lowered:
.L_overlay_start_1:
0x0: {  	(tag) =	ssettag $0x1  }
0x1: {  	s5 =	rddreg [dreg:$0x0];
	s1 =	stileid.u32  }
0x2: {  	s6 =	rddreg [dreg:$0x1];
	s2 =	sshrl.u32 s1, $0x3;
	s3 =	sshll.u32 s1, $0x7  }
0x3: {  	s0 =	rddreg [dreg:$0x2];
	s3 =	sand.u32 $0x380, s3;
	s7 =	sshll.u32 s2, $0xE  }
0x4: {  	s4 =	simm.s32 $0x0;
	s30 =	simm.s32 $0x80;
	s7 =	sor.u32 s3, s7  }
0x5: {  	s8 =	simm.s32 $0x400;
	[smem:$0x7FF] =	sst s4;
	s7 =	sshrl.u32 s7, $0x3  }
0x6: {  	s31 =	simm.s32 $0x1;
	_ =	strace $0x80000047;
	s5 =	sadd.s32 s5, s7  }
0x7: {  	[tilespmem:s4], [sflag:$0x1] =	stream.strided.gather [hbm4b:s5+s30], $0x800, s8, s30, $0x38;
	[tilespmem:$0x880] =	vst v63  }
0x8: {  	_ =	swait.ge [sflag:s31], $0x800  }
0x9: {  	s7 =	simm.s32 $0x0;
	[sflag:s31] =	ssyncset.done $0x0  }
0xa: {  	v0 =	vlaneseq.u32;
	v1 =	vimm.f32 $-3.000000010e+38;
	s5 =	sadd.s32 $0x203000, s6;
	s6 =	simm.s32 $0x800;
	[sflag:s31] =	ssyncadd.s32 $0xFFFFF800  }
.LBB2_1:
0xb: {  	v3 =	vld [tilespmem:s4+$0x0];
	_ =	sdelay $0x3  }
0xc: {  	v2 =	vimm.s32 $0x0  }
0xd: {  	s8 =	simm.s32 $0x10;
	v5 =	vor.u32 s4, v0;
	s9 =	simm.s32 $0x10;
	v4 =	vimm.f32 $-3.000000010e+38;
	vm0 =	vgt.f32 v3, v1  }
.LBB2_2:
0xe: {  	p0 =	sne.s32 s8, $0x7F0;
	v4 =	vsel vm0, v3, v4;
	v3 =	vld [tilespmem:s9+$0x0];
	v2 =	vsel vm0, v5, v2;
	s10 =	smov.u32 s8;
	s8 =	sadd.s32 $0x10, s8  }
.Ltmp0:
0xf: {  	(pc) =	sbr.rel @p0 .LBB2_2-.Ltmp0, $2  }
0x10: {  	_ =	sdelay $0x2  }
0x11: {  	s9 =	sadd.s32 $0x10, s9;
	v5 =	vor.u32 s10, v0;
	vm0 =	vgt.f32 v3, v4  }
0x12: {  	v3 =	vsel vm0, v3, v4;
	v2 =	vsel vm0, v5, v2  }
0x13: {  	(xrf1) =	vsort.dscd.msk.f32 $0xffff, v3, v2;
	_ =	sdelay $0xb  }
0x14: {  	v2 =	vmov s7;
	s7 =	sadd.s32 $0x1, s7  }
0x15: {  	p0 =	sne.s32 s7, $0x28  }
.Ltmp1:
0x16: {  	_, v3, _ =	vpop (xrf1);
	(pc) =	sbr.rel @p0 .LBB2_1-.Ltmp1, $3  }
0x17: {  	_ =	sdelay $0x1  }
0x18: {  	[tilespmem:v2+s6+$0x0] =	vst.idx.msk $0x1, v3  }
0x19: {  	[tilespmem:v3+s4+$0x0] =	vst.idx.msk $0x1, v1  }
0x1a: {  	s2 =	sshll.u32 s2, $0xA  }
0x1b: {  	s2 =	sor.u32 s3, s2  }
0x1c: {  	s30 =	simm.s32 $0x0;
	s2 =	sshrl.u32 s2, $0x3  }
0x1d: {  	s4 =	simm.s32 $0x800;
	s31 =	simm.s32 $0x1;
	s2 =	sadd.s32 s5, s2  }
0x1e: {  	[hbm4b:s2+s30] =	stream.linear.scatter [tilespmem:s4], [sflag:$0x1], $0x80, $0x38;
	[tilespmem:$0x880] =	vst v63  }
0x1f: {  	_ =	swait.ge [sflag:s31], $0x80  }
0x20: {  	[sflag:s31] =	ssyncset.done $0x0  }
0x21: {  	[sflag:s31] =	ssyncadd.s32 $0xFFFFFF80  }
0x22: {  	_ =	sfence.sel $0x180000  }
0x23: {  	[bflag:$0x0] =	sbarrier.arrive $0xFFFF  }
0x24: {  	p0 =	sne.s32 s1, $0x0;
	_ =	strace $0x90000047  }
0x25: {  	s0 =	sadd.s32 @!p0 $0x100000, s0;
	[bflag:$0x2] =	sbarrier.arrive $0xFFFF  }
0x26: {  	[sflag:s0] =	ssyncadd.tile.s32 @!p0 $0x1;
	_ =	shalt  }
.Lfunc_end2:
_tile_overlayer_lowered:
.L_overlay_start_2:
0x27: {  	(tag) =	ssettag $0x2  }
0x28: {  	s0 =	rddreg [dreg:$0x0];
	s2 =	stileid.u32  }
0x29: {  	s1 =	rddreg [dreg:$0x1];
	p0 =	sne.s32 s2, $0x0  }
0x2a: {  	s3 =	rddreg [dreg:$0x2];
	[bflag:$0x3] =	sbarrier.arrive $0xFFFF;
	s2 =	simm.s32 @!p0 $0x1C01  }
0x2b: {  	[timem:s3], [sflag:s2] =	dma.local @!p0 [hbm:s0], s1  }
0x2c: {  	s0 =	simm.s32 @!p0 $0x1  }
0x2d: {  	_ =	swait.ge @!p0 [sflag:s0], s1  }
0x2e: {  	s1 =	ssub.s32 @!p0 $0x0, s1;
	[sflag:s0] =	ssyncset.done @!p0 $0x0  }
0x2f: {  	[sflag:s0] =	ssyncadd.s32 @!p0 s1  }
0x30: {  	[bflag:$0x3] =	sbarrier.arrive $0xFFFF  }
0x31: {  	_ =	shalt  }

</sc_bundles>
